<compile_context>
chip_gen: v7x
topology: tpu7x:2x2x1
jax: 0.10.2.dev20260603
libtpu: 0.0.44.dev20260713+nightly
codegen_flags: <defaults>
</compile_context>

<pallas_src>
import functools

import jax
import jax.numpy as jnp
from jax import lax
from jax.experimental import pallas as pl
from jax.experimental.pallas import tpu as pltpu
from jax.experimental.pallas import tpu_sc as plsc

N_NODES = 10000
N_EDGES = 320000
D = 128

NC = 2
NS = 16
L = 16

CHUNK = 128
HALF = CHUNK // 2
Q1 = 32
N_CHUNKS = N_EDGES // CHUNK
ROWS_PER_TILE = 624
REM_BASE = ROWS_PER_TILE * NS
REM_ROWS = N_NODES - REM_BASE

_mesh = plsc.VectorSubcoreMesh(core_axis_name="c", subcore_axis_name="s")


@functools.partial(
    pl.kernel,
    out_type=jax.ShapeDtypeStruct((NC, N_NODES, D), jnp.float32),
    mesh=_mesh,
    compiler_params=pltpu.CompilerParams(needs_layout_passes=False),
    scratch_types=[
        pltpu.VMEM_SHARED((N_NODES, D), jnp.float32),
        pltpu.VMEM((Q1,), jnp.int32),
        pltpu.VMEM((CHUNK - Q1,), jnp.int32),
        pltpu.VMEM((HALF,), jnp.int32),
        pltpu.VMEM((HALF,), jnp.int32),
        pltpu.VMEM((CHUNK,), jnp.float32),
        pltpu.VMEM((CHUNK, D), jnp.float32),
        pltpu.SemaphoreType.DMA,
        pltpu.SemaphoreType.DMA,
        pltpu.SemaphoreType.DMA,
        pltpu.SemaphoreType.DMA,
        pltpu.SemaphoreType.DMA,
        pltpu.SemaphoreType.DMA,
        pltpu.SemaphoreType.DMA,
        pltpu.SemaphoreType.DMA,
        pltpu.SemaphoreType.DMA,
    ],
)
def _sc_agg(h_hbm, src_hbm, dst_hbm, w_hbm, zeros_hbm, out_hbm,
            acc, sva, svb, dva, dvb, w_v, rows_v,
            s_sa, s_sb, s_da, s_db, s_w, s_ga, s_gb, s_ta, s_tb):
    cid = lax.axis_index("c")
    sid = lax.axis_index("s")
    wid = sid * NC + cid

    pltpu.sync_copy(zeros_hbm.at[pl.ds(sid * ROWS_PER_TILE, ROWS_PER_TILE)],
                    acc.at[pl.ds(sid * ROWS_PER_TILE, ROWS_PER_TILE)])

    @pl.when(sid == NS - 1)
    def _zero_rem():
        pltpu.sync_copy(zeros_hbm.at[pl.ds(REM_BASE, REM_ROWS)],
                        acc.at[pl.ds(REM_BASE, REM_ROWS)])

    plsc.subcore_barrier()

    n_base = N_CHUNKS // (NC * NS)
    n_rem = N_CHUNKS % (NC * NS)
    my_n = jnp.where(wid < n_rem, n_base + 1, n_base)
    my_start = wid * n_base + jnp.minimum(wid, n_rem)

    def scale_part(lo, hi):
        def scale_body(e, c2):
            w16 = plsc.load_gather(w_v, [jnp.broadcast_to(e, (L,))])
            for j in range(D // L):
                sl = pl.ds(j * L, L)
                rows_v[e, sl] = rows_v[e, sl] * w16
            return c2

        lax.fori_loop(lo, hi, scale_body, 0, unroll=4)

    def chunk_body(g, carry):
        base = (my_start + g) * CHUNK
        d_sa = pltpu.async_copy(src_hbm.at[pl.ds(base, Q1)], sva, s_sa)
        d_sb = pltpu.async_copy(src_hbm.at[pl.ds(base + Q1, CHUNK - Q1)], svb,
                                s_sb)
        d_da = pltpu.async_copy(dst_hbm.at[pl.ds(base, HALF)], dva, s_da)
        d_db = pltpu.async_copy(dst_hbm.at[pl.ds(base + HALF, HALF)], dvb, s_db)
        d_w = pltpu.async_copy(w_hbm.at[pl.ds(base, CHUNK)], w_v, s_w)
        d_sa.wait()
        d_ga = pltpu.async_copy(h_hbm.at[sva], rows_v.at[pl.ds(0, Q1)], s_ga)
        d_sb.wait()
        d_gb = pltpu.async_copy(h_hbm.at[svb],
                                rows_v.at[pl.ds(Q1, CHUNK - Q1)], s_gb)
        d_w.wait()
        d_ga.wait()
        scale_part(0, Q1)
        d_gb.wait()
        scale_part(Q1, HALF)
        d_da.wait()
        d_ta = pltpu.async_copy(rows_v.at[pl.ds(0, HALF)], acc.at[dva], s_ta,
                                add=True)
        scale_part(HALF, CHUNK)
        d_db.wait()
        d_tb = pltpu.async_copy(rows_v.at[pl.ds(HALF, HALF)], acc.at[dvb],
                                s_tb, add=True)
        d_ta.wait()
        d_tb.wait()
        return carry

    lax.fori_loop(0, my_n, chunk_body, 0)
    plsc.subcore_barrier()

    pltpu.sync_copy(acc.at[pl.ds(sid * ROWS_PER_TILE, ROWS_PER_TILE)],
                    out_hbm.at[cid, pl.ds(sid * ROWS_PER_TILE, ROWS_PER_TILE)])

    @pl.when(sid == NS - 1)
    def _write_rem():
        pltpu.sync_copy(acc.at[pl.ds(REM_BASE, REM_ROWS)],
                        out_hbm.at[cid, pl.ds(REM_BASE, REM_ROWS)])


_BLK = 1000


def _tc_body(p_ref, h_ref, wrel_ref, wroot_ref, b_ref, o_ref):
    agg = p_ref[0] + p_ref[1]
    o_ref[...] = (
        jnp.dot(agg, wrel_ref[...], preferred_element_type=jnp.float32)
        + jnp.dot(h_ref[...], wroot_ref[...], preferred_element_type=jnp.float32)
        + b_ref[...]
    )


_tc_combine = pl.pallas_call(
    _tc_body,
    grid=(N_NODES // _BLK,),
    in_specs=[
        pl.BlockSpec((NC, _BLK, D), lambda i: (0, i, 0)),
        pl.BlockSpec((_BLK, D), lambda i: (i, 0)),
        pl.BlockSpec((D, D), lambda i: (0, 0)),
        pl.BlockSpec((D, D), lambda i: (0, 0)),
        pl.BlockSpec((1, D), lambda i: (0, 0)),
    ],
    out_specs=pl.BlockSpec((_BLK, D), lambda i: (i, 0)),
    out_shape=jax.ShapeDtypeStruct((N_NODES, D), jnp.float32),
)


def kernel(x, edge_index, edge_attr, W_rel1, b_rel1, W_root1,
           W_rel2, b_rel2, W_root2):
    src = edge_index[0]
    dst = edge_index[1]
    zeros = jnp.zeros((N_NODES, D), jnp.float32)

    p1 = _sc_agg(x, src, dst, edge_attr, zeros)
    h1 = _tc_combine(p1, x, W_rel1, W_root1, b_rel1.reshape(1, D))
    p2 = _sc_agg(h1, src, dst, edge_attr, zeros)
    h2 = _tc_combine(p2, h1, W_rel2, W_root2, b_rel2.reshape(1, D))
    return h2

# --- scband reference (transcript-rebuilt; emitter-appended) ---
"""Pipeline reference for scband-combined-gnn-50775103373986 (READ-ONLY COPY).

The authoritative reference and input builder live on the scoring server;
editing this copy changes nothing except your own understanding.
"""

import jax, jax.numpy as jnp
import numpy as np

N_NODES = 10000
N_EDGES = 320000
D_IN = 128
D_OUT = 128


def setup_inputs(seed: int = 0) -> dict:
    key = jax.random.key(seed)
    ks = jax.random.split(key, 10)
    x = jax.random.normal(ks[0], (N_NODES, D_IN), dtype=jnp.float32)
    edge_index = jax.random.randint(ks[1], (2, N_EDGES), 0, N_NODES, dtype=jnp.int32)
    edge_attr = jax.random.uniform(ks[2], (N_EDGES,), dtype=jnp.float32)
    s1 = 1.0 / np.sqrt(D_IN)
    s2 = 1.0 / np.sqrt(D_OUT)
    W_rel1 = jax.random.normal(ks[3], (D_IN, D_OUT), dtype=jnp.float32) * s1
    b_rel1 = jnp.zeros((D_OUT,), dtype=jnp.float32)
    W_root1 = jax.random.normal(ks[4], (D_IN, D_OUT), dtype=jnp.float32) * s1
    W_rel2 = jax.random.normal(ks[5], (D_OUT, D_OUT), dtype=jnp.float32) * s2
    b_rel2 = jnp.zeros((D_OUT,), dtype=jnp.float32)
    W_root2 = jax.random.normal(ks[6], (D_OUT, D_OUT), dtype=jnp.float32) * s2
    return {
        "x": x,
        "edge_index": edge_index,
        "edge_attr": edge_attr,
        "W_rel1": W_rel1,
        "b_rel1": b_rel1,
        "W_root1": W_root1,
        "W_rel2": W_rel2,
        "b_rel2": b_rel2,
        "W_root2": W_root2,
    }


def reference(x, edge_index, edge_attr, W_rel1, b_rel1, W_root1, W_rel2, b_rel2, W_root2):
    # CombinedGNN with N=2 stacked GraphConv layers (PyG GraphConv semantics):
    #   out = lin_rel( scatter_add(edge_weight * x[src] -> dst) ) + lin_root(x)
    src = edge_index[0]
    dst = edge_index[1]

    def layer(h, W_rel, b_rel, W_root):
        msg = jnp.take(h, src, axis=0) * edge_attr[:, None]
        agg = jax.ops.segment_sum(msg, dst, num_segments=h.shape[0])
        return agg @ W_rel + b_rel + h @ W_root

    h = layer(x, W_rel1, b_rel1, W_root1)
    h = layer(h, W_rel2, b_rel2, W_root2)
    return h

if __name__ == "__main__":
    import jax
    _d = setup_inputs()
    print(jax.jit(kernel)(*tuple(_d.values())))

</pallas_src>

<mosaic_0001>
#map = affine_map<(d0, d1) -> (0, 0)>
#map1 = affine_map<(d0, d1) -> (0)>
#map2 = affine_map<(d0, d1) -> (0, 0, 0)>
module attributes {stable_mosaic.version = 14 : i64} {
  func.func @_sc_agg(%arg0: i32, %arg1: i32, %arg2: memref<10000x128xf32, #tpu.memory_space<hbm>>, %arg3: memref<320000xi32, #tpu.memory_space<hbm>>, %arg4: memref<320000xi32, #tpu.memory_space<hbm>>, %arg5: memref<320000xf32, #tpu.memory_space<hbm>>, %arg6: memref<10000x128xf32, #tpu.memory_space<hbm>>, %arg7: memref<2x10000x128xf32, #tpu.memory_space<hbm>>, %arg8: memref<10000x128xf32, #tpu.memory_space<vmem_shared>>, %arg9: memref<32xi32, #tpu.memory_space<vmem>>, %arg10: memref<96xi32, #tpu.memory_space<vmem>>, %arg11: memref<64xi32, #tpu.memory_space<vmem>>, %arg12: memref<64xi32, #tpu.memory_space<vmem>>, %arg13: memref<128xf32, #tpu.memory_space<vmem>>, %arg14: memref<128x128xf32, #tpu.memory_space<vmem>>, %arg15: memref<!tpu.dma_semaphore, #tpu.memory_space<semaphore_mem>>, %arg16: memref<!tpu.dma_semaphore, #tpu.memory_space<semaphore_mem>>, %arg17: memref<!tpu.dma_semaphore, #tpu.memory_space<semaphore_mem>>, %arg18: memref<!tpu.dma_semaphore, #tpu.memory_space<semaphore_mem>>, %arg19: memref<!tpu.dma_semaphore, #tpu.memory_space<semaphore_mem>>, %arg20: memref<!tpu.dma_semaphore, #tpu.memory_space<semaphore_mem>>, %arg21: memref<!tpu.dma_semaphore, #tpu.memory_space<semaphore_mem>>, %arg22: memref<!tpu.dma_semaphore, #tpu.memory_space<semaphore_mem>>, %arg23: memref<!tpu.dma_semaphore, #tpu.memory_space<semaphore_mem>>) attributes {dimension_semantics = [#tpu.dimension_semantics<core_parallel>, #tpu.dimension_semantics<subcore_parallel>], iteration_bounds = array<i64: 2, 16>, scalar_prefetch = 0 : i64, scratch_operands = 16 : i64, tpu.core_type = #tpu.core_type<sc_vector_subcore>, window_params = [{transform_indices = #map}, {transform_indices = #map1}, {transform_indices = #map1}, {transform_indices = #map1}, {transform_indices = #map}, {transform_indices = #map2}]} {
    %mul3A = arith.constant 2 : i32
    %mul3A_0 = arith.muli %arg1, %mul3A : i32
    %add3A = arith.addi %mul3A_0, %arg0 : i32
    %mul3A_1 = arith.constant 624 : i32
    %mul3A_2 = arith.muli %arg1, %mul3A_1 : i32
    %mul3A_3 = arith.constant 624 : i32
    %mul3A_4 = arith.muli %arg1, %mul3A_3 : i32
    "tpu.region"() ({
      %run_scoped3A = tpu.sem_alloc : memref<!tpu.dma_semaphore, #tpu.memory_space<semaphore_mem>>
      %dma_start3A = arith.constant 0 : i32
      %dma_start3A_32 = tpu.memref_slice %arg8[%mul3A_4, %dma_start3A] : memref<10000x128xf32, #tpu.memory_space<vmem_shared>> -> memref<624x128xf32, #tpu.memory_space<vmem_shared>>
      %dma_start3A_33 = arith.constant 0 : i32
      %dma_start3A_34 = tpu.memref_slice %arg6[%mul3A_2, %dma_start3A_33] : memref<10000x128xf32, #tpu.memory_space<hbm>> -> memref<624x128xf32, #tpu.memory_space<hbm>>
      tpu.enqueue_dma source(%dma_start3A_34 : memref<624x128xf32, #tpu.memory_space<hbm>>) target(%dma_start3A_32 : memref<624x128xf32, #tpu.memory_space<vmem_shared>>) target_semaphore(%run_scoped3A : memref<!tpu.dma_semaphore, #tpu.memory_space<semaphore_mem>>)
      %dma_wait3A = arith.constant 0 : i32
      %dma_wait3A_35 = tpu.memref_slice %arg8[%mul3A_4, %dma_wait3A] : memref<10000x128xf32, #tpu.memory_space<vmem_shared>> -> memref<624x128xf32, #tpu.memory_space<vmem_shared>>
      %dma_wait3A_36 = arith.constant 0 : i32
      %dma_wait3A_37 = tpu.memref_slice %arg6[%mul3A_2, %dma_wait3A_36] : memref<10000x128xf32, #tpu.memory_space<hbm>> -> memref<624x128xf32, #tpu.memory_space<hbm>>
      tpu.wait_dma2 semaphore(%run_scoped3A : memref<!tpu.dma_semaphore, #tpu.memory_space<semaphore_mem>>) src(%dma_wait3A_37 : memref<624x128xf32, #tpu.memory_space<hbm>>) dst(%dma_wait3A_35 : memref<624x128xf32, #tpu.memory_space<vmem_shared>>)
      tpu.yield
    }) : () -> ()
    %eq3A = arith.constant 15 : i32
    %eq3A_5 = arith.cmpi eq, %arg1, %eq3A : i32
    %convert_element_type3A = arith.extui %eq3A_5 : i1 to i32
    %cond3A = arith.constant 0 : i32
    %cond3A_6 = arith.cmpi ne, %convert_element_type3A, %cond3A : i32
    scf.if %cond3A_6 {
      "tpu.region"() ({
        %run_scoped3A = tpu.sem_alloc : memref<!tpu.dma_semaphore, #tpu.memory_space<semaphore_mem>>
        %dma_start3A = arith.constant 9984 : i32
        %dma_start3A_32 = arith.constant 0 : i32
        %dma_start3A_33 = tpu.memref_slice %arg8[%dma_start3A, %dma_start3A_32] : memref<10000x128xf32, #tpu.memory_space<vmem_shared>> -> memref<16x128xf32, #tpu.memory_space<vmem_shared>>
        %dma_start3A_34 = arith.constant 9984 : i32
        %dma_start3A_35 = arith.constant 0 : i32
        %dma_start3A_36 = tpu.memref_slice %arg6[%dma_start3A_34, %dma_start3A_35] : memref<10000x128xf32, #tpu.memory_space<hbm>> -> memref<16x128xf32, #tpu.memory_space<hbm>>
        tpu.enqueue_dma source(%dma_start3A_36 : memref<16x128xf32, #tpu.memory_space<hbm>>) target(%dma_start3A_33 : memref<16x128xf32, #tpu.memory_space<vmem_shared>>) target_semaphore(%run_scoped3A : memref<!tpu.dma_semaphore, #tpu.memory_space<semaphore_mem>>)
        %dma_wait3A = arith.constant 9984 : i32
        %dma_wait3A_37 = arith.constant 0 : i32
        %dma_wait3A_38 = tpu.memref_slice %arg8[%dma_wait3A, %dma_wait3A_37] : memref<10000x128xf32, #tpu.memory_space<vmem_shared>> -> memref<16x128xf32, #tpu.memory_space<vmem_shared>>
        %dma_wait3A_39 = arith.constant 9984 : i32
        %dma_wait3A_40 = arith.constant 0 : i32
        %dma_wait3A_41 = tpu.memref_slice %arg6[%dma_wait3A_39, %dma_wait3A_40] : memref<10000x128xf32, #tpu.memory_space<hbm>> -> memref<16x128xf32, #tpu.memory_space<hbm>>
        tpu.wait_dma2 semaphore(%run_scoped3A : memref<!tpu.dma_semaphore, #tpu.memory_space<semaphore_mem>>) src(%dma_wait3A_41 : memref<16x128xf32, #tpu.memory_space<hbm>>) dst(%dma_wait3A_38 : memref<16x128xf32, #tpu.memory_space<vmem_shared>>)
        tpu.yield
      }) : () -> ()
    } else {
    }
    %barrier3A = arith.constant 0 : index
    tpu.barrier barrier_id(%barrier3A)
    %lt3A = arith.constant 4 : i32
    %lt3A_7 = arith.cmpi slt, %add3A, %lt3A : i32
    %jit3A = arith.constant 79 : i32
    %jit3A_8 = arith.constant 78 : i32
    %select_n3A = arith.select %lt3A_7, %jit3A, %jit3A_8 : i32
    %mul3A_9 = arith.constant 78 : i32
    %mul3A_10 = arith.muli %add3A, %mul3A_9 : i32
    %min3A = arith.constant 4 : i32
    %min3A_11 = arith.minsi %add3A, %min3A : i32
    %add3A_12 = arith.addi %mul3A_10, %min3A_11 : i32
    %while3A = arith.constant 0 : i32
    %while3A_13 = arith.constant 0 : i32
    %while3A_14 = arith.subi %select_n3A, %while3A_13 : i32
    %while3A_15 = arith.addi %while3A_13, %while3A_14 : i32
    %while3A_16 = arith.constant 1 : i32
    %while3A_17 = arith.divsi %while3A_14, %while3A_16 : i32
    %while3A_18 = arith.muli %while3A_17, %while3A_16 : i32
    %while3A_19 = arith.addi %while3A_13, %while3A_18 : i32
    %while3A_20 = arith.constant 1 : i32
    scf.for %while3A_32 = %while3A_13 to %while3A_19 step %while3A_20  : i32 {
      %add3A_33 = arith.addi %add3A_12, %while3A_32 : i32
      %mul3A_34 = arith.constant 128 : i32
      %mul3A_35 = arith.muli %add3A_33, %mul3A_34 : i32
      %dma_start3A = tpu.memref_slice %arg3[%mul3A_35] : memref<320000xi32, #tpu.memory_space<hbm>> -> memref<32xi32, #tpu.memory_space<hbm>>
      %dma_start3A_36 = tpu.memref_slice %arg3[%mul3A_35] : memref<320000xi32, #tpu.memory_space<hbm>> -> memref<32xi32, #tpu.memory_space<hbm>>
      tpu.enqueue_dma source(%dma_start3A_36 : memref<32xi32, #tpu.memory_space<hbm>>) target(%arg9 : memref<32xi32, #tpu.memory_space<vmem>>) target_semaphore(%arg15 : memref<!tpu.dma_semaphore, #tpu.memory_space<semaphore_mem>>)
      %add3A_37 = arith.constant 32 : i32
      %add3A_38 = arith.addi %mul3A_35, %add3A_37 : i32
      %dma_start3A_39 = tpu.memref_slice %arg3[%add3A_38] : memref<320000xi32, #tpu.memory_space<hbm>> -> memref<96xi32, #tpu.memory_space<hbm>>
      %dma_start3A_40 = tpu.memref_slice %arg3[%add3A_38] : memref<320000xi32, #tpu.memory_space<hbm>> -> memref<96xi32, #tpu.memory_space<hbm>>
      tpu.enqueue_dma source(%dma_start3A_40 : memref<96xi32, #tpu.memory_space<hbm>>) target(%arg10 : memref<96xi32, #tpu.memory_space<vmem>>) target_semaphore(%arg16 : memref<!tpu.dma_semaphore, #tpu.memory_space<semaphore_mem>>)
      %dma_start3A_41 = tpu.memref_slice %arg4[%mul3A_35] : memref<320000xi32, #tpu.memory_space<hbm>> -> memref<64xi32, #tpu.memory_space<hbm>>
      %dma_start3A_42 = tpu.memref_slice %arg4[%mul3A_35] : memref<320000xi32, #tpu.memory_space<hbm>> -> memref<64xi32, #tpu.memory_space<hbm>>
      tpu.enqueue_dma source(%dma_start3A_42 : memref<64xi32, #tpu.memory_space<hbm>>) target(%arg11 : memref<64xi32, #tpu.memory_space<vmem>>) target_semaphore(%arg17 : memref<!tpu.dma_semaphore, #tpu.memory_space<semaphore_mem>>)
      %add3A_43 = arith.constant 64 : i32
      %add3A_44 = arith.addi %mul3A_35, %add3A_43 : i32
      %dma_start3A_45 = tpu.memref_slice %arg4[%add3A_44] : memref<320000xi32, #tpu.memory_space<hbm>> -> memref<64xi32, #tpu.memory_space<hbm>>
      %dma_start3A_46 = tpu.memref_slice %arg4[%add3A_44] : memref<320000xi32, #tpu.memory_space<hbm>> -> memref<64xi32, #tpu.memory_space<hbm>>
      tpu.enqueue_dma source(%dma_start3A_46 : memref<64xi32, #tpu.memory_space<hbm>>) target(%arg12 : memref<64xi32, #tpu.memory_space<vmem>>) target_semaphore(%arg18 : memref<!tpu.dma_semaphore, #tpu.memory_space<semaphore_mem>>)
      %dma_start3A_47 = tpu.memref_slice %arg5[%mul3A_35] : memref<320000xf32, #tpu.memory_space<hbm>> -> memref<128xf32, #tpu.memory_space<hbm>>
      %dma_start3A_48 = tpu.memref_slice %arg5[%mul3A_35] : memref<320000xf32, #tpu.memory_space<hbm>> -> memref<128xf32, #tpu.memory_space<hbm>>
      tpu.enqueue_dma source(%dma_start3A_48 : memref<128xf32, #tpu.memory_space<hbm>>) target(%arg13 : memref<128xf32, #tpu.memory_space<vmem>>) target_semaphore(%arg19 : memref<!tpu.dma_semaphore, #tpu.memory_space<semaphore_mem>>)
      %dma_wait3A = tpu.memref_slice %arg3[%mul3A_35] : memref<320000xi32, #tpu.memory_space<hbm>> -> memref<32xi32, #tpu.memory_space<hbm>>
      %dma_wait3A_49 = tpu.memref_slice %arg3[%mul3A_35] : memref<320000xi32, #tpu.memory_space<hbm>> -> memref<32xi32, #tpu.memory_space<hbm>>
      tpu.wait_dma2 semaphore(%arg15 : memref<!tpu.dma_semaphore, #tpu.memory_space<semaphore_mem>>) src(%dma_wait3A_49 : memref<32xi32, #tpu.memory_space<hbm>>) dst(%arg9 : memref<32xi32, #tpu.memory_space<vmem>>)
      %dma_start3A_50 = arith.constant 0 : i32
      %dma_start3A_51 = arith.constant 0 : i32
      %dma_start3A_52 = tpu.memref_slice %arg14[%dma_start3A_50, %dma_start3A_51] : memref<128x128xf32, #tpu.memory_space<vmem>> -> memref<32x128xf32, #tpu.memory_space<vmem>>
      %dma_start3A_53 = arith.constant 0 : i32
      %dma_start3A_54 = arith.constant 0 : i32
      %dma_start3A_55 = tpu.memref_slice %arg2[%dma_start3A_53, %dma_start3A_54] : memref<10000x128xf32, #tpu.memory_space<hbm>> -> memref<10000x128xf32, #tpu.memory_space<hbm>>
      tpu.enqueue_indirect_dma source(%dma_start3A_55 : memref<10000x128xf32, #tpu.memory_space<hbm>>) target(%dma_start3A_52 : memref<32x128xf32, #tpu.memory_space<vmem>>) offsets(%arg9 : memref<32xi32, #tpu.memory_space<vmem>>) semaphore(%arg20 : memref<!tpu.dma_semaphore, #tpu.memory_space<semaphore_mem>>)
      %dma_wait3A_56 = tpu.memref_slice %arg3[%add3A_38] : memref<320000xi32, #tpu.memory_space<hbm>> -> memref<96xi32, #tpu.memory_space<hbm>>
      %dma_wait3A_57 = tpu.memref_slice %arg3[%add3A_38] : memref<320000xi32, #tpu.memory_space<hbm>> -> memref<96xi32, #tpu.memory_space<hbm>>
      tpu.wait_dma2 semaphore(%arg16 : memref<!tpu.dma_semaphore, #tpu.memory_space<semaphore_mem>>) src(%dma_wait3A_57 : memref<96xi32, #tpu.memory_space<hbm>>) dst(%arg10 : memref<96xi32, #tpu.memory_space<vmem>>)
      %dma_start3A_58 = arith.constant 32 : i32
      %dma_start3A_59 = arith.constant 0 : i32
      %dma_start3A_60 = tpu.memref_slice %arg14[%dma_start3A_58, %dma_start3A_59] : memref<128x128xf32, #tpu.memory_space<vmem>> -> memref<96x128xf32, #tpu.memory_space<vmem>>
      %dma_start3A_61 = arith.constant 0 : i32
      %dma_start3A_62 = arith.constant 0 : i32
      %dma_start3A_63 = tpu.memref_slice %arg2[%dma_start3A_61, %dma_start3A_62] : memref<10000x128xf32, #tpu.memory_space<hbm>> -> memref<10000x128xf32, #tpu.memory_space<hbm>>
      tpu.enqueue_indirect_dma source(%dma_start3A_63 : memref<10000x128xf32, #tpu.memory_space<hbm>>) target(%dma_start3A_60 : memref<96x128xf32, #tpu.memory_space<vmem>>) offsets(%arg10 : memref<96xi32, #tpu.memory_space<vmem>>) semaphore(%arg21 : memref<!tpu.dma_semaphore, #tpu.memory_space<semaphore_mem>>)
      %dma_wait3A_64 = tpu.memref_slice %arg5[%mul3A_35] : memref<320000xf32, #tpu.memory_space<hbm>> -> memref<128xf32, #tpu.memory_space<hbm>>
      %dma_wait3A_65 = tpu.memref_slice %arg5[%mul3A_35] : memref<320000xf32, #tpu.memory_space<hbm>> -> memref<128xf32, #tpu.memory_space<hbm>>
      tpu.wait_dma2 semaphore(%arg19 : memref<!tpu.dma_semaphore, #tpu.memory_space<semaphore_mem>>) src(%dma_wait3A_65 : memref<128xf32, #tpu.memory_space<hbm>>) dst(%arg13 : memref<128xf32, #tpu.memory_space<vmem>>)
      %dma_wait3A_66 = arith.constant 0 : i32
      %dma_wait3A_67 = arith.constant 0 : i32
      %dma_wait3A_68 = tpu.memref_slice %arg14[%dma_wait3A_66, %dma_wait3A_67] : memref<128x128xf32, #tpu.memory_space<vmem>> -> memref<32x128xf32, #tpu.memory_space<vmem>>
      %dma_wait3A_69 = arith.constant 0 : i32
      %dma_wait3A_70 = arith.constant 0 : i32
      %dma_wait3A_71 = tpu.memref_slice %arg2[%dma_wait3A_69, %dma_wait3A_70] : memref<10000x128xf32, #tpu.memory_space<hbm>> -> memref<10000x128xf32, #tpu.memory_space<hbm>>
      tpu.wait_indirect_dma semaphore(%arg20 : memref<!tpu.dma_semaphore, #tpu.memory_space<semaphore_mem>>) src(%dma_wait3A_71 : memref<10000x128xf32, #tpu.memory_space<hbm>>) dst(%dma_wait3A_68 : memref<32x128xf32, #tpu.memory_space<vmem>>)
      %scan3A = arith.constant 0 : i32
      %scan3A_72 = arith.constant 0 : i32
      %scan3A_73 = arith.constant 32 : i32
      %scan3A_74 = arith.addi %scan3A_72, %scan3A_73 : i32
      %scan3A_75 = arith.constant 4 : i32
      scf.for %scan3A_123 = %scan3A_72 to %scan3A_74 step %scan3A_75  : i32 {
        %broadcast_in_dim3A = vector.broadcast %scan3A_123 : i32 to vector<16xi32>
        %gather3A = tpu.vector_load_idx %arg13[%broadcast_in_dim3A] : memref<128xf32, #tpu.memory_space<vmem>>[vector<16xi32>], vector<16xf32>,
        %get3A = arith.index_cast %scan3A_123 : i32 to index
        %get3A_124 = arith.constant 0 : index
        %get3A_125 = tpu.vector_load %arg14[%get3A, %get3A_124] {strides = array<i32>} : memref<128x128xf32, #tpu.memory_space<vmem>>, vector<16xf32>,
        %mul3A_126 = arith.mulf %get3A_125, %gather3A : vector<16xf32>
        %swap3A = arith.index_cast %scan3A_123 : i32 to index
        %swap3A_127 = arith.constant 0 : index
        %swap3A_128 = tpu.vector_load %arg14[%swap3A, %swap3A_127] {strides = array<i32>} : memref<128x128xf32, #tpu.memory_space<vmem>>, vector<16xf32>,
        tpu.vector_store %arg14[%swap3A, %swap3A_127], %mul3A_126 {strides = array<i32>} : memref<128x128xf32, #tpu.memory_space<vmem>>, vector<16xf32>,
        %get3A_129 = arith.index_cast %scan3A_123 : i32 to index
        %get3A_130 = arith.constant 16 : index
        %get3A_131 = tpu.vector_load %arg14[%get3A_129, %get3A_130] {strides = array<i32>} : memref<128x128xf32, #tpu.memory_space<vmem>>, vector<16xf32>,
        %mul3A_132 = arith.mulf %get3A_131, %gather3A : vector<16xf32>
        %swap3A_133 = arith.index_cast %scan3A_123 : i32 to index
        %swap3A_134 = arith.constant 16 : index
        %swap3A_135 = tpu.vector_load %arg14[%swap3A_133, %swap3A_134] {strides = array<i32>} : memref<128x128xf32, #tpu.memory_space<vmem>>, vector<16xf32>,
        tpu.vector_store %arg14[%swap3A_133, %swap3A_134], %mul3A_132 {strides = array<i32>} : memref<128x128xf32, #tpu.memory_space<vmem>>, vector<16xf32>,
        %get3A_136 = arith.index_cast %scan3A_123 : i32 to index
        %get3A_137 = arith.constant 32 : index
        %get3A_138 = tpu.vector_load %arg14[%get3A_136, %get3A_137] {strides = array<i32>} : memref<128x128xf32, #tpu.memory_space<vmem>>, vector<16xf32>,
        %mul3A_139 = arith.mulf %get3A_138, %gather3A : vector<16xf32>
        %swap3A_140 = arith.index_cast %scan3A_123 : i32 to index
        %swap3A_141 = arith.constant 32 : index
        %swap3A_142 = tpu.vector_load %arg14[%swap3A_140, %swap3A_141] {strides = array<i32>} : memref<128x128xf32, #tpu.memory_space<vmem>>, vector<16xf32>,
        tpu.vector_store %arg14[%swap3A_140, %swap3A_141], %mul3A_139 {strides = array<i32>} : memref<128x128xf32, #tpu.memory_space<vmem>>, vector<16xf32>,
        %get3A_143 = arith.index_cast %scan3A_123 : i32 to index
        %get3A_144 = arith.constant 48 : index
        %get3A_145 = tpu.vector_load %arg14[%get3A_143, %get3A_144] {strides = array<i32>} : memref<128x128xf32, #tpu.memory_space<vmem>>, vector<16xf32>,
        %mul3A_146 = arith.mulf %get3A_145, %gather3A : vector<16xf32>
        %swap3A_147 = arith.index_cast %scan3A_123 : i32 to index
        %swap3A_148 = arith.constant 48 : index
        %swap3A_149 = tpu.vector_load %arg14[%swap3A_147, %swap3A_148] {strides = array<i32>} : memref<128x128xf32, #tpu.memory_space<vmem>>, vector<16xf32>,
        tpu.vector_store %arg14[%swap3A_147, %swap3A_148], %mul3A_146 {strides = array<i32>} : memref<128x128xf32, #tpu.memory_space<vmem>>, vector<16xf32>,
        %get3A_150 = arith.index_cast %scan3A_123 : i32 to index
        %get3A_151 = arith.constant 64 : index
        %get3A_152 = tpu.vector_load %arg14[%get3A_150, %get3A_151] {strides = array<i32>} : memref<128x128xf32, #tpu.memory_space<vmem>>, vector<16xf32>,
        %mul3A_153 = arith.mulf %get3A_152, %gather3A : vector<16xf32>
        %swap3A_154 = arith.index_cast %scan3A_123 : i32 to index
        %swap3A_155 = arith.constant 64 : index
        %swap3A_156 = tpu.vector_load %arg14[%swap3A_154, %swap3A_155] {strides = array<i32>} : memref<128x128xf32, #tpu.memory_space<vmem>>, vector<16xf32>,
        tpu.vector_store %arg14[%swap3A_154, %swap3A_155], %mul3A_153 {strides = array<i32>} : memref<128x128xf32, #tpu.memory_space<vmem>>, vector<16xf32>,
        %get3A_157 = arith.index_cast %scan3A_123 : i32 to index
        %get3A_158 = arith.constant 80 : index
        %get3A_159 = tpu.vector_load %arg14[%get3A_157, %get3A_158] {strides = array<i32>} : memref<128x128xf32, #tpu.memory_space<vmem>>, vector<16xf32>,
        %mul3A_160 = arith.mulf %get3A_159, %gather3A : vector<16xf32>
        %swap3A_161 = arith.index_cast %scan3A_123 : i32 to index
        %swap3A_162 = arith.constant 80 : index
        %swap3A_163 = tpu.vector_load %arg14[%swap3A_161, %swap3A_162] {strides = array<i32>} : memref<128x128xf32, #tpu.memory_space<vmem>>, vector<16xf32>,
        tpu.vector_store %arg14[%swap3A_161, %swap3A_162], %mul3A_160 {strides = array<i32>} : memref<128x128xf32, #tpu.memory_space<vmem>>, vector<16xf32>,
        %get3A_164 = arith.index_cast %scan3A_123 : i32 to index
        %get3A_165 = arith.constant 96 : index
        %get3A_166 = tpu.vector_load %arg14[%get3A_164, %get3A_165] {strides = array<i32>} : memref<128x128xf32, #tpu.memory_space<vmem>>, vector<16xf32>,
        %mul3A_167 = arith.mulf %get3A_166, %gather3A : vector<16xf32>
        %swap3A_168 = arith.index_cast %scan3A_123 : i32 to index
        %swap3A_169 = arith.constant 96 : index
        %swap3A_170 = tpu.vector_load %arg14[%swap3A_168, %swap3A_169] {strides = array<i32>} : memref<128x128xf32, #tpu.memory_space<vmem>>, vector<16xf32>,
        tpu.vector_store %arg14[%swap3A_168, %swap3A_169], %mul3A_167 {strides = array<i32>} : memref<128x128xf32, #tpu.memory_space<vmem>>, vector<16xf32>,
        %get3A_171 = arith.index_cast %scan3A_123 : i32 to index
        %get3A_172 = arith.constant 112 : index
        %get3A_173 = tpu.vector_load %arg14[%get3A_171, %get3A_172] {strides = array<i32>} : memref<128x128xf32, #tpu.memory_space<vmem>>, vector<16xf32>,
        %mul3A_174 = arith.mulf %get3A_173, %gather3A : vector<16xf32>
        %swap3A_175 = arith.index_cast %scan3A_123 : i32 to index
        %swap3A_176 = arith.constant 112 : index
        %swap3A_177 = tpu.vector_load %arg14[%swap3A_175, %swap3A_176] {strides = array<i32>} : memref<128x128xf32, #tpu.memory_space<vmem>>, vector<16xf32>,
        tpu.vector_store %arg14[%swap3A_175, %swap3A_176], %mul3A_174 {strides = array<i32>} : memref<128x128xf32, #tpu.memory_space<vmem>>, vector<16xf32>,
        %scan3A_178 = arith.constant 1 : i32
        %scan3A_179 = arith.addi %scan3A_123, %scan3A_178 : i32
        %broadcast_in_dim3A_180 = vector.broadcast %scan3A_179 : i32 to vector<16xi32>
        %gather3A_181 = tpu.vector_load_idx %arg13[%broadcast_in_dim3A_180] : memref<128xf32, #tpu.memory_space<vmem>>[vector<16xi32>], vector<16xf32>,
        %get3A_182 = arith.index_cast %scan3A_179 : i32 to index
        %get3A_183 = arith.constant 0 : index
        %get3A_184 = tpu.vector_load %arg14[%get3A_182, %get3A_183] {strides = array<i32>} : memref<128x128xf32, #tpu.memory_space<vmem>>, vector<16xf32>,
        %mul3A_185 = arith.mulf %get3A_184, %gather3A_181 : vector<16xf32>
        %swap3A_186 = arith.index_cast %scan3A_179 : i32 to index
        %swap3A_187 = arith.constant 0 : index
        %swap3A_188 = tpu.vector_load %arg14[%swap3A_186, %swap3A_187] {strides = array<i32>} : memref<128x128xf32, #tpu.memory_space<vmem>>, vector<16xf32>,
        tpu.vector_store %arg14[%swap3A_186, %swap3A_187], %mul3A_185 {strides = array<i32>} : memref<128x128xf32, #tpu.memory_space<vmem>>, vector<16xf32>,
        %get3A_189 = arith.index_cast %scan3A_179 : i32 to index
        %get3A_190 = arith.constant 16 : index
        %get3A_191 = tpu.vector_load %arg14[%get3A_189, %get3A_190] {strides = array<i32>} : memref<128x128xf32, #tpu.memory_space<vmem>>, vector<16xf32>,
        %mul3A_192 = arith.mulf %get3A_191, %gather3A_181 : vector<16xf32>
        %swap3A_193 = arith.index_cast %scan3A_179 : i32 to index
        %swap3A_194 = arith.constant 16 : index
        %swap3A_195 = tpu.vector_load %arg14[%swap3A_193, %swap3A_194] {strides = array<i32>} : memref<128x128xf32, #tpu.memory_space<vmem>>, vector<16xf32>,
        tpu.vector_store %arg14[%swap3A_193, %swap3A_194], %mul3A_192 {strides = array<i32>} : memref<128x128xf32, #tpu.memory_space<vmem>>, vector<16xf32>,
        %get3A_196 = arith.index_cast %scan3A_179 : i32 to index
        %get3A_197 = arith.constant 32 : index
        %get3A_198 = tpu.vector_load %arg14[%get3A_196, %get3A_197] {strides = array<i32>} : memref<128x128xf32, #tpu.memory_space<vmem>>, vector<16xf32>,
        %mul3A_199 = arith.mulf %get3A_198, %gather3A_181 : vector<16xf32>
        %swap3A_200 = arith.index_cast %scan3A_179 : i32 to index
        %swap3A_201 = arith.constant 32 : index
        %swap3A_202 = tpu.vector_load %arg14[%swap3A_200, %swap3A_201] {strides = array<i32>} : memref<128x128xf32, #tpu.memory_space<vmem>>, vector<16xf32>,
        tpu.vector_store %arg14[%swap3A_200, %swap3A_201], %mul3A_199 {strides = array<i32>} : memref<128x128xf32, #tpu.memory_space<vmem>>, vector<16xf32>,
        %get3A_203 = arith.index_cast %scan3A_179 : i32 to index
        %get3A_204 = arith.constant 48 : index
        %get3A_205 = tpu.vector_load %arg14[%get3A_203, %get3A_204] {strides = array<i32>} : memref<128x128xf32, #tpu.memory_space<vmem>>, vector<16xf32>,
        %mul3A_206 = arith.mulf %get3A_205, %gather3A_181 : vector<16xf32>
        %swap3A_207 = arith.index_cast %scan3A_179 : i32 to index
        %swap3A_208 = arith.constant 48 : index
        %swap3A_209 = tpu.vector_load %arg14[%swap3A_207, %swap3A_208] {strides = array<i32>} : memref<128x128xf32, #tpu.memory_space<vmem>>, vector<16xf32>,
        tpu.vector_store %arg14[%swap3A_207, %swap3A_208], %mul3A_206 {strides = array<i32>} : memref<128x128xf32, #tpu.memory_space<vmem>>, vector<16xf32>,
        %get3A_210 = arith.index_cast %scan3A_179 : i32 to index
        %get3A_211 = arith.constant 64 : index
        %get3A_212 = tpu.vector_load %arg14[%get3A_210, %get3A_211] {strides = array<i32>} : memref<128x128xf32, #tpu.memory_space<vmem>>, vector<16xf32>,
        %mul3A_213 = arith.mulf %get3A_212, %gather3A_181 : vector<16xf32>
        %swap3A_214 = arith.index_cast %scan3A_179 : i32 to index
        %swap3A_215 = arith.constant 64 : index
        %swap3A_216 = tpu.vector_load %arg14[%swap3A_214, %swap3A_215] {strides = array<i32>} : memref<128x128xf32, #tpu.memory_space<vmem>>, vector<16xf32>,
        tpu.vector_store %arg14[%swap3A_214, %swap3A_215], %mul3A_213 {strides = array<i32>} : memref<128x128xf32, #tpu.memory_space<vmem>>, vector<16xf32>,
        %get3A_217 = arith.index_cast %scan3A_179 : i32 to index
        %get3A_218 = arith.constant 80 : index
        %get3A_219 = tpu.vector_load %arg14[%get3A_217, %get3A_218] {strides = array<i32>} : memref<128x128xf32, #tpu.memory_space<vmem>>, vector<16xf32>,
        %mul3A_220 = arith.mulf %get3A_219, %gather3A_181 : vector<16xf32>
        %swap3A_221 = arith.index_cast %scan3A_179 : i32 to index
        %swap3A_222 = arith.constant 80 : index
        %swap3A_223 = tpu.vector_load %arg14[%swap3A_221, %swap3A_222] {strides = array<i32>} : memref<128x128xf32, #tpu.memory_space<vmem>>, vector<16xf32>,
        tpu.vector_store %arg14[%swap3A_221, %swap3A_222], %mul3A_220 {strides = array<i32>} : memref<128x128xf32, #tpu.memory_space<vmem>>, vector<16xf32>,
        %get3A_224 = arith.index_cast %scan3A_179 : i32 to index
        %get3A_225 = arith.constant 96 : index
        %get3A_226 = tpu.vector_load %arg14[%get3A_224, %get3A_225] {strides = array<i32>} : memref<128x128xf32, #tpu.memory_space<vmem>>, vector<16xf32>,
        %mul3A_227 = arith.mulf %get3A_226, %gather3A_181 : vector<16xf32>
        %swap3A_228 = arith.index_cast %scan3A_179 : i32 to index
        %swap3A_229 = arith.constant 96 : index
        %swap3A_230 = tpu.vector_load %arg14[%swap3A_228, %swap3A_229] {strides = array<i32>} : memref<128x128xf32, #tpu.memory_space<vmem>>, vector<16xf32>,
        tpu.vector_store %arg14[%swap3A_228, %swap3A_229], %mul3A_227 {strides = array<i32>} : memref<128x128xf32, #tpu.memory_space<vmem>>, vector<16xf32>,
        %get3A_231 = arith.index_cast %scan3A_179 : i32 to index
        %get3A_232 = arith.constant 112 : index
        %get3A_233 = tpu.vector_load %arg14[%get3A_231, %get3A_232] {strides = array<i32>} : memref<128x128xf32, #tpu.memory_space<vmem>>, vector<16xf32>,
        %mul3A_234 = arith.mulf %get3A_233, %gather3A_181 : vector<16xf32>
        %swap3A_235 = arith.index_cast %scan3A_179 : i32 to index
        %swap3A_236 = arith.constant 112 : index
        %swap3A_237 = tpu.vector_load %arg14[%swap3A_235, %swap3A_236] {strides = array<i32>} : memref<128x128xf32, #tpu.memory_space<vmem>>, vector<16xf32>,
        tpu.vector_store %arg14[%swap3A_235, %swap3A_236], %mul3A_234 {strides = array<i32>} : memref<128x128xf32, #tpu.memory_space<vmem>>, vector<16xf32>,
        %scan3A_238 = arith.constant 2 : i32
        %scan3A_239 = arith.addi %scan3A_123, %scan3A_238 : i32
        %broadcast_in_dim3A_240 = vector.broadcast %scan3A_239 : i32 to vector<16xi32>
        %gather3A_241 = tpu.vector_load_idx %arg13[%broadcast_in_dim3A_240] : memref<128xf32, #tpu.memory_space<vmem>>[vector<16xi32>], vector<16xf32>,
        %get3A_242 = arith.index_cast %scan3A_239 : i32 to index
        %get3A_243 = arith.constant 0 : index
        %get3A_244 = tpu.vector_load %arg14[%get3A_242, %get3A_243] {strides = array<i32>} : memref<128x128xf32, #tpu.memory_space<vmem>>, vector<16xf32>,
        %mul3A_245 = arith.mulf %get3A_244, %gather3A_241 : vector<16xf32>
        %swap3A_246 = arith.index_cast %scan3A_239 : i32 to index
        %swap3A_247 = arith.constant 0 : index
        %swap3A_248 = tpu.vector_load %arg14[%swap3A_246, %swap3A_247] {strides = array<i32>} : memref<128x128xf32, #tpu.memory_space<vmem>>, vector<16xf32>,
        tpu.vector_store %arg14[%swap3A_246, %swap3A_247], %mul3A_245 {strides = array<i32>} : memref<128x128xf32, #tpu.memory_space<vmem>>, vector<16xf32>,
        %get3A_249 = arith.index_cast %scan3A_239 : i32 to index
        %get3A_250 = arith.constant 16 : index
        %get3A_251 = tpu.vector_load %arg14[%get3A_249, %get3A_250] {strides = array<i32>} : memref<128x128xf32, #tpu.memory_space<vmem>>, vector<16xf32>,
        %mul3A_252 = arith.mulf %get3A_251, %gather3A_241 : vector<16xf32>
        %swap3A_253 = arith.index_cast %scan3A_239 : i32 to index
        %swap3A_254 = arith.constant 16 : index
        %swap3A_255 = tpu.vector_load %arg14[%swap3A_253, %swap3A_254] {strides = array<i32>} : memref<128x128xf32, #tpu.memory_space<vmem>>, vector<16xf32>,
        tpu.vector_store %arg14[%swap3A_253, %swap3A_254], %mul3A_252 {strides = array<i32>} : memref<128x128xf32, #tpu.memory_space<vmem>>, vector<16xf32>,
        %get3A_256 = arith.index_cast %scan3A_239 : i32 to index
        %get3A_257 = arith.constant 32 : index
        %get3A_258 = tpu.vector_load %arg14[%get3A_256, %get3A_257] {strides = array<i32>} : memref<128x128xf32, #tpu.memory_space<vmem>>, vector<16xf32>,
        %mul3A_259 = arith.mulf %get3A_258, %gather3A_241 : vector<16xf32>
        %swap3A_260 = arith.index_cast %scan3A_239 : i32 to index
        %swap3A_261 = arith.constant 32 : index
        %swap3A_262 = tpu.vector_load %arg14[%swap3A_260, %swap3A_261] {strides = array<i32>} : memref<128x128xf32, #tpu.memory_space<vmem>>, vector<16xf32>,
        tpu.vector_store %arg14[%swap3A_260, %swap3A_261], %mul3A_259 {strides = array<i32>} : memref<128x128xf32, #tpu.memory_space<vmem>>, vector<16xf32>,
        %get3A_263 = arith.index_cast %scan3A_239 : i32 to index
        %get3A_264 = arith.constant 48 : index
        %get3A_265 = tpu.vector_load %arg14[%get3A_263, %get3A_264] {strides = array<i32>} : memref<128x128xf32, #tpu.memory_space<vmem>>, vector<16xf32>,
        %mul3A_266 = arith.mulf %get3A_265, %gather3A_241 : vector<16xf32>
        %swap3A_267 = arith.index_cast %scan3A_239 : i32 to index
        %swap3A_268 = arith.constant 48 : index
        %swap3A_269 = tpu.vector_load %arg14[%swap3A_267, %swap3A_268] {strides = array<i32>} : memref<128x128xf32, #tpu.memory_space<vmem>>, vector<16xf32>,
        tpu.vector_store %arg14[%swap3A_267, %swap3A_268], %mul3A_266 {strides = array<i32>} : memref<128x128xf32, #tpu.memory_space<vmem>>, vector<16xf32>,
        %get3A_270 = arith.index_cast %scan3A_239 : i32 to index
        %get3A_271 = arith.constant 64 : index
        %get3A_272 = tpu.vector_load %arg14[%get3A_270, %get3A_271] {strides = array<i32>} : memref<128x128xf32, #tpu.memory_space<vmem>>, vector<16xf32>,
        %mul3A_273 = arith.mulf %get3A_272, %gather3A_241 : vector<16xf32>
        %swap3A_274 = arith.index_cast %scan3A_239 : i32 to index
        %swap3A_275 = arith.constant 64 : index
        %swap3A_276 = tpu.vector_load %arg14[%swap3A_274, %swap3A_275] {strides = array<i32>} : memref<128x128xf32, #tpu.memory_space<vmem>>, vector<16xf32>,
        tpu.vector_store %arg14[%swap3A_274, %swap3A_275], %mul3A_273 {strides = array<i32>} : memref<128x128xf32, #tpu.memory_space<vmem>>, vector<16xf32>,
        %get3A_277 = arith.index_cast %scan3A_239 : i32 to index
        %get3A_278 = arith.constant 80 : index
        %get3A_279 = tpu.vector_load %arg14[%get3A_277, %get3A_278] {strides = array<i32>} : memref<128x128xf32, #tpu.memory_space<vmem>>, vector<16xf32>,
        %mul3A_280 = arith.mulf %get3A_279, %gather3A_241 : vector<16xf32>
        %swap3A_281 = arith.index_cast %scan3A_239 : i32 to index
        %swap3A_282 = arith.constant 80 : index
        %swap3A_283 = tpu.vector_load %arg14[%swap3A_281, %swap3A_282] {strides = array<i32>} : memref<128x128xf32, #tpu.memory_space<vmem>>, vector<16xf32>,
        tpu.vector_store %arg14[%swap3A_281, %swap3A_282], %mul3A_280 {strides = array<i32>} : memref<128x128xf32, #tpu.memory_space<vmem>>, vector<16xf32>,
        %get3A_284 = arith.index_cast %scan3A_239 : i32 to index
        %get3A_285 = arith.constant 96 : index
        %get3A_286 = tpu.vector_load %arg14[%get3A_284, %get3A_285] {strides = array<i32>} : memref<128x128xf32, #tpu.memory_space<vmem>>, vector<16xf32>,
        %mul3A_287 = arith.mulf %get3A_286, %gather3A_241 : vector<16xf32>
        %swap3A_288 = arith.index_cast %scan3A_239 : i32 to index
        %swap3A_289 = arith.constant 96 : index
        %swap3A_290 = tpu.vector_load %arg14[%swap3A_288, %swap3A_289] {strides = array<i32>} : memref<128x128xf32, #tpu.memory_space<vmem>>, vector<16xf32>,
        tpu.vector_store %arg14[%swap3A_288, %swap3A_289], %mul3A_287 {strides = array<i32>} : memref<128x128xf32, #tpu.memory_space<vmem>>, vector<16xf32>,
        %get3A_291 = arith.index_cast %scan3A_239 : i32 to index
        %get3A_292 = arith.constant 112 : index
        %get3A_293 = tpu.vector_load %arg14[%get3A_291, %get3A_292] {strides = array<i32>} : memref<128x128xf32, #tpu.memory_space<vmem>>, vector<16xf32>,
        %mul3A_294 = arith.mulf %get3A_293, %gather3A_241 : vector<16xf32>
        %swap3A_295 = arith.index_cast %scan3A_239 : i32 to index
        %swap3A_296 = arith.constant 112 : index
        %swap3A_297 = tpu.vector_load %arg14[%swap3A_295, %swap3A_296] {strides = array<i32>} : memref<128x128xf32, #tpu.memory_space<vmem>>, vector<16xf32>,
        tpu.vector_store %arg14[%swap3A_295, %swap3A_296], %mul3A_294 {strides = array<i32>} : memref<128x128xf32, #tpu.memory_space<vmem>>, vector<16xf32>,
        %scan3A_298 = arith.constant 3 : i32
        %scan3A_299 = arith.addi %scan3A_123, %scan3A_298 : i32
        %broadcast_in_dim3A_300 = vector.broadcast %scan3A_299 : i32 to vector<16xi32>
        %gather3A_301 = tpu.vector_load_idx %arg13[%broadcast_in_dim3A_300] : memref<128xf32, #tpu.memory_space<vmem>>[vector<16xi32>], vector<16xf32>,
        %get3A_302 = arith.index_cast %scan3A_299 : i32 to index
        %get3A_303 = arith.constant 0 : index
        %get3A_304 = tpu.vector_load %arg14[%get3A_302, %get3A_303] {strides = array<i32>} : memref<128x128xf32, #tpu.memory_space<vmem>>, vector<16xf32>,
        %mul3A_305 = arith.mulf %get3A_304, %gather3A_301 : vector<16xf32>
        %swap3A_306 = arith.index_cast %scan3A_299 : i32 to index
        %swap3A_307 = arith.constant 0 : index
        %swap3A_308 = tpu.vector_load %arg14[%swap3A_306, %swap3A_307] {strides = array<i32>} : memref<128x128xf32, #tpu.memory_space<vmem>>, vector<16xf32>,
        tpu.vector_store %arg14[%swap3A_306, %swap3A_307], %mul3A_305 {strides = array<i32>} : memref<128x128xf32, #tpu.memory_space<vmem>>, vector<16xf32>,
        %get3A_309 = arith.index_cast %scan3A_299 : i32 to index
        %get3A_310 = arith.constant 16 : index
        %get3A_311 = tpu.vector_load %arg14[%get3A_309, %get3A_310] {strides = array<i32>} : memref<128x128xf32, #tpu.memory_space<vmem>>, vector<16xf32>,
        %mul3A_312 = arith.mulf %get3A_311, %gather3A_301 : vector<16xf32>
        %swap3A_313 = arith.index_cast %scan3A_299 : i32 to index
        %swap3A_314 = arith.constant 16 : index
        %swap3A_315 = tpu.vector_load %arg14[%swap3A_313, %swap3A_314] {strides = array<i32>} : memref<128x128xf32, #tpu.memory_space<vmem>>, vector<16xf32>,
        tpu.vector_store %arg14[%swap3A_313, %swap3A_314], %mul3A_312 {strides = array<i32>} : memref<128x128xf32, #tpu.memory_space<vmem>>, vector<16xf32>,
        %get3A_316 = arith.index_cast %scan3A_299 : i32 to index
        %get3A_317 = arith.constant 32 : index
        %get3A_318 = tpu.vector_load %arg14[%get3A_316, %get3A_317] {strides = array<i32>} : memref<128x128xf32, #tpu.memory_space<vmem>>, vector<16xf32>,
        %mul3A_319 = arith.mulf %get3A_318, %gather3A_301 : vector<16xf32>
        %swap3A_320 = arith.index_cast %scan3A_299 : i32 to index
        %swap3A_321 = arith.constant 32 : index
        %swap3A_322 = tpu.vector_load %arg14[%swap3A_320, %swap3A_321] {strides = array<i32>} : memref<128x128xf32, #tpu.memory_space<vmem>>, vector<16xf32>,
        tpu.vector_store %arg14[%swap3A_320, %swap3A_321], %mul3A_319 {strides = array<i32>} : memref<128x128xf32, #tpu.memory_space<vmem>>, vector<16xf32>,
        %get3A_323 = arith.index_cast %scan3A_299 : i32 to index
        %get3A_324 = arith.constant 48 : index
        %get3A_325 = tpu.vector_load %arg14[%get3A_323, %get3A_324] {strides = array<i32>} : memref<128x128xf32, #tpu.memory_space<vmem>>, vector<16xf32>,
        %mul3A_326 = arith.mulf %get3A_325, %gather3A_301 : vector<16xf32>
        %swap3A_327 = arith.index_cast %scan3A_299 : i32 to index
        %swap3A_328 = arith.constant 48 : index
        %swap3A_329 = tpu.vector_load %arg14[%swap3A_327, %swap3A_328] {strides = array<i32>} : memref<128x128xf32, #tpu.memory_space<vmem>>, vector<16xf32>,
        tpu.vector_store %arg14[%swap3A_327, %swap3A_328], %mul3A_326 {strides = array<i32>} : memref<128x128xf32, #tpu.memory_space<vmem>>, vector<16xf32>,
        %get3A_330 = arith.index_cast %scan3A_299 : i32 to index
        %get3A_331 = arith.constant 64 : index
        %get3A_332 = tpu.vector_load %arg14[%get3A_330, %get3A_331] {strides = array<i32>} : memref<128x128xf32, #tpu.memory_space<vmem>>, vector<16xf32>,
        %mul3A_333 = arith.mulf %get3A_332, %gather3A_301 : vector<16xf32>
        %swap3A_334 = arith.index_cast %scan3A_299 : i32 to index
        %swap3A_335 = arith.constant 64 : index
        %swap3A_336 = tpu.vector_load %arg14[%swap3A_334, %swap3A_335] {strides = array<i32>} : memref<128x128xf32, #tpu.memory_space<vmem>>, vector<16xf32>,
        tpu.vector_store %arg14[%swap3A_334, %swap3A_335], %mul3A_333 {strides = array<i32>} : memref<128x128xf32, #tpu.memory_space<vmem>>, vector<16xf32>,
        %get3A_337 = arith.index_cast %scan3A_299 : i32 to index
        %get3A_338 = arith.constant 80 : index
        %get3A_339 = tpu.vector_load %arg14[%get3A_337, %get3A_338] {strides = array<i32>} : memref<128x128xf32, #tpu.memory_space<vmem>>, vector<16xf32>,
        %mul3A_340 = arith.mulf %get3A_339, %gather3A_301 : vector<16xf32>
        %swap3A_341 = arith.index_cast %scan3A_299 : i32 to index
        %swap3A_342 = arith.constant 80 : index
        %swap3A_343 = tpu.vector_load %arg14[%swap3A_341, %swap3A_342] {strides = array<i32>} : memref<128x128xf32, #tpu.memory_space<vmem>>, vector<16xf32>,
        tpu.vector_store %arg14[%swap3A_341, %swap3A_342], %mul3A_340 {strides = array<i32>} : memref<128x128xf32, #tpu.memory_space<vmem>>, vector<16xf32>,
        %get3A_344 = arith.index_cast %scan3A_299 : i32 to index
        %get3A_345 = arith.constant 96 : index
        %get3A_346 = tpu.vector_load %arg14[%get3A_344, %get3A_345] {strides = array<i32>} : memref<128x128xf32, #tpu.memory_space<vmem>>, vector<16xf32>,
        %mul3A_347 = arith.mulf %get3A_346, %gather3A_301 : vector<16xf32>
        %swap3A_348 = arith.index_cast %scan3A_299 : i32 to index
        %swap3A_349 = arith.constant 96 : index
        %swap3A_350 = tpu.vector_load %arg14[%swap3A_348, %swap3A_349] {strides = array<i32>} : memref<128x128xf32, #tpu.memory_space<vmem>>, vector<16xf32>,
        tpu.vector_store %arg14[%swap3A_348, %swap3A_349], %mul3A_347 {strides = array<i32>} : memref<128x128xf32, #tpu.memory_space<vmem>>, vector<16xf32>,
        %get3A_351 = arith.index_cast %scan3A_299 : i32 to index
        %get3A_352 = arith.constant 112 : index
        %get3A_353 = tpu.vector_load %arg14[%get3A_351, %get3A_352] {strides = array<i32>} : memref<128x128xf32, #tpu.memory_space<vmem>>, vector<16xf32>,
        %mul3A_354 = arith.mulf %get3A_353, %gather3A_301 : vector<16xf32>
        %swap3A_355 = arith.index_cast %scan3A_299 : i32 to index
        %swap3A_356 = arith.constant 112 : index
        %swap3A_357 = tpu.vector_load %arg14[%swap3A_355, %swap3A_356] {strides = array<i32>} : memref<128x128xf32, #tpu.memory_space<vmem>>, vector<16xf32>,
        tpu.vector_store %arg14[%swap3A_355, %swap3A_356], %mul3A_354 {strides = array<i32>} : memref<128x128xf32, #tpu.memory_space<vmem>>, vector<16xf32>,
      }
      %scan3A_76 = arith.constant 32 : i32
      %dma_wait3A_77 = arith.constant 32 : i32
      %dma_wait3A_78 = arith.constant 0 : i32
      %dma_wait3A_79 = tpu.memref_slice %arg14[%dma_wait3A_77, %dma_wait3A_78] : memref<128x128xf32, #tpu.memory_space<vmem>> -> memref<96x128xf32, #tpu.memory_space<vmem>>
      %dma_wait3A_80 = arith.constant 0 : i32
      %dma_wait3A_81 = arith.constant 0 : i32
      %dma_wait3A_82 = tpu.memref_slice %arg2[%dma_wait3A_80, %dma_wait3A_81] : memref<10000x128xf32, #tpu.memory_space<hbm>> -> memref<10000x128xf32, #tpu.memory_space<hbm>>
      tpu.wait_indirect_dma semaphore(%arg21 : memref<!tpu.dma_semaphore, #tpu.memory_space<semaphore_mem>>) src(%dma_wait3A_82 : memref<10000x128xf32, #tpu.memory_space<hbm>>) dst(%dma_wait3A_79 : memref<96x128xf32, #tpu.memory_space<vmem>>)
      %scan3A_83 = arith.constant 0 : i32
      %scan3A_84 = arith.constant 32 : i32
      %scan3A_85 = arith.constant 32 : i32
      %scan3A_86 = arith.addi %scan3A_84, %scan3A_85 : i32
      %scan3A_87 = arith.constant 4 : i32
      scf.for %scan3A_123 = %scan3A_84 to %scan3A_86 step %scan3A_87  : i32 {
        %broadcast_in_dim3A = vector.broadcast %scan3A_123 : i32 to vector<16xi32>
        %gather3A = tpu.vector_load_idx %arg13[%broadcast_in_dim3A] : memref<128xf32, #tpu.memory_space<vmem>>[vector<16xi32>], vector<16xf32>,
        %get3A = arith.index_cast %scan3A_123 : i32 to index
        %get3A_124 = arith.constant 0 : index
        %get3A_125 = tpu.vector_load %arg14[%get3A, %get3A_124] {strides = array<i32>} : memref<128x128xf32, #tpu.memory_space<vmem>>, vector<16xf32>,
        %mul3A_126 = arith.mulf %get3A_125, %gather3A : vector<16xf32>
        %swap3A = arith.index_cast %scan3A_123 : i32 to index
        %swap3A_127 = arith.constant 0 : index
        %swap3A_128 = tpu.vector_load %arg14[%swap3A, %swap3A_127] {strides = array<i32>} : memref<128x128xf32, #tpu.memory_space<vmem>>, vector<16xf32>,
        tpu.vector_store %arg14[%swap3A, %swap3A_127], %mul3A_126 {strides = array<i32>} : memref<128x128xf32, #tpu.memory_space<vmem>>, vector<16xf32>,
        %get3A_129 = arith.index_cast %scan3A_123 : i32 to index
        %get3A_130 = arith.constant 16 : index
        %get3A_131 = tpu.vector_load %arg14[%get3A_129, %get3A_130] {strides = array<i32>} : memref<128x128xf32, #tpu.memory_space<vmem>>, vector<16xf32>,
        %mul3A_132 = arith.mulf %get3A_131, %gather3A : vector<16xf32>
        %swap3A_133 = arith.index_cast %scan3A_123 : i32 to index
        %swap3A_134 = arith.constant 16 : index
        %swap3A_135 = tpu.vector_load %arg14[%swap3A_133, %swap3A_134] {strides = array<i32>} : memref<128x128xf32, #tpu.memory_space<vmem>>, vector<16xf32>,
        tpu.vector_store %arg14[%swap3A_133, %swap3A_134], %mul3A_132 {strides = array<i32>} : memref<128x128xf32, #tpu.memory_space<vmem>>, vector<16xf32>,
        %get3A_136 = arith.index_cast %scan3A_123 : i32 to index
        %get3A_137 = arith.constant 32 : index
        %get3A_138 = tpu.vector_load %arg14[%get3A_136, %get3A_137] {strides = array<i32>} : memref<128x128xf32, #tpu.memory_space<vmem>>, vector<16xf32>,
        %mul3A_139 = arith.mulf %get3A_138, %gather3A : vector<16xf32>
        %swap3A_140 = arith.index_cast %scan3A_123 : i32 to index
        %swap3A_141 = arith.constant 32 : index
        %swap3A_142 = tpu.vector_load %arg14[%swap3A_140, %swap3A_141] {strides = array<i32>} : memref<128x128xf32, #tpu.memory_space<vmem>>, vector<16xf32>,
        tpu.vector_store %arg14[%swap3A_140, %swap3A_141], %mul3A_139 {strides = array<i32>} : memref<128x128xf32, #tpu.memory_space<vmem>>, vector<16xf32>,
        %get3A_143 = arith.index_cast %scan3A_123 : i32 to index
        %get3A_144 = arith.constant 48 : index
        %get3A_145 = tpu.vector_load %arg14[%get3A_143, %get3A_144] {strides = array<i32>} : memref<128x128xf32, #tpu.memory_space<vmem>>, vector<16xf32>,
        %mul3A_146 = arith.mulf %get3A_145, %gather3A : vector<16xf32>
        %swap3A_147 = arith.index_cast %scan3A_123 : i32 to index
        %swap3A_148 = arith.constant 48 : index
        %swap3A_149 = tpu.vector_load %arg14[%swap3A_147, %swap3A_148] {strides = array<i32>} : memref<128x128xf32, #tpu.memory_space<vmem>>, vector<16xf32>,
        tpu.vector_store %arg14[%swap3A_147, %swap3A_148], %mul3A_146 {strides = array<i32>} : memref<128x128xf32, #tpu.memory_space<vmem>>, vector<16xf32>,
        %get3A_150 = arith.index_cast %scan3A_123 : i32 to index
        %get3A_151 = arith.constant 64 : index
        %get3A_152 = tpu.vector_load %arg14[%get3A_150, %get3A_151] {strides = array<i32>} : memref<128x128xf32, #tpu.memory_space<vmem>>, vector<16xf32>,
        %mul3A_153 = arith.mulf %get3A_152, %gather3A : vector<16xf32>
        %swap3A_154 = arith.index_cast %scan3A_123 : i32 to index
        %swap3A_155 = arith.constant 64 : index
        %swap3A_156 = tpu.vector_load %arg14[%swap3A_154, %swap3A_155] {strides = array<i32>} : memref<128x128xf32, #tpu.memory_space<vmem>>, vector<16xf32>,
        tpu.vector_store %arg14[%swap3A_154, %swap3A_155], %mul3A_153 {strides = array<i32>} : memref<128x128xf32, #tpu.memory_space<vmem>>, vector<16xf32>,
        %get3A_157 = arith.index_cast %scan3A_123 : i32 to index
        %get3A_158 = arith.constant 80 : index
        %get3A_159 = tpu.vector_load %arg14[%get3A_157, %get3A_158] {strides = array<i32>} : memref<128x128xf32, #tpu.memory_space<vmem>>, vector<16xf32>,
        %mul3A_160 = arith.mulf %get3A_159, %gather3A : vector<16xf32>
        %swap3A_161 = arith.index_cast %scan3A_123 : i32 to index
        %swap3A_162 = arith.constant 80 : index
        %swap3A_163 = tpu.vector_load %arg14[%swap3A_161, %swap3A_162] {strides = array<i32>} : memref<128x128xf32, #tpu.memory_space<vmem>>, vector<16xf32>,
        tpu.vector_store %arg14[%swap3A_161, %swap3A_162], %mul3A_160 {strides = array<i32>} : memref<128x128xf32, #tpu.memory_space<vmem>>, vector<16xf32>,
        %get3A_164 = arith.index_cast %scan3A_123 : i32 to index
        %get3A_165 = arith.constant 96 : index
        %get3A_166 = tpu.vector_load %arg14[%get3A_164, %get3A_165] {strides = array<i32>} : memref<128x128xf32, #tpu.memory_space<vmem>>, vector<16xf32>,
        %mul3A_167 = arith.mulf %get3A_166, %gather3A : vector<16xf32>
        %swap3A_168 = arith.index_cast %scan3A_123 : i32 to index
        %swap3A_169 = arith.constant 96 : index
        %swap3A_170 = tpu.vector_load %arg14[%swap3A_168, %swap3A_169] {strides = array<i32>} : memref<128x128xf32, #tpu.memory_space<vmem>>, vector<16xf32>,
        tpu.vector_store %arg14[%swap3A_168, %swap3A_169], %mul3A_167 {strides = array<i32>} : memref<128x128xf32, #tpu.memory_space<vmem>>, vector<16xf32>,
        %get3A_171 = arith.index_cast %scan3A_123 : i32 to index
        %get3A_172 = arith.constant 112 : index
        %get3A_173 = tpu.vector_load %arg14[%get3A_171, %get3A_172] {strides = array<i32>} : memref<128x128xf32, #tpu.memory_space<vmem>>, vector<16xf32>,
        %mul3A_174 = arith.mulf %get3A_173, %gather3A : vector<16xf32>
        %swap3A_175 = arith.index_cast %scan3A_123 : i32 to index
        %swap3A_176 = arith.constant 112 : index
        %swap3A_177 = tpu.vector_load %arg14[%swap3A_175, %swap3A_176] {strides = array<i32>} : memref<128x128xf32, #tpu.memory_space<vmem>>, vector<16xf32>,
        tpu.vector_store %arg14[%swap3A_175, %swap3A_176], %mul3A_174 {strides = array<i32>} : memref<128x128xf32, #tpu.memory_space<vmem>>, vector<16xf32>,
        %scan3A_178 = arith.constant 1 : i32
        %scan3A_179 = arith.addi %scan3A_123, %scan3A_178 : i32
        %broadcast_in_dim3A_180 = vector.broadcast %scan3A_179 : i32 to vector<16xi32>
        %gather3A_181 = tpu.vector_load_idx %arg13[%broadcast_in_dim3A_180] : memref<128xf32, #tpu.memory_space<vmem>>[vector<16xi32>], vector<16xf32>,
        %get3A_182 = arith.index_cast %scan3A_179 : i32 to index
        %get3A_183 = arith.constant 0 : index
        %get3A_184 = tpu.vector_load %arg14[%get3A_182, %get3A_183] {strides = array<i32>} : memref<128x128xf32, #tpu.memory_space<vmem>>, vector<16xf32>,
        %mul3A_185 = arith.mulf %get3A_184, %gather3A_181 : vector<16xf32>
        %swap3A_186 = arith.index_cast %scan3A_179 : i32 to index
        %swap3A_187 = arith.constant 0 : index
        %swap3A_188 = tpu.vector_load %arg14[%swap3A_186, %swap3A_187] {strides = array<i32>} : memref<128x128xf32, #tpu.memory_space<vmem>>, vector<16xf32>,
        tpu.vector_store %arg14[%swap3A_186, %swap3A_187], %mul3A_185 {strides = array<i32>} : memref<128x128xf32, #tpu.memory_space<vmem>>, vector<16xf32>,
        %get3A_189 = arith.index_cast %scan3A_179 : i32 to index
        %get3A_190 = arith.constant 16 : index
        %get3A_191 = tpu.vector_load %arg14[%get3A_189, %get3A_190] {strides = array<i32>} : memref<128x128xf32, #tpu.memory_space<vmem>>, vector<16xf32>,
        %mul3A_192 = arith.mulf %get3A_191, %gather3A_181 : vector<16xf32>
        %swap3A_193 = arith.index_cast %scan3A_179 : i32 to index
        %swap3A_194 = arith.constant 16 : index
        %swap3A_195 = tpu.vector_load %arg14[%swap3A_193, %swap3A_194] {strides = array<i32>} : memref<128x128xf32, #tpu.memory_space<vmem>>, vector<16xf32>,
        tpu.vector_store %arg14[%swap3A_193, %swap3A_194], %mul3A_192 {strides = array<i32>} : memref<128x128xf32, #tpu.memory_space<vmem>>, vector<16xf32>,
        %get3A_196 = arith.index_cast %scan3A_179 : i32 to index
        %get3A_197 = arith.constant 32 : index
        %get3A_198 = tpu.vector_load %arg14[%get3A_196, %get3A_197] {strides = array<i32>} : memref<128x128xf32, #tpu.memory_space<vmem>>, vector<16xf32>,
        %mul3A_199 = arith.mulf %get3A_198, %gather3A_181 : vector<16xf32>
        %swap3A_200 = arith.index_cast %scan3A_179 : i32 to index
        %swap3A_201 = arith.constant 32 : index
        %swap3A_202 = tpu.vector_load %arg14[%swap3A_200, %swap3A_201] {strides = array<i32>} : memref<128x128xf32, #tpu.memory_space<vmem>>, vector<16xf32>,
        tpu.vector_store %arg14[%swap3A_200, %swap3A_201], %mul3A_199 {strides = array<i32>} : memref<128x128xf32, #tpu.memory_space<vmem>>, vector<16xf32>,
        %get3A_203 = arith.index_cast %scan3A_179 : i32 to index
        %get3A_204 = arith.constant 48 : index
        %get3A_205 = tpu.vector_load %arg14[%get3A_203, %get3A_204] {strides = array<i32>} : memref<128x128xf32, #tpu.memory_space<vmem>>, vector<16xf32>,
        %mul3A_206 = arith.mulf %get3A_205, %gather3A_181 : vector<16xf32>
        %swap3A_207 = arith.index_cast %scan3A_179 : i32 to index
        %swap3A_208 = arith.constant 48 : index
        %swap3A_209 = tpu.vector_load %arg14[%swap3A_207, %swap3A_208] {strides = array<i32>} : memref<128x128xf32, #tpu.memory_space<vmem>>, vector<16xf32>,
        tpu.vector_store %arg14[%swap3A_207, %swap3A_208], %mul3A_206 {strides = array<i32>} : memref<128x128xf32, #tpu.memory_space<vmem>>, vector<16xf32>,
        %get3A_210 = arith.index_cast %scan3A_179 : i32 to index
        %get3A_211 = arith.constant 64 : index
        %get3A_212 = tpu.vector_load %arg14[%get3A_210, %get3A_211] {strides = array<i32>} : memref<128x128xf32, #tpu.memory_space<vmem>>, vector<16xf32>,
        %mul3A_213 = arith.mulf %get3A_212, %gather3A_181 : vector<16xf32>
        %swap3A_214 = arith.index_cast %scan3A_179 : i32 to index
        %swap3A_215 = arith.constant 64 : index
        %swap3A_216 = tpu.vector_load %arg14[%swap3A_214, %swap3A_215] {strides = array<i32>} : memref<128x128xf32, #tpu.memory_space<vmem>>, vector<16xf32>,
        tpu.vector_store %arg14[%swap3A_214, %swap3A_215], %mul3A_213 {strides = array<i32>} : memref<128x128xf32, #tpu.memory_space<vmem>>, vector<16xf32>,
        %get3A_217 = arith.index_cast %scan3A_179 : i32 to index
        %get3A_218 = arith.constant 80 : index
        %get3A_219 = tpu.vector_load %arg14[%get3A_217, %get3A_218] {strides = array<i32>} : memref<128x128xf32, #tpu.memory_space<vmem>>, vector<16xf32>,
        %mul3A_220 = arith.mulf %get3A_219, %gather3A_181 : vector<16xf32>
        %swap3A_221 = arith.index_cast %scan3A_179 : i32 to index
        %swap3A_222 = arith.constant 80 : index
        %swap3A_223 = tpu.vector_load %arg14[%swap3A_221, %swap3A_222] {strides = array<i32>} : memref<128x128xf32, #tpu.memory_space<vmem>>, vector<16xf32>,
        tpu.vector_store %arg14[%swap3A_221, %swap3A_222], %mul3A_220 {strides = array<i32>} : memref<128x128xf32, #tpu.memory_space<vmem>>, vector<16xf32>,
        %get3A_224 = arith.index_cast %scan3A_179 : i32 to index
        %get3A_225 = arith.constant 96 : index
        %get3A_226 = tpu.vector_load %arg14[%get3A_224, %get3A_225] {strides = array<i32>} : memref<128x128xf32, #tpu.memory_space<vmem>>, vector<16xf32>,
        %mul3A_227 = arith.mulf %get3A_226, %gather3A_181 : vector<16xf32>
        %swap3A_228 = arith.index_cast %scan3A_179 : i32 to index
        %swap3A_229 = arith.constant 96 : index
        %swap3A_230 = tpu.vector_load %arg14[%swap3A_228, %swap3A_229] {strides = array<i32>} : memref<128x128xf32, #tpu.memory_space<vmem>>, vector<16xf32>,
        tpu.vector_store %arg14[%swap3A_228, %swap3A_229], %mul3A_227 {strides = array<i32>} : memref<128x128xf32, #tpu.memory_space<vmem>>, vector<16xf32>,
        %get3A_231 = arith.index_cast %scan3A_179 : i32 to index
        %get3A_232 = arith.constant 112 : index
        %get3A_233 = tpu.vector_load %arg14[%get3A_231, %get3A_232] {strides = array<i32>} : memref<128x128xf32, #tpu.memory_space<vmem>>, vector<16xf32>,
        %mul3A_234 = arith.mulf %get3A_233, %gather3A_181 : vector<16xf32>
        %swap3A_235 = arith.index_cast %scan3A_179 : i32 to index
        %swap3A_236 = arith.constant 112 : index
        %swap3A_237 = tpu.vector_load %arg14[%swap3A_235, %swap3A_236] {strides = array<i32>} : memref<128x128xf32, #tpu.memory_space<vmem>>, vector<16xf32>,
        tpu.vector_store %arg14[%swap3A_235, %swap3A_236], %mul3A_234 {strides = array<i32>} : memref<128x128xf32, #tpu.memory_space<vmem>>, vector<16xf32>,
        %scan3A_238 = arith.constant 2 : i32
        %scan3A_239 = arith.addi %scan3A_123, %scan3A_238 : i32
        %broadcast_in_dim3A_240 = vector.broadcast %scan3A_239 : i32 to vector<16xi32>
        %gather3A_241 = tpu.vector_load_idx %arg13[%broadcast_in_dim3A_240] : memref<128xf32, #tpu.memory_space<vmem>>[vector<16xi32>], vector<16xf32>,
        %get3A_242 = arith.index_cast %scan3A_239 : i32 to index
        %get3A_243 = arith.constant 0 : index
        %get3A_244 = tpu.vector_load %arg14[%get3A_242, %get3A_243] {strides = array<i32>} : memref<128x128xf32, #tpu.memory_space<vmem>>, vector<16xf32>,
        %mul3A_245 = arith.mulf %get3A_244, %gather3A_241 : vector<16xf32>
        %swap3A_246 = arith.index_cast %scan3A_239 : i32 to index
        %swap3A_247 = arith.constant 0 : index
        %swap3A_248 = tpu.vector_load %arg14[%swap3A_246, %swap3A_247] {strides = array<i32>} : memref<128x128xf32, #tpu.memory_space<vmem>>, vector<16xf32>,
        tpu.vector_store %arg14[%swap3A_246, %swap3A_247], %mul3A_245 {strides = array<i32>} : memref<128x128xf32, #tpu.memory_space<vmem>>, vector<16xf32>,
        %get3A_249 = arith.index_cast %scan3A_239 : i32 to index
        %get3A_250 = arith.constant 16 : index
        %get3A_251 = tpu.vector_load %arg14[%get3A_249, %get3A_250] {strides = array<i32>} : memref<128x128xf32, #tpu.memory_space<vmem>>, vector<16xf32>,
        %mul3A_252 = arith.mulf %get3A_251, %gather3A_241 : vector<16xf32>
        %swap3A_253 = arith.index_cast %scan3A_239 : i32 to index
        %swap3A_254 = arith.constant 16 : index
        %swap3A_255 = tpu.vector_load %arg14[%swap3A_253, %swap3A_254] {strides = array<i32>} : memref<128x128xf32, #tpu.memory_space<vmem>>, vector<16xf32>,
        tpu.vector_store %arg14[%swap3A_253, %swap3A_254], %mul3A_252 {strides = array<i32>} : memref<128x128xf32, #tpu.memory_space<vmem>>, vector<16xf32>,
        %get3A_256 = arith.index_cast %scan3A_239 : i32 to index
        %get3A_257 = arith.constant 32 : index
        %get3A_258 = tpu.vector_load %arg14[%get3A_256, %get3A_257] {strides = array<i32>} : memref<128x128xf32, #tpu.memory_space<vmem>>, vector<16xf32>,
        %mul3A_259 = arith.mulf %get3A_258, %gather3A_241 : vector<16xf32>
        %swap3A_260 = arith.index_cast %scan3A_239 : i32 to index
        %swap3A_261 = arith.constant 32 : index
        %swap3A_262 = tpu.vector_load %arg14[%swap3A_260, %swap3A_261] {strides = array<i32>} : memref<128x128xf32, #tpu.memory_space<vmem>>, vector<16xf32>,
        tpu.vector_store %arg14[%swap3A_260, %swap3A_261], %mul3A_259 {strides = array<i32>} : memref<128x128xf32, #tpu.memory_space<vmem>>, vector<16xf32>,
        %get3A_263 = arith.index_cast %scan3A_239 : i32 to index
        %get3A_264 = arith.constant 48 : index
        %get3A_265 = tpu.vector_load %arg14[%get3A_263, %get3A_264] {strides = array<i32>} : memref<128x128xf32, #tpu.memory_space<vmem>>, vector<16xf32>,
        %mul3A_266 = arith.mulf %get3A_265, %gather3A_241 : vector<16xf32>
        %swap3A_267 = arith.index_cast %scan3A_239 : i32 to index
        %swap3A_268 = arith.constant 48 : index
        %swap3A_269 = tpu.vector_load %arg14[%swap3A_267, %swap3A_268] {strides = array<i32>} : memref<128x128xf32, #tpu.memory_space<vmem>>, vector<16xf32>,
        tpu.vector_store %arg14[%swap3A_267, %swap3A_268], %mul3A_266 {strides = array<i32>} : memref<128x128xf32, #tpu.memory_space<vmem>>, vector<16xf32>,
        %get3A_270 = arith.index_cast %scan3A_239 : i32 to index
        %get3A_271 = arith.constant 64 : index
        %get3A_272 = tpu.vector_load %arg14[%get3A_270, %get3A_271] {strides = array<i32>} : memref<128x128xf32, #tpu.memory_space<vmem>>, vector<16xf32>,
        %mul3A_273 = arith.mulf %get3A_272, %gather3A_241 : vector<16xf32>
        %swap3A_274 = arith.index_cast %scan3A_239 : i32 to index
        %swap3A_275 = arith.constant 64 : index
        %swap3A_276 = tpu.vector_load %arg14[%swap3A_274, %swap3A_275] {strides = array<i32>} : memref<128x128xf32, #tpu.memory_space<vmem>>, vector<16xf32>,
        tpu.vector_store %arg14[%swap3A_274, %swap3A_275], %mul3A_273 {strides = array<i32>} : memref<128x128xf32, #tpu.memory_space<vmem>>, vector<16xf32>,
        %get3A_277 = arith.index_cast %scan3A_239 : i32 to index
        %get3A_278 = arith.constant 80 : index
        %get3A_279 = tpu.vector_load %arg14[%get3A_277, %get3A_278] {strides = array<i32>} : memref<128x128xf32, #tpu.memory_space<vmem>>, vector<16xf32>,
        %mul3A_280 = arith.mulf %get3A_279, %gather3A_241 : vector<16xf32>
        %swap3A_281 = arith.index_cast %scan3A_239 : i32 to index
        %swap3A_282 = arith.constant 80 : index
        %swap3A_283 = tpu.vector_load %arg14[%swap3A_281, %swap3A_282] {strides = array<i32>} : memref<128x128xf32, #tpu.memory_space<vmem>>, vector<16xf32>,
        tpu.vector_store %arg14[%swap3A_281, %swap3A_282], %mul3A_280 {strides = array<i32>} : memref<128x128xf32, #tpu.memory_space<vmem>>, vector<16xf32>,
        %get3A_284 = arith.index_cast %scan3A_239 : i32 to index
        %get3A_285 = arith.constant 96 : index
        %get3A_286 = tpu.vector_load %arg14[%get3A_284, %get3A_285] {strides = array<i32>} : memref<128x128xf32, #tpu.memory_space<vmem>>, vector<16xf32>,
        %mul3A_287 = arith.mulf %get3A_286, %gather3A_241 : vector<16xf32>
        %swap3A_288 = arith.index_cast %scan3A_239 : i32 to index
        %swap3A_289 = arith.constant 96 : index
        %swap3A_290 = tpu.vector_load %arg14[%swap3A_288, %swap3A_289] {strides = array<i32>} : memref<128x128xf32, #tpu.memory_space<vmem>>, vector<16xf32>,
        tpu.vector_store %arg14[%swap3A_288, %swap3A_289], %mul3A_287 {strides = array<i32>} : memref<128x128xf32, #tpu.memory_space<vmem>>, vector<16xf32>,
        %get3A_291 = arith.index_cast %scan3A_239 : i32 to index
        %get3A_292 = arith.constant 112 : index
        %get3A_293 = tpu.vector_load %arg14[%get3A_291, %get3A_292] {strides = array<i32>} : memref<128x128xf32, #tpu.memory_space<vmem>>, vector<16xf32>,
        %mul3A_294 = arith.mulf %get3A_293, %gather3A_241 : vector<16xf32>
        %swap3A_295 = arith.index_cast %scan3A_239 : i32 to index
        %swap3A_296 = arith.constant 112 : index
        %swap3A_297 = tpu.vector_load %arg14[%swap3A_295, %swap3A_296] {strides = array<i32>} : memref<128x128xf32, #tpu.memory_space<vmem>>, vector<16xf32>,
        tpu.vector_store %arg14[%swap3A_295, %swap3A_296], %mul3A_294 {strides = array<i32>} : memref<128x128xf32, #tpu.memory_space<vmem>>, vector<16xf32>,
        %scan3A_298 = arith.constant 3 : i32
        %scan3A_299 = arith.addi %scan3A_123, %scan3A_298 : i32
        %broadcast_in_dim3A_300 = vector.broadcast %scan3A_299 : i32 to vector<16xi32>
        %gather3A_301 = tpu.vector_load_idx %arg13[%broadcast_in_dim3A_300] : memref<128xf32, #tpu.memory_space<vmem>>[vector<16xi32>], vector<16xf32>,
        %get3A_302 = arith.index_cast %scan3A_299 : i32 to index
        %get3A_303 = arith.constant 0 : index
        %get3A_304 = tpu.vector_load %arg14[%get3A_302, %get3A_303] {strides = array<i32>} : memref<128x128xf32, #tpu.memory_space<vmem>>, vector<16xf32>,
        %mul3A_305 = arith.mulf %get3A_304, %gather3A_301 : vector<16xf32>
        %swap3A_306 = arith.index_cast %scan3A_299 : i32 to index
        %swap3A_307 = arith.constant 0 : index
        %swap3A_308 = tpu.vector_load %arg14[%swap3A_306, %swap3A_307] {strides = array<i32>} : memref<128x128xf32, #tpu.memory_space<vmem>>, vector<16xf32>,
        tpu.vector_store %arg14[%swap3A_306, %swap3A_307], %mul3A_305 {strides = array<i32>} : memref<128x128xf32, #tpu.memory_space<vmem>>, vector<16xf32>,
        %get3A_309 = arith.index_cast %scan3A_299 : i32 to index
        %get3A_310 = arith.constant 16 : index
        %get3A_311 = tpu.vector_load %arg14[%get3A_309, %get3A_310] {strides = array<i32>} : memref<128x128xf32, #tpu.memory_space<vmem>>, vector<16xf32>,
        %mul3A_312 = arith.mulf %get3A_311, %gather3A_301 : vector<16xf32>
        %swap3A_313 = arith.index_cast %scan3A_299 : i32 to index
        %swap3A_314 = arith.constant 16 : index
        %swap3A_315 = tpu.vector_load %arg14[%swap3A_313, %swap3A_314] {strides = array<i32>} : memref<128x128xf32, #tpu.memory_space<vmem>>, vector<16xf32>,
        tpu.vector_store %arg14[%swap3A_313, %swap3A_314], %mul3A_312 {strides = array<i32>} : memref<128x128xf32, #tpu.memory_space<vmem>>, vector<16xf32>,
        %get3A_316 = arith.index_cast %scan3A_299 : i32 to index
        %get3A_317 = arith.constant 32 : index
        %get3A_318 = tpu.vector_load %arg14[%get3A_316, %get3A_317] {strides = array<i32>} : memref<128x128xf32, #tpu.memory_space<vmem>>, vector<16xf32>,
        %mul3A_319 = arith.mulf %get3A_318, %gather3A_301 : vector<16xf32>
        %swap3A_320 = arith.index_cast %scan3A_299 : i32 to index
        %swap3A_321 = arith.constant 32 : index
        %swap3A_322 = tpu.vector_load %arg14[%swap3A_320, %swap3A_321] {strides = array<i32>} : memref<128x128xf32, #tpu.memory_space<vmem>>, vector<16xf32>,
        tpu.vector_store %arg14[%swap3A_320, %swap3A_321], %mul3A_319 {strides = array<i32>} : memref<128x128xf32, #tpu.memory_space<vmem>>, vector<16xf32>,
        %get3A_323 = arith.index_cast %scan3A_299 : i32 to index
        %get3A_324 = arith.constant 48 : index
        %get3A_325 = tpu.vector_load %arg14[%get3A_323, %get3A_324] {strides = array<i32>} : memref<128x128xf32, #tpu.memory_space<vmem>>, vector<16xf32>,
        %mul3A_326 = arith.mulf %get3A_325, %gather3A_301 : vector<16xf32>
        %swap3A_327 = arith.index_cast %scan3A_299 : i32 to index
        %swap3A_328 = arith.constant 48 : index
        %swap3A_329 = tpu.vector_load %arg14[%swap3A_327, %swap3A_328] {strides = array<i32>} : memref<128x128xf32, #tpu.memory_space<vmem>>, vector<16xf32>,
        tpu.vector_store %arg14[%swap3A_327, %swap3A_328], %mul3A_326 {strides = array<i32>} : memref<128x128xf32, #tpu.memory_space<vmem>>, vector<16xf32>,
        %get3A_330 = arith.index_cast %scan3A_299 : i32 to index
        %get3A_331 = arith.constant 64 : index
        %get3A_332 = tpu.vector_load %arg14[%get3A_330, %get3A_331] {strides = array<i32>} : memref<128x128xf32, #tpu.memory_space<vmem>>, vector<16xf32>,
        %mul3A_333 = arith.mulf %get3A_332, %gather3A_301 : vector<16xf32>
        %swap3A_334 = arith.index_cast %scan3A_299 : i32 to index
        %swap3A_335 = arith.constant 64 : index
        %swap3A_336 = tpu.vector_load %arg14[%swap3A_334, %swap3A_335] {strides = array<i32>} : memref<128x128xf32, #tpu.memory_space<vmem>>, vector<16xf32>,
        tpu.vector_store %arg14[%swap3A_334, %swap3A_335], %mul3A_333 {strides = array<i32>} : memref<128x128xf32, #tpu.memory_space<vmem>>, vector<16xf32>,
        %get3A_337 = arith.index_cast %scan3A_299 : i32 to index
        %get3A_338 = arith.constant 80 : index
        %get3A_339 = tpu.vector_load %arg14[%get3A_337, %get3A_338] {strides = array<i32>} : memref<128x128xf32, #tpu.memory_space<vmem>>, vector<16xf32>,
        %mul3A_340 = arith.mulf %get3A_339, %gather3A_301 : vector<16xf32>
        %swap3A_341 = arith.index_cast %scan3A_299 : i32 to index
        %swap3A_342 = arith.constant 80 : index
        %swap3A_343 = tpu.vector_load %arg14[%swap3A_341, %swap3A_342] {strides = array<i32>} : memref<128x128xf32, #tpu.memory_space<vmem>>, vector<16xf32>,
        tpu.vector_store %arg14[%swap3A_341, %swap3A_342], %mul3A_340 {strides = array<i32>} : memref<128x128xf32, #tpu.memory_space<vmem>>, vector<16xf32>,
        %get3A_344 = arith.index_cast %scan3A_299 : i32 to index
        %get3A_345 = arith.constant 96 : index
        %get3A_346 = tpu.vector_load %arg14[%get3A_344, %get3A_345] {strides = array<i32>} : memref<128x128xf32, #tpu.memory_space<vmem>>, vector<16xf32>,
        %mul3A_347 = arith.mulf %get3A_346, %gather3A_301 : vector<16xf32>
        %swap3A_348 = arith.index_cast %scan3A_299 : i32 to index
        %swap3A_349 = arith.constant 96 : index
        %swap3A_350 = tpu.vector_load %arg14[%swap3A_348, %swap3A_349] {strides = array<i32>} : memref<128x128xf32, #tpu.memory_space<vmem>>, vector<16xf32>,
        tpu.vector_store %arg14[%swap3A_348, %swap3A_349], %mul3A_347 {strides = array<i32>} : memref<128x128xf32, #tpu.memory_space<vmem>>, vector<16xf32>,
        %get3A_351 = arith.index_cast %scan3A_299 : i32 to index
        %get3A_352 = arith.constant 112 : index
        %get3A_353 = tpu.vector_load %arg14[%get3A_351, %get3A_352] {strides = array<i32>} : memref<128x128xf32, #tpu.memory_space<vmem>>, vector<16xf32>,
        %mul3A_354 = arith.mulf %get3A_353, %gather3A_301 : vector<16xf32>
        %swap3A_355 = arith.index_cast %scan3A_299 : i32 to index
        %swap3A_356 = arith.constant 112 : index
        %swap3A_357 = tpu.vector_load %arg14[%swap3A_355, %swap3A_356] {strides = array<i32>} : memref<128x128xf32, #tpu.memory_space<vmem>>, vector<16xf32>,
        tpu.vector_store %arg14[%swap3A_355, %swap3A_356], %mul3A_354 {strides = array<i32>} : memref<128x128xf32, #tpu.memory_space<vmem>>, vector<16xf32>,
      }
      %scan3A_88 = arith.constant 32 : i32
      %dma_wait3A_89 = tpu.memref_slice %arg4[%mul3A_35] : memref<320000xi32, #tpu.memory_space<hbm>> -> memref<64xi32, #tpu.memory_space<hbm>>
      %dma_wait3A_90 = tpu.memref_slice %arg4[%mul3A_35] : memref<320000xi32, #tpu.memory_space<hbm>> -> memref<64xi32, #tpu.memory_space<hbm>>
      tpu.wait_dma2 semaphore(%arg17 : memref<!tpu.dma_semaphore, #tpu.memory_space<semaphore_mem>>) src(%dma_wait3A_90 : memref<64xi32, #tpu.memory_space<hbm>>) dst(%arg11 : memref<64xi32, #tpu.memory_space<vmem>>)
      %dma_start3A_91 = arith.constant 0 : i32
      %dma_start3A_92 = arith.constant 0 : i32
      %dma_start3A_93 = tpu.memref_slice %arg14[%dma_start3A_91, %dma_start3A_92] : memref<128x128xf32, #tpu.memory_space<vmem>> -> memref<64x128xf32, #tpu.memory_space<vmem>>
      %dma_start3A_94 = arith.constant 0 : i32
      %dma_start3A_95 = arith.constant 0 : i32
      %dma_start3A_96 = tpu.memref_slice %arg8[%dma_start3A_94, %dma_start3A_95] : memref<10000x128xf32, #tpu.memory_space<vmem_shared>> -> memref<10000x128xf32, #tpu.memory_space<vmem_shared>>
      tpu.enqueue_indirect_dma source(%dma_start3A_93 : memref<64x128xf32, #tpu.memory_space<vmem>>) target(%dma_start3A_96 : memref<10000x128xf32, #tpu.memory_space<vmem_shared>>) offsets(%arg11 : memref<64xi32, #tpu.memory_space<vmem>>) semaphore(%arg22 : memref<!tpu.dma_semaphore, #tpu.memory_space<semaphore_mem>>) {add = true}
      %scan3A_97 = arith.constant 0 : i32
      %scan3A_98 = arith.constant 64 : i32
      %scan3A_99 = arith.constant 64 : i32
      %scan3A_100 = arith.addi %scan3A_98, %scan3A_99 : i32
      %scan3A_101 = arith.constant 4 : i32
      scf.for %scan3A_123 = %scan3A_98 to %scan3A_100 step %scan3A_101  : i32 {
        %broadcast_in_dim3A = vector.broadcast %scan3A_123 : i32 to vector<16xi32>
        %gather3A = tpu.vector_load_idx %arg13[%broadcast_in_dim3A] : memref<128xf32, #tpu.memory_space<vmem>>[vector<16xi32>], vector<16xf32>,
        %get3A = arith.index_cast %scan3A_123 : i32 to index
        %get3A_124 = arith.constant 0 : index
        %get3A_125 = tpu.vector_load %arg14[%get3A, %get3A_124] {strides = array<i32>} : memref<128x128xf32, #tpu.memory_space<vmem>>, vector<16xf32>,
        %mul3A_126 = arith.mulf %get3A_125, %gather3A : vector<16xf32>
        %swap3A = arith.index_cast %scan3A_123 : i32 to index
        %swap3A_127 = arith.constant 0 : index
        %swap3A_128 = tpu.vector_load %arg14[%swap3A, %swap3A_127] {strides = array<i32>} : memref<128x128xf32, #tpu.memory_space<vmem>>, vector<16xf32>,
        tpu.vector_store %arg14[%swap3A, %swap3A_127], %mul3A_126 {strides = array<i32>} : memref<128x128xf32, #tpu.memory_space<vmem>>, vector<16xf32>,
        %get3A_129 = arith.index_cast %scan3A_123 : i32 to index
        %get3A_130 = arith.constant 16 : index
        %get3A_131 = tpu.vector_load %arg14[%get3A_129, %get3A_130] {strides = array<i32>} : memref<128x128xf32, #tpu.memory_space<vmem>>, vector<16xf32>,
        %mul3A_132 = arith.mulf %get3A_131, %gather3A : vector<16xf32>
        %swap3A_133 = arith.index_cast %scan3A_123 : i32 to index
        %swap3A_134 = arith.constant 16 : index
        %swap3A_135 = tpu.vector_load %arg14[%swap3A_133, %swap3A_134] {strides = array<i32>} : memref<128x128xf32, #tpu.memory_space<vmem>>, vector<16xf32>,
        tpu.vector_store %arg14[%swap3A_133, %swap3A_134], %mul3A_132 {strides = array<i32>} : memref<128x128xf32, #tpu.memory_space<vmem>>, vector<16xf32>,
        %get3A_136 = arith.index_cast %scan3A_123 : i32 to index
        %get3A_137 = arith.constant 32 : index
        %get3A_138 = tpu.vector_load %arg14[%get3A_136, %get3A_137] {strides = array<i32>} : memref<128x128xf32, #tpu.memory_space<vmem>>, vector<16xf32>,
        %mul3A_139 = arith.mulf %get3A_138, %gather3A : vector<16xf32>
        %swap3A_140 = arith.index_cast %scan3A_123 : i32 to index
        %swap3A_141 = arith.constant 32 : index
        %swap3A_142 = tpu.vector_load %arg14[%swap3A_140, %swap3A_141] {strides = array<i32>} : memref<128x128xf32, #tpu.memory_space<vmem>>, vector<16xf32>,
        tpu.vector_store %arg14[%swap3A_140, %swap3A_141], %mul3A_139 {strides = array<i32>} : memref<128x128xf32, #tpu.memory_space<vmem>>, vector<16xf32>,
        %get3A_143 = arith.index_cast %scan3A_123 : i32 to index
        %get3A_144 = arith.constant 48 : index
        %get3A_145 = tpu.vector_load %arg14[%get3A_143, %get3A_144] {strides = array<i32>} : memref<128x128xf32, #tpu.memory_space<vmem>>, vector<16xf32>,
        %mul3A_146 = arith.mulf %get3A_145, %gather3A : vector<16xf32>
        %swap3A_147 = arith.index_cast %scan3A_123 : i32 to index
        %swap3A_148 = arith.constant 48 : index
        %swap3A_149 = tpu.vector_load %arg14[%swap3A_147, %swap3A_148] {strides = array<i32>} : memref<128x128xf32, #tpu.memory_space<vmem>>, vector<16xf32>,
        tpu.vector_store %arg14[%swap3A_147, %swap3A_148], %mul3A_146 {strides = array<i32>} : memref<128x128xf32, #tpu.memory_space<vmem>>, vector<16xf32>,
        %get3A_150 = arith.index_cast %scan3A_123 : i32 to index
        %get3A_151 = arith.constant 64 : index
        %get3A_152 = tpu.vector_load %arg14[%get3A_150, %get3A_151] {strides = array<i32>} : memref<128x128xf32, #tpu.memory_space<vmem>>, vector<16xf32>,
        %mul3A_153 = arith.mulf %get3A_152, %gather3A : vector<16xf32>
        %swap3A_154 = arith.index_cast %scan3A_123 : i32 to index
        %swap3A_155 = arith.constant 64 : index
        %swap3A_156 = tpu.vector_load %arg14[%swap3A_154, %swap3A_155] {strides = array<i32>} : memref<128x128xf32, #tpu.memory_space<vmem>>, vector<16xf32>,
        tpu.vector_store %arg14[%swap3A_154, %swap3A_155], %mul3A_153 {strides = array<i32>} : memref<128x128xf32, #tpu.memory_space<vmem>>, vector<16xf32>,
        %get3A_157 = arith.index_cast %scan3A_123 : i32 to index
        %get3A_158 = arith.constant 80 : index
        %get3A_159 = tpu.vector_load %arg14[%get3A_157, %get3A_158] {strides = array<i32>} : memref<128x128xf32, #tpu.memory_space<vmem>>, vector<16xf32>,
        %mul3A_160 = arith.mulf %get3A_159, %gather3A : vector<16xf32>
        %swap3A_161 = arith.index_cast %scan3A_123 : i32 to index
        %swap3A_162 = arith.constant 80 : index
        %swap3A_163 = tpu.vector_load %arg14[%swap3A_161, %swap3A_162] {strides = array<i32>} : memref<128x128xf32, #tpu.memory_space<vmem>>, vector<16xf32>,
        tpu.vector_store %arg14[%swap3A_161, %swap3A_162], %mul3A_160 {strides = array<i32>} : memref<128x128xf32, #tpu.memory_space<vmem>>, vector<16xf32>,
        %get3A_164 = arith.index_cast %scan3A_123 : i32 to index
        %get3A_165 = arith.constant 96 : index
        %get3A_166 = tpu.vector_load %arg14[%get3A_164, %get3A_165] {strides = array<i32>} : memref<128x128xf32, #tpu.memory_space<vmem>>, vector<16xf32>,
        %mul3A_167 = arith.mulf %get3A_166, %gather3A : vector<16xf32>
        %swap3A_168 = arith.index_cast %scan3A_123 : i32 to index
        %swap3A_169 = arith.constant 96 : index
        %swap3A_170 = tpu.vector_load %arg14[%swap3A_168, %swap3A_169] {strides = array<i32>} : memref<128x128xf32, #tpu.memory_space<vmem>>, vector<16xf32>,
        tpu.vector_store %arg14[%swap3A_168, %swap3A_169], %mul3A_167 {strides = array<i32>} : memref<128x128xf32, #tpu.memory_space<vmem>>, vector<16xf32>,
        %get3A_171 = arith.index_cast %scan3A_123 : i32 to index
        %get3A_172 = arith.constant 112 : index
        %get3A_173 = tpu.vector_load %arg14[%get3A_171, %get3A_172] {strides = array<i32>} : memref<128x128xf32, #tpu.memory_space<vmem>>, vector<16xf32>,
        %mul3A_174 = arith.mulf %get3A_173, %gather3A : vector<16xf32>
        %swap3A_175 = arith.index_cast %scan3A_123 : i32 to index
        %swap3A_176 = arith.constant 112 : index
        %swap3A_177 = tpu.vector_load %arg14[%swap3A_175, %swap3A_176] {strides = array<i32>} : memref<128x128xf32, #tpu.memory_space<vmem>>, vector<16xf32>,
        tpu.vector_store %arg14[%swap3A_175, %swap3A_176], %mul3A_174 {strides = array<i32>} : memref<128x128xf32, #tpu.memory_space<vmem>>, vector<16xf32>,
        %scan3A_178 = arith.constant 1 : i32
        %scan3A_179 = arith.addi %scan3A_123, %scan3A_178 : i32
        %broadcast_in_dim3A_180 = vector.broadcast %scan3A_179 : i32 to vector<16xi32>
        %gather3A_181 = tpu.vector_load_idx %arg13[%broadcast_in_dim3A_180] : memref<128xf32, #tpu.memory_space<vmem>>[vector<16xi32>], vector<16xf32>,
        %get3A_182 = arith.index_cast %scan3A_179 : i32 to index
        %get3A_183 = arith.constant 0 : index
        %get3A_184 = tpu.vector_load %arg14[%get3A_182, %get3A_183] {strides = array<i32>} : memref<128x128xf32, #tpu.memory_space<vmem>>, vector<16xf32>,
        %mul3A_185 = arith.mulf %get3A_184, %gather3A_181 : vector<16xf32>
        %swap3A_186 = arith.index_cast %scan3A_179 : i32 to index
        %swap3A_187 = arith.constant 0 : index
        %swap3A_188 = tpu.vector_load %arg14[%swap3A_186, %swap3A_187] {strides = array<i32>} : memref<128x128xf32, #tpu.memory_space<vmem>>, vector<16xf32>,
        tpu.vector_store %arg14[%swap3A_186, %swap3A_187], %mul3A_185 {strides = array<i32>} : memref<128x128xf32, #tpu.memory_space<vmem>>, vector<16xf32>,
        %get3A_189 = arith.index_cast %scan3A_179 : i32 to index
        %get3A_190 = arith.constant 16 : index
        %get3A_191 = tpu.vector_load %arg14[%get3A_189, %get3A_190] {strides = array<i32>} : memref<128x128xf32, #tpu.memory_space<vmem>>, vector<16xf32>,
        %mul3A_192 = arith.mulf %get3A_191, %gather3A_181 : vector<16xf32>
        %swap3A_193 = arith.index_cast %scan3A_179 : i32 to index
        %swap3A_194 = arith.constant 16 : index
        %swap3A_195 = tpu.vector_load %arg14[%swap3A_193, %swap3A_194] {strides = array<i32>} : memref<128x128xf32, #tpu.memory_space<vmem>>, vector<16xf32>,
        tpu.vector_store %arg14[%swap3A_193, %swap3A_194], %mul3A_192 {strides = array<i32>} : memref<128x128xf32, #tpu.memory_space<vmem>>, vector<16xf32>,
        %get3A_196 = arith.index_cast %scan3A_179 : i32 to index
        %get3A_197 = arith.constant 32 : index
        %get3A_198 = tpu.vector_load %arg14[%get3A_196, %get3A_197] {strides = array<i32>} : memref<128x128xf32, #tpu.memory_space<vmem>>, vector<16xf32>,
        %mul3A_199 = arith.mulf %get3A_198, %gather3A_181 : vector<16xf32>
        %swap3A_200 = arith.index_cast %scan3A_179 : i32 to index
        %swap3A_201 = arith.constant 32 : index
        %swap3A_202 = tpu.vector_load %arg14[%swap3A_200, %swap3A_201] {strides = array<i32>} : memref<128x128xf32, #tpu.memory_space<vmem>>, vector<16xf32>,
        tpu.vector_store %arg14[%swap3A_200, %swap3A_201], %mul3A_199 {strides = array<i32>} : memref<128x128xf32, #tpu.memory_space<vmem>>, vector<16xf32>,
        %get3A_203 = arith.index_cast %scan3A_179 : i32 to index
        %get3A_204 = arith.constant 48 : index
        %get3A_205 = tpu.vector_load %arg14[%get3A_203, %get3A_204] {strides = array<i32>} : memref<128x128xf32, #tpu.memory_space<vmem>>, vector<16xf32>,
        %mul3A_206 = arith.mulf %get3A_205, %gather3A_181 : vector<16xf32>
        %swap3A_207 = arith.index_cast %scan3A_179 : i32 to index
        %swap3A_208 = arith.constant 48 : index
        %swap3A_209 = tpu.vector_load %arg14[%swap3A_207, %swap3A_208] {strides = array<i32>} : memref<128x128xf32, #tpu.memory_space<vmem>>, vector<16xf32>,
        tpu.vector_store %arg14[%swap3A_207, %swap3A_208], %mul3A_206 {strides = array<i32>} : memref<128x128xf32, #tpu.memory_space<vmem>>, vector<16xf32>,
        %get3A_210 = arith.index_cast %scan3A_179 : i32 to index
        %get3A_211 = arith.constant 64 : index
        %get3A_212 = tpu.vector_load %arg14[%get3A_210, %get3A_211] {strides = array<i32>} : memref<128x128xf32, #tpu.memory_space<vmem>>, vector<16xf32>,
        %mul3A_213 = arith.mulf %get3A_212, %gather3A_181 : vector<16xf32>
        %swap3A_214 = arith.index_cast %scan3A_179 : i32 to index
        %swap3A_215 = arith.constant 64 : index
        %swap3A_216 = tpu.vector_load %arg14[%swap3A_214, %swap3A_215] {strides = array<i32>} : memref<128x128xf32, #tpu.memory_space<vmem>>, vector<16xf32>,
        tpu.vector_store %arg14[%swap3A_214, %swap3A_215], %mul3A_213 {strides = array<i32>} : memref<128x128xf32, #tpu.memory_space<vmem>>, vector<16xf32>,
        %get3A_217 = arith.index_cast %scan3A_179 : i32 to index
        %get3A_218 = arith.constant 80 : index
        %get3A_219 = tpu.vector_load %arg14[%get3A_217, %get3A_218] {strides = array<i32>} : memref<128x128xf32, #tpu.memory_space<vmem>>, vector<16xf32>,
        %mul3A_220 = arith.mulf %get3A_219, %gather3A_181 : vector<16xf32>
        %swap3A_221 = arith.index_cast %scan3A_179 : i32 to index
        %swap3A_222 = arith.constant 80 : index
        %swap3A_223 = tpu.vector_load %arg14[%swap3A_221, %swap3A_222] {strides = array<i32>} : memref<128x128xf32, #tpu.memory_space<vmem>>, vector<16xf32>,
        tpu.vector_store %arg14[%swap3A_221, %swap3A_222], %mul3A_220 {strides = array<i32>} : memref<128x128xf32, #tpu.memory_space<vmem>>, vector<16xf32>,
        %get3A_224 = arith.index_cast %scan3A_179 : i32 to index
        %get3A_225 = arith.constant 96 : index
        %get3A_226 = tpu.vector_load %arg14[%get3A_224, %get3A_225] {strides = array<i32>} : memref<128x128xf32, #tpu.memory_space<vmem>>, vector<16xf32>,
        %mul3A_227 = arith.mulf %get3A_226, %gather3A_181 : vector<16xf32>
        %swap3A_228 = arith.index_cast %scan3A_179 : i32 to index
        %swap3A_229 = arith.constant 96 : index
        %swap3A_230 = tpu.vector_load %arg14[%swap3A_228, %swap3A_229] {strides = array<i32>} : memref<128x128xf32, #tpu.memory_space<vmem>>, vector<16xf32>,
        tpu.vector_store %arg14[%swap3A_228, %swap3A_229], %mul3A_227 {strides = array<i32>} : memref<128x128xf32, #tpu.memory_space<vmem>>, vector<16xf32>,
        %get3A_231 = arith.index_cast %scan3A_179 : i32 to index
        %get3A_232 = arith.constant 112 : index
        %get3A_233 = tpu.vector_load %arg14[%get3A_231, %get3A_232] {strides = array<i32>} : memref<128x128xf32, #tpu.memory_space<vmem>>, vector<16xf32>,
        %mul3A_234 = arith.mulf %get3A_233, %gather3A_181 : vector<16xf32>
        %swap3A_235 = arith.index_cast %scan3A_179 : i32 to index
        %swap3A_236 = arith.constant 112 : index
        %swap3A_237 = tpu.vector_load %arg14[%swap3A_235, %swap3A_236] {strides = array<i32>} : memref<128x128xf32, #tpu.memory_space<vmem>>, vector<16xf32>,
        tpu.vector_store %arg14[%swap3A_235, %swap3A_236], %mul3A_234 {strides = array<i32>} : memref<128x128xf32, #tpu.memory_space<vmem>>, vector<16xf32>,
        %scan3A_238 = arith.constant 2 : i32
        %scan3A_239 = arith.addi %scan3A_123, %scan3A_238 : i32
        %broadcast_in_dim3A_240 = vector.broadcast %scan3A_239 : i32 to vector<16xi32>
        %gather3A_241 = tpu.vector_load_idx %arg13[%broadcast_in_dim3A_240] : memref<128xf32, #tpu.memory_space<vmem>>[vector<16xi32>], vector<16xf32>,
        %get3A_242 = arith.index_cast %scan3A_239 : i32 to index
        %get3A_243 = arith.constant 0 : index
        %get3A_244 = tpu.vector_load %arg14[%get3A_242, %get3A_243] {strides = array<i32>} : memref<128x128xf32, #tpu.memory_space<vmem>>, vector<16xf32>,
        %mul3A_245 = arith.mulf %get3A_244, %gather3A_241 : vector<16xf32>
        %swap3A_246 = arith.index_cast %scan3A_239 : i32 to index
        %swap3A_247 = arith.constant 0 : index
        %swap3A_248 = tpu.vector_load %arg14[%swap3A_246, %swap3A_247] {strides = array<i32>} : memref<128x128xf32, #tpu.memory_space<vmem>>, vector<16xf32>,
        tpu.vector_store %arg14[%swap3A_246, %swap3A_247], %mul3A_245 {strides = array<i32>} : memref<128x128xf32, #tpu.memory_space<vmem>>, vector<16xf32>,
        %get3A_249 = arith.index_cast %scan3A_239 : i32 to index
        %get3A_250 = arith.constant 16 : index
        %get3A_251 = tpu.vector_load %arg14[%get3A_249, %get3A_250] {strides = array<i32>} : memref<128x128xf32, #tpu.memory_space<vmem>>, vector<16xf32>,
        %mul3A_252 = arith.mulf %get3A_251, %gather3A_241 : vector<16xf32>
        %swap3A_253 = arith.index_cast %scan3A_239 : i32 to index
        %swap3A_254 = arith.constant 16 : index
        %swap3A_255 = tpu.vector_load %arg14[%swap3A_253, %swap3A_254] {strides = array<i32>} : memref<128x128xf32, #tpu.memory_space<vmem>>, vector<16xf32>,
        tpu.vector_store %arg14[%swap3A_253, %swap3A_254], %mul3A_252 {strides = array<i32>} : memref<128x128xf32, #tpu.memory_space<vmem>>, vector<16xf32>,
        %get3A_256 = arith.index_cast %scan3A_239 : i32 to index
        %get3A_257 = arith.constant 32 : index
        %get3A_258 = tpu.vector_load %arg14[%get3A_256, %get3A_257] {strides = array<i32>} : memref<128x128xf32, #tpu.memory_space<vmem>>, vector<16xf32>,
        %mul3A_259 = arith.mulf %get3A_258, %gather3A_241 : vector<16xf32>
        %swap3A_260 = arith.index_cast %scan3A_239 : i32 to index
        %swap3A_261 = arith.constant 32 : index
        %swap3A_262 = tpu.vector_load %arg14[%swap3A_260, %swap3A_261] {strides = array<i32>} : memref<128x128xf32, #tpu.memory_space<vmem>>, vector<16xf32>,
        tpu.vector_store %arg14[%swap3A_260, %swap3A_261], %mul3A_259 {strides = array<i32>} : memref<128x128xf32, #tpu.memory_space<vmem>>, vector<16xf32>,
        %get3A_263 = arith.index_cast %scan3A_239 : i32 to index
        %get3A_264 = arith.constant 48 : index
        %get3A_265 = tpu.vector_load %arg14[%get3A_263, %get3A_264] {strides = array<i32>} : memref<128x128xf32, #tpu.memory_space<vmem>>, vector<16xf32>,
        %mul3A_266 = arith.mulf %get3A_265, %gather3A_241 : vector<16xf32>
        %swap3A_267 = arith.index_cast %scan3A_239 : i32 to index
        %swap3A_268 = arith.constant 48 : index
        %swap3A_269 = tpu.vector_load %arg14[%swap3A_267, %swap3A_268] {strides = array<i32>} : memref<128x128xf32, #tpu.memory_space<vmem>>, vector<16xf32>,
        tpu.vector_store %arg14[%swap3A_267, %swap3A_268], %mul3A_266 {strides = array<i32>} : memref<128x128xf32, #tpu.memory_space<vmem>>, vector<16xf32>,
        %get3A_270 = arith.index_cast %scan3A_239 : i32 to index
        %get3A_271 = arith.constant 64 : index
        %get3A_272 = tpu.vector_load %arg14[%get3A_270, %get3A_271] {strides = array<i32>} : memref<128x128xf32, #tpu.memory_space<vmem>>, vector<16xf32>,
        %mul3A_273 = arith.mulf %get3A_272, %gather3A_241 : vector<16xf32>
        %swap3A_274 = arith.index_cast %scan3A_239 : i32 to index
        %swap3A_275 = arith.constant 64 : index
        %swap3A_276 = tpu.vector_load %arg14[%swap3A_274, %swap3A_275] {strides = array<i32>} : memref<128x128xf32, #tpu.memory_space<vmem>>, vector<16xf32>,
        tpu.vector_store %arg14[%swap3A_274, %swap3A_275], %mul3A_273 {strides = array<i32>} : memref<128x128xf32, #tpu.memory_space<vmem>>, vector<16xf32>,
        %get3A_277 = arith.index_cast %scan3A_239 : i32 to index
        %get3A_278 = arith.constant 80 : index
        %get3A_279 = tpu.vector_load %arg14[%get3A_277, %get3A_278] {strides = array<i32>} : memref<128x128xf32, #tpu.memory_space<vmem>>, vector<16xf32>,
        %mul3A_280 = arith.mulf %get3A_279, %gather3A_241 : vector<16xf32>
        %swap3A_281 = arith.index_cast %scan3A_239 : i32 to index
        %swap3A_282 = arith.constant 80 : index
        %swap3A_283 = tpu.vector_load %arg14[%swap3A_281, %swap3A_282] {strides = array<i32>} : memref<128x128xf32, #tpu.memory_space<vmem>>, vector<16xf32>,
        tpu.vector_store %arg14[%swap3A_281, %swap3A_282], %mul3A_280 {strides = array<i32>} : memref<128x128xf32, #tpu.memory_space<vmem>>, vector<16xf32>,
        %get3A_284 = arith.index_cast %scan3A_239 : i32 to index
        %get3A_285 = arith.constant 96 : index
        %get3A_286 = tpu.vector_load %arg14[%get3A_284, %get3A_285] {strides = array<i32>} : memref<128x128xf32, #tpu.memory_space<vmem>>, vector<16xf32>,
        %mul3A_287 = arith.mulf %get3A_286, %gather3A_241 : vector<16xf32>
        %swap3A_288 = arith.index_cast %scan3A_239 : i32 to index
        %swap3A_289 = arith.constant 96 : index
        %swap3A_290 = tpu.vector_load %arg14[%swap3A_288, %swap3A_289] {strides = array<i32>} : memref<128x128xf32, #tpu.memory_space<vmem>>, vector<16xf32>,
        tpu.vector_store %arg14[%swap3A_288, %swap3A_289], %mul3A_287 {strides = array<i32>} : memref<128x128xf32, #tpu.memory_space<vmem>>, vector<16xf32>,
        %get3A_291 = arith.index_cast %scan3A_239 : i32 to index
        %get3A_292 = arith.constant 112 : index
        %get3A_293 = tpu.vector_load %arg14[%get3A_291, %get3A_292] {strides = array<i32>} : memref<128x128xf32, #tpu.memory_space<vmem>>, vector<16xf32>,
        %mul3A_294 = arith.mulf %get3A_293, %gather3A_241 : vector<16xf32>
        %swap3A_295 = arith.index_cast %scan3A_239 : i32 to index
        %swap3A_296 = arith.constant 112 : index
        %swap3A_297 = tpu.vector_load %arg14[%swap3A_295, %swap3A_296] {strides = array<i32>} : memref<128x128xf32, #tpu.memory_space<vmem>>, vector<16xf32>,
        tpu.vector_store %arg14[%swap3A_295, %swap3A_296], %mul3A_294 {strides = array<i32>} : memref<128x128xf32, #tpu.memory_space<vmem>>, vector<16xf32>,
        %scan3A_298 = arith.constant 3 : i32
        %scan3A_299 = arith.addi %scan3A_123, %scan3A_298 : i32
        %broadcast_in_dim3A_300 = vector.broadcast %scan3A_299 : i32 to vector<16xi32>
        %gather3A_301 = tpu.vector_load_idx %arg13[%broadcast_in_dim3A_300] : memref<128xf32, #tpu.memory_space<vmem>>[vector<16xi32>], vector<16xf32>,
        %get3A_302 = arith.index_cast %scan3A_299 : i32 to index
        %get3A_303 = arith.constant 0 : index
        %get3A_304 = tpu.vector_load %arg14[%get3A_302, %get3A_303] {strides = array<i32>} : memref<128x128xf32, #tpu.memory_space<vmem>>, vector<16xf32>,
        %mul3A_305 = arith.mulf %get3A_304, %gather3A_301 : vector<16xf32>
        %swap3A_306 = arith.index_cast %scan3A_299 : i32 to index
        %swap3A_307 = arith.constant 0 : index
        %swap3A_308 = tpu.vector_load %arg14[%swap3A_306, %swap3A_307] {strides = array<i32>} : memref<128x128xf32, #tpu.memory_space<vmem>>, vector<16xf32>,
        tpu.vector_store %arg14[%swap3A_306, %swap3A_307], %mul3A_305 {strides = array<i32>} : memref<128x128xf32, #tpu.memory_space<vmem>>, vector<16xf32>,
        %get3A_309 = arith.index_cast %scan3A_299 : i32 to index
        %get3A_310 = arith.constant 16 : index
        %get3A_311 = tpu.vector_load %arg14[%get3A_309, %get3A_310] {strides = array<i32>} : memref<128x128xf32, #tpu.memory_space<vmem>>, vector<16xf32>,
        %mul3A_312 = arith.mulf %get3A_311, %gather3A_301 : vector<16xf32>
        %swap3A_313 = arith.index_cast %scan3A_299 : i32 to index
        %swap3A_314 = arith.constant 16 : index
        %swap3A_315 = tpu.vector_load %arg14[%swap3A_313, %swap3A_314] {strides = array<i32>} : memref<128x128xf32, #tpu.memory_space<vmem>>, vector<16xf32>,
        tpu.vector_store %arg14[%swap3A_313, %swap3A_314], %mul3A_312 {strides = array<i32>} : memref<128x128xf32, #tpu.memory_space<vmem>>, vector<16xf32>,
        %get3A_316 = arith.index_cast %scan3A_299 : i32 to index
        %get3A_317 = arith.constant 32 : index
        %get3A_318 = tpu.vector_load %arg14[%get3A_316, %get3A_317] {strides = array<i32>} : memref<128x128xf32, #tpu.memory_space<vmem>>, vector<16xf32>,
        %mul3A_319 = arith.mulf %get3A_318, %gather3A_301 : vector<16xf32>
        %swap3A_320 = arith.index_cast %scan3A_299 : i32 to index
        %swap3A_321 = arith.constant 32 : index
        %swap3A_322 = tpu.vector_load %arg14[%swap3A_320, %swap3A_321] {strides = array<i32>} : memref<128x128xf32, #tpu.memory_space<vmem>>, vector<16xf32>,
        tpu.vector_store %arg14[%swap3A_320, %swap3A_321], %mul3A_319 {strides = array<i32>} : memref<128x128xf32, #tpu.memory_space<vmem>>, vector<16xf32>,
        %get3A_323 = arith.index_cast %scan3A_299 : i32 to index
        %get3A_324 = arith.constant 48 : index
        %get3A_325 = tpu.vector_load %arg14[%get3A_323, %get3A_324] {strides = array<i32>} : memref<128x128xf32, #tpu.memory_space<vmem>>, vector<16xf32>,
        %mul3A_326 = arith.mulf %get3A_325, %gather3A_301 : vector<16xf32>
        %swap3A_327 = arith.index_cast %scan3A_299 : i32 to index
        %swap3A_328 = arith.constant 48 : index
        %swap3A_329 = tpu.vector_load %arg14[%swap3A_327, %swap3A_328] {strides = array<i32>} : memref<128x128xf32, #tpu.memory_space<vmem>>, vector<16xf32>,
        tpu.vector_store %arg14[%swap3A_327, %swap3A_328], %mul3A_326 {strides = array<i32>} : memref<128x128xf32, #tpu.memory_space<vmem>>, vector<16xf32>,
        %get3A_330 = arith.index_cast %scan3A_299 : i32 to index
        %get3A_331 = arith.constant 64 : index
        %get3A_332 = tpu.vector_load %arg14[%get3A_330, %get3A_331] {strides = array<i32>} : memref<128x128xf32, #tpu.memory_space<vmem>>, vector<16xf32>,
        %mul3A_333 = arith.mulf %get3A_332, %gather3A_301 : vector<16xf32>
        %swap3A_334 = arith.index_cast %scan3A_299 : i32 to index
        %swap3A_335 = arith.constant 64 : index
        %swap3A_336 = tpu.vector_load %arg14[%swap3A_334, %swap3A_335] {strides = array<i32>} : memref<128x128xf32, #tpu.memory_space<vmem>>, vector<16xf32>,
        tpu.vector_store %arg14[%swap3A_334, %swap3A_335], %mul3A_333 {strides = array<i32>} : memref<128x128xf32, #tpu.memory_space<vmem>>, vector<16xf32>,
        %get3A_337 = arith.index_cast %scan3A_299 : i32 to index
        %get3A_338 = arith.constant 80 : index
        %get3A_339 = tpu.vector_load %arg14[%get3A_337, %get3A_338] {strides = array<i32>} : memref<128x128xf32, #tpu.memory_space<vmem>>, vector<16xf32>,
        %mul3A_340 = arith.mulf %get3A_339, %gather3A_301 : vector<16xf32>
        %swap3A_341 = arith.index_cast %scan3A_299 : i32 to index
        %swap3A_342 = arith.constant 80 : index
        %swap3A_343 = tpu.vector_load %arg14[%swap3A_341, %swap3A_342] {strides = array<i32>} : memref<128x128xf32, #tpu.memory_space<vmem>>, vector<16xf32>,
        tpu.vector_store %arg14[%swap3A_341, %swap3A_342], %mul3A_340 {strides = array<i32>} : memref<128x128xf32, #tpu.memory_space<vmem>>, vector<16xf32>,
        %get3A_344 = arith.index_cast %scan3A_299 : i32 to index
        %get3A_345 = arith.constant 96 : index
        %get3A_346 = tpu.vector_load %arg14[%get3A_344, %get3A_345] {strides = array<i32>} : memref<128x128xf32, #tpu.memory_space<vmem>>, vector<16xf32>,
        %mul3A_347 = arith.mulf %get3A_346, %gather3A_301 : vector<16xf32>
        %swap3A_348 = arith.index_cast %scan3A_299 : i32 to index
        %swap3A_349 = arith.constant 96 : index
        %swap3A_350 = tpu.vector_load %arg14[%swap3A_348, %swap3A_349] {strides = array<i32>} : memref<128x128xf32, #tpu.memory_space<vmem>>, vector<16xf32>,
        tpu.vector_store %arg14[%swap3A_348, %swap3A_349], %mul3A_347 {strides = array<i32>} : memref<128x128xf32, #tpu.memory_space<vmem>>, vector<16xf32>,
        %get3A_351 = arith.index_cast %scan3A_299 : i32 to index
        %get3A_352 = arith.constant 112 : index
        %get3A_353 = tpu.vector_load %arg14[%get3A_351, %get3A_352] {strides = array<i32>} : memref<128x128xf32, #tpu.memory_space<vmem>>, vector<16xf32>,
        %mul3A_354 = arith.mulf %get3A_353, %gather3A_301 : vector<16xf32>
        %swap3A_355 = arith.index_cast %scan3A_299 : i32 to index
        %swap3A_356 = arith.constant 112 : index
        %swap3A_357 = tpu.vector_load %arg14[%swap3A_355, %swap3A_356] {strides = array<i32>} : memref<128x128xf32, #tpu.memory_space<vmem>>, vector<16xf32>,
        tpu.vector_store %arg14[%swap3A_355, %swap3A_356], %mul3A_354 {strides = array<i32>} : memref<128x128xf32, #tpu.memory_space<vmem>>, vector<16xf32>,
      }
      %scan3A_102 = arith.constant 64 : i32
      %dma_wait3A_103 = tpu.memref_slice %arg4[%add3A_44] : memref<320000xi32, #tpu.memory_space<hbm>> -> memref<64xi32, #tpu.memory_space<hbm>>
      %dma_wait3A_104 = tpu.memref_slice %arg4[%add3A_44] : memref<320000xi32, #tpu.memory_space<hbm>> -> memref<64xi32, #tpu.memory_space<hbm>>
      tpu.wait_dma2 semaphore(%arg18 : memref<!tpu.dma_semaphore, #tpu.memory_space<semaphore_mem>>) src(%dma_wait3A_104 : memref<64xi32, #tpu.memory_space<hbm>>) dst(%arg12 : memref<64xi32, #tpu.memory_space<vmem>>)
      %dma_start3A_105 = arith.constant 64 : i32
      %dma_start3A_106 = arith.constant 0 : i32
      %dma_start3A_107 = tpu.memref_slice %arg14[%dma_start3A_105, %dma_start3A_106] : memref<128x128xf32, #tpu.memory_space<vmem>> -> memref<64x128xf32, #tpu.memory_space<vmem>>
      %dma_start3A_108 = arith.constant 0 : i32
      %dma_start3A_109 = arith.constant 0 : i32
      %dma_start3A_110 = tpu.memref_slice %arg8[%dma_start3A_108, %dma_start3A_109] : memref<10000x128xf32, #tpu.memory_space<vmem_shared>> -> memref<10000x128xf32, #tpu.memory_space<vmem_shared>>
      tpu.enqueue_indirect_dma source(%dma_start3A_107 : memref<64x128xf32, #tpu.memory_space<vmem>>) target(%dma_start3A_110 : memref<10000x128xf32, #tpu.memory_space<vmem_shared>>) offsets(%arg12 : memref<64xi32, #tpu.memory_space<vmem>>) semaphore(%arg23 : memref<!tpu.dma_semaphore, #tpu.memory_space<semaphore_mem>>) {add = true}
      %dma_wait3A_111 = arith.constant 0 : i32
      %dma_wait3A_112 = arith.constant 0 : i32
      %dma_wait3A_113 = tpu.memref_slice %arg14[%dma_wait3A_111, %dma_wait3A_112] : memref<128x128xf32, #tpu.memory_space<vmem>> -> memref<64x128xf32, #tpu.memory_space<vmem>>
      %dma_wait3A_114 = arith.constant 0 : i32
      %dma_wait3A_115 = arith.constant 0 : i32
      %dma_wait3A_116 = tpu.memref_slice %arg8[%dma_wait3A_114, %dma_wait3A_115] : memref<10000x128xf32, #tpu.memory_space<vmem_shared>> -> memref<10000x128xf32, #tpu.memory_space<vmem_shared>>
      tpu.wait_indirect_dma semaphore(%arg22 : memref<!tpu.dma_semaphore, #tpu.memory_space<semaphore_mem>>) src(%dma_wait3A_113 : memref<64x128xf32, #tpu.memory_space<vmem>>) dst(%dma_wait3A_116 : memref<10000x128xf32, #tpu.memory_space<vmem_shared>>)
      %dma_wait3A_117 = arith.constant 64 : i32
      %dma_wait3A_118 = arith.constant 0 : i32
      %dma_wait3A_119 = tpu.memref_slice %arg14[%dma_wait3A_117, %dma_wait3A_118] : memref<128x128xf32, #tpu.memory_space<vmem>> -> memref<64x128xf32, #tpu.memory_space<vmem>>
      %dma_wait3A_120 = arith.constant 0 : i32
      %dma_wait3A_121 = arith.constant 0 : i32
      %dma_wait3A_122 = tpu.memref_slice %arg8[%dma_wait3A_120, %dma_wait3A_121] : memref<10000x128xf32, #tpu.memory_space<vmem_shared>> -> memref<10000x128xf32, #tpu.memory_space<vmem_shared>>
      tpu.wait_indirect_dma semaphore(%arg23 : memref<!tpu.dma_semaphore, #tpu.memory_space<semaphore_mem>>) src(%dma_wait3A_119 : memref<64x128xf32, #tpu.memory_space<vmem>>) dst(%dma_wait3A_122 : memref<10000x128xf32, #tpu.memory_space<vmem_shared>>)
    }
    %while3A_21 = arith.constant 1 : i32
    scf.for %while3A_32 = %while3A_19 to %while3A_15 step %while3A_21  : i32 {
      %add3A_33 = arith.addi %add3A_12, %while3A_32 : i32
      %mul3A_34 = arith.constant 128 : i32
      %mul3A_35 = arith.muli %add3A_33, %mul3A_34 : i32
      %dma_start3A = tpu.memref_slice %arg3[%mul3A_35] : memref<320000xi32, #tpu.memory_space<hbm>> -> memref<32xi32, #tpu.memory_space<hbm>>
      %dma_start3A_36 = tpu.memref_slice %arg3[%mul3A_35] : memref<320000xi32, #tpu.memory_space<hbm>> -> memref<32xi32, #tpu.memory_space<hbm>>
      tpu.enqueue_dma source(%dma_start3A_36 : memref<32xi32, #tpu.memory_space<hbm>>) target(%arg9 : memref<32xi32, #tpu.memory_space<vmem>>) target_semaphore(%arg15 : memref<!tpu.dma_semaphore, #tpu.memory_space<semaphore_mem>>)
      %add3A_37 = arith.constant 32 : i32
      %add3A_38 = arith.addi %mul3A_35, %add3A_37 : i32
      %dma_start3A_39 = tpu.memref_slice %arg3[%add3A_38] : memref<320000xi32, #tpu.memory_space<hbm>> -> memref<96xi32, #tpu.memory_space<hbm>>
      %dma_start3A_40 = tpu.memref_slice %arg3[%add3A_38] : memref<320000xi32, #tpu.memory_space<hbm>> -> memref<96xi32, #tpu.memory_space<hbm>>
      tpu.enqueue_dma source(%dma_start3A_40 : memref<96xi32, #tpu.memory_space<hbm>>) target(%arg10 : memref<96xi32, #tpu.memory_space<vmem>>) target_semaphore(%arg16 : memref<!tpu.dma_semaphore, #tpu.memory_space<semaphore_mem>>)
      %dma_start3A_41 = tpu.memref_slice %arg4[%mul3A_35] : memref<320000xi32, #tpu.memory_space<hbm>> -> memref<64xi32, #tpu.memory_space<hbm>>
      %dma_start3A_42 = tpu.memref_slice %arg4[%mul3A_35] : memref<320000xi32, #tpu.memory_space<hbm>> -> memref<64xi32, #tpu.memory_space<hbm>>
      tpu.enqueue_dma source(%dma_start3A_42 : memref<64xi32, #tpu.memory_space<hbm>>) target(%arg11 : memref<64xi32, #tpu.memory_space<vmem>>) target_semaphore(%arg17 : memref<!tpu.dma_semaphore, #tpu.memory_space<semaphore_mem>>)
      %add3A_43 = arith.constant 64 : i32
      %add3A_44 = arith.addi %mul3A_35, %add3A_43 : i32
      %dma_start3A_45 = tpu.memref_slice %arg4[%add3A_44] : memref<320000xi32, #tpu.memory_space<hbm>> -> memref<64xi32, #tpu.memory_space<hbm>>
      %dma_start3A_46 = tpu.memref_slice %arg4[%add3A_44] : memref<320000xi32, #tpu.memory_space<hbm>> -> memref<64xi32, #tpu.memory_space<hbm>>
      tpu.enqueue_dma source(%dma_start3A_46 : memref<64xi32, #tpu.memory_space<hbm>>) target(%arg12 : memref<64xi32, #tpu.memory_space<vmem>>) target_semaphore(%arg18 : memref<!tpu.dma_semaphore, #tpu.memory_space<semaphore_mem>>)
      %dma_start3A_47 = tpu.memref_slice %arg5[%mul3A_35] : memref<320000xf32, #tpu.memory_space<hbm>> -> memref<128xf32, #tpu.memory_space<hbm>>
      %dma_start3A_48 = tpu.memref_slice %arg5[%mul3A_35] : memref<320000xf32, #tpu.memory_space<hbm>> -> memref<128xf32, #tpu.memory_space<hbm>>
      tpu.enqueue_dma source(%dma_start3A_48 : memref<128xf32, #tpu.memory_space<hbm>>) target(%arg13 : memref<128xf32, #tpu.memory_space<vmem>>) target_semaphore(%arg19 : memref<!tpu.dma_semaphore, #tpu.memory_space<semaphore_mem>>)
      %dma_wait3A = tpu.memref_slice %arg3[%mul3A_35] : memref<320000xi32, #tpu.memory_space<hbm>> -> memref<32xi32, #tpu.memory_space<hbm>>
      %dma_wait3A_49 = tpu.memref_slice %arg3[%mul3A_35] : memref<320000xi32, #tpu.memory_space<hbm>> -> memref<32xi32, #tpu.memory_space<hbm>>
      tpu.wait_dma2 semaphore(%arg15 : memref<!tpu.dma_semaphore, #tpu.memory_space<semaphore_mem>>) src(%dma_wait3A_49 : memref<32xi32, #tpu.memory_space<hbm>>) dst(%arg9 : memref<32xi32, #tpu.memory_space<vmem>>)
      %dma_start3A_50 = arith.constant 0 : i32
      %dma_start3A_51 = arith.constant 0 : i32
      %dma_start3A_52 = tpu.memref_slice %arg14[%dma_start3A_50, %dma_start3A_51] : memref<128x128xf32, #tpu.memory_space<vmem>> -> memref<32x128xf32, #tpu.memory_space<vmem>>
      %dma_start3A_53 = arith.constant 0 : i32
      %dma_start3A_54 = arith.constant 0 : i32
      %dma_start3A_55 = tpu.memref_slice %arg2[%dma_start3A_53, %dma_start3A_54] : memref<10000x128xf32, #tpu.memory_space<hbm>> -> memref<10000x128xf32, #tpu.memory_space<hbm>>
      tpu.enqueue_indirect_dma source(%dma_start3A_55 : memref<10000x128xf32, #tpu.memory_space<hbm>>) target(%dma_start3A_52 : memref<32x128xf32, #tpu.memory_space<vmem>>) offsets(%arg9 : memref<32xi32, #tpu.memory_space<vmem>>) semaphore(%arg20 : memref<!tpu.dma_semaphore, #tpu.memory_space<semaphore_mem>>)
      %dma_wait3A_56 = tpu.memref_slice %arg3[%add3A_38] : memref<320000xi32, #tpu.memory_space<hbm>> -> memref<96xi32, #tpu.memory_space<hbm>>
      %dma_wait3A_57 = tpu.memref_slice %arg3[%add3A_38] : memref<320000xi32, #tpu.memory_space<hbm>> -> memref<96xi32, #tpu.memory_space<hbm>>
      tpu.wait_dma2 semaphore(%arg16 : memref<!tpu.dma_semaphore, #tpu.memory_space<semaphore_mem>>) src(%dma_wait3A_57 : memref<96xi32, #tpu.memory_space<hbm>>) dst(%arg10 : memref<96xi32, #tpu.memory_space<vmem>>)
      %dma_start3A_58 = arith.constant 32 : i32
      %dma_start3A_59 = arith.constant 0 : i32
      %dma_start3A_60 = tpu.memref_slice %arg14[%dma_start3A_58, %dma_start3A_59] : memref<128x128xf32, #tpu.memory_space<vmem>> -> memref<96x128xf32, #tpu.memory_space<vmem>>
      %dma_start3A_61 = arith.constant 0 : i32
      %dma_start3A_62 = arith.constant 0 : i32
      %dma_start3A_63 = tpu.memref_slice %arg2[%dma_start3A_61, %dma_start3A_62] : memref<10000x128xf32, #tpu.memory_space<hbm>> -> memref<10000x128xf32, #tpu.memory_space<hbm>>
      tpu.enqueue_indirect_dma source(%dma_start3A_63 : memref<10000x128xf32, #tpu.memory_space<hbm>>) target(%dma_start3A_60 : memref<96x128xf32, #tpu.memory_space<vmem>>) offsets(%arg10 : memref<96xi32, #tpu.memory_space<vmem>>) semaphore(%arg21 : memref<!tpu.dma_semaphore, #tpu.memory_space<semaphore_mem>>)
      %dma_wait3A_64 = tpu.memref_slice %arg5[%mul3A_35] : memref<320000xf32, #tpu.memory_space<hbm>> -> memref<128xf32, #tpu.memory_space<hbm>>
      %dma_wait3A_65 = tpu.memref_slice %arg5[%mul3A_35] : memref<320000xf32, #tpu.memory_space<hbm>> -> memref<128xf32, #tpu.memory_space<hbm>>
      tpu.wait_dma2 semaphore(%arg19 : memref<!tpu.dma_semaphore, #tpu.memory_space<semaphore_mem>>) src(%dma_wait3A_65 : memref<128xf32, #tpu.memory_space<hbm>>) dst(%arg13 : memref<128xf32, #tpu.memory_space<vmem>>)
      %dma_wait3A_66 = arith.constant 0 : i32
      %dma_wait3A_67 = arith.constant 0 : i32
      %dma_wait3A_68 = tpu.memref_slice %arg14[%dma_wait3A_66, %dma_wait3A_67] : memref<128x128xf32, #tpu.memory_space<vmem>> -> memref<32x128xf32, #tpu.memory_space<vmem>>
      %dma_wait3A_69 = arith.constant 0 : i32
      %dma_wait3A_70 = arith.constant 0 : i32
      %dma_wait3A_71 = tpu.memref_slice %arg2[%dma_wait3A_69, %dma_wait3A_70] : memref<10000x128xf32, #tpu.memory_space<hbm>> -> memref<10000x128xf32, #tpu.memory_space<hbm>>
      tpu.wait_indirect_dma semaphore(%arg20 : memref<!tpu.dma_semaphore, #tpu.memory_space<semaphore_mem>>) src(%dma_wait3A_71 : memref<10000x128xf32, #tpu.memory_space<hbm>>) dst(%dma_wait3A_68 : memref<32x128xf32, #tpu.memory_space<vmem>>)
      %scan3A = arith.constant 0 : i32
      %scan3A_72 = arith.constant 0 : i32
      %scan3A_73 = arith.constant 32 : i32
      %scan3A_74 = arith.addi %scan3A_72, %scan3A_73 : i32
      %scan3A_75 = arith.constant 4 : i32
      scf.for %scan3A_123 = %scan3A_72 to %scan3A_74 step %scan3A_75  : i32 {
        %broadcast_in_dim3A = vector.broadcast %scan3A_123 : i32 to vector<16xi32>
        %gather3A = tpu.vector_load_idx %arg13[%broadcast_in_dim3A] : memref<128xf32, #tpu.memory_space<vmem>>[vector<16xi32>], vector<16xf32>,
        %get3A = arith.index_cast %scan3A_123 : i32 to index
        %get3A_124 = arith.constant 0 : index
        %get3A_125 = tpu.vector_load %arg14[%get3A, %get3A_124] {strides = array<i32>} : memref<128x128xf32, #tpu.memory_space<vmem>>, vector<16xf32>,
        %mul3A_126 = arith.mulf %get3A_125, %gather3A : vector<16xf32>
        %swap3A = arith.index_cast %scan3A_123 : i32 to index
        %swap3A_127 = arith.constant 0 : index
        %swap3A_128 = tpu.vector_load %arg14[%swap3A, %swap3A_127] {strides = array<i32>} : memref<128x128xf32, #tpu.memory_space<vmem>>, vector<16xf32>,
        tpu.vector_store %arg14[%swap3A, %swap3A_127], %mul3A_126 {strides = array<i32>} : memref<128x128xf32, #tpu.memory_space<vmem>>, vector<16xf32>,
        %get3A_129 = arith.index_cast %scan3A_123 : i32 to index
        %get3A_130 = arith.constant 16 : index
        %get3A_131 = tpu.vector_load %arg14[%get3A_129, %get3A_130] {strides = array<i32>} : memref<128x128xf32, #tpu.memory_space<vmem>>, vector<16xf32>,
        %mul3A_132 = arith.mulf %get3A_131, %gather3A : vector<16xf32>
        %swap3A_133 = arith.index_cast %scan3A_123 : i32 to index
        %swap3A_134 = arith.constant 16 : index
        %swap3A_135 = tpu.vector_load %arg14[%swap3A_133, %swap3A_134] {strides = array<i32>} : memref<128x128xf32, #tpu.memory_space<vmem>>, vector<16xf32>,
        tpu.vector_store %arg14[%swap3A_133, %swap3A_134], %mul3A_132 {strides = array<i32>} : memref<128x128xf32, #tpu.memory_space<vmem>>, vector<16xf32>,
        %get3A_136 = arith.index_cast %scan3A_123 : i32 to index
        %get3A_137 = arith.constant 32 : index
        %get3A_138 = tpu.vector_load %arg14[%get3A_136, %get3A_137] {strides = array<i32>} : memref<128x128xf32, #tpu.memory_space<vmem>>, vector<16xf32>,
        %mul3A_139 = arith.mulf %get3A_138, %gather3A : vector<16xf32>
        %swap3A_140 = arith.index_cast %scan3A_123 : i32 to index
        %swap3A_141 = arith.constant 32 : index
        %swap3A_142 = tpu.vector_load %arg14[%swap3A_140, %swap3A_141] {strides = array<i32>} : memref<128x128xf32, #tpu.memory_space<vmem>>, vector<16xf32>,
        tpu.vector_store %arg14[%swap3A_140, %swap3A_141], %mul3A_139 {strides = array<i32>} : memref<128x128xf32, #tpu.memory_space<vmem>>, vector<16xf32>,
        %get3A_143 = arith.index_cast %scan3A_123 : i32 to index
        %get3A_144 = arith.constant 48 : index
        %get3A_145 = tpu.vector_load %arg14[%get3A_143, %get3A_144] {strides = array<i32>} : memref<128x128xf32, #tpu.memory_space<vmem>>, vector<16xf32>,
        %mul3A_146 = arith.mulf %get3A_145, %gather3A : vector<16xf32>
        %swap3A_147 = arith.index_cast %scan3A_123 : i32 to index
        %swap3A_148 = arith.constant 48 : index
        %swap3A_149 = tpu.vector_load %arg14[%swap3A_147, %swap3A_148] {strides = array<i32>} : memref<128x128xf32, #tpu.memory_space<vmem>>, vector<16xf32>,
        tpu.vector_store %arg14[%swap3A_147, %swap3A_148], %mul3A_146 {strides = array<i32>} : memref<128x128xf32, #tpu.memory_space<vmem>>, vector<16xf32>,
        %get3A_150 = arith.index_cast %scan3A_123 : i32 to index
        %get3A_151 = arith.constant 64 : index
        %get3A_152 = tpu.vector_load %arg14[%get3A_150, %get3A_151] {strides = array<i32>} : memref<128x128xf32, #tpu.memory_space<vmem>>, vector<16xf32>,
        %mul3A_153 = arith.mulf %get3A_152, %gather3A : vector<16xf32>
        %swap3A_154 = arith.index_cast %scan3A_123 : i32 to index
        %swap3A_155 = arith.constant 64 : index
        %swap3A_156 = tpu.vector_load %arg14[%swap3A_154, %swap3A_155] {strides = array<i32>} : memref<128x128xf32, #tpu.memory_space<vmem>>, vector<16xf32>,
        tpu.vector_store %arg14[%swap3A_154, %swap3A_155], %mul3A_153 {strides = array<i32>} : memref<128x128xf32, #tpu.memory_space<vmem>>, vector<16xf32>,
        %get3A_157 = arith.index_cast %scan3A_123 : i32 to index
        %get3A_158 = arith.constant 80 : index
        %get3A_159 = tpu.vector_load %arg14[%get3A_157, %get3A_158] {strides = array<i32>} : memref<128x128xf32, #tpu.memory_space<vmem>>, vector<16xf32>,
        %mul3A_160 = arith.mulf %get3A_159, %gather3A : vector<16xf32>
        %swap3A_161 = arith.index_cast %scan3A_123 : i32 to index
        %swap3A_162 = arith.constant 80 : index
        %swap3A_163 = tpu.vector_load %arg14[%swap3A_161, %swap3A_162] {strides = array<i32>} : memref<128x128xf32, #tpu.memory_space<vmem>>, vector<16xf32>,
        tpu.vector_store %arg14[%swap3A_161, %swap3A_162], %mul3A_160 {strides = array<i32>} : memref<128x128xf32, #tpu.memory_space<vmem>>, vector<16xf32>,
        %get3A_164 = arith.index_cast %scan3A_123 : i32 to index
        %get3A_165 = arith.constant 96 : index
        %get3A_166 = tpu.vector_load %arg14[%get3A_164, %get3A_165] {strides = array<i32>} : memref<128x128xf32, #tpu.memory_space<vmem>>, vector<16xf32>,
        %mul3A_167 = arith.mulf %get3A_166, %gather3A : vector<16xf32>
        %swap3A_168 = arith.index_cast %scan3A_123 : i32 to index
        %swap3A_169 = arith.constant 96 : index
        %swap3A_170 = tpu.vector_load %arg14[%swap3A_168, %swap3A_169] {strides = array<i32>} : memref<128x128xf32, #tpu.memory_space<vmem>>, vector<16xf32>,
        tpu.vector_store %arg14[%swap3A_168, %swap3A_169], %mul3A_167 {strides = array<i32>} : memref<128x128xf32, #tpu.memory_space<vmem>>, vector<16xf32>,
        %get3A_171 = arith.index_cast %scan3A_123 : i32 to index
        %get3A_172 = arith.constant 112 : index
        %get3A_173 = tpu.vector_load %arg14[%get3A_171, %get3A_172] {strides = array<i32>} : memref<128x128xf32, #tpu.memory_space<vmem>>, vector<16xf32>,
        %mul3A_174 = arith.mulf %get3A_173, %gather3A : vector<16xf32>
        %swap3A_175 = arith.index_cast %scan3A_123 : i32 to index
        %swap3A_176 = arith.constant 112 : index
        %swap3A_177 = tpu.vector_load %arg14[%swap3A_175, %swap3A_176] {strides = array<i32>} : memref<128x128xf32, #tpu.memory_space<vmem>>, vector<16xf32>,
        tpu.vector_store %arg14[%swap3A_175, %swap3A_176], %mul3A_174 {strides = array<i32>} : memref<128x128xf32, #tpu.memory_space<vmem>>, vector<16xf32>,
        %scan3A_178 = arith.constant 1 : i32
        %scan3A_179 = arith.addi %scan3A_123, %scan3A_178 : i32
        %broadcast_in_dim3A_180 = vector.broadcast %scan3A_179 : i32 to vector<16xi32>
        %gather3A_181 = tpu.vector_load_idx %arg13[%broadcast_in_dim3A_180] : memref<128xf32, #tpu.memory_space<vmem>>[vector<16xi32>], vector<16xf32>,
        %get3A_182 = arith.index_cast %scan3A_179 : i32 to index
        %get3A_183 = arith.constant 0 : index
        %get3A_184 = tpu.vector_load %arg14[%get3A_182, %get3A_183] {strides = array<i32>} : memref<128x128xf32, #tpu.memory_space<vmem>>, vector<16xf32>,
        %mul3A_185 = arith.mulf %get3A_184, %gather3A_181 : vector<16xf32>
        %swap3A_186 = arith.index_cast %scan3A_179 : i32 to index
        %swap3A_187 = arith.constant 0 : index
        %swap3A_188 = tpu.vector_load %arg14[%swap3A_186, %swap3A_187] {strides = array<i32>} : memref<128x128xf32, #tpu.memory_space<vmem>>, vector<16xf32>,
        tpu.vector_store %arg14[%swap3A_186, %swap3A_187], %mul3A_185 {strides = array<i32>} : memref<128x128xf32, #tpu.memory_space<vmem>>, vector<16xf32>,
        %get3A_189 = arith.index_cast %scan3A_179 : i32 to index
        %get3A_190 = arith.constant 16 : index
        %get3A_191 = tpu.vector_load %arg14[%get3A_189, %get3A_190] {strides = array<i32>} : memref<128x128xf32, #tpu.memory_space<vmem>>, vector<16xf32>,
        %mul3A_192 = arith.mulf %get3A_191, %gather3A_181 : vector<16xf32>
        %swap3A_193 = arith.index_cast %scan3A_179 : i32 to index
        %swap3A_194 = arith.constant 16 : index
        %swap3A_195 = tpu.vector_load %arg14[%swap3A_193, %swap3A_194] {strides = array<i32>} : memref<128x128xf32, #tpu.memory_space<vmem>>, vector<16xf32>,
        tpu.vector_store %arg14[%swap3A_193, %swap3A_194], %mul3A_192 {strides = array<i32>} : memref<128x128xf32, #tpu.memory_space<vmem>>, vector<16xf32>,
        %get3A_196 = arith.index_cast %scan3A_179 : i32 to index
        %get3A_197 = arith.constant 32 : index
        %get3A_198 = tpu.vector_load %arg14[%get3A_196, %get3A_197] {strides = array<i32>} : memref<128x128xf32, #tpu.memory_space<vmem>>, vector<16xf32>,
        %mul3A_199 = arith.mulf %get3A_198, %gather3A_181 : vector<16xf32>
        %swap3A_200 = arith.index_cast %scan3A_179 : i32 to index
        %swap3A_201 = arith.constant 32 : index
        %swap3A_202 = tpu.vector_load %arg14[%swap3A_200, %swap3A_201] {strides = array<i32>} : memref<128x128xf32, #tpu.memory_space<vmem>>, vector<16xf32>,
        tpu.vector_store %arg14[%swap3A_200, %swap3A_201], %mul3A_199 {strides = array<i32>} : memref<128x128xf32, #tpu.memory_space<vmem>>, vector<16xf32>,
        %get3A_203 = arith.index_cast %scan3A_179 : i32 to index
        %get3A_204 = arith.constant 48 : index
        %get3A_205 = tpu.vector_load %arg14[%get3A_203, %get3A_204] {strides = array<i32>} : memref<128x128xf32, #tpu.memory_space<vmem>>, vector<16xf32>,
        %mul3A_206 = arith.mulf %get3A_205, %gather3A_181 : vector<16xf32>
        %swap3A_207 = arith.index_cast %scan3A_179 : i32 to index
        %swap3A_208 = arith.constant 48 : index
        %swap3A_209 = tpu.vector_load %arg14[%swap3A_207, %swap3A_208] {strides = array<i32>} : memref<128x128xf32, #tpu.memory_space<vmem>>, vector<16xf32>,
        tpu.vector_store %arg14[%swap3A_207, %swap3A_208], %mul3A_206 {strides = array<i32>} : memref<128x128xf32, #tpu.memory_space<vmem>>, vector<16xf32>,
        %get3A_210 = arith.index_cast %scan3A_179 : i32 to index
        %get3A_211 = arith.constant 64 : index
        %get3A_212 = tpu.vector_load %arg14[%get3A_210, %get3A_211] {strides = array<i32>} : memref<128x128xf32, #tpu.memory_space<vmem>>, vector<16xf32>,
        %mul3A_213 = arith.mulf %get3A_212, %gather3A_181 : vector<16xf32>
        %swap3A_214 = arith.index_cast %scan3A_179 : i32 to index
        %swap3A_215 = arith.constant 64 : index
        %swap3A_216 = tpu.vector_load %arg14[%swap3A_214, %swap3A_215] {strides = array<i32>} : memref<128x128xf32, #tpu.memory_space<vmem>>, vector<16xf32>,
        tpu.vector_store %arg14[%swap3A_214, %swap3A_215], %mul3A_213 {strides = array<i32>} : memref<128x128xf32, #tpu.memory_space<vmem>>, vector<16xf32>,
        %get3A_217 = arith.index_cast %scan3A_179 : i32 to index
        %get3A_218 = arith.constant 80 : index
        %get3A_219 = tpu.vector_load %arg14[%get3A_217, %get3A_218] {strides = array<i32>} : memref<128x128xf32, #tpu.memory_space<vmem>>, vector<16xf32>,
        %mul3A_220 = arith.mulf %get3A_219, %gather3A_181 : vector<16xf32>
        %swap3A_221 = arith.index_cast %scan3A_179 : i32 to index
        %swap3A_222 = arith.constant 80 : index
        %swap3A_223 = tpu.vector_load %arg14[%swap3A_221, %swap3A_222] {strides = array<i32>} : memref<128x128xf32, #tpu.memory_space<vmem>>, vector<16xf32>,
        tpu.vector_store %arg14[%swap3A_221, %swap3A_222], %mul3A_220 {strides = array<i32>} : memref<128x128xf32, #tpu.memory_space<vmem>>, vector<16xf32>,
        %get3A_224 = arith.index_cast %scan3A_179 : i32 to index
        %get3A_225 = arith.constant 96 : index
        %get3A_226 = tpu.vector_load %arg14[%get3A_224, %get3A_225] {strides = array<i32>} : memref<128x128xf32, #tpu.memory_space<vmem>>, vector<16xf32>,
        %mul3A_227 = arith.mulf %get3A_226, %gather3A_181 : vector<16xf32>
        %swap3A_228 = arith.index_cast %scan3A_179 : i32 to index
        %swap3A_229 = arith.constant 96 : index
        %swap3A_230 = tpu.vector_load %arg14[%swap3A_228, %swap3A_229] {strides = array<i32>} : memref<128x128xf32, #tpu.memory_space<vmem>>, vector<16xf32>,
        tpu.vector_store %arg14[%swap3A_228, %swap3A_229], %mul3A_227 {strides = array<i32>} : memref<128x128xf32, #tpu.memory_space<vmem>>, vector<16xf32>,
        %get3A_231 = arith.index_cast %scan3A_179 : i32 to index
        %get3A_232 = arith.constant 112 : index
        %get3A_233 = tpu.vector_load %arg14[%get3A_231, %get3A_232] {strides = array<i32>} : memref<128x128xf32, #tpu.memory_space<vmem>>, vector<16xf32>,
        %mul3A_234 = arith.mulf %get3A_233, %gather3A_181 : vector<16xf32>
        %swap3A_235 = arith.index_cast %scan3A_179 : i32 to index
        %swap3A_236 = arith.constant 112 : index
        %swap3A_237 = tpu.vector_load %arg14[%swap3A_235, %swap3A_236] {strides = array<i32>} : memref<128x128xf32, #tpu.memory_space<vmem>>, vector<16xf32>,
        tpu.vector_store %arg14[%swap3A_235, %swap3A_236], %mul3A_234 {strides = array<i32>} : memref<128x128xf32, #tpu.memory_space<vmem>>, vector<16xf32>,
        %scan3A_238 = arith.constant 2 : i32
        %scan3A_239 = arith.addi %scan3A_123, %scan3A_238 : i32
        %broadcast_in_dim3A_240 = vector.broadcast %scan3A_239 : i32 to vector<16xi32>
        %gather3A_241 = tpu.vector_load_idx %arg13[%broadcast_in_dim3A_240] : memref<128xf32, #tpu.memory_space<vmem>>[vector<16xi32>], vector<16xf32>,
        %get3A_242 = arith.index_cast %scan3A_239 : i32 to index
        %get3A_243 = arith.constant 0 : index
        %get3A_244 = tpu.vector_load %arg14[%get3A_242, %get3A_243] {strides = array<i32>} : memref<128x128xf32, #tpu.memory_space<vmem>>, vector<16xf32>,
        %mul3A_245 = arith.mulf %get3A_244, %gather3A_241 : vector<16xf32>
        %swap3A_246 = arith.index_cast %scan3A_239 : i32 to index
        %swap3A_247 = arith.constant 0 : index
        %swap3A_248 = tpu.vector_load %arg14[%swap3A_246, %swap3A_247] {strides = array<i32>} : memref<128x128xf32, #tpu.memory_space<vmem>>, vector<16xf32>,
        tpu.vector_store %arg14[%swap3A_246, %swap3A_247], %mul3A_245 {strides = array<i32>} : memref<128x128xf32, #tpu.memory_space<vmem>>, vector<16xf32>,
        %get3A_249 = arith.index_cast %scan3A_239 : i32 to index
        %get3A_250 = arith.constant 16 : index
        %get3A_251 = tpu.vector_load %arg14[%get3A_249, %get3A_250] {strides = array<i32>} : memref<128x128xf32, #tpu.memory_space<vmem>>, vector<16xf32>,
        %mul3A_252 = arith.mulf %get3A_251, %gather3A_241 : vector<16xf32>
        %swap3A_253 = arith.index_cast %scan3A_239 : i32 to index
        %swap3A_254 = arith.constant 16 : index
        %swap3A_255 = tpu.vector_load %arg14[%swap3A_253, %swap3A_254] {strides = array<i32>} : memref<128x128xf32, #tpu.memory_space<vmem>>, vector<16xf32>,
        tpu.vector_store %arg14[%swap3A_253, %swap3A_254], %mul3A_252 {strides = array<i32>} : memref<128x128xf32, #tpu.memory_space<vmem>>, vector<16xf32>,
        %get3A_256 = arith.index_cast %scan3A_239 : i32 to index
        %get3A_257 = arith.constant 32 : index
        %get3A_258 = tpu.vector_load %arg14[%get3A_256, %get3A_257] {strides = array<i32>} : memref<128x128xf32, #tpu.memory_space<vmem>>, vector<16xf32>,
        %mul3A_259 = arith.mulf %get3A_258, %gather3A_241 : vector<16xf32>
        %swap3A_260 = arith.index_cast %scan3A_239 : i32 to index
        %swap3A_261 = arith.constant 32 : index
        %swap3A_262 = tpu.vector_load %arg14[%swap3A_260, %swap3A_261] {strides = array<i32>} : memref<128x128xf32, #tpu.memory_space<vmem>>, vector<16xf32>,
        tpu.vector_store %arg14[%swap3A_260, %swap3A_261], %mul3A_259 {strides = array<i32>} : memref<128x128xf32, #tpu.memory_space<vmem>>, vector<16xf32>,
        %get3A_263 = arith.index_cast %scan3A_239 : i32 to index
        %get3A_264 = arith.constant 48 : index
        %get3A_265 = tpu.vector_load %arg14[%get3A_263, %get3A_264] {strides = array<i32>} : memref<128x128xf32, #tpu.memory_space<vmem>>, vector<16xf32>,
        %mul3A_266 = arith.mulf %get3A_265, %gather3A_241 : vector<16xf32>
        %swap3A_267 = arith.index_cast %scan3A_239 : i32 to index
        %swap3A_268 = arith.constant 48 : index
        %swap3A_269 = tpu.vector_load %arg14[%swap3A_267, %swap3A_268] {strides = array<i32>} : memref<128x128xf32, #tpu.memory_space<vmem>>, vector<16xf32>,
        tpu.vector_store %arg14[%swap3A_267, %swap3A_268], %mul3A_266 {strides = array<i32>} : memref<128x128xf32, #tpu.memory_space<vmem>>, vector<16xf32>,
        %get3A_270 = arith.index_cast %scan3A_239 : i32 to index
        %get3A_271 = arith.constant 64 : index
        %get3A_272 = tpu.vector_load %arg14[%get3A_270, %get3A_271] {strides = array<i32>} : memref<128x128xf32, #tpu.memory_space<vmem>>, vector<16xf32>,
        %mul3A_273 = arith.mulf %get3A_272, %gather3A_241 : vector<16xf32>
        %swap3A_274 = arith.index_cast %scan3A_239 : i32 to index
        %swap3A_275 = arith.constant 64 : index
        %swap3A_276 = tpu.vector_load %arg14[%swap3A_274, %swap3A_275] {strides = array<i32>} : memref<128x128xf32, #tpu.memory_space<vmem>>, vector<16xf32>,
        tpu.vector_store %arg14[%swap3A_274, %swap3A_275], %mul3A_273 {strides = array<i32>} : memref<128x128xf32, #tpu.memory_space<vmem>>, vector<16xf32>,
        %get3A_277 = arith.index_cast %scan3A_239 : i32 to index
        %get3A_278 = arith.constant 80 : index
        %get3A_279 = tpu.vector_load %arg14[%get3A_277, %get3A_278] {strides = array<i32>} : memref<128x128xf32, #tpu.memory_space<vmem>>, vector<16xf32>,
        %mul3A_280 = arith.mulf %get3A_279, %gather3A_241 : vector<16xf32>
        %swap3A_281 = arith.index_cast %scan3A_239 : i32 to index
        %swap3A_282 = arith.constant 80 : index
        %swap3A_283 = tpu.vector_load %arg14[%swap3A_281, %swap3A_282] {strides = array<i32>} : memref<128x128xf32, #tpu.memory_space<vmem>>, vector<16xf32>,
        tpu.vector_store %arg14[%swap3A_281, %swap3A_282], %mul3A_280 {strides = array<i32>} : memref<128x128xf32, #tpu.memory_space<vmem>>, vector<16xf32>,
        %get3A_284 = arith.index_cast %scan3A_239 : i32 to index
        %get3A_285 = arith.constant 96 : index
        %get3A_286 = tpu.vector_load %arg14[%get3A_284, %get3A_285] {strides = array<i32>} : memref<128x128xf32, #tpu.memory_space<vmem>>, vector<16xf32>,
        %mul3A_287 = arith.mulf %get3A_286, %gather3A_241 : vector<16xf32>
        %swap3A_288 = arith.index_cast %scan3A_239 : i32 to index
        %swap3A_289 = arith.constant 96 : index
        %swap3A_290 = tpu.vector_load %arg14[%swap3A_288, %swap3A_289] {strides = array<i32>} : memref<128x128xf32, #tpu.memory_space<vmem>>, vector<16xf32>,
        tpu.vector_store %arg14[%swap3A_288, %swap3A_289], %mul3A_287 {strides = array<i32>} : memref<128x128xf32, #tpu.memory_space<vmem>>, vector<16xf32>,
        %get3A_291 = arith.index_cast %scan3A_239 : i32 to index
        %get3A_292 = arith.constant 112 : index
        %get3A_293 = tpu.vector_load %arg14[%get3A_291, %get3A_292] {strides = array<i32>} : memref<128x128xf32, #tpu.memory_space<vmem>>, vector<16xf32>,
        %mul3A_294 = arith.mulf %get3A_293, %gather3A_241 : vector<16xf32>
        %swap3A_295 = arith.index_cast %scan3A_239 : i32 to index
        %swap3A_296 = arith.constant 112 : index
        %swap3A_297 = tpu.vector_load %arg14[%swap3A_295, %swap3A_296] {strides = array<i32>} : memref<128x128xf32, #tpu.memory_space<vmem>>, vector<16xf32>,
        tpu.vector_store %arg14[%swap3A_295, %swap3A_296], %mul3A_294 {strides = array<i32>} : memref<128x128xf32, #tpu.memory_space<vmem>>, vector<16xf32>,
        %scan3A_298 = arith.constant 3 : i32
        %scan3A_299 = arith.addi %scan3A_123, %scan3A_298 : i32
        %broadcast_in_dim3A_300 = vector.broadcast %scan3A_299 : i32 to vector<16xi32>
        %gather3A_301 = tpu.vector_load_idx %arg13[%broadcast_in_dim3A_300] : memref<128xf32, #tpu.memory_space<vmem>>[vector<16xi32>], vector<16xf32>,
        %get3A_302 = arith.index_cast %scan3A_299 : i32 to index
        %get3A_303 = arith.constant 0 : index
        %get3A_304 = tpu.vector_load %arg14[%get3A_302, %get3A_303] {strides = array<i32>} : memref<128x128xf32, #tpu.memory_space<vmem>>, vector<16xf32>,
        %mul3A_305 = arith.mulf %get3A_304, %gather3A_301 : vector<16xf32>
        %swap3A_306 = arith.index_cast %scan3A_299 : i32 to index
        %swap3A_307 = arith.constant 0 : index
        %swap3A_308 = tpu.vector_load %arg14[%swap3A_306, %swap3A_307] {strides = array<i32>} : memref<128x128xf32, #tpu.memory_space<vmem>>, vector<16xf32>,
        tpu.vector_store %arg14[%swap3A_306, %swap3A_307], %mul3A_305 {strides = array<i32>} : memref<128x128xf32, #tpu.memory_space<vmem>>, vector<16xf32>,
        %get3A_309 = arith.index_cast %scan3A_299 : i32 to index
        %get3A_310 = arith.constant 16 : index
        %get3A_311 = tpu.vector_load %arg14[%get3A_309, %get3A_310] {strides = array<i32>} : memref<128x128xf32, #tpu.memory_space<vmem>>, vector<16xf32>,
        %mul3A_312 = arith.mulf %get3A_311, %gather3A_301 : vector<16xf32>
        %swap3A_313 = arith.index_cast %scan3A_299 : i32 to index
        %swap3A_314 = arith.constant 16 : index
        %swap3A_315 = tpu.vector_load %arg14[%swap3A_313, %swap3A_314] {strides = array<i32>} : memref<128x128xf32, #tpu.memory_space<vmem>>, vector<16xf32>,
        tpu.vector_store %arg14[%swap3A_313, %swap3A_314], %mul3A_312 {strides = array<i32>} : memref<128x128xf32, #tpu.memory_space<vmem>>, vector<16xf32>,
        %get3A_316 = arith.index_cast %scan3A_299 : i32 to index
        %get3A_317 = arith.constant 32 : index
        %get3A_318 = tpu.vector_load %arg14[%get3A_316, %get3A_317] {strides = array<i32>} : memref<128x128xf32, #tpu.memory_space<vmem>>, vector<16xf32>,
        %mul3A_319 = arith.mulf %get3A_318, %gather3A_301 : vector<16xf32>
        %swap3A_320 = arith.index_cast %scan3A_299 : i32 to index
        %swap3A_321 = arith.constant 32 : index
        %swap3A_322 = tpu.vector_load %arg14[%swap3A_320, %swap3A_321] {strides = array<i32>} : memref<128x128xf32, #tpu.memory_space<vmem>>, vector<16xf32>,
        tpu.vector_store %arg14[%swap3A_320, %swap3A_321], %mul3A_319 {strides = array<i32>} : memref<128x128xf32, #tpu.memory_space<vmem>>, vector<16xf32>,
        %get3A_323 = arith.index_cast %scan3A_299 : i32 to index
        %get3A_324 = arith.constant 48 : index
        %get3A_325 = tpu.vector_load %arg14[%get3A_323, %get3A_324] {strides = array<i32>} : memref<128x128xf32, #tpu.memory_space<vmem>>, vector<16xf32>,
        %mul3A_326 = arith.mulf %get3A_325, %gather3A_301 : vector<16xf32>
        %swap3A_327 = arith.index_cast %scan3A_299 : i32 to index
        %swap3A_328 = arith.constant 48 : index
        %swap3A_329 = tpu.vector_load %arg14[%swap3A_327, %swap3A_328] {strides = array<i32>} : memref<128x128xf32, #tpu.memory_space<vmem>>, vector<16xf32>,
        tpu.vector_store %arg14[%swap3A_327, %swap3A_328], %mul3A_326 {strides = array<i32>} : memref<128x128xf32, #tpu.memory_space<vmem>>, vector<16xf32>,
        %get3A_330 = arith.index_cast %scan3A_299 : i32 to index
        %get3A_331 = arith.constant 64 : index
        %get3A_332 = tpu.vector_load %arg14[%get3A_330, %get3A_331] {strides = array<i32>} : memref<128x128xf32, #tpu.memory_space<vmem>>, vector<16xf32>,
        %mul3A_333 = arith.mulf %get3A_332, %gather3A_301 : vector<16xf32>
        %swap3A_334 = arith.index_cast %scan3A_299 : i32 to index
        %swap3A_335 = arith.constant 64 : index
        %swap3A_336 = tpu.vector_load %arg14[%swap3A_334, %swap3A_335] {strides = array<i32>} : memref<128x128xf32, #tpu.memory_space<vmem>>, vector<16xf32>,
        tpu.vector_store %arg14[%swap3A_334, %swap3A_335], %mul3A_333 {strides = array<i32>} : memref<128x128xf32, #tpu.memory_space<vmem>>, vector<16xf32>,
        %get3A_337 = arith.index_cast %scan3A_299 : i32 to index
        %get3A_338 = arith.constant 80 : index
        %get3A_339 = tpu.vector_load %arg14[%get3A_337, %get3A_338] {strides = array<i32>} : memref<128x128xf32, #tpu.memory_space<vmem>>, vector<16xf32>,
        %mul3A_340 = arith.mulf %get3A_339, %gather3A_301 : vector<16xf32>
        %swap3A_341 = arith.index_cast %scan3A_299 : i32 to index
        %swap3A_342 = arith.constant 80 : index
        %swap3A_343 = tpu.vector_load %arg14[%swap3A_341, %swap3A_342] {strides = array<i32>} : memref<128x128xf32, #tpu.memory_space<vmem>>, vector<16xf32>,
        tpu.vector_store %arg14[%swap3A_341, %swap3A_342], %mul3A_340 {strides = array<i32>} : memref<128x128xf32, #tpu.memory_space<vmem>>, vector<16xf32>,
        %get3A_344 = arith.index_cast %scan3A_299 : i32 to index
        %get3A_345 = arith.constant 96 : index
        %get3A_346 = tpu.vector_load %arg14[%get3A_344, %get3A_345] {strides = array<i32>} : memref<128x128xf32, #tpu.memory_space<vmem>>, vector<16xf32>,
        %mul3A_347 = arith.mulf %get3A_346, %gather3A_301 : vector<16xf32>
        %swap3A_348 = arith.index_cast %scan3A_299 : i32 to index
        %swap3A_349 = arith.constant 96 : index
        %swap3A_350 = tpu.vector_load %arg14[%swap3A_348, %swap3A_349] {strides = array<i32>} : memref<128x128xf32, #tpu.memory_space<vmem>>, vector<16xf32>,
        tpu.vector_store %arg14[%swap3A_348, %swap3A_349], %mul3A_347 {strides = array<i32>} : memref<128x128xf32, #tpu.memory_space<vmem>>, vector<16xf32>,
        %get3A_351 = arith.index_cast %scan3A_299 : i32 to index
        %get3A_352 = arith.constant 112 : index
        %get3A_353 = tpu.vector_load %arg14[%get3A_351, %get3A_352] {strides = array<i32>} : memref<128x128xf32, #tpu.memory_space<vmem>>, vector<16xf32>,
        %mul3A_354 = arith.mulf %get3A_353, %gather3A_301 : vector<16xf32>
        %swap3A_355 = arith.index_cast %scan3A_299 : i32 to index
        %swap3A_356 = arith.constant 112 : index
        %swap3A_357 = tpu.vector_load %arg14[%swap3A_355, %swap3A_356] {strides = array<i32>} : memref<128x128xf32, #tpu.memory_space<vmem>>, vector<16xf32>,
        tpu.vector_store %arg14[%swap3A_355, %swap3A_356], %mul3A_354 {strides = array<i32>} : memref<128x128xf32, #tpu.memory_space<vmem>>, vector<16xf32>,
      }
      %scan3A_76 = arith.constant 32 : i32
      %dma_wait3A_77 = arith.constant 32 : i32
      %dma_wait3A_78 = arith.constant 0 : i32
      %dma_wait3A_79 = tpu.memref_slice %arg14[%dma_wait3A_77, %dma_wait3A_78] : memref<128x128xf32, #tpu.memory_space<vmem>> -> memref<96x128xf32, #tpu.memory_space<vmem>>
      %dma_wait3A_80 = arith.constant 0 : i32
      %dma_wait3A_81 = arith.constant 0 : i32
      %dma_wait3A_82 = tpu.memref_slice %arg2[%dma_wait3A_80, %dma_wait3A_81] : memref<10000x128xf32, #tpu.memory_space<hbm>> -> memref<10000x128xf32, #tpu.memory_space<hbm>>
      tpu.wait_indirect_dma semaphore(%arg21 : memref<!tpu.dma_semaphore, #tpu.memory_space<semaphore_mem>>) src(%dma_wait3A_82 : memref<10000x128xf32, #tpu.memory_space<hbm>>) dst(%dma_wait3A_79 : memref<96x128xf32, #tpu.memory_space<vmem>>)
      %scan3A_83 = arith.constant 0 : i32
      %scan3A_84 = arith.constant 32 : i32
      %scan3A_85 = arith.constant 32 : i32
      %scan3A_86 = arith.addi %scan3A_84, %scan3A_85 : i32
      %scan3A_87 = arith.constant 4 : i32
      scf.for %scan3A_123 = %scan3A_84 to %scan3A_86 step %scan3A_87  : i32 {
        %broadcast_in_dim3A = vector.broadcast %scan3A_123 : i32 to vector<16xi32>
        %gather3A = tpu.vector_load_idx %arg13[%broadcast_in_dim3A] : memref<128xf32, #tpu.memory_space<vmem>>[vector<16xi32>], vector<16xf32>,
        %get3A = arith.index_cast %scan3A_123 : i32 to index
        %get3A_124 = arith.constant 0 : index
        %get3A_125 = tpu.vector_load %arg14[%get3A, %get3A_124] {strides = array<i32>} : memref<128x128xf32, #tpu.memory_space<vmem>>, vector<16xf32>,
        %mul3A_126 = arith.mulf %get3A_125, %gather3A : vector<16xf32>
        %swap3A = arith.index_cast %scan3A_123 : i32 to index
        %swap3A_127 = arith.constant 0 : index
        %swap3A_128 = tpu.vector_load %arg14[%swap3A, %swap3A_127] {strides = array<i32>} : memref<128x128xf32, #tpu.memory_space<vmem>>, vector<16xf32>,
        tpu.vector_store %arg14[%swap3A, %swap3A_127], %mul3A_126 {strides = array<i32>} : memref<128x128xf32, #tpu.memory_space<vmem>>, vector<16xf32>,
        %get3A_129 = arith.index_cast %scan3A_123 : i32 to index
        %get3A_130 = arith.constant 16 : index
        %get3A_131 = tpu.vector_load %arg14[%get3A_129, %get3A_130] {strides = array<i32>} : memref<128x128xf32, #tpu.memory_space<vmem>>, vector<16xf32>,
        %mul3A_132 = arith.mulf %get3A_131, %gather3A : vector<16xf32>
        %swap3A_133 = arith.index_cast %scan3A_123 : i32 to index
        %swap3A_134 = arith.constant 16 : index
        %swap3A_135 = tpu.vector_load %arg14[%swap3A_133, %swap3A_134] {strides = array<i32>} : memref<128x128xf32, #tpu.memory_space<vmem>>, vector<16xf32>,
        tpu.vector_store %arg14[%swap3A_133, %swap3A_134], %mul3A_132 {strides = array<i32>} : memref<128x128xf32, #tpu.memory_space<vmem>>, vector<16xf32>,
        %get3A_136 = arith.index_cast %scan3A_123 : i32 to index
        %get3A_137 = arith.constant 32 : index
        %get3A_138 = tpu.vector_load %arg14[%get3A_136, %get3A_137] {strides = array<i32>} : memref<128x128xf32, #tpu.memory_space<vmem>>, vector<16xf32>,
        %mul3A_139 = arith.mulf %get3A_138, %gather3A : vector<16xf32>
        %swap3A_140 = arith.index_cast %scan3A_123 : i32 to index
        %swap3A_141 = arith.constant 32 : index
        %swap3A_142 = tpu.vector_load %arg14[%swap3A_140, %swap3A_141] {strides = array<i32>} : memref<128x128xf32, #tpu.memory_space<vmem>>, vector<16xf32>,
        tpu.vector_store %arg14[%swap3A_140, %swap3A_141], %mul3A_139 {strides = array<i32>} : memref<128x128xf32, #tpu.memory_space<vmem>>, vector<16xf32>,
        %get3A_143 = arith.index_cast %scan3A_123 : i32 to index
        %get3A_144 = arith.constant 48 : index
        %get3A_145 = tpu.vector_load %arg14[%get3A_143, %get3A_144] {strides = array<i32>} : memref<128x128xf32, #tpu.memory_space<vmem>>, vector<16xf32>,
        %mul3A_146 = arith.mulf %get3A_145, %gather3A : vector<16xf32>
        %swap3A_147 = arith.index_cast %scan3A_123 : i32 to index
        %swap3A_148 = arith.constant 48 : index
        %swap3A_149 = tpu.vector_load %arg14[%swap3A_147, %swap3A_148] {strides = array<i32>} : memref<128x128xf32, #tpu.memory_space<vmem>>, vector<16xf32>,
        tpu.vector_store %arg14[%swap3A_147, %swap3A_148], %mul3A_146 {strides = array<i32>} : memref<128x128xf32, #tpu.memory_space<vmem>>, vector<16xf32>,
        %get3A_150 = arith.index_cast %scan3A_123 : i32 to index
        %get3A_151 = arith.constant 64 : index
        %get3A_152 = tpu.vector_load %arg14[%get3A_150, %get3A_151] {strides = array<i32>} : memref<128x128xf32, #tpu.memory_space<vmem>>, vector<16xf32>,
        %mul3A_153 = arith.mulf %get3A_152, %gather3A : vector<16xf32>
        %swap3A_154 = arith.index_cast %scan3A_123 : i32 to index
        %swap3A_155 = arith.constant 64 : index
        %swap3A_156 = tpu.vector_load %arg14[%swap3A_154, %swap3A_155] {strides = array<i32>} : memref<128x128xf32, #tpu.memory_space<vmem>>, vector<16xf32>,
        tpu.vector_store %arg14[%swap3A_154, %swap3A_155], %mul3A_153 {strides = array<i32>} : memref<128x128xf32, #tpu.memory_space<vmem>>, vector<16xf32>,
        %get3A_157 = arith.index_cast %scan3A_123 : i32 to index
        %get3A_158 = arith.constant 80 : index
        %get3A_159 = tpu.vector_load %arg14[%get3A_157, %get3A_158] {strides = array<i32>} : memref<128x128xf32, #tpu.memory_space<vmem>>, vector<16xf32>,
        %mul3A_160 = arith.mulf %get3A_159, %gather3A : vector<16xf32>
        %swap3A_161 = arith.index_cast %scan3A_123 : i32 to index
        %swap3A_162 = arith.constant 80 : index
        %swap3A_163 = tpu.vector_load %arg14[%swap3A_161, %swap3A_162] {strides = array<i32>} : memref<128x128xf32, #tpu.memory_space<vmem>>, vector<16xf32>,
        tpu.vector_store %arg14[%swap3A_161, %swap3A_162], %mul3A_160 {strides = array<i32>} : memref<128x128xf32, #tpu.memory_space<vmem>>, vector<16xf32>,
        %get3A_164 = arith.index_cast %scan3A_123 : i32 to index
        %get3A_165 = arith.constant 96 : index
        %get3A_166 = tpu.vector_load %arg14[%get3A_164, %get3A_165] {strides = array<i32>} : memref<128x128xf32, #tpu.memory_space<vmem>>, vector<16xf32>,
        %mul3A_167 = arith.mulf %get3A_166, %gather3A : vector<16xf32>
        %swap3A_168 = arith.index_cast %scan3A_123 : i32 to index
        %swap3A_169 = arith.constant 96 : index
        %swap3A_170 = tpu.vector_load %arg14[%swap3A_168, %swap3A_169] {strides = array<i32>} : memref<128x128xf32, #tpu.memory_space<vmem>>, vector<16xf32>,
        tpu.vector_store %arg14[%swap3A_168, %swap3A_169], %mul3A_167 {strides = array<i32>} : memref<128x128xf32, #tpu.memory_space<vmem>>, vector<16xf32>,
        %get3A_171 = arith.index_cast %scan3A_123 : i32 to index
        %get3A_172 = arith.constant 112 : index
        %get3A_173 = tpu.vector_load %arg14[%get3A_171, %get3A_172] {strides = array<i32>} : memref<128x128xf32, #tpu.memory_space<vmem>>, vector<16xf32>,
        %mul3A_174 = arith.mulf %get3A_173, %gather3A : vector<16xf32>
        %swap3A_175 = arith.index_cast %scan3A_123 : i32 to index
        %swap3A_176 = arith.constant 112 : index
        %swap3A_177 = tpu.vector_load %arg14[%swap3A_175, %swap3A_176] {strides = array<i32>} : memref<128x128xf32, #tpu.memory_space<vmem>>, vector<16xf32>,
        tpu.vector_store %arg14[%swap3A_175, %swap3A_176], %mul3A_174 {strides = array<i32>} : memref<128x128xf32, #tpu.memory_space<vmem>>, vector<16xf32>,
        %scan3A_178 = arith.constant 1 : i32
        %scan3A_179 = arith.addi %scan3A_123, %scan3A_178 : i32
        %broadcast_in_dim3A_180 = vector.broadcast %scan3A_179 : i32 to vector<16xi32>
        %gather3A_181 = tpu.vector_load_idx %arg13[%broadcast_in_dim3A_180] : memref<128xf32, #tpu.memory_space<vmem>>[vector<16xi32>], vector<16xf32>,
        %get3A_182 = arith.index_cast %scan3A_179 : i32 to index
        %get3A_183 = arith.constant 0 : index
        %get3A_184 = tpu.vector_load %arg14[%get3A_182, %get3A_183] {strides = array<i32>} : memref<128x128xf32, #tpu.memory_space<vmem>>, vector<16xf32>,
        %mul3A_185 = arith.mulf %get3A_184, %gather3A_181 : vector<16xf32>
        %swap3A_186 = arith.index_cast %scan3A_179 : i32 to index
        %swap3A_187 = arith.constant 0 : index
        %swap3A_188 = tpu.vector_load %arg14[%swap3A_186, %swap3A_187] {strides = array<i32>} : memref<128x128xf32, #tpu.memory_space<vmem>>, vector<16xf32>,
        tpu.vector_store %arg14[%swap3A_186, %swap3A_187], %mul3A_185 {strides = array<i32>} : memref<128x128xf32, #tpu.memory_space<vmem>>, vector<16xf32>,
        %get3A_189 = arith.index_cast %scan3A_179 : i32 to index
        %get3A_190 = arith.constant 16 : index
        %get3A_191 = tpu.vector_load %arg14[%get3A_189, %get3A_190] {strides = array<i32>} : memref<128x128xf32, #tpu.memory_space<vmem>>, vector<16xf32>,
        %mul3A_192 = arith.mulf %get3A_191, %gather3A_181 : vector<16xf32>
        %swap3A_193 = arith.index_cast %scan3A_179 : i32 to index
        %swap3A_194 = arith.constant 16 : index
        %swap3A_195 = tpu.vector_load %arg14[%swap3A_193, %swap3A_194] {strides = array<i32>} : memref<128x128xf32, #tpu.memory_space<vmem>>, vector<16xf32>,
        tpu.vector_store %arg14[%swap3A_193, %swap3A_194], %mul3A_192 {strides = array<i32>} : memref<128x128xf32, #tpu.memory_space<vmem>>, vector<16xf32>,
        %get3A_196 = arith.index_cast %scan3A_179 : i32 to index
        %get3A_197 = arith.constant 32 : index
        %get3A_198 = tpu.vector_load %arg14[%get3A_196, %get3A_197] {strides = array<i32>} : memref<128x128xf32, #tpu.memory_space<vmem>>, vector<16xf32>,
        %mul3A_199 = arith.mulf %get3A_198, %gather3A_181 : vector<16xf32>
        %swap3A_200 = arith.index_cast %scan3A_179 : i32 to index
        %swap3A_201 = arith.constant 32 : index
        %swap3A_202 = tpu.vector_load %arg14[%swap3A_200, %swap3A_201] {strides = array<i32>} : memref<128x128xf32, #tpu.memory_space<vmem>>, vector<16xf32>,
        tpu.vector_store %arg14[%swap3A_200, %swap3A_201], %mul3A_199 {strides = array<i32>} : memref<128x128xf32, #tpu.memory_space<vmem>>, vector<16xf32>,
        %get3A_203 = arith.index_cast %scan3A_179 : i32 to index
        %get3A_204 = arith.constant 48 : index
        %get3A_205 = tpu.vector_load %arg14[%get3A_203, %get3A_204] {strides = array<i32>} : memref<128x128xf32, #tpu.memory_space<vmem>>, vector<16xf32>,
        %mul3A_206 = arith.mulf %get3A_205, %gather3A_181 : vector<16xf32>
        %swap3A_207 = arith.index_cast %scan3A_179 : i32 to index
        %swap3A_208 = arith.constant 48 : index
        %swap3A_209 = tpu.vector_load %arg14[%swap3A_207, %swap3A_208] {strides = array<i32>} : memref<128x128xf32, #tpu.memory_space<vmem>>, vector<16xf32>,
        tpu.vector_store %arg14[%swap3A_207, %swap3A_208], %mul3A_206 {strides = array<i32>} : memref<128x128xf32, #tpu.memory_space<vmem>>, vector<16xf32>,
        %get3A_210 = arith.index_cast %scan3A_179 : i32 to index
        %get3A_211 = arith.constant 64 : index
        %get3A_212 = tpu.vector_load %arg14[%get3A_210, %get3A_211] {strides = array<i32>} : memref<128x128xf32, #tpu.memory_space<vmem>>, vector<16xf32>,
        %mul3A_213 = arith.mulf %get3A_212, %gather3A_181 : vector<16xf32>
        %swap3A_214 = arith.index_cast %scan3A_179 : i32 to index
        %swap3A_215 = arith.constant 64 : index
        %swap3A_216 = tpu.vector_load %arg14[%swap3A_214, %swap3A_215] {strides = array<i32>} : memref<128x128xf32, #tpu.memory_space<vmem>>, vector<16xf32>,
        tpu.vector_store %arg14[%swap3A_214, %swap3A_215], %mul3A_213 {strides = array<i32>} : memref<128x128xf32, #tpu.memory_space<vmem>>, vector<16xf32>,
        %get3A_217 = arith.index_cast %scan3A_179 : i32 to index
        %get3A_218 = arith.constant 80 : index
        %get3A_219 = tpu.vector_load %arg14[%get3A_217, %get3A_218] {strides = array<i32>} : memref<128x128xf32, #tpu.memory_space<vmem>>, vector<16xf32>,
        %mul3A_220 = arith.mulf %get3A_219, %gather3A_181 : vector<16xf32>
        %swap3A_221 = arith.index_cast %scan3A_179 : i32 to index
        %swap3A_222 = arith.constant 80 : index
        %swap3A_223 = tpu.vector_load %arg14[%swap3A_221, %swap3A_222] {strides = array<i32>} : memref<128x128xf32, #tpu.memory_space<vmem>>, vector<16xf32>,
        tpu.vector_store %arg14[%swap3A_221, %swap3A_222], %mul3A_220 {strides = array<i32>} : memref<128x128xf32, #tpu.memory_space<vmem>>, vector<16xf32>,
        %get3A_224 = arith.index_cast %scan3A_179 : i32 to index
        %get3A_225 = arith.constant 96 : index
        %get3A_226 = tpu.vector_load %arg14[%get3A_224, %get3A_225] {strides = array<i32>} : memref<128x128xf32, #tpu.memory_space<vmem>>, vector<16xf32>,
        %mul3A_227 = arith.mulf %get3A_226, %gather3A_181 : vector<16xf32>
        %swap3A_228 = arith.index_cast %scan3A_179 : i32 to index
        %swap3A_229 = arith.constant 96 : index
        %swap3A_230 = tpu.vector_load %arg14[%swap3A_228, %swap3A_229] {strides = array<i32>} : memref<128x128xf32, #tpu.memory_space<vmem>>, vector<16xf32>,
        tpu.vector_store %arg14[%swap3A_228, %swap3A_229], %mul3A_227 {strides = array<i32>} : memref<128x128xf32, #tpu.memory_space<vmem>>, vector<16xf32>,
        %get3A_231 = arith.index_cast %scan3A_179 : i32 to index
        %get3A_232 = arith.constant 112 : index
        %get3A_233 = tpu.vector_load %arg14[%get3A_231, %get3A_232] {strides = array<i32>} : memref<128x128xf32, #tpu.memory_space<vmem>>, vector<16xf32>,
        %mul3A_234 = arith.mulf %get3A_233, %gather3A_181 : vector<16xf32>
        %swap3A_235 = arith.index_cast %scan3A_179 : i32 to index
        %swap3A_236 = arith.constant 112 : index
        %swap3A_237 = tpu.vector_load %arg14[%swap3A_235, %swap3A_236] {strides = array<i32>} : memref<128x128xf32, #tpu.memory_space<vmem>>, vector<16xf32>,
        tpu.vector_store %arg14[%swap3A_235, %swap3A_236], %mul3A_234 {strides = array<i32>} : memref<128x128xf32, #tpu.memory_space<vmem>>, vector<16xf32>,
        %scan3A_238 = arith.constant 2 : i32
        %scan3A_239 = arith.addi %scan3A_123, %scan3A_238 : i32
        %broadcast_in_dim3A_240 = vector.broadcast %scan3A_239 : i32 to vector<16xi32>
        %gather3A_241 = tpu.vector_load_idx %arg13[%broadcast_in_dim3A_240] : memref<128xf32, #tpu.memory_space<vmem>>[vector<16xi32>], vector<16xf32>,
        %get3A_242 = arith.index_cast %scan3A_239 : i32 to index
        %get3A_243 = arith.constant 0 : index
        %get3A_244 = tpu.vector_load %arg14[%get3A_242, %get3A_243] {strides = array<i32>} : memref<128x128xf32, #tpu.memory_space<vmem>>, vector<16xf32>,
        %mul3A_245 = arith.mulf %get3A_244, %gather3A_241 : vector<16xf32>
        %swap3A_246 = arith.index_cast %scan3A_239 : i32 to index
        %swap3A_247 = arith.constant 0 : index
        %swap3A_248 = tpu.vector_load %arg14[%swap3A_246, %swap3A_247] {strides = array<i32>} : memref<128x128xf32, #tpu.memory_space<vmem>>, vector<16xf32>,
        tpu.vector_store %arg14[%swap3A_246, %swap3A_247], %mul3A_245 {strides = array<i32>} : memref<128x128xf32, #tpu.memory_space<vmem>>, vector<16xf32>,
        %get3A_249 = arith.index_cast %scan3A_239 : i32 to index
        %get3A_250 = arith.constant 16 : index
        %get3A_251 = tpu.vector_load %arg14[%get3A_249, %get3A_250] {strides = array<i32>} : memref<128x128xf32, #tpu.memory_space<vmem>>, vector<16xf32>,
        %mul3A_252 = arith.mulf %get3A_251, %gather3A_241 : vector<16xf32>
        %swap3A_253 = arith.index_cast %scan3A_239 : i32 to index
        %swap3A_254 = arith.constant 16 : index
        %swap3A_255 = tpu.vector_load %arg14[%swap3A_253, %swap3A_254] {strides = array<i32>} : memref<128x128xf32, #tpu.memory_space<vmem>>, vector<16xf32>,
        tpu.vector_store %arg14[%swap3A_253, %swap3A_254], %mul3A_252 {strides = array<i32>} : memref<128x128xf32, #tpu.memory_space<vmem>>, vector<16xf32>,
        %get3A_256 = arith.index_cast %scan3A_239 : i32 to index
        %get3A_257 = arith.constant 32 : index
        %get3A_258 = tpu.vector_load %arg14[%get3A_256, %get3A_257] {strides = array<i32>} : memref<128x128xf32, #tpu.memory_space<vmem>>, vector<16xf32>,
        %mul3A_259 = arith.mulf %get3A_258, %gather3A_241 : vector<16xf32>
        %swap3A_260 = arith.index_cast %scan3A_239 : i32 to index
        %swap3A_261 = arith.constant 32 : index
        %swap3A_262 = tpu.vector_load %arg14[%swap3A_260, %swap3A_261] {strides = array<i32>} : memref<128x128xf32, #tpu.memory_space<vmem>>, vector<16xf32>,
        tpu.vector_store %arg14[%swap3A_260, %swap3A_261], %mul3A_259 {strides = array<i32>} : memref<128x128xf32, #tpu.memory_space<vmem>>, vector<16xf32>,
        %get3A_263 = arith.index_cast %scan3A_239 : i32 to index
        %get3A_264 = arith.constant 48 : index
        %get3A_265 = tpu.vector_load %arg14[%get3A_263, %get3A_264] {strides = array<i32>} : memref<128x128xf32, #tpu.memory_space<vmem>>, vector<16xf32>,
        %mul3A_266 = arith.mulf %get3A_265, %gather3A_241 : vector<16xf32>
        %swap3A_267 = arith.index_cast %scan3A_239 : i32 to index
        %swap3A_268 = arith.constant 48 : index
        %swap3A_269 = tpu.vector_load %arg14[%swap3A_267, %swap3A_268] {strides = array<i32>} : memref<128x128xf32, #tpu.memory_space<vmem>>, vector<16xf32>,
        tpu.vector_store %arg14[%swap3A_267, %swap3A_268], %mul3A_266 {strides = array<i32>} : memref<128x128xf32, #tpu.memory_space<vmem>>, vector<16xf32>,
        %get3A_270 = arith.index_cast %scan3A_239 : i32 to index
        %get3A_271 = arith.constant 64 : index
        %get3A_272 = tpu.vector_load %arg14[%get3A_270, %get3A_271] {strides = array<i32>} : memref<128x128xf32, #tpu.memory_space<vmem>>, vector<16xf32>,
        %mul3A_273 = arith.mulf %get3A_272, %gather3A_241 : vector<16xf32>
        %swap3A_274 = arith.index_cast %scan3A_239 : i32 to index
        %swap3A_275 = arith.constant 64 : index
        %swap3A_276 = tpu.vector_load %arg14[%swap3A_274, %swap3A_275] {strides = array<i32>} : memref<128x128xf32, #tpu.memory_space<vmem>>, vector<16xf32>,
        tpu.vector_store %arg14[%swap3A_274, %swap3A_275], %mul3A_273 {strides = array<i32>} : memref<128x128xf32, #tpu.memory_space<vmem>>, vector<16xf32>,
        %get3A_277 = arith.index_cast %scan3A_239 : i32 to index
        %get3A_278 = arith.constant 80 : index
        %get3A_279 = tpu.vector_load %arg14[%get3A_277, %get3A_278] {strides = array<i32>} : memref<128x128xf32, #tpu.memory_space<vmem>>, vector<16xf32>,
        %mul3A_280 = arith.mulf %get3A_279, %gather3A_241 : vector<16xf32>
        %swap3A_281 = arith.index_cast %scan3A_239 : i32 to index
        %swap3A_282 = arith.constant 80 : index
        %swap3A_283 = tpu.vector_load %arg14[%swap3A_281, %swap3A_282] {strides = array<i32>} : memref<128x128xf32, #tpu.memory_space<vmem>>, vector<16xf32>,
        tpu.vector_store %arg14[%swap3A_281, %swap3A_282], %mul3A_280 {strides = array<i32>} : memref<128x128xf32, #tpu.memory_space<vmem>>, vector<16xf32>,
        %get3A_284 = arith.index_cast %scan3A_239 : i32 to index
        %get3A_285 = arith.constant 96 : index
        %get3A_286 = tpu.vector_load %arg14[%get3A_284, %get3A_285] {strides = array<i32>} : memref<128x128xf32, #tpu.memory_space<vmem>>, vector<16xf32>,
        %mul3A_287 = arith.mulf %get3A_286, %gather3A_241 : vector<16xf32>
        %swap3A_288 = arith.index_cast %scan3A_239 : i32 to index
        %swap3A_289 = arith.constant 96 : index
        %swap3A_290 = tpu.vector_load %arg14[%swap3A_288, %swap3A_289] {strides = array<i32>} : memref<128x128xf32, #tpu.memory_space<vmem>>, vector<16xf32>,
        tpu.vector_store %arg14[%swap3A_288, %swap3A_289], %mul3A_287 {strides = array<i32>} : memref<128x128xf32, #tpu.memory_space<vmem>>, vector<16xf32>,
        %get3A_291 = arith.index_cast %scan3A_239 : i32 to index
        %get3A_292 = arith.constant 112 : index
        %get3A_293 = tpu.vector_load %arg14[%get3A_291, %get3A_292] {strides = array<i32>} : memref<128x128xf32, #tpu.memory_space<vmem>>, vector<16xf32>,
        %mul3A_294 = arith.mulf %get3A_293, %gather3A_241 : vector<16xf32>
        %swap3A_295 = arith.index_cast %scan3A_239 : i32 to index
        %swap3A_296 = arith.constant 112 : index
        %swap3A_297 = tpu.vector_load %arg14[%swap3A_295, %swap3A_296] {strides = array<i32>} : memref<128x128xf32, #tpu.memory_space<vmem>>, vector<16xf32>,
        tpu.vector_store %arg14[%swap3A_295, %swap3A_296], %mul3A_294 {strides = array<i32>} : memref<128x128xf32, #tpu.memory_space<vmem>>, vector<16xf32>,
        %scan3A_298 = arith.constant 3 : i32
        %scan3A_299 = arith.addi %scan3A_123, %scan3A_298 : i32
        %broadcast_in_dim3A_300 = vector.broadcast %scan3A_299 : i32 to vector<16xi32>
        %gather3A_301 = tpu.vector_load_idx %arg13[%broadcast_in_dim3A_300] : memref<128xf32, #tpu.memory_space<vmem>>[vector<16xi32>], vector<16xf32>,
        %get3A_302 = arith.index_cast %scan3A_299 : i32 to index
        %get3A_303 = arith.constant 0 : index
        %get3A_304 = tpu.vector_load %arg14[%get3A_302, %get3A_303] {strides = array<i32>} : memref<128x128xf32, #tpu.memory_space<vmem>>, vector<16xf32>,
        %mul3A_305 = arith.mulf %get3A_304, %gather3A_301 : vector<16xf32>
        %swap3A_306 = arith.index_cast %scan3A_299 : i32 to index
        %swap3A_307 = arith.constant 0 : index
        %swap3A_308 = tpu.vector_load %arg14[%swap3A_306, %swap3A_307] {strides = array<i32>} : memref<128x128xf32, #tpu.memory_space<vmem>>, vector<16xf32>,
        tpu.vector_store %arg14[%swap3A_306, %swap3A_307], %mul3A_305 {strides = array<i32>} : memref<128x128xf32, #tpu.memory_space<vmem>>, vector<16xf32>,
        %get3A_309 = arith.index_cast %scan3A_299 : i32 to index
        %get3A_310 = arith.constant 16 : index
        %get3A_311 = tpu.vector_load %arg14[%get3A_309, %get3A_310] {strides = array<i32>} : memref<128x128xf32, #tpu.memory_space<vmem>>, vector<16xf32>,
        %mul3A_312 = arith.mulf %get3A_311, %gather3A_301 : vector<16xf32>
        %swap3A_313 = arith.index_cast %scan3A_299 : i32 to index
        %swap3A_314 = arith.constant 16 : index
        %swap3A_315 = tpu.vector_load %arg14[%swap3A_313, %swap3A_314] {strides = array<i32>} : memref<128x128xf32, #tpu.memory_space<vmem>>, vector<16xf32>,
        tpu.vector_store %arg14[%swap3A_313, %swap3A_314], %mul3A_312 {strides = array<i32>} : memref<128x128xf32, #tpu.memory_space<vmem>>, vector<16xf32>,
        %get3A_316 = arith.index_cast %scan3A_299 : i32 to index
        %get3A_317 = arith.constant 32 : index
        %get3A_318 = tpu.vector_load %arg14[%get3A_316, %get3A_317] {strides = array<i32>} : memref<128x128xf32, #tpu.memory_space<vmem>>, vector<16xf32>,
        %mul3A_319 = arith.mulf %get3A_318, %gather3A_301 : vector<16xf32>
        %swap3A_320 = arith.index_cast %scan3A_299 : i32 to index
        %swap3A_321 = arith.constant 32 : index
        %swap3A_322 = tpu.vector_load %arg14[%swap3A_320, %swap3A_321] {strides = array<i32>} : memref<128x128xf32, #tpu.memory_space<vmem>>, vector<16xf32>,
        tpu.vector_store %arg14[%swap3A_320, %swap3A_321], %mul3A_319 {strides = array<i32>} : memref<128x128xf32, #tpu.memory_space<vmem>>, vector<16xf32>,
        %get3A_323 = arith.index_cast %scan3A_299 : i32 to index
        %get3A_324 = arith.constant 48 : index
        %get3A_325 = tpu.vector_load %arg14[%get3A_323, %get3A_324] {strides = array<i32>} : memref<128x128xf32, #tpu.memory_space<vmem>>, vector<16xf32>,
        %mul3A_326 = arith.mulf %get3A_325, %gather3A_301 : vector<16xf32>
        %swap3A_327 = arith.index_cast %scan3A_299 : i32 to index
        %swap3A_328 = arith.constant 48 : index
        %swap3A_329 = tpu.vector_load %arg14[%swap3A_327, %swap3A_328] {strides = array<i32>} : memref<128x128xf32, #tpu.memory_space<vmem>>, vector<16xf32>,
        tpu.vector_store %arg14[%swap3A_327, %swap3A_328], %mul3A_326 {strides = array<i32>} : memref<128x128xf32, #tpu.memory_space<vmem>>, vector<16xf32>,
        %get3A_330 = arith.index_cast %scan3A_299 : i32 to index
        %get3A_331 = arith.constant 64 : index
        %get3A_332 = tpu.vector_load %arg14[%get3A_330, %get3A_331] {strides = array<i32>} : memref<128x128xf32, #tpu.memory_space<vmem>>, vector<16xf32>,
        %mul3A_333 = arith.mulf %get3A_332, %gather3A_301 : vector<16xf32>
        %swap3A_334 = arith.index_cast %scan3A_299 : i32 to index
        %swap3A_335 = arith.constant 64 : index
        %swap3A_336 = tpu.vector_load %arg14[%swap3A_334, %swap3A_335] {strides = array<i32>} : memref<128x128xf32, #tpu.memory_space<vmem>>, vector<16xf32>,
        tpu.vector_store %arg14[%swap3A_334, %swap3A_335], %mul3A_333 {strides = array<i32>} : memref<128x128xf32, #tpu.memory_space<vmem>>, vector<16xf32>,
        %get3A_337 = arith.index_cast %scan3A_299 : i32 to index
        %get3A_338 = arith.constant 80 : index
        %get3A_339 = tpu.vector_load %arg14[%get3A_337, %get3A_338] {strides = array<i32>} : memref<128x128xf32, #tpu.memory_space<vmem>>, vector<16xf32>,
        %mul3A_340 = arith.mulf %get3A_339, %gather3A_301 : vector<16xf32>
        %swap3A_341 = arith.index_cast %scan3A_299 : i32 to index
        %swap3A_342 = arith.constant 80 : index
        %swap3A_343 = tpu.vector_load %arg14[%swap3A_341, %swap3A_342] {strides = array<i32>} : memref<128x128xf32, #tpu.memory_space<vmem>>, vector<16xf32>,
        tpu.vector_store %arg14[%swap3A_341, %swap3A_342], %mul3A_340 {strides = array<i32>} : memref<128x128xf32, #tpu.memory_space<vmem>>, vector<16xf32>,
        %get3A_344 = arith.index_cast %scan3A_299 : i32 to index
        %get3A_345 = arith.constant 96 : index
        %get3A_346 = tpu.vector_load %arg14[%get3A_344, %get3A_345] {strides = array<i32>} : memref<128x128xf32, #tpu.memory_space<vmem>>, vector<16xf32>,
        %mul3A_347 = arith.mulf %get3A_346, %gather3A_301 : vector<16xf32>
        %swap3A_348 = arith.index_cast %scan3A_299 : i32 to index
        %swap3A_349 = arith.constant 96 : index
        %swap3A_350 = tpu.vector_load %arg14[%swap3A_348, %swap3A_349] {strides = array<i32>} : memref<128x128xf32, #tpu.memory_space<vmem>>, vector<16xf32>,
        tpu.vector_store %arg14[%swap3A_348, %swap3A_349], %mul3A_347 {strides = array<i32>} : memref<128x128xf32, #tpu.memory_space<vmem>>, vector<16xf32>,
        %get3A_351 = arith.index_cast %scan3A_299 : i32 to index
        %get3A_352 = arith.constant 112 : index
        %get3A_353 = tpu.vector_load %arg14[%get3A_351, %get3A_352] {strides = array<i32>} : memref<128x128xf32, #tpu.memory_space<vmem>>, vector<16xf32>,
        %mul3A_354 = arith.mulf %get3A_353, %gather3A_301 : vector<16xf32>
        %swap3A_355 = arith.index_cast %scan3A_299 : i32 to index
        %swap3A_356 = arith.constant 112 : index
        %swap3A_357 = tpu.vector_load %arg14[%swap3A_355, %swap3A_356] {strides = array<i32>} : memref<128x128xf32, #tpu.memory_space<vmem>>, vector<16xf32>,
        tpu.vector_store %arg14[%swap3A_355, %swap3A_356], %mul3A_354 {strides = array<i32>} : memref<128x128xf32, #tpu.memory_space<vmem>>, vector<16xf32>,
      }
      %scan3A_88 = arith.constant 32 : i32
      %dma_wait3A_89 = tpu.memref_slice %arg4[%mul3A_35] : memref<320000xi32, #tpu.memory_space<hbm>> -> memref<64xi32, #tpu.memory_space<hbm>>
      %dma_wait3A_90 = tpu.memref_slice %arg4[%mul3A_35] : memref<320000xi32, #tpu.memory_space<hbm>> -> memref<64xi32, #tpu.memory_space<hbm>>
      tpu.wait_dma2 semaphore(%arg17 : memref<!tpu.dma_semaphore, #tpu.memory_space<semaphore_mem>>) src(%dma_wait3A_90 : memref<64xi32, #tpu.memory_space<hbm>>) dst(%arg11 : memref<64xi32, #tpu.memory_space<vmem>>)
      %dma_start3A_91 = arith.constant 0 : i32
      %dma_start3A_92 = arith.constant 0 : i32
      %dma_start3A_93 = tpu.memref_slice %arg14[%dma_start3A_91, %dma_start3A_92] : memref<128x128xf32, #tpu.memory_space<vmem>> -> memref<64x128xf32, #tpu.memory_space<vmem>>
      %dma_start3A_94 = arith.constant 0 : i32
      %dma_start3A_95 = arith.constant 0 : i32
      %dma_start3A_96 = tpu.memref_slice %arg8[%dma_start3A_94, %dma_start3A_95] : memref<10000x128xf32, #tpu.memory_space<vmem_shared>> -> memref<10000x128xf32, #tpu.memory_space<vmem_shared>>
      tpu.enqueue_indirect_dma source(%dma_start3A_93 : memref<64x128xf32, #tpu.memory_space<vmem>>) target(%dma_start3A_96 : memref<10000x128xf32, #tpu.memory_space<vmem_shared>>) offsets(%arg11 : memref<64xi32, #tpu.memory_space<vmem>>) semaphore(%arg22 : memref<!tpu.dma_semaphore, #tpu.memory_space<semaphore_mem>>) {add = true}
      %scan3A_97 = arith.constant 0 : i32
      %scan3A_98 = arith.constant 64 : i32
      %scan3A_99 = arith.constant 64 : i32
      %scan3A_100 = arith.addi %scan3A_98, %scan3A_99 : i32
      %scan3A_101 = arith.constant 4 : i32
      scf.for %scan3A_123 = %scan3A_98 to %scan3A_100 step %scan3A_101  : i32 {
        %broadcast_in_dim3A = vector.broadcast %scan3A_123 : i32 to vector<16xi32>
        %gather3A = tpu.vector_load_idx %arg13[%broadcast_in_dim3A] : memref<128xf32, #tpu.memory_space<vmem>>[vector<16xi32>], vector<16xf32>,
        %get3A = arith.index_cast %scan3A_123 : i32 to index
        %get3A_124 = arith.constant 0 : index
        %get3A_125 = tpu.vector_load %arg14[%get3A, %get3A_124] {strides = array<i32>} : memref<128x128xf32, #tpu.memory_space<vmem>>, vector<16xf32>,
        %mul3A_126 = arith.mulf %get3A_125, %gather3A : vector<16xf32>
        %swap3A = arith.index_cast %scan3A_123 : i32 to index
        %swap3A_127 = arith.constant 0 : index
        %swap3A_128 = tpu.vector_load %arg14[%swap3A, %swap3A_127] {strides = array<i32>} : memref<128x128xf32, #tpu.memory_space<vmem>>, vector<16xf32>,
        tpu.vector_store %arg14[%swap3A, %swap3A_127], %mul3A_126 {strides = array<i32>} : memref<128x128xf32, #tpu.memory_space<vmem>>, vector<16xf32>,
        %get3A_129 = arith.index_cast %scan3A_123 : i32 to index
        %get3A_130 = arith.constant 16 : index
        %get3A_131 = tpu.vector_load %arg14[%get3A_129, %get3A_130] {strides = array<i32>} : memref<128x128xf32, #tpu.memory_space<vmem>>, vector<16xf32>,
        %mul3A_132 = arith.mulf %get3A_131, %gather3A : vector<16xf32>
        %swap3A_133 = arith.index_cast %scan3A_123 : i32 to index
        %swap3A_134 = arith.constant 16 : index
        %swap3A_135 = tpu.vector_load %arg14[%swap3A_133, %swap3A_134] {strides = array<i32>} : memref<128x128xf32, #tpu.memory_space<vmem>>, vector<16xf32>,
        tpu.vector_store %arg14[%swap3A_133, %swap3A_134], %mul3A_132 {strides = array<i32>} : memref<128x128xf32, #tpu.memory_space<vmem>>, vector<16xf32>,
        %get3A_136 = arith.index_cast %scan3A_123 : i32 to index
        %get3A_137 = arith.constant 32 : index
        %get3A_138 = tpu.vector_load %arg14[%get3A_136, %get3A_137] {strides = array<i32>} : memref<128x128xf32, #tpu.memory_space<vmem>>, vector<16xf32>,
        %mul3A_139 = arith.mulf %get3A_138, %gather3A : vector<16xf32>
        %swap3A_140 = arith.index_cast %scan3A_123 : i32 to index
        %swap3A_141 = arith.constant 32 : index
        %swap3A_142 = tpu.vector_load %arg14[%swap3A_140, %swap3A_141] {strides = array<i32>} : memref<128x128xf32, #tpu.memory_space<vmem>>, vector<16xf32>,
        tpu.vector_store %arg14[%swap3A_140, %swap3A_141], %mul3A_139 {strides = array<i32>} : memref<128x128xf32, #tpu.memory_space<vmem>>, vector<16xf32>,
        %get3A_143 = arith.index_cast %scan3A_123 : i32 to index
        %get3A_144 = arith.constant 48 : index
        %get3A_145 = tpu.vector_load %arg14[%get3A_143, %get3A_144] {strides = array<i32>} : memref<128x128xf32, #tpu.memory_space<vmem>>, vector<16xf32>,
        %mul3A_146 = arith.mulf %get3A_145, %gather3A : vector<16xf32>
        %swap3A_147 = arith.index_cast %scan3A_123 : i32 to index
        %swap3A_148 = arith.constant 48 : index
        %swap3A_149 = tpu.vector_load %arg14[%swap3A_147, %swap3A_148] {strides = array<i32>} : memref<128x128xf32, #tpu.memory_space<vmem>>, vector<16xf32>,
        tpu.vector_store %arg14[%swap3A_147, %swap3A_148], %mul3A_146 {strides = array<i32>} : memref<128x128xf32, #tpu.memory_space<vmem>>, vector<16xf32>,
        %get3A_150 = arith.index_cast %scan3A_123 : i32 to index
        %get3A_151 = arith.constant 64 : index
        %get3A_152 = tpu.vector_load %arg14[%get3A_150, %get3A_151] {strides = array<i32>} : memref<128x128xf32, #tpu.memory_space<vmem>>, vector<16xf32>,
        %mul3A_153 = arith.mulf %get3A_152, %gather3A : vector<16xf32>
        %swap3A_154 = arith.index_cast %scan3A_123 : i32 to index
        %swap3A_155 = arith.constant 64 : index
        %swap3A_156 = tpu.vector_load %arg14[%swap3A_154, %swap3A_155] {strides = array<i32>} : memref<128x128xf32, #tpu.memory_space<vmem>>, vector<16xf32>,
        tpu.vector_store %arg14[%swap3A_154, %swap3A_155], %mul3A_153 {strides = array<i32>} : memref<128x128xf32, #tpu.memory_space<vmem>>, vector<16xf32>,
        %get3A_157 = arith.index_cast %scan3A_123 : i32 to index
        %get3A_158 = arith.constant 80 : index
        %get3A_159 = tpu.vector_load %arg14[%get3A_157, %get3A_158] {strides = array<i32>} : memref<128x128xf32, #tpu.memory_space<vmem>>, vector<16xf32>,
        %mul3A_160 = arith.mulf %get3A_159, %gather3A : vector<16xf32>
        %swap3A_161 = arith.index_cast %scan3A_123 : i32 to index
        %swap3A_162 = arith.constant 80 : index
        %swap3A_163 = tpu.vector_load %arg14[%swap3A_161, %swap3A_162] {strides = array<i32>} : memref<128x128xf32, #tpu.memory_space<vmem>>, vector<16xf32>,
        tpu.vector_store %arg14[%swap3A_161, %swap3A_162], %mul3A_160 {strides = array<i32>} : memref<128x128xf32, #tpu.memory_space<vmem>>, vector<16xf32>,
        %get3A_164 = arith.index_cast %scan3A_123 : i32 to index
        %get3A_165 = arith.constant 96 : index
        %get3A_166 = tpu.vector_load %arg14[%get3A_164, %get3A_165] {strides = array<i32>} : memref<128x128xf32, #tpu.memory_space<vmem>>, vector<16xf32>,
        %mul3A_167 = arith.mulf %get3A_166, %gather3A : vector<16xf32>
        %swap3A_168 = arith.index_cast %scan3A_123 : i32 to index
        %swap3A_169 = arith.constant 96 : index
        %swap3A_170 = tpu.vector_load %arg14[%swap3A_168, %swap3A_169] {strides = array<i32>} : memref<128x128xf32, #tpu.memory_space<vmem>>, vector<16xf32>,
        tpu.vector_store %arg14[%swap3A_168, %swap3A_169], %mul3A_167 {strides = array<i32>} : memref<128x128xf32, #tpu.memory_space<vmem>>, vector<16xf32>,
        %get3A_171 = arith.index_cast %scan3A_123 : i32 to index
        %get3A_172 = arith.constant 112 : index
        %get3A_173 = tpu.vector_load %arg14[%get3A_171, %get3A_172] {strides = array<i32>} : memref<128x128xf32, #tpu.memory_space<vmem>>, vector<16xf32>,
        %mul3A_174 = arith.mulf %get3A_173, %gather3A : vector<16xf32>
        %swap3A_175 = arith.index_cast %scan3A_123 : i32 to index
        %swap3A_176 = arith.constant 112 : index
        %swap3A_177 = tpu.vector_load %arg14[%swap3A_175, %swap3A_176] {strides = array<i32>} : memref<128x128xf32, #tpu.memory_space<vmem>>, vector<16xf32>,
        tpu.vector_store %arg14[%swap3A_175, %swap3A_176], %mul3A_174 {strides = array<i32>} : memref<128x128xf32, #tpu.memory_space<vmem>>, vector<16xf32>,
        %scan3A_178 = arith.constant 1 : i32
        %scan3A_179 = arith.addi %scan3A_123, %scan3A_178 : i32
        %broadcast_in_dim3A_180 = vector.broadcast %scan3A_179 : i32 to vector<16xi32>
        %gather3A_181 = tpu.vector_load_idx %arg13[%broadcast_in_dim3A_180] : memref<128xf32, #tpu.memory_space<vmem>>[vector<16xi32>], vector<16xf32>,
        %get3A_182 = arith.index_cast %scan3A_179 : i32 to index
        %get3A_183 = arith.constant 0 : index
        %get3A_184 = tpu.vector_load %arg14[%get3A_182, %get3A_183] {strides = array<i32>} : memref<128x128xf32, #tpu.memory_space<vmem>>, vector<16xf32>,
        %mul3A_185 = arith.mulf %get3A_184, %gather3A_181 : vector<16xf32>
        %swap3A_186 = arith.index_cast %scan3A_179 : i32 to index
        %swap3A_187 = arith.constant 0 : index
        %swap3A_188 = tpu.vector_load %arg14[%swap3A_186, %swap3A_187] {strides = array<i32>} : memref<128x128xf32, #tpu.memory_space<vmem>>, vector<16xf32>,
        tpu.vector_store %arg14[%swap3A_186, %swap3A_187], %mul3A_185 {strides = array<i32>} : memref<128x128xf32, #tpu.memory_space<vmem>>, vector<16xf32>,
        %get3A_189 = arith.index_cast %scan3A_179 : i32 to index
        %get3A_190 = arith.constant 16 : index
        %get3A_191 = tpu.vector_load %arg14[%get3A_189, %get3A_190] {strides = array<i32>} : memref<128x128xf32, #tpu.memory_space<vmem>>, vector<16xf32>,
        %mul3A_192 = arith.mulf %get3A_191, %gather3A_181 : vector<16xf32>
        %swap3A_193 = arith.index_cast %scan3A_179 : i32 to index
        %swap3A_194 = arith.constant 16 : index
        %swap3A_195 = tpu.vector_load %arg14[%swap3A_193, %swap3A_194] {strides = array<i32>} : memref<128x128xf32, #tpu.memory_space<vmem>>, vector<16xf32>,
        tpu.vector_store %arg14[%swap3A_193, %swap3A_194], %mul3A_192 {strides = array<i32>} : memref<128x128xf32, #tpu.memory_space<vmem>>, vector<16xf32>,
        %get3A_196 = arith.index_cast %scan3A_179 : i32 to index
        %get3A_197 = arith.constant 32 : index
        %get3A_198 = tpu.vector_load %arg14[%get3A_196, %get3A_197] {strides = array<i32>} : memref<128x128xf32, #tpu.memory_space<vmem>>, vector<16xf32>,
        %mul3A_199 = arith.mulf %get3A_198, %gather3A_181 : vector<16xf32>
        %swap3A_200 = arith.index_cast %scan3A_179 : i32 to index
        %swap3A_201 = arith.constant 32 : index
        %swap3A_202 = tpu.vector_load %arg14[%swap3A_200, %swap3A_201] {strides = array<i32>} : memref<128x128xf32, #tpu.memory_space<vmem>>, vector<16xf32>,
        tpu.vector_store %arg14[%swap3A_200, %swap3A_201], %mul3A_199 {strides = array<i32>} : memref<128x128xf32, #tpu.memory_space<vmem>>, vector<16xf32>,
        %get3A_203 = arith.index_cast %scan3A_179 : i32 to index
        %get3A_204 = arith.constant 48 : index
        %get3A_205 = tpu.vector_load %arg14[%get3A_203, %get3A_204] {strides = array<i32>} : memref<128x128xf32, #tpu.memory_space<vmem>>, vector<16xf32>,
        %mul3A_206 = arith.mulf %get3A_205, %gather3A_181 : vector<16xf32>
        %swap3A_207 = arith.index_cast %scan3A_179 : i32 to index
        %swap3A_208 = arith.constant 48 : index
        %swap3A_209 = tpu.vector_load %arg14[%swap3A_207, %swap3A_208] {strides = array<i32>} : memref<128x128xf32, #tpu.memory_space<vmem>>, vector<16xf32>,
        tpu.vector_store %arg14[%swap3A_207, %swap3A_208], %mul3A_206 {strides = array<i32>} : memref<128x128xf32, #tpu.memory_space<vmem>>, vector<16xf32>,
        %get3A_210 = arith.index_cast %scan3A_179 : i32 to index
        %get3A_211 = arith.constant 64 : index
        %get3A_212 = tpu.vector_load %arg14[%get3A_210, %get3A_211] {strides = array<i32>} : memref<128x128xf32, #tpu.memory_space<vmem>>, vector<16xf32>,
        %mul3A_213 = arith.mulf %get3A_212, %gather3A_181 : vector<16xf32>
        %swap3A_214 = arith.index_cast %scan3A_179 : i32 to index
        %swap3A_215 = arith.constant 64 : index
        %swap3A_216 = tpu.vector_load %arg14[%swap3A_214, %swap3A_215] {strides = array<i32>} : memref<128x128xf32, #tpu.memory_space<vmem>>, vector<16xf32>,
        tpu.vector_store %arg14[%swap3A_214, %swap3A_215], %mul3A_213 {strides = array<i32>} : memref<128x128xf32, #tpu.memory_space<vmem>>, vector<16xf32>,
        %get3A_217 = arith.index_cast %scan3A_179 : i32 to index
        %get3A_218 = arith.constant 80 : index
        %get3A_219 = tpu.vector_load %arg14[%get3A_217, %get3A_218] {strides = array<i32>} : memref<128x128xf32, #tpu.memory_space<vmem>>, vector<16xf32>,
        %mul3A_220 = arith.mulf %get3A_219, %gather3A_181 : vector<16xf32>
        %swap3A_221 = arith.index_cast %scan3A_179 : i32 to index
        %swap3A_222 = arith.constant 80 : index
        %swap3A_223 = tpu.vector_load %arg14[%swap3A_221, %swap3A_222] {strides = array<i32>} : memref<128x128xf32, #tpu.memory_space<vmem>>, vector<16xf32>,
        tpu.vector_store %arg14[%swap3A_221, %swap3A_222], %mul3A_220 {strides = array<i32>} : memref<128x128xf32, #tpu.memory_space<vmem>>, vector<16xf32>,
        %get3A_224 = arith.index_cast %scan3A_179 : i32 to index
        %get3A_225 = arith.constant 96 : index
        %get3A_226 = tpu.vector_load %arg14[%get3A_224, %get3A_225] {strides = array<i32>} : memref<128x128xf32, #tpu.memory_space<vmem>>, vector<16xf32>,
        %mul3A_227 = arith.mulf %get3A_226, %gather3A_181 : vector<16xf32>
        %swap3A_228 = arith.index_cast %scan3A_179 : i32 to index
        %swap3A_229 = arith.constant 96 : index
        %swap3A_230 = tpu.vector_load %arg14[%swap3A_228, %swap3A_229] {strides = array<i32>} : memref<128x128xf32, #tpu.memory_space<vmem>>, vector<16xf32>,
        tpu.vector_store %arg14[%swap3A_228, %swap3A_229], %mul3A_227 {strides = array<i32>} : memref<128x128xf32, #tpu.memory_space<vmem>>, vector<16xf32>,
        %get3A_231 = arith.index_cast %scan3A_179 : i32 to index
        %get3A_232 = arith.constant 112 : index
        %get3A_233 = tpu.vector_load %arg14[%get3A_231, %get3A_232] {strides = array<i32>} : memref<128x128xf32, #tpu.memory_space<vmem>>, vector<16xf32>,
        %mul3A_234 = arith.mulf %get3A_233, %gather3A_181 : vector<16xf32>
        %swap3A_235 = arith.index_cast %scan3A_179 : i32 to index
        %swap3A_236 = arith.constant 112 : index
        %swap3A_237 = tpu.vector_load %arg14[%swap3A_235, %swap3A_236] {strides = array<i32>} : memref<128x128xf32, #tpu.memory_space<vmem>>, vector<16xf32>,
        tpu.vector_store %arg14[%swap3A_235, %swap3A_236], %mul3A_234 {strides = array<i32>} : memref<128x128xf32, #tpu.memory_space<vmem>>, vector<16xf32>,
        %scan3A_238 = arith.constant 2 : i32
        %scan3A_239 = arith.addi %scan3A_123, %scan3A_238 : i32
        %broadcast_in_dim3A_240 = vector.broadcast %scan3A_239 : i32 to vector<16xi32>
        %gather3A_241 = tpu.vector_load_idx %arg13[%broadcast_in_dim3A_240] : memref<128xf32, #tpu.memory_space<vmem>>[vector<16xi32>], vector<16xf32>,
        %get3A_242 = arith.index_cast %scan3A_239 : i32 to index
        %get3A_243 = arith.constant 0 : index
        %get3A_244 = tpu.vector_load %arg14[%get3A_242, %get3A_243] {strides = array<i32>} : memref<128x128xf32, #tpu.memory_space<vmem>>, vector<16xf32>,
        %mul3A_245 = arith.mulf %get3A_244, %gather3A_241 : vector<16xf32>
        %swap3A_246 = arith.index_cast %scan3A_239 : i32 to index
        %swap3A_247 = arith.constant 0 : index
        %swap3A_248 = tpu.vector_load %arg14[%swap3A_246, %swap3A_247] {strides = array<i32>} : memref<128x128xf32, #tpu.memory_space<vmem>>, vector<16xf32>,
        tpu.vector_store %arg14[%swap3A_246, %swap3A_247], %mul3A_245 {strides = array<i32>} : memref<128x128xf32, #tpu.memory_space<vmem>>, vector<16xf32>,
        %get3A_249 = arith.index_cast %scan3A_239 : i32 to index
        %get3A_250 = arith.constant 16 : index
        %get3A_251 = tpu.vector_load %arg14[%get3A_249, %get3A_250] {strides = array<i32>} : memref<128x128xf32, #tpu.memory_space<vmem>>, vector<16xf32>,
        %mul3A_252 = arith.mulf %get3A_251, %gather3A_241 : vector<16xf32>
        %swap3A_253 = arith.index_cast %scan3A_239 : i32 to index
        %swap3A_254 = arith.constant 16 : index
        %swap3A_255 = tpu.vector_load %arg14[%swap3A_253, %swap3A_254] {strides = array<i32>} : memref<128x128xf32, #tpu.memory_space<vmem>>, vector<16xf32>,
        tpu.vector_store %arg14[%swap3A_253, %swap3A_254], %mul3A_252 {strides = array<i32>} : memref<128x128xf32, #tpu.memory_space<vmem>>, vector<16xf32>,
        %get3A_256 = arith.index_cast %scan3A_239 : i32 to index
        %get3A_257 = arith.constant 32 : index
        %get3A_258 = tpu.vector_load %arg14[%get3A_256, %get3A_257] {strides = array<i32>} : memref<128x128xf32, #tpu.memory_space<vmem>>, vector<16xf32>,
        %mul3A_259 = arith.mulf %get3A_258, %gather3A_241 : vector<16xf32>
        %swap3A_260 = arith.index_cast %scan3A_239 : i32 to index
        %swap3A_261 = arith.constant 32 : index
        %swap3A_262 = tpu.vector_load %arg14[%swap3A_260, %swap3A_261] {strides = array<i32>} : memref<128x128xf32, #tpu.memory_space<vmem>>, vector<16xf32>,
        tpu.vector_store %arg14[%swap3A_260, %swap3A_261], %mul3A_259 {strides = array<i32>} : memref<128x128xf32, #tpu.memory_space<vmem>>, vector<16xf32>,
        %get3A_263 = arith.index_cast %scan3A_239 : i32 to index
        %get3A_264 = arith.constant 48 : index
        %get3A_265 = tpu.vector_load %arg14[%get3A_263, %get3A_264] {strides = array<i32>} : memref<128x128xf32, #tpu.memory_space<vmem>>, vector<16xf32>,
        %mul3A_266 = arith.mulf %get3A_265, %gather3A_241 : vector<16xf32>
        %swap3A_267 = arith.index_cast %scan3A_239 : i32 to index
        %swap3A_268 = arith.constant 48 : index
        %swap3A_269 = tpu.vector_load %arg14[%swap3A_267, %swap3A_268] {strides = array<i32>} : memref<128x128xf32, #tpu.memory_space<vmem>>, vector<16xf32>,
        tpu.vector_store %arg14[%swap3A_267, %swap3A_268], %mul3A_266 {strides = array<i32>} : memref<128x128xf32, #tpu.memory_space<vmem>>, vector<16xf32>,
        %get3A_270 = arith.index_cast %scan3A_239 : i32 to index
        %get3A_271 = arith.constant 64 : index
        %get3A_272 = tpu.vector_load %arg14[%get3A_270, %get3A_271] {strides = array<i32>} : memref<128x128xf32, #tpu.memory_space<vmem>>, vector<16xf32>,
        %mul3A_273 = arith.mulf %get3A_272, %gather3A_241 : vector<16xf32>
        %swap3A_274 = arith.index_cast %scan3A_239 : i32 to index
        %swap3A_275 = arith.constant 64 : index
        %swap3A_276 = tpu.vector_load %arg14[%swap3A_274, %swap3A_275] {strides = array<i32>} : memref<128x128xf32, #tpu.memory_space<vmem>>, vector<16xf32>,
        tpu.vector_store %arg14[%swap3A_274, %swap3A_275], %mul3A_273 {strides = array<i32>} : memref<128x128xf32, #tpu.memory_space<vmem>>, vector<16xf32>,
        %get3A_277 = arith.index_cast %scan3A_239 : i32 to index
        %get3A_278 = arith.constant 80 : index
        %get3A_279 = tpu.vector_load %arg14[%get3A_277, %get3A_278] {strides = array<i32>} : memref<128x128xf32, #tpu.memory_space<vmem>>, vector<16xf32>,
        %mul3A_280 = arith.mulf %get3A_279, %gather3A_241 : vector<16xf32>
        %swap3A_281 = arith.index_cast %scan3A_239 : i32 to index
        %swap3A_282 = arith.constant 80 : index
        %swap3A_283 = tpu.vector_load %arg14[%swap3A_281, %swap3A_282] {strides = array<i32>} : memref<128x128xf32, #tpu.memory_space<vmem>>, vector<16xf32>,
        tpu.vector_store %arg14[%swap3A_281, %swap3A_282], %mul3A_280 {strides = array<i32>} : memref<128x128xf32, #tpu.memory_space<vmem>>, vector<16xf32>,
        %get3A_284 = arith.index_cast %scan3A_239 : i32 to index
        %get3A_285 = arith.constant 96 : index
        %get3A_286 = tpu.vector_load %arg14[%get3A_284, %get3A_285] {strides = array<i32>} : memref<128x128xf32, #tpu.memory_space<vmem>>, vector<16xf32>,
        %mul3A_287 = arith.mulf %get3A_286, %gather3A_241 : vector<16xf32>
        %swap3A_288 = arith.index_cast %scan3A_239 : i32 to index
        %swap3A_289 = arith.constant 96 : index
        %swap3A_290 = tpu.vector_load %arg14[%swap3A_288, %swap3A_289] {strides = array<i32>} : memref<128x128xf32, #tpu.memory_space<vmem>>, vector<16xf32>,
        tpu.vector_store %arg14[%swap3A_288, %swap3A_289], %mul3A_287 {strides = array<i32>} : memref<128x128xf32, #tpu.memory_space<vmem>>, vector<16xf32>,
        %get3A_291 = arith.index_cast %scan3A_239 : i32 to index
        %get3A_292 = arith.constant 112 : index
        %get3A_293 = tpu.vector_load %arg14[%get3A_291, %get3A_292] {strides = array<i32>} : memref<128x128xf32, #tpu.memory_space<vmem>>, vector<16xf32>,
        %mul3A_294 = arith.mulf %get3A_293, %gather3A_241 : vector<16xf32>
        %swap3A_295 = arith.index_cast %scan3A_239 : i32 to index
        %swap3A_296 = arith.constant 112 : index
        %swap3A_297 = tpu.vector_load %arg14[%swap3A_295, %swap3A_296] {strides = array<i32>} : memref<128x128xf32, #tpu.memory_space<vmem>>, vector<16xf32>,
        tpu.vector_store %arg14[%swap3A_295, %swap3A_296], %mul3A_294 {strides = array<i32>} : memref<128x128xf32, #tpu.memory_space<vmem>>, vector<16xf32>,
        %scan3A_298 = arith.constant 3 : i32
        %scan3A_299 = arith.addi %scan3A_123, %scan3A_298 : i32
        %broadcast_in_dim3A_300 = vector.broadcast %scan3A_299 : i32 to vector<16xi32>
        %gather3A_301 = tpu.vector_load_idx %arg13[%broadcast_in_dim3A_300] : memref<128xf32, #tpu.memory_space<vmem>>[vector<16xi32>], vector<16xf32>,
        %get3A_302 = arith.index_cast %scan3A_299 : i32 to index
        %get3A_303 = arith.constant 0 : index
        %get3A_304 = tpu.vector_load %arg14[%get3A_302, %get3A_303] {strides = array<i32>} : memref<128x128xf32, #tpu.memory_space<vmem>>, vector<16xf32>,
        %mul3A_305 = arith.mulf %get3A_304, %gather3A_301 : vector<16xf32>
        %swap3A_306 = arith.index_cast %scan3A_299 : i32 to index
        %swap3A_307 = arith.constant 0 : index
        %swap3A_308 = tpu.vector_load %arg14[%swap3A_306, %swap3A_307] {strides = array<i32>} : memref<128x128xf32, #tpu.memory_space<vmem>>, vector<16xf32>,
        tpu.vector_store %arg14[%swap3A_306, %swap3A_307], %mul3A_305 {strides = array<i32>} : memref<128x128xf32, #tpu.memory_space<vmem>>, vector<16xf32>,
        %get3A_309 = arith.index_cast %scan3A_299 : i32 to index
        %get3A_310 = arith.constant 16 : index
        %get3A_311 = tpu.vector_load %arg14[%get3A_309, %get3A_310] {strides = array<i32>} : memref<128x128xf32, #tpu.memory_space<vmem>>, vector<16xf32>,
        %mul3A_312 = arith.mulf %get3A_311, %gather3A_301 : vector<16xf32>
        %swap3A_313 = arith.index_cast %scan3A_299 : i32 to index
        %swap3A_314 = arith.constant 16 : index
        %swap3A_315 = tpu.vector_load %arg14[%swap3A_313, %swap3A_314] {strides = array<i32>} : memref<128x128xf32, #tpu.memory_space<vmem>>, vector<16xf32>,
        tpu.vector_store %arg14[%swap3A_313, %swap3A_314], %mul3A_312 {strides = array<i32>} : memref<128x128xf32, #tpu.memory_space<vmem>>, vector<16xf32>,
        %get3A_316 = arith.index_cast %scan3A_299 : i32 to index
        %get3A_317 = arith.constant 32 : index
        %get3A_318 = tpu.vector_load %arg14[%get3A_316, %get3A_317] {strides = array<i32>} : memref<128x128xf32, #tpu.memory_space<vmem>>, vector<16xf32>,
        %mul3A_319 = arith.mulf %get3A_318, %gather3A_301 : vector<16xf32>
        %swap3A_320 = arith.index_cast %scan3A_299 : i32 to index
        %swap3A_321 = arith.constant 32 : index
        %swap3A_322 = tpu.vector_load %arg14[%swap3A_320, %swap3A_321] {strides = array<i32>} : memref<128x128xf32, #tpu.memory_space<vmem>>, vector<16xf32>,
        tpu.vector_store %arg14[%swap3A_320, %swap3A_321], %mul3A_319 {strides = array<i32>} : memref<128x128xf32, #tpu.memory_space<vmem>>, vector<16xf32>,
        %get3A_323 = arith.index_cast %scan3A_299 : i32 to index
        %get3A_324 = arith.constant 48 : index
        %get3A_325 = tpu.vector_load %arg14[%get3A_323, %get3A_324] {strides = array<i32>} : memref<128x128xf32, #tpu.memory_space<vmem>>, vector<16xf32>,
        %mul3A_326 = arith.mulf %get3A_325, %gather3A_301 : vector<16xf32>
        %swap3A_327 = arith.index_cast %scan3A_299 : i32 to index
        %swap3A_328 = arith.constant 48 : index
        %swap3A_329 = tpu.vector_load %arg14[%swap3A_327, %swap3A_328] {strides = array<i32>} : memref<128x128xf32, #tpu.memory_space<vmem>>, vector<16xf32>,
        tpu.vector_store %arg14[%swap3A_327, %swap3A_328], %mul3A_326 {strides = array<i32>} : memref<128x128xf32, #tpu.memory_space<vmem>>, vector<16xf32>,
        %get3A_330 = arith.index_cast %scan3A_299 : i32 to index
        %get3A_331 = arith.constant 64 : index
        %get3A_332 = tpu.vector_load %arg14[%get3A_330, %get3A_331] {strides = array<i32>} : memref<128x128xf32, #tpu.memory_space<vmem>>, vector<16xf32>,
        %mul3A_333 = arith.mulf %get3A_332, %gather3A_301 : vector<16xf32>
        %swap3A_334 = arith.index_cast %scan3A_299 : i32 to index
        %swap3A_335 = arith.constant 64 : index
        %swap3A_336 = tpu.vector_load %arg14[%swap3A_334, %swap3A_335] {strides = array<i32>} : memref<128x128xf32, #tpu.memory_space<vmem>>, vector<16xf32>,
        tpu.vector_store %arg14[%swap3A_334, %swap3A_335], %mul3A_333 {strides = array<i32>} : memref<128x128xf32, #tpu.memory_space<vmem>>, vector<16xf32>,
        %get3A_337 = arith.index_cast %scan3A_299 : i32 to index
        %get3A_338 = arith.constant 80 : index
        %get3A_339 = tpu.vector_load %arg14[%get3A_337, %get3A_338] {strides = array<i32>} : memref<128x128xf32, #tpu.memory_space<vmem>>, vector<16xf32>,
        %mul3A_340 = arith.mulf %get3A_339, %gather3A_301 : vector<16xf32>
        %swap3A_341 = arith.index_cast %scan3A_299 : i32 to index
        %swap3A_342 = arith.constant 80 : index
        %swap3A_343 = tpu.vector_load %arg14[%swap3A_341, %swap3A_342] {strides = array<i32>} : memref<128x128xf32, #tpu.memory_space<vmem>>, vector<16xf32>,
        tpu.vector_store %arg14[%swap3A_341, %swap3A_342], %mul3A_340 {strides = array<i32>} : memref<128x128xf32, #tpu.memory_space<vmem>>, vector<16xf32>,
        %get3A_344 = arith.index_cast %scan3A_299 : i32 to index
        %get3A_345 = arith.constant 96 : index
        %get3A_346 = tpu.vector_load %arg14[%get3A_344, %get3A_345] {strides = array<i32>} : memref<128x128xf32, #tpu.memory_space<vmem>>, vector<16xf32>,
        %mul3A_347 = arith.mulf %get3A_346, %gather3A_301 : vector<16xf32>
        %swap3A_348 = arith.index_cast %scan3A_299 : i32 to index
        %swap3A_349 = arith.constant 96 : index
        %swap3A_350 = tpu.vector_load %arg14[%swap3A_348, %swap3A_349] {strides = array<i32>} : memref<128x128xf32, #tpu.memory_space<vmem>>, vector<16xf32>,
        tpu.vector_store %arg14[%swap3A_348, %swap3A_349], %mul3A_347 {strides = array<i32>} : memref<128x128xf32, #tpu.memory_space<vmem>>, vector<16xf32>,
        %get3A_351 = arith.index_cast %scan3A_299 : i32 to index
        %get3A_352 = arith.constant 112 : index
        %get3A_353 = tpu.vector_load %arg14[%get3A_351, %get3A_352] {strides = array<i32>} : memref<128x128xf32, #tpu.memory_space<vmem>>, vector<16xf32>,
        %mul3A_354 = arith.mulf %get3A_353, %gather3A_301 : vector<16xf32>
        %swap3A_355 = arith.index_cast %scan3A_299 : i32 to index
        %swap3A_356 = arith.constant 112 : index
        %swap3A_357 = tpu.vector_load %arg14[%swap3A_355, %swap3A_356] {strides = array<i32>} : memref<128x128xf32, #tpu.memory_space<vmem>>, vector<16xf32>,
        tpu.vector_store %arg14[%swap3A_355, %swap3A_356], %mul3A_354 {strides = array<i32>} : memref<128x128xf32, #tpu.memory_space<vmem>>, vector<16xf32>,
      }
      %scan3A_102 = arith.constant 64 : i32
      %dma_wait3A_103 = tpu.memref_slice %arg4[%add3A_44] : memref<320000xi32, #tpu.memory_space<hbm>> -> memref<64xi32, #tpu.memory_space<hbm>>
      %dma_wait3A_104 = tpu.memref_slice %arg4[%add3A_44] : memref<320000xi32, #tpu.memory_space<hbm>> -> memref<64xi32, #tpu.memory_space<hbm>>
      tpu.wait_dma2 semaphore(%arg18 : memref<!tpu.dma_semaphore, #tpu.memory_space<semaphore_mem>>) src(%dma_wait3A_104 : memref<64xi32, #tpu.memory_space<hbm>>) dst(%arg12 : memref<64xi32, #tpu.memory_space<vmem>>)
      %dma_start3A_105 = arith.constant 64 : i32
      %dma_start3A_106 = arith.constant 0 : i32
      %dma_start3A_107 = tpu.memref_slice %arg14[%dma_start3A_105, %dma_start3A_106] : memref<128x128xf32, #tpu.memory_space<vmem>> -> memref<64x128xf32, #tpu.memory_space<vmem>>
      %dma_start3A_108 = arith.constant 0 : i32
      %dma_start3A_109 = arith.constant 0 : i32
      %dma_start3A_110 = tpu.memref_slice %arg8[%dma_start3A_108, %dma_start3A_109] : memref<10000x128xf32, #tpu.memory_space<vmem_shared>> -> memref<10000x128xf32, #tpu.memory_space<vmem_shared>>
      tpu.enqueue_indirect_dma source(%dma_start3A_107 : memref<64x128xf32, #tpu.memory_space<vmem>>) target(%dma_start3A_110 : memref<10000x128xf32, #tpu.memory_space<vmem_shared>>) offsets(%arg12 : memref<64xi32, #tpu.memory_space<vmem>>) semaphore(%arg23 : memref<!tpu.dma_semaphore, #tpu.memory_space<semaphore_mem>>) {add = true}
      %dma_wait3A_111 = arith.constant 0 : i32
      %dma_wait3A_112 = arith.constant 0 : i32
      %dma_wait3A_113 = tpu.memref_slice %arg14[%dma_wait3A_111, %dma_wait3A_112] : memref<128x128xf32, #tpu.memory_space<vmem>> -> memref<64x128xf32, #tpu.memory_space<vmem>>
      %dma_wait3A_114 = arith.constant 0 : i32
      %dma_wait3A_115 = arith.constant 0 : i32
      %dma_wait3A_116 = tpu.memref_slice %arg8[%dma_wait3A_114, %dma_wait3A_115] : memref<10000x128xf32, #tpu.memory_space<vmem_shared>> -> memref<10000x128xf32, #tpu.memory_space<vmem_shared>>
      tpu.wait_indirect_dma semaphore(%arg22 : memref<!tpu.dma_semaphore, #tpu.memory_space<semaphore_mem>>) src(%dma_wait3A_113 : memref<64x128xf32, #tpu.memory_space<vmem>>) dst(%dma_wait3A_116 : memref<10000x128xf32, #tpu.memory_space<vmem_shared>>)
      %dma_wait3A_117 = arith.constant 64 : i32
      %dma_wait3A_118 = arith.constant 0 : i32
      %dma_wait3A_119 = tpu.memref_slice %arg14[%dma_wait3A_117, %dma_wait3A_118] : memref<128x128xf32, #tpu.memory_space<vmem>> -> memref<64x128xf32, #tpu.memory_space<vmem>>
      %dma_wait3A_120 = arith.constant 0 : i32
      %dma_wait3A_121 = arith.constant 0 : i32
      %dma_wait3A_122 = tpu.memref_slice %arg8[%dma_wait3A_120, %dma_wait3A_121] : memref<10000x128xf32, #tpu.memory_space<vmem_shared>> -> memref<10000x128xf32, #tpu.memory_space<vmem_shared>>
      tpu.wait_indirect_dma semaphore(%arg23 : memref<!tpu.dma_semaphore, #tpu.memory_space<semaphore_mem>>) src(%dma_wait3A_119 : memref<64x128xf32, #tpu.memory_space<vmem>>) dst(%dma_wait3A_122 : memref<10000x128xf32, #tpu.memory_space<vmem_shared>>)
    }
    %barrier3A_22 = arith.constant 0 : index
    tpu.barrier barrier_id(%barrier3A_22)
    %mul3A_23 = arith.constant 624 : i32
    %mul3A_24 = arith.muli %arg1, %mul3A_23 : i32
    %mul3A_25 = arith.constant 624 : i32
    %mul3A_26 = arith.muli %arg1, %mul3A_25 : i32
    "tpu.region"() ({
      %run_scoped3A = tpu.sem_alloc : memref<!tpu.dma_semaphore, #tpu.memory_space<semaphore_mem>>
      %dma_start3A = arith.constant 0 : i32
      %dma_start3A_32 = tpu.memref_slice %arg7[%arg0, %mul3A_26, %dma_start3A] : memref<2x10000x128xf32, #tpu.memory_space<hbm>> -> memref<1x624x128xf32, #tpu.memory_space<hbm>>
      %dma_start3A_33 = tpu.memref_squeeze %dma_start3A_32 : memref<1x624x128xf32, #tpu.memory_space<hbm>> -> memref<624x128xf32, #tpu.memory_space<hbm>>
      %dma_start3A_34 = arith.constant 0 : i32
      %dma_start3A_35 = tpu.memref_slice %arg8[%mul3A_24, %dma_start3A_34] : memref<10000x128xf32, #tpu.memory_space<vmem_shared>> -> memref<624x128xf32, #tpu.memory_space<vmem_shared>>
      tpu.enqueue_dma source(%dma_start3A_35 : memref<624x128xf32, #tpu.memory_space<vmem_shared>>) target(%dma_start3A_33 : memref<624x128xf32, #tpu.memory_space<hbm>>) target_semaphore(%run_scoped3A : memref<!tpu.dma_semaphore, #tpu.memory_space<semaphore_mem>>)
      %dma_wait3A = arith.constant 0 : i32
      %dma_wait3A_36 = tpu.memref_slice %arg7[%arg0, %mul3A_26, %dma_wait3A] : memref<2x10000x128xf32, #tpu.memory_space<hbm>> -> memref<1x624x128xf32, #tpu.memory_space<hbm>>
      %dma_wait3A_37 = tpu.memref_squeeze %dma_wait3A_36 : memref<1x624x128xf32, #tpu.memory_space<hbm>> -> memref<624x128xf32, #tpu.memory_space<hbm>>
      %dma_wait3A_38 = arith.constant 0 : i32
      %dma_wait3A_39 = tpu.memref_slice %arg8[%mul3A_24, %dma_wait3A_38] : memref<10000x128xf32, #tpu.memory_space<vmem_shared>> -> memref<624x128xf32, #tpu.memory_space<vmem_shared>>
      tpu.wait_dma2 semaphore(%run_scoped3A : memref<!tpu.dma_semaphore, #tpu.memory_space<semaphore_mem>>) src(%dma_wait3A_39 : memref<624x128xf32, #tpu.memory_space<vmem_shared>>) dst(%dma_wait3A_37 : memref<624x128xf32, #tpu.memory_space<hbm>>)
      tpu.yield
    }) : () -> ()
    %eq3A_27 = arith.constant 15 : i32
    %eq3A_28 = arith.cmpi eq, %arg1, %eq3A_27 : i32
    %convert_element_type3A_29 = arith.extui %eq3A_28 : i1 to i32
    %cond3A_30 = arith.constant 0 : i32
    %cond3A_31 = arith.cmpi ne, %convert_element_type3A_29, %cond3A_30 : i32
    scf.if %cond3A_31 {
      "tpu.region"() ({
        %run_scoped3A = tpu.sem_alloc : memref<!tpu.dma_semaphore, #tpu.memory_space<semaphore_mem>>
        %dma_start3A = arith.constant 9984 : i32
        %dma_start3A_32 = arith.constant 0 : i32
        %dma_start3A_33 = tpu.memref_slice %arg7[%arg0, %dma_start3A, %dma_start3A_32] : memref<2x10000x128xf32, #tpu.memory_space<hbm>> -> memref<1x16x128xf32, #tpu.memory_space<hbm>>
        %dma_start3A_34 = tpu.memref_squeeze %dma_start3A_33 : memref<1x16x128xf32, #tpu.memory_space<hbm>> -> memref<16x128xf32, #tpu.memory_space<hbm>>
        %dma_start3A_35 = arith.constant 9984 : i32
        %dma_start3A_36 = arith.constant 0 : i32
        %dma_start3A_37 = tpu.memref_slice %arg8[%dma_start3A_35, %dma_start3A_36] : memref<10000x128xf32, #tpu.memory_space<vmem_shared>> -> memref<16x128xf32, #tpu.memory_space<vmem_shared>>
        tpu.enqueue_dma source(%dma_start3A_37 : memref<16x128xf32, #tpu.memory_space<vmem_shared>>) target(%dma_start3A_34 : memref<16x128xf32, #tpu.memory_space<hbm>>) target_semaphore(%run_scoped3A : memref<!tpu.dma_semaphore, #tpu.memory_space<semaphore_mem>>)
        %dma_wait3A = arith.constant 9984 : i32
        %dma_wait3A_38 = arith.constant 0 : i32
        %dma_wait3A_39 = tpu.memref_slice %arg7[%arg0, %dma_wait3A, %dma_wait3A_38] : memref<2x10000x128xf32, #tpu.memory_space<hbm>> -> memref<1x16x128xf32, #tpu.memory_space<hbm>>
        %dma_wait3A_40 = tpu.memref_squeeze %dma_wait3A_39 : memref<1x16x128xf32, #tpu.memory_space<hbm>> -> memref<16x128xf32, #tpu.memory_space<hbm>>
        %dma_wait3A_41 = arith.constant 9984 : i32
        %dma_wait3A_42 = arith.constant 0 : i32
        %dma_wait3A_43 = tpu.memref_slice %arg8[%dma_wait3A_41, %dma_wait3A_42] : memref<10000x128xf32, #tpu.memory_space<vmem_shared>> -> memref<16x128xf32, #tpu.memory_space<vmem_shared>>
        tpu.wait_dma2 semaphore(%run_scoped3A : memref<!tpu.dma_semaphore, #tpu.memory_space<semaphore_mem>>) src(%dma_wait3A_43 : memref<16x128xf32, #tpu.memory_space<vmem_shared>>) dst(%dma_wait3A_40 : memref<16x128xf32, #tpu.memory_space<hbm>>)
        tpu.yield
      }) : () -> ()
    } else {
    }
    return
  }
}

#map = affine_map<(d0, d1) -> (0, 0)>
#map1 = affine_map<(d0, d1) -> (0)>
#map2 = affine_map<(d0, d1) -> (0, 0, 0)>
module attributes {stable_mosaic.version = 14 : i64} {
  func.func @_sc_agg(%arg0: i32, %arg1: i32, %arg2: memref<10000x128xf32, #tpu.memory_space<hbm>>, %arg3: memref<320000xi32, #tpu.memory_space<hbm>>, %arg4: memref<320000xi32, #tpu.memory_space<hbm>>, %arg5: memref<320000xf32, #tpu.memory_space<hbm>>, %arg6: memref<10000x128xf32, #tpu.memory_space<hbm>>, %arg7: memref<2x10000x128xf32, #tpu.memory_space<hbm>>, %arg8: memref<10000x128xf32, #tpu.memory_space<vmem_shared>>, %arg9: memref<32xi32, #tpu.memory_space<vmem>>, %arg10: memref<96xi32, #tpu.memory_space<vmem>>, %arg11: memref<64xi32, #tpu.memory_space<vmem>>, %arg12: memref<64xi32, #tpu.memory_space<vmem>>, %arg13: memref<128xf32, #tpu.memory_space<vmem>>, %arg14: memref<128x128xf32, #tpu.memory_space<vmem>>, %arg15: memref<!tpu.dma_semaphore, #tpu.memory_space<semaphore_mem>>, %arg16: memref<!tpu.dma_semaphore, #tpu.memory_space<semaphore_mem>>, %arg17: memref<!tpu.dma_semaphore, #tpu.memory_space<semaphore_mem>>, %arg18: memref<!tpu.dma_semaphore, #tpu.memory_space<semaphore_mem>>, %arg19: memref<!tpu.dma_semaphore, #tpu.memory_space<semaphore_mem>>, %arg20: memref<!tpu.dma_semaphore, #tpu.memory_space<semaphore_mem>>, %arg21: memref<!tpu.dma_semaphore, #tpu.memory_space<semaphore_mem>>, %arg22: memref<!tpu.dma_semaphore, #tpu.memory_space<semaphore_mem>>, %arg23: memref<!tpu.dma_semaphore, #tpu.memory_space<semaphore_mem>>) attributes {dimension_semantics = [#tpu.dimension_semantics<core_parallel>, #tpu.dimension_semantics<subcore_parallel>], iteration_bounds = array<i64: 2, 16>, scalar_prefetch = 0 : i64, scratch_operands = 16 : i64, tpu.core_type = #tpu.core_type<sc_vector_subcore>, window_params = [{transform_indices = #map}, {transform_indices = #map1}, {transform_indices = #map1}, {transform_indices = #map1}, {transform_indices = #map}, {transform_indices = #map2}]} {
    %mul3A = arith.constant 2 : i32
    %mul3A_0 = arith.muli %arg1, %mul3A : i32
    %add3A = arith.addi %mul3A_0, %arg0 : i32
    %mul3A_1 = arith.constant 624 : i32
    %mul3A_2 = arith.muli %arg1, %mul3A_1 : i32
    %mul3A_3 = arith.constant 624 : i32
    %mul3A_4 = arith.muli %arg1, %mul3A_3 : i32
    "tpu.region"() ({
      %run_scoped3A = tpu.sem_alloc : memref<!tpu.dma_semaphore, #tpu.memory_space<semaphore_mem>>
      %dma_start3A = arith.constant 0 : i32
      %dma_start3A_32 = tpu.memref_slice %arg8[%mul3A_4, %dma_start3A] : memref<10000x128xf32, #tpu.memory_space<vmem_shared>> -> memref<624x128xf32, #tpu.memory_space<vmem_shared>>
      %dma_start3A_33 = arith.constant 0 : i32
      %dma_start3A_34 = tpu.memref_slice %arg6[%mul3A_2, %dma_start3A_33] : memref<10000x128xf32, #tpu.memory_space<hbm>> -> memref<624x128xf32, #tpu.memory_space<hbm>>
      tpu.enqueue_dma source(%dma_start3A_34 : memref<624x128xf32, #tpu.memory_space<hbm>>) target(%dma_start3A_32 : memref<624x128xf32, #tpu.memory_space<vmem_shared>>) target_semaphore(%run_scoped3A : memref<!tpu.dma_semaphore, #tpu.memory_space<semaphore_mem>>)
      %dma_wait3A = arith.constant 0 : i32
      %dma_wait3A_35 = tpu.memref_slice %arg8[%mul3A_4, %dma_wait3A] : memref<10000x128xf32, #tpu.memory_space<vmem_shared>> -> memref<624x128xf32, #tpu.memory_space<vmem_shared>>
      %dma_wait3A_36 = arith.constant 0 : i32
      %dma_wait3A_37 = tpu.memref_slice %arg6[%mul3A_2, %dma_wait3A_36] : memref<10000x128xf32, #tpu.memory_space<hbm>> -> memref<624x128xf32, #tpu.memory_space<hbm>>
      tpu.wait_dma2 semaphore(%run_scoped3A : memref<!tpu.dma_semaphore, #tpu.memory_space<semaphore_mem>>) src(%dma_wait3A_37 : memref<624x128xf32, #tpu.memory_space<hbm>>) dst(%dma_wait3A_35 : memref<624x128xf32, #tpu.memory_space<vmem_shared>>)
      tpu.yield
    }) : () -> ()
    %eq3A = arith.constant 15 : i32
    %eq3A_5 = arith.cmpi eq, %arg1, %eq3A : i32
    %convert_element_type3A = arith.extui %eq3A_5 : i1 to i32
    %cond3A = arith.constant 0 : i32
    %cond3A_6 = arith.cmpi ne, %convert_element_type3A, %cond3A : i32
    scf.if %cond3A_6 {
      "tpu.region"() ({
        %run_scoped3A = tpu.sem_alloc : memref<!tpu.dma_semaphore, #tpu.memory_space<semaphore_mem>>
        %dma_start3A = arith.constant 9984 : i32
        %dma_start3A_32 = arith.constant 0 : i32
        %dma_start3A_33 = tpu.memref_slice %arg8[%dma_start3A, %dma_start3A_32] : memref<10000x128xf32, #tpu.memory_space<vmem_shared>> -> memref<16x128xf32, #tpu.memory_space<vmem_shared>>
        %dma_start3A_34 = arith.constant 9984 : i32
        %dma_start3A_35 = arith.constant 0 : i32
        %dma_start3A_36 = tpu.memref_slice %arg6[%dma_start3A_34, %dma_start3A_35] : memref<10000x128xf32, #tpu.memory_space<hbm>> -> memref<16x128xf32, #tpu.memory_space<hbm>>
        tpu.enqueue_dma source(%dma_start3A_36 : memref<16x128xf32, #tpu.memory_space<hbm>>) target(%dma_start3A_33 : memref<16x128xf32, #tpu.memory_space<vmem_shared>>) target_semaphore(%run_scoped3A : memref<!tpu.dma_semaphore, #tpu.memory_space<semaphore_mem>>)
        %dma_wait3A = arith.constant 9984 : i32
        %dma_wait3A_37 = arith.constant 0 : i32
        %dma_wait3A_38 = tpu.memref_slice %arg8[%dma_wait3A, %dma_wait3A_37] : memref<10000x128xf32, #tpu.memory_space<vmem_shared>> -> memref<16x128xf32, #tpu.memory_space<vmem_shared>>
        %dma_wait3A_39 = arith.constant 9984 : i32
        %dma_wait3A_40 = arith.constant 0 : i32
        %dma_wait3A_41 = tpu.memref_slice %arg6[%dma_wait3A_39, %dma_wait3A_40] : memref<10000x128xf32, #tpu.memory_space<hbm>> -> memref<16x128xf32, #tpu.memory_space<hbm>>
        tpu.wait_dma2 semaphore(%run_scoped3A : memref<!tpu.dma_semaphore, #tpu.memory_space<semaphore_mem>>) src(%dma_wait3A_41 : memref<16x128xf32, #tpu.memory_space<hbm>>) dst(%dma_wait3A_38 : memref<16x128xf32, #tpu.memory_space<vmem_shared>>)
        tpu.yield
      }) : () -> ()
    } else {
    }
    %barrier3A = arith.constant 0 : index
    tpu.barrier barrier_id(%barrier3A)
    %lt3A = arith.constant 4 : i32
    %lt3A_7 = arith.cmpi slt, %add3A, %lt3A : i32
    %jit3A = arith.constant 79 : i32
    %jit3A_8 = arith.constant 78 : i32
    %select_n3A = arith.select %lt3A_7, %jit3A, %jit3A_8 : i32
    %mul3A_9 = arith.constant 78 : i32
    %mul3A_10 = arith.muli %add3A, %mul3A_9 : i32
    %min3A = arith.constant 4 : i32
    %min3A_11 = arith.minsi %add3A, %min3A : i32
    %add3A_12 = arith.addi %mul3A_10, %min3A_11 : i32
    %while3A = arith.constant 0 : i32
    %while3A_13 = arith.constant 0 : i32
    %while3A_14 = arith.subi %select_n3A, %while3A_13 : i32
    %while3A_15 = arith.addi %while3A_13, %while3A_14 : i32
    %while3A_16 = arith.constant 1 : i32
    %while3A_17 = arith.divsi %while3A_14, %while3A_16 : i32
    %while3A_18 = arith.muli %while3A_17, %while3A_16 : i32
    %while3A_19 = arith.addi %while3A_13, %while3A_18 : i32
    %while3A_20 = arith.constant 1 : i32
    scf.for %while3A_32 = %while3A_13 to %while3A_19 step %while3A_20  : i32 {
      %add3A_33 = arith.addi %add3A_12, %while3A_32 : i32
      %mul3A_34 = arith.constant 128 : i32
      %mul3A_35 = arith.muli %add3A_33, %mul3A_34 : i32
      %dma_start3A = tpu.memref_slice %arg3[%mul3A_35] : memref<320000xi32, #tpu.memory_space<hbm>> -> memref<32xi32, #tpu.memory_space<hbm>>
      %dma_start3A_36 = tpu.memref_slice %arg3[%mul3A_35] : memref<320000xi32, #tpu.memory_space<hbm>> -> memref<32xi32, #tpu.memory_space<hbm>>
      tpu.enqueue_dma source(%dma_start3A_36 : memref<32xi32, #tpu.memory_space<hbm>>) target(%arg9 : memref<32xi32, #tpu.memory_space<vmem>>) target_semaphore(%arg15 : memref<!tpu.dma_semaphore, #tpu.memory_space<semaphore_mem>>)
      %add3A_37 = arith.constant 32 : i32
      %add3A_38 = arith.addi %mul3A_35, %add3A_37 : i32
      %dma_start3A_39 = tpu.memref_slice %arg3[%add3A_38] : memref<320000xi32, #tpu.memory_space<hbm>> -> memref<96xi32, #tpu.memory_space<hbm>>
      %dma_start3A_40 = tpu.memref_slice %arg3[%add3A_38] : memref<320000xi32, #tpu.memory_space<hbm>> -> memref<96xi32, #tpu.memory_space<hbm>>
      tpu.enqueue_dma source(%dma_start3A_40 : memref<96xi32, #tpu.memory_space<hbm>>) target(%arg10 : memref<96xi32, #tpu.memory_space<vmem>>) target_semaphore(%arg16 : memref<!tpu.dma_semaphore, #tpu.memory_space<semaphore_mem>>)
      %dma_start3A_41 = tpu.memref_slice %arg4[%mul3A_35] : memref<320000xi32, #tpu.memory_space<hbm>> -> memref<64xi32, #tpu.memory_space<hbm>>
      %dma_start3A_42 = tpu.memref_slice %arg4[%mul3A_35] : memref<320000xi32, #tpu.memory_space<hbm>> -> memref<64xi32, #tpu.memory_space<hbm>>
      tpu.enqueue_dma source(%dma_start3A_42 : memref<64xi32, #tpu.memory_space<hbm>>) target(%arg11 : memref<64xi32, #tpu.memory_space<vmem>>) target_semaphore(%arg17 : memref<!tpu.dma_semaphore, #tpu.memory_space<semaphore_mem>>)
      %add3A_43 = arith.constant 64 : i32
      %add3A_44 = arith.addi %mul3A_35, %add3A_43 : i32
      %dma_start3A_45 = tpu.memref_slice %arg4[%add3A_44] : memref<320000xi32, #tpu.memory_space<hbm>> -> memref<64xi32, #tpu.memory_space<hbm>>
      %dma_start3A_46 = tpu.memref_slice %arg4[%add3A_44] : memref<320000xi32, #tpu.memory_space<hbm>> -> memref<64xi32, #tpu.memory_space<hbm>>
      tpu.enqueue_dma source(%dma_start3A_46 : memref<64xi32, #tpu.memory_space<hbm>>) target(%arg12 : memref<64xi32, #tpu.memory_space<vmem>>) target_semaphore(%arg18 : memref<!tpu.dma_semaphore, #tpu.memory_space<semaphore_mem>>)
      %dma_start3A_47 = tpu.memref_slice %arg5[%mul3A_35] : memref<320000xf32, #tpu.memory_space<hbm>> -> memref<128xf32, #tpu.memory_space<hbm>>
      %dma_start3A_48 = tpu.memref_slice %arg5[%mul3A_35] : memref<320000xf32, #tpu.memory_space<hbm>> -> memref<128xf32, #tpu.memory_space<hbm>>
      tpu.enqueue_dma source(%dma_start3A_48 : memref<128xf32, #tpu.memory_space<hbm>>) target(%arg13 : memref<128xf32, #tpu.memory_space<vmem>>) target_semaphore(%arg19 : memref<!tpu.dma_semaphore, #tpu.memory_space<semaphore_mem>>)
      %dma_wait3A = tpu.memref_slice %arg3[%mul3A_35] : memref<320000xi32, #tpu.memory_space<hbm>> -> memref<32xi32, #tpu.memory_space<hbm>>
      %dma_wait3A_49 = tpu.memref_slice %arg3[%mul3A_35] : memref<320000xi32, #tpu.memory_space<hbm>> -> memref<32xi32, #tpu.memory_space<hbm>>
      tpu.wait_dma2 semaphore(%arg15 : memref<!tpu.dma_semaphore, #tpu.memory_space<semaphore_mem>>) src(%dma_wait3A_49 : memref<32xi32, #tpu.memory_space<hbm>>) dst(%arg9 : memref<32xi32, #tpu.memory_space<vmem>>)
      %dma_start3A_50 = arith.constant 0 : i32
      %dma_start3A_51 = arith.constant 0 : i32
      %dma_start3A_52 = tpu.memref_slice %arg14[%dma_start3A_50, %dma_start3A_51] : memref<128x128xf32, #tpu.memory_space<vmem>> -> memref<32x128xf32, #tpu.memory_space<vmem>>
      %dma_start3A_53 = arith.constant 0 : i32
      %dma_start3A_54 = arith.constant 0 : i32
      %dma_start3A_55 = tpu.memref_slice %arg2[%dma_start3A_53, %dma_start3A_54] : memref<10000x128xf32, #tpu.memory_space<hbm>> -> memref<10000x128xf32, #tpu.memory_space<hbm>>
      tpu.enqueue_indirect_dma source(%dma_start3A_55 : memref<10000x128xf32, #tpu.memory_space<hbm>>) target(%dma_start3A_52 : memref<32x128xf32, #tpu.memory_space<vmem>>) offsets(%arg9 : memref<32xi32, #tpu.memory_space<vmem>>) semaphore(%arg20 : memref<!tpu.dma_semaphore, #tpu.memory_space<semaphore_mem>>)
      %dma_wait3A_56 = tpu.memref_slice %arg3[%add3A_38] : memref<320000xi32, #tpu.memory_space<hbm>> -> memref<96xi32, #tpu.memory_space<hbm>>
      %dma_wait3A_57 = tpu.memref_slice %arg3[%add3A_38] : memref<320000xi32, #tpu.memory_space<hbm>> -> memref<96xi32, #tpu.memory_space<hbm>>
      tpu.wait_dma2 semaphore(%arg16 : memref<!tpu.dma_semaphore, #tpu.memory_space<semaphore_mem>>) src(%dma_wait3A_57 : memref<96xi32, #tpu.memory_space<hbm>>) dst(%arg10 : memref<96xi32, #tpu.memory_space<vmem>>)
      %dma_start3A_58 = arith.constant 32 : i32
      %dma_start3A_59 = arith.constant 0 : i32
      %dma_start3A_60 = tpu.memref_slice %arg14[%dma_start3A_58, %dma_start3A_59] : memref<128x128xf32, #tpu.memory_space<vmem>> -> memref<96x128xf32, #tpu.memory_space<vmem>>
      %dma_start3A_61 = arith.constant 0 : i32
      %dma_start3A_62 = arith.constant 0 : i32
      %dma_start3A_63 = tpu.memref_slice %arg2[%dma_start3A_61, %dma_start3A_62] : memref<10000x128xf32, #tpu.memory_space<hbm>> -> memref<10000x128xf32, #tpu.memory_space<hbm>>
      tpu.enqueue_indirect_dma source(%dma_start3A_63 : memref<10000x128xf32, #tpu.memory_space<hbm>>) target(%dma_start3A_60 : memref<96x128xf32, #tpu.memory_space<vmem>>) offsets(%arg10 : memref<96xi32, #tpu.memory_space<vmem>>) semaphore(%arg21 : memref<!tpu.dma_semaphore, #tpu.memory_space<semaphore_mem>>)
      %dma_wait3A_64 = tpu.memref_slice %arg5[%mul3A_35] : memref<320000xf32, #tpu.memory_space<hbm>> -> memref<128xf32, #tpu.memory_space<hbm>>
      %dma_wait3A_65 = tpu.memref_slice %arg5[%mul3A_35] : memref<320000xf32, #tpu.memory_space<hbm>> -> memref<128xf32, #tpu.memory_space<hbm>>
      tpu.wait_dma2 semaphore(%arg19 : memref<!tpu.dma_semaphore, #tpu.memory_space<semaphore_mem>>) src(%dma_wait3A_65 : memref<128xf32, #tpu.memory_space<hbm>>) dst(%arg13 : memref<128xf32, #tpu.memory_space<vmem>>)
      %dma_wait3A_66 = arith.constant 0 : i32
      %dma_wait3A_67 = arith.constant 0 : i32
      %dma_wait3A_68 = tpu.memref_slice %arg14[%dma_wait3A_66, %dma_wait3A_67] : memref<128x128xf32, #tpu.memory_space<vmem>> -> memref<32x128xf32, #tpu.memory_space<vmem>>
      %dma_wait3A_69 = arith.constant 0 : i32
      %dma_wait3A_70 = arith.constant 0 : i32
      %dma_wait3A_71 = tpu.memref_slice %arg2[%dma_wait3A_69, %dma_wait3A_70] : memref<10000x128xf32, #tpu.memory_space<hbm>> -> memref<10000x128xf32, #tpu.memory_space<hbm>>
      tpu.wait_indirect_dma semaphore(%arg20 : memref<!tpu.dma_semaphore, #tpu.memory_space<semaphore_mem>>) src(%dma_wait3A_71 : memref<10000x128xf32, #tpu.memory_space<hbm>>) dst(%dma_wait3A_68 : memref<32x128xf32, #tpu.memory_space<vmem>>)
      %scan3A = arith.constant 0 : i32
      %scan3A_72 = arith.constant 0 : i32
      %scan3A_73 = arith.constant 32 : i32
      %scan3A_74 = arith.addi %scan3A_72, %scan3A_73 : i32
      %scan3A_75 = arith.constant 4 : i32
      scf.for %scan3A_123 = %scan3A_72 to %scan3A_74 step %scan3A_75  : i32 {
        %broadcast_in_dim3A = vector.broadcast %scan3A_123 : i32 to vector<16xi32>
        %gather3A = tpu.vector_load_idx %arg13[%broadcast_in_dim3A] : memref<128xf32, #tpu.memory_space<vmem>>[vector<16xi32>], vector<16xf32>,
        %get3A = arith.index_cast %scan3A_123 : i32 to index
        %get3A_124 = arith.constant 0 : index
        %get3A_125 = tpu.vector_load %arg14[%get3A, %get3A_124] {strides = array<i32>} : memref<128x128xf32, #tpu.memory_space<vmem>>, vector<16xf32>,
        %mul3A_126 = arith.mulf %get3A_125, %gather3A : vector<16xf32>
        %swap3A = arith.index_cast %scan3A_123 : i32 to index
        %swap3A_127 = arith.constant 0 : index
        %swap3A_128 = tpu.vector_load %arg14[%swap3A, %swap3A_127] {strides = array<i32>} : memref<128x128xf32, #tpu.memory_space<vmem>>, vector<16xf32>,
        tpu.vector_store %arg14[%swap3A, %swap3A_127], %mul3A_126 {strides = array<i32>} : memref<128x128xf32, #tpu.memory_space<vmem>>, vector<16xf32>,
        %get3A_129 = arith.index_cast %scan3A_123 : i32 to index
        %get3A_130 = arith.constant 16 : index
        %get3A_131 = tpu.vector_load %arg14[%get3A_129, %get3A_130] {strides = array<i32>} : memref<128x128xf32, #tpu.memory_space<vmem>>, vector<16xf32>,
        %mul3A_132 = arith.mulf %get3A_131, %gather3A : vector<16xf32>
        %swap3A_133 = arith.index_cast %scan3A_123 : i32 to index
        %swap3A_134 = arith.constant 16 : index
        %swap3A_135 = tpu.vector_load %arg14[%swap3A_133, %swap3A_134] {strides = array<i32>} : memref<128x128xf32, #tpu.memory_space<vmem>>, vector<16xf32>,
        tpu.vector_store %arg14[%swap3A_133, %swap3A_134], %mul3A_132 {strides = array<i32>} : memref<128x128xf32, #tpu.memory_space<vmem>>, vector<16xf32>,
        %get3A_136 = arith.index_cast %scan3A_123 : i32 to index
        %get3A_137 = arith.constant 32 : index
        %get3A_138 = tpu.vector_load %arg14[%get3A_136, %get3A_137] {strides = array<i32>} : memref<128x128xf32, #tpu.memory_space<vmem>>, vector<16xf32>,
        %mul3A_139 = arith.mulf %get3A_138, %gather3A : vector<16xf32>
        %swap3A_140 = arith.index_cast %scan3A_123 : i32 to index
        %swap3A_141 = arith.constant 32 : index
        %swap3A_142 = tpu.vector_load %arg14[%swap3A_140, %swap3A_141] {strides = array<i32>} : memref<128x128xf32, #tpu.memory_space<vmem>>, vector<16xf32>,
        tpu.vector_store %arg14[%swap3A_140, %swap3A_141], %mul3A_139 {strides = array<i32>} : memref<128x128xf32, #tpu.memory_space<vmem>>, vector<16xf32>,
        %get3A_143 = arith.index_cast %scan3A_123 : i32 to index
        %get3A_144 = arith.constant 48 : index
        %get3A_145 = tpu.vector_load %arg14[%get3A_143, %get3A_144] {strides = array<i32>} : memref<128x128xf32, #tpu.memory_space<vmem>>, vector<16xf32>,
        %mul3A_146 = arith.mulf %get3A_145, %gather3A : vector<16xf32>
        %swap3A_147 = arith.index_cast %scan3A_123 : i32 to index
        %swap3A_148 = arith.constant 48 : index
        %swap3A_149 = tpu.vector_load %arg14[%swap3A_147, %swap3A_148] {strides = array<i32>} : memref<128x128xf32, #tpu.memory_space<vmem>>, vector<16xf32>,
        tpu.vector_store %arg14[%swap3A_147, %swap3A_148], %mul3A_146 {strides = array<i32>} : memref<128x128xf32, #tpu.memory_space<vmem>>, vector<16xf32>,
        %get3A_150 = arith.index_cast %scan3A_123 : i32 to index
        %get3A_151 = arith.constant 64 : index
        %get3A_152 = tpu.vector_load %arg14[%get3A_150, %get3A_151] {strides = array<i32>} : memref<128x128xf32, #tpu.memory_space<vmem>>, vector<16xf32>,
        %mul3A_153 = arith.mulf %get3A_152, %gather3A : vector<16xf32>
        %swap3A_154 = arith.index_cast %scan3A_123 : i32 to index
        %swap3A_155 = arith.constant 64 : index
        %swap3A_156 = tpu.vector_load %arg14[%swap3A_154, %swap3A_155] {strides = array<i32>} : memref<128x128xf32, #tpu.memory_space<vmem>>, vector<16xf32>,
        tpu.vector_store %arg14[%swap3A_154, %swap3A_155], %mul3A_153 {strides = array<i32>} : memref<128x128xf32, #tpu.memory_space<vmem>>, vector<16xf32>,
        %get3A_157 = arith.index_cast %scan3A_123 : i32 to index
        %get3A_158 = arith.constant 80 : index
        %get3A_159 = tpu.vector_load %arg14[%get3A_157, %get3A_158] {strides = array<i32>} : memref<128x128xf32, #tpu.memory_space<vmem>>, vector<16xf32>,
        %mul3A_160 = arith.mulf %get3A_159, %gather3A : vector<16xf32>
        %swap3A_161 = arith.index_cast %scan3A_123 : i32 to index
        %swap3A_162 = arith.constant 80 : index
        %swap3A_163 = tpu.vector_load %arg14[%swap3A_161, %swap3A_162] {strides = array<i32>} : memref<128x128xf32, #tpu.memory_space<vmem>>, vector<16xf32>,
        tpu.vector_store %arg14[%swap3A_161, %swap3A_162], %mul3A_160 {strides = array<i32>} : memref<128x128xf32, #tpu.memory_space<vmem>>, vector<16xf32>,
        %get3A_164 = arith.index_cast %scan3A_123 : i32 to index
        %get3A_165 = arith.constant 96 : index
        %get3A_166 = tpu.vector_load %arg14[%get3A_164, %get3A_165] {strides = array<i32>} : memref<128x128xf32, #tpu.memory_space<vmem>>, vector<16xf32>,
        %mul3A_167 = arith.mulf %get3A_166, %gather3A : vector<16xf32>
        %swap3A_168 = arith.index_cast %scan3A_123 : i32 to index
        %swap3A_169 = arith.constant 96 : index
        %swap3A_170 = tpu.vector_load %arg14[%swap3A_168, %swap3A_169] {strides = array<i32>} : memref<128x128xf32, #tpu.memory_space<vmem>>, vector<16xf32>,
        tpu.vector_store %arg14[%swap3A_168, %swap3A_169], %mul3A_167 {strides = array<i32>} : memref<128x128xf32, #tpu.memory_space<vmem>>, vector<16xf32>,
        %get3A_171 = arith.index_cast %scan3A_123 : i32 to index
        %get3A_172 = arith.constant 112 : index
        %get3A_173 = tpu.vector_load %arg14[%get3A_171, %get3A_172] {strides = array<i32>} : memref<128x128xf32, #tpu.memory_space<vmem>>, vector<16xf32>,
        %mul3A_174 = arith.mulf %get3A_173, %gather3A : vector<16xf32>
        %swap3A_175 = arith.index_cast %scan3A_123 : i32 to index
        %swap3A_176 = arith.constant 112 : index
        %swap3A_177 = tpu.vector_load %arg14[%swap3A_175, %swap3A_176] {strides = array<i32>} : memref<128x128xf32, #tpu.memory_space<vmem>>, vector<16xf32>,
        tpu.vector_store %arg14[%swap3A_175, %swap3A_176], %mul3A_174 {strides = array<i32>} : memref<128x128xf32, #tpu.memory_space<vmem>>, vector<16xf32>,
        %scan3A_178 = arith.constant 1 : i32
        %scan3A_179 = arith.addi %scan3A_123, %scan3A_178 : i32
        %broadcast_in_dim3A_180 = vector.broadcast %scan3A_179 : i32 to vector<16xi32>
        %gather3A_181 = tpu.vector_load_idx %arg13[%broadcast_in_dim3A_180] : memref<128xf32, #tpu.memory_space<vmem>>[vector<16xi32>], vector<16xf32>,
        %get3A_182 = arith.index_cast %scan3A_179 : i32 to index
        %get3A_183 = arith.constant 0 : index
        %get3A_184 = tpu.vector_load %arg14[%get3A_182, %get3A_183] {strides = array<i32>} : memref<128x128xf32, #tpu.memory_space<vmem>>, vector<16xf32>,
        %mul3A_185 = arith.mulf %get3A_184, %gather3A_181 : vector<16xf32>
        %swap3A_186 = arith.index_cast %scan3A_179 : i32 to index
        %swap3A_187 = arith.constant 0 : index
        %swap3A_188 = tpu.vector_load %arg14[%swap3A_186, %swap3A_187] {strides = array<i32>} : memref<128x128xf32, #tpu.memory_space<vmem>>, vector<16xf32>,
        tpu.vector_store %arg14[%swap3A_186, %swap3A_187], %mul3A_185 {strides = array<i32>} : memref<128x128xf32, #tpu.memory_space<vmem>>, vector<16xf32>,
        %get3A_189 = arith.index_cast %scan3A_179 : i32 to index
        %get3A_190 = arith.constant 16 : index
        %get3A_191 = tpu.vector_load %arg14[%get3A_189, %get3A_190] {strides = array<i32>} : memref<128x128xf32, #tpu.memory_space<vmem>>, vector<16xf32>,
        %mul3A_192 = arith.mulf %get3A_191, %gather3A_181 : vector<16xf32>
        %swap3A_193 = arith.index_cast %scan3A_179 : i32 to index
        %swap3A_194 = arith.constant 16 : index
        %swap3A_195 = tpu.vector_load %arg14[%swap3A_193, %swap3A_194] {strides = array<i32>} : memref<128x128xf32, #tpu.memory_space<vmem>>, vector<16xf32>,
        tpu.vector_store %arg14[%swap3A_193, %swap3A_194], %mul3A_192 {strides = array<i32>} : memref<128x128xf32, #tpu.memory_space<vmem>>, vector<16xf32>,
        %get3A_196 = arith.index_cast %scan3A_179 : i32 to index
        %get3A_197 = arith.constant 32 : index
        %get3A_198 = tpu.vector_load %arg14[%get3A_196, %get3A_197] {strides = array<i32>} : memref<128x128xf32, #tpu.memory_space<vmem>>, vector<16xf32>,
        %mul3A_199 = arith.mulf %get3A_198, %gather3A_181 : vector<16xf32>
        %swap3A_200 = arith.index_cast %scan3A_179 : i32 to index
        %swap3A_201 = arith.constant 32 : index
        %swap3A_202 = tpu.vector_load %arg14[%swap3A_200, %swap3A_201] {strides = array<i32>} : memref<128x128xf32, #tpu.memory_space<vmem>>, vector<16xf32>,
        tpu.vector_store %arg14[%swap3A_200, %swap3A_201], %mul3A_199 {strides = array<i32>} : memref<128x128xf32, #tpu.memory_space<vmem>>, vector<16xf32>,
        %get3A_203 = arith.index_cast %scan3A_179 : i32 to index
        %get3A_204 = arith.constant 48 : index
        %get3A_205 = tpu.vector_load %arg14[%get3A_203, %get3A_204] {strides = array<i32>} : memref<128x128xf32, #tpu.memory_space<vmem>>, vector<16xf32>,
        %mul3A_206 = arith.mulf %get3A_205, %gather3A_181 : vector<16xf32>
        %swap3A_207 = arith.index_cast %scan3A_179 : i32 to index
        %swap3A_208 = arith.constant 48 : index
        %swap3A_209 = tpu.vector_load %arg14[%swap3A_207, %swap3A_208] {strides = array<i32>} : memref<128x128xf32, #tpu.memory_space<vmem>>, vector<16xf32>,
        tpu.vector_store %arg14[%swap3A_207, %swap3A_208], %mul3A_206 {strides = array<i32>} : memref<128x128xf32, #tpu.memory_space<vmem>>, vector<16xf32>,
        %get3A_210 = arith.index_cast %scan3A_179 : i32 to index
        %get3A_211 = arith.constant 64 : index
        %get3A_212 = tpu.vector_load %arg14[%get3A_210, %get3A_211] {strides = array<i32>} : memref<128x128xf32, #tpu.memory_space<vmem>>, vector<16xf32>,
        %mul3A_213 = arith.mulf %get3A_212, %gather3A_181 : vector<16xf32>
        %swap3A_214 = arith.index_cast %scan3A_179 : i32 to index
        %swap3A_215 = arith.constant 64 : index
        %swap3A_216 = tpu.vector_load %arg14[%swap3A_214, %swap3A_215] {strides = array<i32>} : memref<128x128xf32, #tpu.memory_space<vmem>>, vector<16xf32>,
        tpu.vector_store %arg14[%swap3A_214, %swap3A_215], %mul3A_213 {strides = array<i32>} : memref<128x128xf32, #tpu.memory_space<vmem>>, vector<16xf32>,
        %get3A_217 = arith.index_cast %scan3A_179 : i32 to index
        %get3A_218 = arith.constant 80 : index
        %get3A_219 = tpu.vector_load %arg14[%get3A_217, %get3A_218] {strides = array<i32>} : memref<128x128xf32, #tpu.memory_space<vmem>>, vector<16xf32>,
        %mul3A_220 = arith.mulf %get3A_219, %gather3A_181 : vector<16xf32>
        %swap3A_221 = arith.index_cast %scan3A_179 : i32 to index
        %swap3A_222 = arith.constant 80 : index
        %swap3A_223 = tpu.vector_load %arg14[%swap3A_221, %swap3A_222] {strides = array<i32>} : memref<128x128xf32, #tpu.memory_space<vmem>>, vector<16xf32>,
        tpu.vector_store %arg14[%swap3A_221, %swap3A_222], %mul3A_220 {strides = array<i32>} : memref<128x128xf32, #tpu.memory_space<vmem>>, vector<16xf32>,
        %get3A_224 = arith.index_cast %scan3A_179 : i32 to index
        %get3A_225 = arith.constant 96 : index
        %get3A_226 = tpu.vector_load %arg14[%get3A_224, %get3A_225] {strides = array<i32>} : memref<128x128xf32, #tpu.memory_space<vmem>>, vector<16xf32>,
        %mul3A_227 = arith.mulf %get3A_226, %gather3A_181 : vector<16xf32>
        %swap3A_228 = arith.index_cast %scan3A_179 : i32 to index
        %swap3A_229 = arith.constant 96 : index
        %swap3A_230 = tpu.vector_load %arg14[%swap3A_228, %swap3A_229] {strides = array<i32>} : memref<128x128xf32, #tpu.memory_space<vmem>>, vector<16xf32>,
        tpu.vector_store %arg14[%swap3A_228, %swap3A_229], %mul3A_227 {strides = array<i32>} : memref<128x128xf32, #tpu.memory_space<vmem>>, vector<16xf32>,
        %get3A_231 = arith.index_cast %scan3A_179 : i32 to index
        %get3A_232 = arith.constant 112 : index
        %get3A_233 = tpu.vector_load %arg14[%get3A_231, %get3A_232] {strides = array<i32>} : memref<128x128xf32, #tpu.memory_space<vmem>>, vector<16xf32>,
        %mul3A_234 = arith.mulf %get3A_233, %gather3A_181 : vector<16xf32>
        %swap3A_235 = arith.index_cast %scan3A_179 : i32 to index
        %swap3A_236 = arith.constant 112 : index
        %swap3A_237 = tpu.vector_load %arg14[%swap3A_235, %swap3A_236] {strides = array<i32>} : memref<128x128xf32, #tpu.memory_space<vmem>>, vector<16xf32>,
        tpu.vector_store %arg14[%swap3A_235, %swap3A_236], %mul3A_234 {strides = array<i32>} : memref<128x128xf32, #tpu.memory_space<vmem>>, vector<16xf32>,
        %scan3A_238 = arith.constant 2 : i32
        %scan3A_239 = arith.addi %scan3A_123, %scan3A_238 : i32
        %broadcast_in_dim3A_240 = vector.broadcast %scan3A_239 : i32 to vector<16xi32>
        %gather3A_241 = tpu.vector_load_idx %arg13[%broadcast_in_dim3A_240] : memref<128xf32, #tpu.memory_space<vmem>>[vector<16xi32>], vector<16xf32>,
        %get3A_242 = arith.index_cast %scan3A_239 : i32 to index
        %get3A_243 = arith.constant 0 : index
        %get3A_244 = tpu.vector_load %arg14[%get3A_242, %get3A_243] {strides = array<i32>} : memref<128x128xf32, #tpu.memory_space<vmem>>, vector<16xf32>,
        %mul3A_245 = arith.mulf %get3A_244, %gather3A_241 : vector<16xf32>
        %swap3A_246 = arith.index_cast %scan3A_239 : i32 to index
        %swap3A_247 = arith.constant 0 : index
        %swap3A_248 = tpu.vector_load %arg14[%swap3A_246, %swap3A_247] {strides = array<i32>} : memref<128x128xf32, #tpu.memory_space<vmem>>, vector<16xf32>,
        tpu.vector_store %arg14[%swap3A_246, %swap3A_247], %mul3A_245 {strides = array<i32>} : memref<128x128xf32, #tpu.memory_space<vmem>>, vector<16xf32>,
        %get3A_249 = arith.index_cast %scan3A_239 : i32 to index
        %get3A_250 = arith.constant 16 : index
        %get3A_251 = tpu.vector_load %arg14[%get3A_249, %get3A_250] {strides = array<i32>} : memref<128x128xf32, #tpu.memory_space<vmem>>, vector<16xf32>,
        %mul3A_252 = arith.mulf %get3A_251, %gather3A_241 : vector<16xf32>
        %swap3A_253 = arith.index_cast %scan3A_239 : i32 to index
        %swap3A_254 = arith.constant 16 : index
        %swap3A_255 = tpu.vector_load %arg14[%swap3A_253, %swap3A_254] {strides = array<i32>} : memref<128x128xf32, #tpu.memory_space<vmem>>, vector<16xf32>,
        tpu.vector_store %arg14[%swap3A_253, %swap3A_254], %mul3A_252 {strides = array<i32>} : memref<128x128xf32, #tpu.memory_space<vmem>>, vector<16xf32>,
        %get3A_256 = arith.index_cast %scan3A_239 : i32 to index
        %get3A_257 = arith.constant 32 : index
        %get3A_258 = tpu.vector_load %arg14[%get3A_256, %get3A_257] {strides = array<i32>} : memref<128x128xf32, #tpu.memory_space<vmem>>, vector<16xf32>,
        %mul3A_259 = arith.mulf %get3A_258, %gather3A_241 : vector<16xf32>
        %swap3A_260 = arith.index_cast %scan3A_239 : i32 to index
        %swap3A_261 = arith.constant 32 : index
        %swap3A_262 = tpu.vector_load %arg14[%swap3A_260, %swap3A_261] {strides = array<i32>} : memref<128x128xf32, #tpu.memory_space<vmem>>, vector<16xf32>,
        tpu.vector_store %arg14[%swap3A_260, %swap3A_261], %mul3A_259 {strides = array<i32>} : memref<128x128xf32, #tpu.memory_space<vmem>>, vector<16xf32>,
        %get3A_263 = arith.index_cast %scan3A_239 : i32 to index
        %get3A_264 = arith.constant 48 : index
        %get3A_265 = tpu.vector_load %arg14[%get3A_263, %get3A_264] {strides = array<i32>} : memref<128x128xf32, #tpu.memory_space<vmem>>, vector<16xf32>,
        %mul3A_266 = arith.mulf %get3A_265, %gather3A_241 : vector<16xf32>
        %swap3A_267 = arith.index_cast %scan3A_239 : i32 to index
        %swap3A_268 = arith.constant 48 : index
        %swap3A_269 = tpu.vector_load %arg14[%swap3A_267, %swap3A_268] {strides = array<i32>} : memref<128x128xf32, #tpu.memory_space<vmem>>, vector<16xf32>,
        tpu.vector_store %arg14[%swap3A_267, %swap3A_268], %mul3A_266 {strides = array<i32>} : memref<128x128xf32, #tpu.memory_space<vmem>>, vector<16xf32>,
        %get3A_270 = arith.index_cast %scan3A_239 : i32 to index
        %get3A_271 = arith.constant 64 : index
        %get3A_272 = tpu.vector_load %arg14[%get3A_270, %get3A_271] {strides = array<i32>} : memref<128x128xf32, #tpu.memory_space<vmem>>, vector<16xf32>,
        %mul3A_273 = arith.mulf %get3A_272, %gather3A_241 : vector<16xf32>
        %swap3A_274 = arith.index_cast %scan3A_239 : i32 to index
        %swap3A_275 = arith.constant 64 : index
        %swap3A_276 = tpu.vector_load %arg14[%swap3A_274, %swap3A_275] {strides = array<i32>} : memref<128x128xf32, #tpu.memory_space<vmem>>, vector<16xf32>,
        tpu.vector_store %arg14[%swap3A_274, %swap3A_275], %mul3A_273 {strides = array<i32>} : memref<128x128xf32, #tpu.memory_space<vmem>>, vector<16xf32>,
        %get3A_277 = arith.index_cast %scan3A_239 : i32 to index
        %get3A_278 = arith.constant 80 : index
        %get3A_279 = tpu.vector_load %arg14[%get3A_277, %get3A_278] {strides = array<i32>} : memref<128x128xf32, #tpu.memory_space<vmem>>, vector<16xf32>,
        %mul3A_280 = arith.mulf %get3A_279, %gather3A_241 : vector<16xf32>
        %swap3A_281 = arith.index_cast %scan3A_239 : i32 to index
        %swap3A_282 = arith.constant 80 : index
        %swap3A_283 = tpu.vector_load %arg14[%swap3A_281, %swap3A_282] {strides = array<i32>} : memref<128x128xf32, #tpu.memory_space<vmem>>, vector<16xf32>,
        tpu.vector_store %arg14[%swap3A_281, %swap3A_282], %mul3A_280 {strides = array<i32>} : memref<128x128xf32, #tpu.memory_space<vmem>>, vector<16xf32>,
        %get3A_284 = arith.index_cast %scan3A_239 : i32 to index
        %get3A_285 = arith.constant 96 : index
        %get3A_286 = tpu.vector_load %arg14[%get3A_284, %get3A_285] {strides = array<i32>} : memref<128x128xf32, #tpu.memory_space<vmem>>, vector<16xf32>,
        %mul3A_287 = arith.mulf %get3A_286, %gather3A_241 : vector<16xf32>
        %swap3A_288 = arith.index_cast %scan3A_239 : i32 to index
        %swap3A_289 = arith.constant 96 : index
        %swap3A_290 = tpu.vector_load %arg14[%swap3A_288, %swap3A_289] {strides = array<i32>} : memref<128x128xf32, #tpu.memory_space<vmem>>, vector<16xf32>,
        tpu.vector_store %arg14[%swap3A_288, %swap3A_289], %mul3A_287 {strides = array<i32>} : memref<128x128xf32, #tpu.memory_space<vmem>>, vector<16xf32>,
        %get3A_291 = arith.index_cast %scan3A_239 : i32 to index
        %get3A_292 = arith.constant 112 : index
        %get3A_293 = tpu.vector_load %arg14[%get3A_291, %get3A_292] {strides = array<i32>} : memref<128x128xf32, #tpu.memory_space<vmem>>, vector<16xf32>,
        %mul3A_294 = arith.mulf %get3A_293, %gather3A_241 : vector<16xf32>
        %swap3A_295 = arith.index_cast %scan3A_239 : i32 to index
        %swap3A_296 = arith.constant 112 : index
        %swap3A_297 = tpu.vector_load %arg14[%swap3A_295, %swap3A_296] {strides = array<i32>} : memref<128x128xf32, #tpu.memory_space<vmem>>, vector<16xf32>,
        tpu.vector_store %arg14[%swap3A_295, %swap3A_296], %mul3A_294 {strides = array<i32>} : memref<128x128xf32, #tpu.memory_space<vmem>>, vector<16xf32>,
        %scan3A_298 = arith.constant 3 : i32
        %scan3A_299 = arith.addi %scan3A_123, %scan3A_298 : i32
        %broadcast_in_dim3A_300 = vector.broadcast %scan3A_299 : i32 to vector<16xi32>
        %gather3A_301 = tpu.vector_load_idx %arg13[%broadcast_in_dim3A_300] : memref<128xf32, #tpu.memory_space<vmem>>[vector<16xi32>], vector<16xf32>,
        %get3A_302 = arith.index_cast %scan3A_299 : i32 to index
        %get3A_303 = arith.constant 0 : index
        %get3A_304 = tpu.vector_load %arg14[%get3A_302, %get3A_303] {strides = array<i32>} : memref<128x128xf32, #tpu.memory_space<vmem>>, vector<16xf32>,
        %mul3A_305 = arith.mulf %get3A_304, %gather3A_301 : vector<16xf32>
        %swap3A_306 = arith.index_cast %scan3A_299 : i32 to index
        %swap3A_307 = arith.constant 0 : index
        %swap3A_308 = tpu.vector_load %arg14[%swap3A_306, %swap3A_307] {strides = array<i32>} : memref<128x128xf32, #tpu.memory_space<vmem>>, vector<16xf32>,
        tpu.vector_store %arg14[%swap3A_306, %swap3A_307], %mul3A_305 {strides = array<i32>} : memref<128x128xf32, #tpu.memory_space<vmem>>, vector<16xf32>,
        %get3A_309 = arith.index_cast %scan3A_299 : i32 to index
        %get3A_310 = arith.constant 16 : index
        %get3A_311 = tpu.vector_load %arg14[%get3A_309, %get3A_310] {strides = array<i32>} : memref<128x128xf32, #tpu.memory_space<vmem>>, vector<16xf32>,
        %mul3A_312 = arith.mulf %get3A_311, %gather3A_301 : vector<16xf32>
        %swap3A_313 = arith.index_cast %scan3A_299 : i32 to index
        %swap3A_314 = arith.constant 16 : index
        %swap3A_315 = tpu.vector_load %arg14[%swap3A_313, %swap3A_314] {strides = array<i32>} : memref<128x128xf32, #tpu.memory_space<vmem>>, vector<16xf32>,
        tpu.vector_store %arg14[%swap3A_313, %swap3A_314], %mul3A_312 {strides = array<i32>} : memref<128x128xf32, #tpu.memory_space<vmem>>, vector<16xf32>,
        %get3A_316 = arith.index_cast %scan3A_299 : i32 to index
        %get3A_317 = arith.constant 32 : index
        %get3A_318 = tpu.vector_load %arg14[%get3A_316, %get3A_317] {strides = array<i32>} : memref<128x128xf32, #tpu.memory_space<vmem>>, vector<16xf32>,
        %mul3A_319 = arith.mulf %get3A_318, %gather3A_301 : vector<16xf32>
        %swap3A_320 = arith.index_cast %scan3A_299 : i32 to index
        %swap3A_321 = arith.constant 32 : index
        %swap3A_322 = tpu.vector_load %arg14[%swap3A_320, %swap3A_321] {strides = array<i32>} : memref<128x128xf32, #tpu.memory_space<vmem>>, vector<16xf32>,
        tpu.vector_store %arg14[%swap3A_320, %swap3A_321], %mul3A_319 {strides = array<i32>} : memref<128x128xf32, #tpu.memory_space<vmem>>, vector<16xf32>,
        %get3A_323 = arith.index_cast %scan3A_299 : i32 to index
        %get3A_324 = arith.constant 48 : index
        %get3A_325 = tpu.vector_load %arg14[%get3A_323, %get3A_324] {strides = array<i32>} : memref<128x128xf32, #tpu.memory_space<vmem>>, vector<16xf32>,
        %mul3A_326 = arith.mulf %get3A_325, %gather3A_301 : vector<16xf32>
        %swap3A_327 = arith.index_cast %scan3A_299 : i32 to index
        %swap3A_328 = arith.constant 48 : index
        %swap3A_329 = tpu.vector_load %arg14[%swap3A_327, %swap3A_328] {strides = array<i32>} : memref<128x128xf32, #tpu.memory_space<vmem>>, vector<16xf32>,
        tpu.vector_store %arg14[%swap3A_327, %swap3A_328], %mul3A_326 {strides = array<i32>} : memref<128x128xf32, #tpu.memory_space<vmem>>, vector<16xf32>,
        %get3A_330 = arith.index_cast %scan3A_299 : i32 to index
        %get3A_331 = arith.constant 64 : index
        %get3A_332 = tpu.vector_load %arg14[%get3A_330, %get3A_331] {strides = array<i32>} : memref<128x128xf32, #tpu.memory_space<vmem>>, vector<16xf32>,
        %mul3A_333 = arith.mulf %get3A_332, %gather3A_301 : vector<16xf32>
        %swap3A_334 = arith.index_cast %scan3A_299 : i32 to index
        %swap3A_335 = arith.constant 64 : index
        %swap3A_336 = tpu.vector_load %arg14[%swap3A_334, %swap3A_335] {strides = array<i32>} : memref<128x128xf32, #tpu.memory_space<vmem>>, vector<16xf32>,
        tpu.vector_store %arg14[%swap3A_334, %swap3A_335], %mul3A_333 {strides = array<i32>} : memref<128x128xf32, #tpu.memory_space<vmem>>, vector<16xf32>,
        %get3A_337 = arith.index_cast %scan3A_299 : i32 to index
        %get3A_338 = arith.constant 80 : index
        %get3A_339 = tpu.vector_load %arg14[%get3A_337, %get3A_338] {strides = array<i32>} : memref<128x128xf32, #tpu.memory_space<vmem>>, vector<16xf32>,
        %mul3A_340 = arith.mulf %get3A_339, %gather3A_301 : vector<16xf32>
        %swap3A_341 = arith.index_cast %scan3A_299 : i32 to index
        %swap3A_342 = arith.constant 80 : index
        %swap3A_343 = tpu.vector_load %arg14[%swap3A_341, %swap3A_342] {strides = array<i32>} : memref<128x128xf32, #tpu.memory_space<vmem>>, vector<16xf32>,
        tpu.vector_store %arg14[%swap3A_341, %swap3A_342], %mul3A_340 {strides = array<i32>} : memref<128x128xf32, #tpu.memory_space<vmem>>, vector<16xf32>,
        %get3A_344 = arith.index_cast %scan3A_299 : i32 to index
        %get3A_345 = arith.constant 96 : index
        %get3A_346 = tpu.vector_load %arg14[%get3A_344, %get3A_345] {strides = array<i32>} : memref<128x128xf32, #tpu.memory_space<vmem>>, vector<16xf32>,
        %mul3A_347 = arith.mulf %get3A_346, %gather3A_301 : vector<16xf32>
        %swap3A_348 = arith.index_cast %scan3A_299 : i32 to index
        %swap3A_349 = arith.constant 96 : index
        %swap3A_350 = tpu.vector_load %arg14[%swap3A_348, %swap3A_349] {strides = array<i32>} : memref<128x128xf32, #tpu.memory_space<vmem>>, vector<16xf32>,
        tpu.vector_store %arg14[%swap3A_348, %swap3A_349], %mul3A_347 {strides = array<i32>} : memref<128x128xf32, #tpu.memory_space<vmem>>, vector<16xf32>,
        %get3A_351 = arith.index_cast %scan3A_299 : i32 to index
        %get3A_352 = arith.constant 112 : index
        %get3A_353 = tpu.vector_load %arg14[%get3A_351, %get3A_352] {strides = array<i32>} : memref<128x128xf32, #tpu.memory_space<vmem>>, vector<16xf32>,
        %mul3A_354 = arith.mulf %get3A_353, %gather3A_301 : vector<16xf32>
        %swap3A_355 = arith.index_cast %scan3A_299 : i32 to index
        %swap3A_356 = arith.constant 112 : index
        %swap3A_357 = tpu.vector_load %arg14[%swap3A_355, %swap3A_356] {strides = array<i32>} : memref<128x128xf32, #tpu.memory_space<vmem>>, vector<16xf32>,
        tpu.vector_store %arg14[%swap3A_355, %swap3A_356], %mul3A_354 {strides = array<i32>} : memref<128x128xf32, #tpu.memory_space<vmem>>, vector<16xf32>,
      }
      %scan3A_76 = arith.constant 32 : i32
      %dma_wait3A_77 = arith.constant 32 : i32
      %dma_wait3A_78 = arith.constant 0 : i32
      %dma_wait3A_79 = tpu.memref_slice %arg14[%dma_wait3A_77, %dma_wait3A_78] : memref<128x128xf32, #tpu.memory_space<vmem>> -> memref<96x128xf32, #tpu.memory_space<vmem>>
      %dma_wait3A_80 = arith.constant 0 : i32
      %dma_wait3A_81 = arith.constant 0 : i32
      %dma_wait3A_82 = tpu.memref_slice %arg2[%dma_wait3A_80, %dma_wait3A_81] : memref<10000x128xf32, #tpu.memory_space<hbm>> -> memref<10000x128xf32, #tpu.memory_space<hbm>>
      tpu.wait_indirect_dma semaphore(%arg21 : memref<!tpu.dma_semaphore, #tpu.memory_space<semaphore_mem>>) src(%dma_wait3A_82 : memref<10000x128xf32, #tpu.memory_space<hbm>>) dst(%dma_wait3A_79 : memref<96x128xf32, #tpu.memory_space<vmem>>)
      %scan3A_83 = arith.constant 0 : i32
      %scan3A_84 = arith.constant 32 : i32
      %scan3A_85 = arith.constant 32 : i32
      %scan3A_86 = arith.addi %scan3A_84, %scan3A_85 : i32
      %scan3A_87 = arith.constant 4 : i32
      scf.for %scan3A_123 = %scan3A_84 to %scan3A_86 step %scan3A_87  : i32 {
        %broadcast_in_dim3A = vector.broadcast %scan3A_123 : i32 to vector<16xi32>
        %gather3A = tpu.vector_load_idx %arg13[%broadcast_in_dim3A] : memref<128xf32, #tpu.memory_space<vmem>>[vector<16xi32>], vector<16xf32>,
        %get3A = arith.index_cast %scan3A_123 : i32 to index
        %get3A_124 = arith.constant 0 : index
        %get3A_125 = tpu.vector_load %arg14[%get3A, %get3A_124] {strides = array<i32>} : memref<128x128xf32, #tpu.memory_space<vmem>>, vector<16xf32>,
        %mul3A_126 = arith.mulf %get3A_125, %gather3A : vector<16xf32>
        %swap3A = arith.index_cast %scan3A_123 : i32 to index
        %swap3A_127 = arith.constant 0 : index
        %swap3A_128 = tpu.vector_load %arg14[%swap3A, %swap3A_127] {strides = array<i32>} : memref<128x128xf32, #tpu.memory_space<vmem>>, vector<16xf32>,
        tpu.vector_store %arg14[%swap3A, %swap3A_127], %mul3A_126 {strides = array<i32>} : memref<128x128xf32, #tpu.memory_space<vmem>>, vector<16xf32>,
        %get3A_129 = arith.index_cast %scan3A_123 : i32 to index
        %get3A_130 = arith.constant 16 : index
        %get3A_131 = tpu.vector_load %arg14[%get3A_129, %get3A_130] {strides = array<i32>} : memref<128x128xf32, #tpu.memory_space<vmem>>, vector<16xf32>,
        %mul3A_132 = arith.mulf %get3A_131, %gather3A : vector<16xf32>
        %swap3A_133 = arith.index_cast %scan3A_123 : i32 to index
        %swap3A_134 = arith.constant 16 : index
        %swap3A_135 = tpu.vector_load %arg14[%swap3A_133, %swap3A_134] {strides = array<i32>} : memref<128x128xf32, #tpu.memory_space<vmem>>, vector<16xf32>,
        tpu.vector_store %arg14[%swap3A_133, %swap3A_134], %mul3A_132 {strides = array<i32>} : memref<128x128xf32, #tpu.memory_space<vmem>>, vector<16xf32>,
        %get3A_136 = arith.index_cast %scan3A_123 : i32 to index
        %get3A_137 = arith.constant 32 : index
        %get3A_138 = tpu.vector_load %arg14[%get3A_136, %get3A_137] {strides = array<i32>} : memref<128x128xf32, #tpu.memory_space<vmem>>, vector<16xf32>,
        %mul3A_139 = arith.mulf %get3A_138, %gather3A : vector<16xf32>
        %swap3A_140 = arith.index_cast %scan3A_123 : i32 to index
        %swap3A_141 = arith.constant 32 : index
        %swap3A_142 = tpu.vector_load %arg14[%swap3A_140, %swap3A_141] {strides = array<i32>} : memref<128x128xf32, #tpu.memory_space<vmem>>, vector<16xf32>,
        tpu.vector_store %arg14[%swap3A_140, %swap3A_141], %mul3A_139 {strides = array<i32>} : memref<128x128xf32, #tpu.memory_space<vmem>>, vector<16xf32>,
        %get3A_143 = arith.index_cast %scan3A_123 : i32 to index
        %get3A_144 = arith.constant 48 : index
        %get3A_145 = tpu.vector_load %arg14[%get3A_143, %get3A_144] {strides = array<i32>} : memref<128x128xf32, #tpu.memory_space<vmem>>, vector<16xf32>,
        %mul3A_146 = arith.mulf %get3A_145, %gather3A : vector<16xf32>
        %swap3A_147 = arith.index_cast %scan3A_123 : i32 to index
        %swap3A_148 = arith.constant 48 : index
        %swap3A_149 = tpu.vector_load %arg14[%swap3A_147, %swap3A_148] {strides = array<i32>} : memref<128x128xf32, #tpu.memory_space<vmem>>, vector<16xf32>,
        tpu.vector_store %arg14[%swap3A_147, %swap3A_148], %mul3A_146 {strides = array<i32>} : memref<128x128xf32, #tpu.memory_space<vmem>>, vector<16xf32>,
        %get3A_150 = arith.index_cast %scan3A_123 : i32 to index
        %get3A_151 = arith.constant 64 : index
        %get3A_152 = tpu.vector_load %arg14[%get3A_150, %get3A_151] {strides = array<i32>} : memref<128x128xf32, #tpu.memory_space<vmem>>, vector<16xf32>,
        %mul3A_153 = arith.mulf %get3A_152, %gather3A : vector<16xf32>
        %swap3A_154 = arith.index_cast %scan3A_123 : i32 to index
        %swap3A_155 = arith.constant 64 : index
        %swap3A_156 = tpu.vector_load %arg14[%swap3A_154, %swap3A_155] {strides = array<i32>} : memref<128x128xf32, #tpu.memory_space<vmem>>, vector<16xf32>,
        tpu.vector_store %arg14[%swap3A_154, %swap3A_155], %mul3A_153 {strides = array<i32>} : memref<128x128xf32, #tpu.memory_space<vmem>>, vector<16xf32>,
        %get3A_157 = arith.index_cast %scan3A_123 : i32 to index
        %get3A_158 = arith.constant 80 : index
        %get3A_159 = tpu.vector_load %arg14[%get3A_157, %get3A_158] {strides = array<i32>} : memref<128x128xf32, #tpu.memory_space<vmem>>, vector<16xf32>,
        %mul3A_160 = arith.mulf %get3A_159, %gather3A : vector<16xf32>
        %swap3A_161 = arith.index_cast %scan3A_123 : i32 to index
        %swap3A_162 = arith.constant 80 : index
        %swap3A_163 = tpu.vector_load %arg14[%swap3A_161, %swap3A_162] {strides = array<i32>} : memref<128x128xf32, #tpu.memory_space<vmem>>, vector<16xf32>,
        tpu.vector_store %arg14[%swap3A_161, %swap3A_162], %mul3A_160 {strides = array<i32>} : memref<128x128xf32, #tpu.memory_space<vmem>>, vector<16xf32>,
        %get3A_164 = arith.index_cast %scan3A_123 : i32 to index
        %get3A_165 = arith.constant 96 : index
        %get3A_166 = tpu.vector_load %arg14[%get3A_164, %get3A_165] {strides = array<i32>} : memref<128x128xf32, #tpu.memory_space<vmem>>, vector<16xf32>,
        %mul3A_167 = arith.mulf %get3A_166, %gather3A : vector<16xf32>
        %swap3A_168 = arith.index_cast %scan3A_123 : i32 to index
        %swap3A_169 = arith.constant 96 : index
        %swap3A_170 = tpu.vector_load %arg14[%swap3A_168, %swap3A_169] {strides = array<i32>} : memref<128x128xf32, #tpu.memory_space<vmem>>, vector<16xf32>,
        tpu.vector_store %arg14[%swap3A_168, %swap3A_169], %mul3A_167 {strides = array<i32>} : memref<128x128xf32, #tpu.memory_space<vmem>>, vector<16xf32>,
        %get3A_171 = arith.index_cast %scan3A_123 : i32 to index
        %get3A_172 = arith.constant 112 : index
        %get3A_173 = tpu.vector_load %arg14[%get3A_171, %get3A_172] {strides = array<i32>} : memref<128x128xf32, #tpu.memory_space<vmem>>, vector<16xf32>,
        %mul3A_174 = arith.mulf %get3A_173, %gather3A : vector<16xf32>
        %swap3A_175 = arith.index_cast %scan3A_123 : i32 to index
        %swap3A_176 = arith.constant 112 : index
        %swap3A_177 = tpu.vector_load %arg14[%swap3A_175, %swap3A_176] {strides = array<i32>} : memref<128x128xf32, #tpu.memory_space<vmem>>, vector<16xf32>,
        tpu.vector_store %arg14[%swap3A_175, %swap3A_176], %mul3A_174 {strides = array<i32>} : memref<128x128xf32, #tpu.memory_space<vmem>>, vector<16xf32>,
        %scan3A_178 = arith.constant 1 : i32
        %scan3A_179 = arith.addi %scan3A_123, %scan3A_178 : i32
        %broadcast_in_dim3A_180 = vector.broadcast %scan3A_179 : i32 to vector<16xi32>
        %gather3A_181 = tpu.vector_load_idx %arg13[%broadcast_in_dim3A_180] : memref<128xf32, #tpu.memory_space<vmem>>[vector<16xi32>], vector<16xf32>,
        %get3A_182 = arith.index_cast %scan3A_179 : i32 to index
        %get3A_183 = arith.constant 0 : index
        %get3A_184 = tpu.vector_load %arg14[%get3A_182, %get3A_183] {strides = array<i32>} : memref<128x128xf32, #tpu.memory_space<vmem>>, vector<16xf32>,
        %mul3A_185 = arith.mulf %get3A_184, %gather3A_181 : vector<16xf32>
        %swap3A_186 = arith.index_cast %scan3A_179 : i32 to index
        %swap3A_187 = arith.constant 0 : index
        %swap3A_188 = tpu.vector_load %arg14[%swap3A_186, %swap3A_187] {strides = array<i32>} : memref<128x128xf32, #tpu.memory_space<vmem>>, vector<16xf32>,
        tpu.vector_store %arg14[%swap3A_186, %swap3A_187], %mul3A_185 {strides = array<i32>} : memref<128x128xf32, #tpu.memory_space<vmem>>, vector<16xf32>,
        %get3A_189 = arith.index_cast %scan3A_179 : i32 to index
        %get3A_190 = arith.constant 16 : index
        %get3A_191 = tpu.vector_load %arg14[%get3A_189, %get3A_190] {strides = array<i32>} : memref<128x128xf32, #tpu.memory_space<vmem>>, vector<16xf32>,
        %mul3A_192 = arith.mulf %get3A_191, %gather3A_181 : vector<16xf32>
        %swap3A_193 = arith.index_cast %scan3A_179 : i32 to index
        %swap3A_194 = arith.constant 16 : index
        %swap3A_195 = tpu.vector_load %arg14[%swap3A_193, %swap3A_194] {strides = array<i32>} : memref<128x128xf32, #tpu.memory_space<vmem>>, vector<16xf32>,
        tpu.vector_store %arg14[%swap3A_193, %swap3A_194], %mul3A_192 {strides = array<i32>} : memref<128x128xf32, #tpu.memory_space<vmem>>, vector<16xf32>,
        %get3A_196 = arith.index_cast %scan3A_179 : i32 to index
        %get3A_197 = arith.constant 32 : index
        %get3A_198 = tpu.vector_load %arg14[%get3A_196, %get3A_197] {strides = array<i32>} : memref<128x128xf32, #tpu.memory_space<vmem>>, vector<16xf32>,
        %mul3A_199 = arith.mulf %get3A_198, %gather3A_181 : vector<16xf32>
        %swap3A_200 = arith.index_cast %scan3A_179 : i32 to index
        %swap3A_201 = arith.constant 32 : index
        %swap3A_202 = tpu.vector_load %arg14[%swap3A_200, %swap3A_201] {strides = array<i32>} : memref<128x128xf32, #tpu.memory_space<vmem>>, vector<16xf32>,
        tpu.vector_store %arg14[%swap3A_200, %swap3A_201], %mul3A_199 {strides = array<i32>} : memref<128x128xf32, #tpu.memory_space<vmem>>, vector<16xf32>,
        %get3A_203 = arith.index_cast %scan3A_179 : i32 to index
        %get3A_204 = arith.constant 48 : index
        %get3A_205 = tpu.vector_load %arg14[%get3A_203, %get3A_204] {strides = array<i32>} : memref<128x128xf32, #tpu.memory_space<vmem>>, vector<16xf32>,
        %mul3A_206 = arith.mulf %get3A_205, %gather3A_181 : vector<16xf32>
        %swap3A_207 = arith.index_cast %scan3A_179 : i32 to index
        %swap3A_208 = arith.constant 48 : index
        %swap3A_209 = tpu.vector_load %arg14[%swap3A_207, %swap3A_208] {strides = array<i32>} : memref<128x128xf32, #tpu.memory_space<vmem>>, vector<16xf32>,
        tpu.vector_store %arg14[%swap3A_207, %swap3A_208], %mul3A_206 {strides = array<i32>} : memref<128x128xf32, #tpu.memory_space<vmem>>, vector<16xf32>,
        %get3A_210 = arith.index_cast %scan3A_179 : i32 to index
        %get3A_211 = arith.constant 64 : index
        %get3A_212 = tpu.vector_load %arg14[%get3A_210, %get3A_211] {strides = array<i32>} : memref<128x128xf32, #tpu.memory_space<vmem>>, vector<16xf32>,
        %mul3A_213 = arith.mulf %get3A_212, %gather3A_181 : vector<16xf32>
        %swap3A_214 = arith.index_cast %scan3A_179 : i32 to index
        %swap3A_215 = arith.constant 64 : index
        %swap3A_216 = tpu.vector_load %arg14[%swap3A_214, %swap3A_215] {strides = array<i32>} : memref<128x128xf32, #tpu.memory_space<vmem>>, vector<16xf32>,
        tpu.vector_store %arg14[%swap3A_214, %swap3A_215], %mul3A_213 {strides = array<i32>} : memref<128x128xf32, #tpu.memory_space<vmem>>, vector<16xf32>,
        %get3A_217 = arith.index_cast %scan3A_179 : i32 to index
        %get3A_218 = arith.constant 80 : index
        %get3A_219 = tpu.vector_load %arg14[%get3A_217, %get3A_218] {strides = array<i32>} : memref<128x128xf32, #tpu.memory_space<vmem>>, vector<16xf32>,
        %mul3A_220 = arith.mulf %get3A_219, %gather3A_181 : vector<16xf32>
        %swap3A_221 = arith.index_cast %scan3A_179 : i32 to index
        %swap3A_222 = arith.constant 80 : index
        %swap3A_223 = tpu.vector_load %arg14[%swap3A_221, %swap3A_222] {strides = array<i32>} : memref<128x128xf32, #tpu.memory_space<vmem>>, vector<16xf32>,
        tpu.vector_store %arg14[%swap3A_221, %swap3A_222], %mul3A_220 {strides = array<i32>} : memref<128x128xf32, #tpu.memory_space<vmem>>, vector<16xf32>,
        %get3A_224 = arith.index_cast %scan3A_179 : i32 to index
        %get3A_225 = arith.constant 96 : index
        %get3A_226 = tpu.vector_load %arg14[%get3A_224, %get3A_225] {strides = array<i32>} : memref<128x128xf32, #tpu.memory_space<vmem>>, vector<16xf32>,
        %mul3A_227 = arith.mulf %get3A_226, %gather3A_181 : vector<16xf32>
        %swap3A_228 = arith.index_cast %scan3A_179 : i32 to index
        %swap3A_229 = arith.constant 96 : index
        %swap3A_230 = tpu.vector_load %arg14[%swap3A_228, %swap3A_229] {strides = array<i32>} : memref<128x128xf32, #tpu.memory_space<vmem>>, vector<16xf32>,
        tpu.vector_store %arg14[%swap3A_228, %swap3A_229], %mul3A_227 {strides = array<i32>} : memref<128x128xf32, #tpu.memory_space<vmem>>, vector<16xf32>,
        %get3A_231 = arith.index_cast %scan3A_179 : i32 to index
        %get3A_232 = arith.constant 112 : index
        %get3A_233 = tpu.vector_load %arg14[%get3A_231, %get3A_232] {strides = array<i32>} : memref<128x128xf32, #tpu.memory_space<vmem>>, vector<16xf32>,
        %mul3A_234 = arith.mulf %get3A_233, %gather3A_181 : vector<16xf32>
        %swap3A_235 = arith.index_cast %scan3A_179 : i32 to index
        %swap3A_236 = arith.constant 112 : index
        %swap3A_237 = tpu.vector_load %arg14[%swap3A_235, %swap3A_236] {strides = array<i32>} : memref<128x128xf32, #tpu.memory_space<vmem>>, vector<16xf32>,
        tpu.vector_store %arg14[%swap3A_235, %swap3A_236], %mul3A_234 {strides = array<i32>} : memref<128x128xf32, #tpu.memory_space<vmem>>, vector<16xf32>,
        %scan3A_238 = arith.constant 2 : i32
        %scan3A_239 = arith.addi %scan3A_123, %scan3A_238 : i32
        %broadcast_in_dim3A_240 = vector.broadcast %scan3A_239 : i32 to vector<16xi32>
        %gather3A_241 = tpu.vector_load_idx %arg13[%broadcast_in_dim3A_240] : memref<128xf32, #tpu.memory_space<vmem>>[vector<16xi32>], vector<16xf32>,
        %get3A_242 = arith.index_cast %scan3A_239 : i32 to index
        %get3A_243 = arith.constant 0 : index
        %get3A_244 = tpu.vector_load %arg14[%get3A_242, %get3A_243] {strides = array<i32>} : memref<128x128xf32, #tpu.memory_space<vmem>>, vector<16xf32>,
        %mul3A_245 = arith.mulf %get3A_244, %gather3A_241 : vector<16xf32>
        %swap3A_246 = arith.index_cast %scan3A_239 : i32 to index
        %swap3A_247 = arith.constant 0 : index
        %swap3A_248 = tpu.vector_load %arg14[%swap3A_246, %swap3A_247] {strides = array<i32>} : memref<128x128xf32, #tpu.memory_space<vmem>>, vector<16xf32>,
        tpu.vector_store %arg14[%swap3A_246, %swap3A_247], %mul3A_245 {strides = array<i32>} : memref<128x128xf32, #tpu.memory_space<vmem>>, vector<16xf32>,
        %get3A_249 = arith.index_cast %scan3A_239 : i32 to index
        %get3A_250 = arith.constant 16 : index
        %get3A_251 = tpu.vector_load %arg14[%get3A_249, %get3A_250] {strides = array<i32>} : memref<128x128xf32, #tpu.memory_space<vmem>>, vector<16xf32>,
        %mul3A_252 = arith.mulf %get3A_251, %gather3A_241 : vector<16xf32>
        %swap3A_253 = arith.index_cast %scan3A_239 : i32 to index
        %swap3A_254 = arith.constant 16 : index
        %swap3A_255 = tpu.vector_load %arg14[%swap3A_253, %swap3A_254] {strides = array<i32>} : memref<128x128xf32, #tpu.memory_space<vmem>>, vector<16xf32>,
        tpu.vector_store %arg14[%swap3A_253, %swap3A_254], %mul3A_252 {strides = array<i32>} : memref<128x128xf32, #tpu.memory_space<vmem>>, vector<16xf32>,
        %get3A_256 = arith.index_cast %scan3A_239 : i32 to index
        %get3A_257 = arith.constant 32 : index
        %get3A_258 = tpu.vector_load %arg14[%get3A_256, %get3A_257] {strides = array<i32>} : memref<128x128xf32, #tpu.memory_space<vmem>>, vector<16xf32>,
        %mul3A_259 = arith.mulf %get3A_258, %gather3A_241 : vector<16xf32>
        %swap3A_260 = arith.index_cast %scan3A_239 : i32 to index
        %swap3A_261 = arith.constant 32 : index
        %swap3A_262 = tpu.vector_load %arg14[%swap3A_260, %swap3A_261] {strides = array<i32>} : memref<128x128xf32, #tpu.memory_space<vmem>>, vector<16xf32>,
        tpu.vector_store %arg14[%swap3A_260, %swap3A_261], %mul3A_259 {strides = array<i32>} : memref<128x128xf32, #tpu.memory_space<vmem>>, vector<16xf32>,
        %get3A_263 = arith.index_cast %scan3A_239 : i32 to index
        %get3A_264 = arith.constant 48 : index
        %get3A_265 = tpu.vector_load %arg14[%get3A_263, %get3A_264] {strides = array<i32>} : memref<128x128xf32, #tpu.memory_space<vmem>>, vector<16xf32>,
        %mul3A_266 = arith.mulf %get3A_265, %gather3A_241 : vector<16xf32>
        %swap3A_267 = arith.index_cast %scan3A_239 : i32 to index
        %swap3A_268 = arith.constant 48 : index
        %swap3A_269 = tpu.vector_load %arg14[%swap3A_267, %swap3A_268] {strides = array<i32>} : memref<128x128xf32, #tpu.memory_space<vmem>>, vector<16xf32>,
        tpu.vector_store %arg14[%swap3A_267, %swap3A_268], %mul3A_266 {strides = array<i32>} : memref<128x128xf32, #tpu.memory_space<vmem>>, vector<16xf32>,
        %get3A_270 = arith.index_cast %scan3A_239 : i32 to index
        %get3A_271 = arith.constant 64 : index
        %get3A_272 = tpu.vector_load %arg14[%get3A_270, %get3A_271] {strides = array<i32>} : memref<128x128xf32, #tpu.memory_space<vmem>>, vector<16xf32>,
        %mul3A_273 = arith.mulf %get3A_272, %gather3A_241 : vector<16xf32>
        %swap3A_274 = arith.index_cast %scan3A_239 : i32 to index
        %swap3A_275 = arith.constant 64 : index
        %swap3A_276 = tpu.vector_load %arg14[%swap3A_274, %swap3A_275] {strides = array<i32>} : memref<128x128xf32, #tpu.memory_space<vmem>>, vector<16xf32>,
        tpu.vector_store %arg14[%swap3A_274, %swap3A_275], %mul3A_273 {strides = array<i32>} : memref<128x128xf32, #tpu.memory_space<vmem>>, vector<16xf32>,
        %get3A_277 = arith.index_cast %scan3A_239 : i32 to index
        %get3A_278 = arith.constant 80 : index
        %get3A_279 = tpu.vector_load %arg14[%get3A_277, %get3A_278] {strides = array<i32>} : memref<128x128xf32, #tpu.memory_space<vmem>>, vector<16xf32>,
        %mul3A_280 = arith.mulf %get3A_279, %gather3A_241 : vector<16xf32>
        %swap3A_281 = arith.index_cast %scan3A_239 : i32 to index
        %swap3A_282 = arith.constant 80 : index
        %swap3A_283 = tpu.vector_load %arg14[%swap3A_281, %swap3A_282] {strides = array<i32>} : memref<128x128xf32, #tpu.memory_space<vmem>>, vector<16xf32>,
        tpu.vector_store %arg14[%swap3A_281, %swap3A_282], %mul3A_280 {strides = array<i32>} : memref<128x128xf32, #tpu.memory_space<vmem>>, vector<16xf32>,
        %get3A_284 = arith.index_cast %scan3A_239 : i32 to index
        %get3A_285 = arith.constant 96 : index
        %get3A_286 = tpu.vector_load %arg14[%get3A_284, %get3A_285] {strides = array<i32>} : memref<128x128xf32, #tpu.memory_space<vmem>>, vector<16xf32>,
        %mul3A_287 = arith.mulf %get3A_286, %gather3A_241 : vector<16xf32>
        %swap3A_288 = arith.index_cast %scan3A_239 : i32 to index
        %swap3A_289 = arith.constant 96 : index
        %swap3A_290 = tpu.vector_load %arg14[%swap3A_288, %swap3A_289] {strides = array<i32>} : memref<128x128xf32, #tpu.memory_space<vmem>>, vector<16xf32>,
        tpu.vector_store %arg14[%swap3A_288, %swap3A_289], %mul3A_287 {strides = array<i32>} : memref<128x128xf32, #tpu.memory_space<vmem>>, vector<16xf32>,
        %get3A_291 = arith.index_cast %scan3A_239 : i32 to index
        %get3A_292 = arith.constant 112 : index
        %get3A_293 = tpu.vector_load %arg14[%get3A_291, %get3A_292] {strides = array<i32>} : memref<128x128xf32, #tpu.memory_space<vmem>>, vector<16xf32>,
        %mul3A_294 = arith.mulf %get3A_293, %gather3A_241 : vector<16xf32>
        %swap3A_295 = arith.index_cast %scan3A_239 : i32 to index
        %swap3A_296 = arith.constant 112 : index
        %swap3A_297 = tpu.vector_load %arg14[%swap3A_295, %swap3A_296] {strides = array<i32>} : memref<128x128xf32, #tpu.memory_space<vmem>>, vector<16xf32>,
        tpu.vector_store %arg14[%swap3A_295, %swap3A_296], %mul3A_294 {strides = array<i32>} : memref<128x128xf32, #tpu.memory_space<vmem>>, vector<16xf32>,
        %scan3A_298 = arith.constant 3 : i32
        %scan3A_299 = arith.addi %scan3A_123, %scan3A_298 : i32
        %broadcast_in_dim3A_300 = vector.broadcast %scan3A_299 : i32 to vector<16xi32>
        %gather3A_301 = tpu.vector_load_idx %arg13[%broadcast_in_dim3A_300] : memref<128xf32, #tpu.memory_space<vmem>>[vector<16xi32>], vector<16xf32>,
        %get3A_302 = arith.index_cast %scan3A_299 : i32 to index
        %get3A_303 = arith.constant 0 : index
        %get3A_304 = tpu.vector_load %arg14[%get3A_302, %get3A_303] {strides = array<i32>} : memref<128x128xf32, #tpu.memory_space<vmem>>, vector<16xf32>,
        %mul3A_305 = arith.mulf %get3A_304, %gather3A_301 : vector<16xf32>
        %swap3A_306 = arith.index_cast %scan3A_299 : i32 to index
        %swap3A_307 = arith.constant 0 : index
        %swap3A_308 = tpu.vector_load %arg14[%swap3A_306, %swap3A_307] {strides = array<i32>} : memref<128x128xf32, #tpu.memory_space<vmem>>, vector<16xf32>,
        tpu.vector_store %arg14[%swap3A_306, %swap3A_307], %mul3A_305 {strides = array<i32>} : memref<128x128xf32, #tpu.memory_space<vmem>>, vector<16xf32>,
        %get3A_309 = arith.index_cast %scan3A_299 : i32 to index
        %get3A_310 = arith.constant 16 : index
        %get3A_311 = tpu.vector_load %arg14[%get3A_309, %get3A_310] {strides = array<i32>} : memref<128x128xf32, #tpu.memory_space<vmem>>, vector<16xf32>,
        %mul3A_312 = arith.mulf %get3A_311, %gather3A_301 : vector<16xf32>
        %swap3A_313 = arith.index_cast %scan3A_299 : i32 to index
        %swap3A_314 = arith.constant 16 : index
        %swap3A_315 = tpu.vector_load %arg14[%swap3A_313, %swap3A_314] {strides = array<i32>} : memref<128x128xf32, #tpu.memory_space<vmem>>, vector<16xf32>,
        tpu.vector_store %arg14[%swap3A_313, %swap3A_314], %mul3A_312 {strides = array<i32>} : memref<128x128xf32, #tpu.memory_space<vmem>>, vector<16xf32>,
        %get3A_316 = arith.index_cast %scan3A_299 : i32 to index
        %get3A_317 = arith.constant 32 : index
        %get3A_318 = tpu.vector_load %arg14[%get3A_316, %get3A_317] {strides = array<i32>} : memref<128x128xf32, #tpu.memory_space<vmem>>, vector<16xf32>,
        %mul3A_319 = arith.mulf %get3A_318, %gather3A_301 : vector<16xf32>
        %swap3A_320 = arith.index_cast %scan3A_299 : i32 to index
        %swap3A_321 = arith.constant 32 : index
        %swap3A_322 = tpu.vector_load %arg14[%swap3A_320, %swap3A_321] {strides = array<i32>} : memref<128x128xf32, #tpu.memory_space<vmem>>, vector<16xf32>,
        tpu.vector_store %arg14[%swap3A_320, %swap3A_321], %mul3A_319 {strides = array<i32>} : memref<128x128xf32, #tpu.memory_space<vmem>>, vector<16xf32>,
        %get3A_323 = arith.index_cast %scan3A_299 : i32 to index
        %get3A_324 = arith.constant 48 : index
        %get3A_325 = tpu.vector_load %arg14[%get3A_323, %get3A_324] {strides = array<i32>} : memref<128x128xf32, #tpu.memory_space<vmem>>, vector<16xf32>,
        %mul3A_326 = arith.mulf %get3A_325, %gather3A_301 : vector<16xf32>
        %swap3A_327 = arith.index_cast %scan3A_299 : i32 to index
        %swap3A_328 = arith.constant 48 : index
        %swap3A_329 = tpu.vector_load %arg14[%swap3A_327, %swap3A_328] {strides = array<i32>} : memref<128x128xf32, #tpu.memory_space<vmem>>, vector<16xf32>,
        tpu.vector_store %arg14[%swap3A_327, %swap3A_328], %mul3A_326 {strides = array<i32>} : memref<128x128xf32, #tpu.memory_space<vmem>>, vector<16xf32>,
        %get3A_330 = arith.index_cast %scan3A_299 : i32 to index
        %get3A_331 = arith.constant 64 : index
        %get3A_332 = tpu.vector_load %arg14[%get3A_330, %get3A_331] {strides = array<i32>} : memref<128x128xf32, #tpu.memory_space<vmem>>, vector<16xf32>,
        %mul3A_333 = arith.mulf %get3A_332, %gather3A_301 : vector<16xf32>
        %swap3A_334 = arith.index_cast %scan3A_299 : i32 to index
        %swap3A_335 = arith.constant 64 : index
        %swap3A_336 = tpu.vector_load %arg14[%swap3A_334, %swap3A_335] {strides = array<i32>} : memref<128x128xf32, #tpu.memory_space<vmem>>, vector<16xf32>,
        tpu.vector_store %arg14[%swap3A_334, %swap3A_335], %mul3A_333 {strides = array<i32>} : memref<128x128xf32, #tpu.memory_space<vmem>>, vector<16xf32>,
        %get3A_337 = arith.index_cast %scan3A_299 : i32 to index
        %get3A_338 = arith.constant 80 : index
        %get3A_339 = tpu.vector_load %arg14[%get3A_337, %get3A_338] {strides = array<i32>} : memref<128x128xf32, #tpu.memory_space<vmem>>, vector<16xf32>,
        %mul3A_340 = arith.mulf %get3A_339, %gather3A_301 : vector<16xf32>
        %swap3A_341 = arith.index_cast %scan3A_299 : i32 to index
        %swap3A_342 = arith.constant 80 : index
        %swap3A_343 = tpu.vector_load %arg14[%swap3A_341, %swap3A_342] {strides = array<i32>} : memref<128x128xf32, #tpu.memory_space<vmem>>, vector<16xf32>,
        tpu.vector_store %arg14[%swap3A_341, %swap3A_342], %mul3A_340 {strides = array<i32>} : memref<128x128xf32, #tpu.memory_space<vmem>>, vector<16xf32>,
        %get3A_344 = arith.index_cast %scan3A_299 : i32 to index
        %get3A_345 = arith.constant 96 : index
        %get3A_346 = tpu.vector_load %arg14[%get3A_344, %get3A_345] {strides = array<i32>} : memref<128x128xf32, #tpu.memory_space<vmem>>, vector<16xf32>,
        %mul3A_347 = arith.mulf %get3A_346, %gather3A_301 : vector<16xf32>
        %swap3A_348 = arith.index_cast %scan3A_299 : i32 to index
        %swap3A_349 = arith.constant 96 : index
        %swap3A_350 = tpu.vector_load %arg14[%swap3A_348, %swap3A_349] {strides = array<i32>} : memref<128x128xf32, #tpu.memory_space<vmem>>, vector<16xf32>,
        tpu.vector_store %arg14[%swap3A_348, %swap3A_349], %mul3A_347 {strides = array<i32>} : memref<128x128xf32, #tpu.memory_space<vmem>>, vector<16xf32>,
        %get3A_351 = arith.index_cast %scan3A_299 : i32 to index
        %get3A_352 = arith.constant 112 : index
        %get3A_353 = tpu.vector_load %arg14[%get3A_351, %get3A_352] {strides = array<i32>} : memref<128x128xf32, #tpu.memory_space<vmem>>, vector<16xf32>,
        %mul3A_354 = arith.mulf %get3A_353, %gather3A_301 : vector<16xf32>
        %swap3A_355 = arith.index_cast %scan3A_299 : i32 to index
        %swap3A_356 = arith.constant 112 : index
        %swap3A_357 = tpu.vector_load %arg14[%swap3A_355, %swap3A_356] {strides = array<i32>} : memref<128x128xf32, #tpu.memory_space<vmem>>, vector<16xf32>,
        tpu.vector_store %arg14[%swap3A_355, %swap3A_356], %mul3A_354 {strides = array<i32>} : memref<128x128xf32, #tpu.memory_space<vmem>>, vector<16xf32>,
      }
      %scan3A_88 = arith.constant 32 : i32
      %dma_wait3A_89 = tpu.memref_slice %arg4[%mul3A_35] : memref<320000xi32, #tpu.memory_space<hbm>> -> memref<64xi32, #tpu.memory_space<hbm>>
      %dma_wait3A_90 = tpu.memref_slice %arg4[%mul3A_35] : memref<320000xi32, #tpu.memory_space<hbm>> -> memref<64xi32, #tpu.memory_space<hbm>>
      tpu.wait_dma2 semaphore(%arg17 : memref<!tpu.dma_semaphore, #tpu.memory_space<semaphore_mem>>) src(%dma_wait3A_90 : memref<64xi32, #tpu.memory_space<hbm>>) dst(%arg11 : memref<64xi32, #tpu.memory_space<vmem>>)
      %dma_start3A_91 = arith.constant 0 : i32
      %dma_start3A_92 = arith.constant 0 : i32
      %dma_start3A_93 = tpu.memref_slice %arg14[%dma_start3A_91, %dma_start3A_92] : memref<128x128xf32, #tpu.memory_space<vmem>> -> memref<64x128xf32, #tpu.memory_space<vmem>>
      %dma_start3A_94 = arith.constant 0 : i32
      %dma_start3A_95 = arith.constant 0 : i32
      %dma_start3A_96 = tpu.memref_slice %arg8[%dma_start3A_94, %dma_start3A_95] : memref<10000x128xf32, #tpu.memory_space<vmem_shared>> -> memref<10000x128xf32, #tpu.memory_space<vmem_shared>>
      tpu.enqueue_indirect_dma source(%dma_start3A_93 : memref<64x128xf32, #tpu.memory_space<vmem>>) target(%dma_start3A_96 : memref<10000x128xf32, #tpu.memory_space<vmem_shared>>) offsets(%arg11 : memref<64xi32, #tpu.memory_space<vmem>>) semaphore(%arg22 : memref<!tpu.dma_semaphore, #tpu.memory_space<semaphore_mem>>) {add = true}
      %scan3A_97 = arith.constant 0 : i32
      %scan3A_98 = arith.constant 64 : i32
      %scan3A_99 = arith.constant 64 : i32
      %scan3A_100 = arith.addi %scan3A_98, %scan3A_99 : i32
      %scan3A_101 = arith.constant 4 : i32
      scf.for %scan3A_123 = %scan3A_98 to %scan3A_100 step %scan3A_101  : i32 {
        %broadcast_in_dim3A = vector.broadcast %scan3A_123 : i32 to vector<16xi32>
        %gather3A = tpu.vector_load_idx %arg13[%broadcast_in_dim3A] : memref<128xf32, #tpu.memory_space<vmem>>[vector<16xi32>], vector<16xf32>,
        %get3A = arith.index_cast %scan3A_123 : i32 to index
        %get3A_124 = arith.constant 0 : index
        %get3A_125 = tpu.vector_load %arg14[%get3A, %get3A_124] {strides = array<i32>} : memref<128x128xf32, #tpu.memory_space<vmem>>, vector<16xf32>,
        %mul3A_126 = arith.mulf %get3A_125, %gather3A : vector<16xf32>
        %swap3A = arith.index_cast %scan3A_123 : i32 to index
        %swap3A_127 = arith.constant 0 : index
        %swap3A_128 = tpu.vector_load %arg14[%swap3A, %swap3A_127] {strides = array<i32>} : memref<128x128xf32, #tpu.memory_space<vmem>>, vector<16xf32>,
        tpu.vector_store %arg14[%swap3A, %swap3A_127], %mul3A_126 {strides = array<i32>} : memref<128x128xf32, #tpu.memory_space<vmem>>, vector<16xf32>,
        %get3A_129 = arith.index_cast %scan3A_123 : i32 to index
        %get3A_130 = arith.constant 16 : index
        %get3A_131 = tpu.vector_load %arg14[%get3A_129, %get3A_130] {strides = array<i32>} : memref<128x128xf32, #tpu.memory_space<vmem>>, vector<16xf32>,
        %mul3A_132 = arith.mulf %get3A_131, %gather3A : vector<16xf32>
        %swap3A_133 = arith.index_cast %scan3A_123 : i32 to index
        %swap3A_134 = arith.constant 16 : index
        %swap3A_135 = tpu.vector_load %arg14[%swap3A_133, %swap3A_134] {strides = array<i32>} : memref<128x128xf32, #tpu.memory_space<vmem>>, vector<16xf32>,
        tpu.vector_store %arg14[%swap3A_133, %swap3A_134], %mul3A_132 {strides = array<i32>} : memref<128x128xf32, #tpu.memory_space<vmem>>, vector<16xf32>,
        %get3A_136 = arith.index_cast %scan3A_123 : i32 to index
        %get3A_137 = arith.constant 32 : index
        %get3A_138 = tpu.vector_load %arg14[%get3A_136, %get3A_137] {strides = array<i32>} : memref<128x128xf32, #tpu.memory_space<vmem>>, vector<16xf32>,
        %mul3A_139 = arith.mulf %get3A_138, %gather3A : vector<16xf32>
        %swap3A_140 = arith.index_cast %scan3A_123 : i32 to index
        %swap3A_141 = arith.constant 32 : index
        %swap3A_142 = tpu.vector_load %arg14[%swap3A_140, %swap3A_141] {strides = array<i32>} : memref<128x128xf32, #tpu.memory_space<vmem>>, vector<16xf32>,
        tpu.vector_store %arg14[%swap3A_140, %swap3A_141], %mul3A_139 {strides = array<i32>} : memref<128x128xf32, #tpu.memory_space<vmem>>, vector<16xf32>,
        %get3A_143 = arith.index_cast %scan3A_123 : i32 to index
        %get3A_144 = arith.constant 48 : index
        %get3A_145 = tpu.vector_load %arg14[%get3A_143, %get3A_144] {strides = array<i32>} : memref<128x128xf32, #tpu.memory_space<vmem>>, vector<16xf32>,
        %mul3A_146 = arith.mulf %get3A_145, %gather3A : vector<16xf32>
        %swap3A_147 = arith.index_cast %scan3A_123 : i32 to index
        %swap3A_148 = arith.constant 48 : index
        %swap3A_149 = tpu.vector_load %arg14[%swap3A_147, %swap3A_148] {strides = array<i32>} : memref<128x128xf32, #tpu.memory_space<vmem>>, vector<16xf32>,
        tpu.vector_store %arg14[%swap3A_147, %swap3A_148], %mul3A_146 {strides = array<i32>} : memref<128x128xf32, #tpu.memory_space<vmem>>, vector<16xf32>,
        %get3A_150 = arith.index_cast %scan3A_123 : i32 to index
        %get3A_151 = arith.constant 64 : index
        %get3A_152 = tpu.vector_load %arg14[%get3A_150, %get3A_151] {strides = array<i32>} : memref<128x128xf32, #tpu.memory_space<vmem>>, vector<16xf32>,
        %mul3A_153 = arith.mulf %get3A_152, %gather3A : vector<16xf32>
        %swap3A_154 = arith.index_cast %scan3A_123 : i32 to index
        %swap3A_155 = arith.constant 64 : index
        %swap3A_156 = tpu.vector_load %arg14[%swap3A_154, %swap3A_155] {strides = array<i32>} : memref<128x128xf32, #tpu.memory_space<vmem>>, vector<16xf32>,
        tpu.vector_store %arg14[%swap3A_154, %swap3A_155], %mul3A_153 {strides = array<i32>} : memref<128x128xf32, #tpu.memory_space<vmem>>, vector<16xf32>,
        %get3A_157 = arith.index_cast %scan3A_123 : i32 to index
        %get3A_158 = arith.constant 80 : index
        %get3A_159 = tpu.vector_load %arg14[%get3A_157, %get3A_158] {strides = array<i32>} : memref<128x128xf32, #tpu.memory_space<vmem>>, vector<16xf32>,
        %mul3A_160 = arith.mulf %get3A_159, %gather3A : vector<16xf32>
        %swap3A_161 = arith.index_cast %scan3A_123 : i32 to index
        %swap3A_162 = arith.constant 80 : index
        %swap3A_163 = tpu.vector_load %arg14[%swap3A_161, %swap3A_162] {strides = array<i32>} : memref<128x128xf32, #tpu.memory_space<vmem>>, vector<16xf32>,
        tpu.vector_store %arg14[%swap3A_161, %swap3A_162], %mul3A_160 {strides = array<i32>} : memref<128x128xf32, #tpu.memory_space<vmem>>, vector<16xf32>,
        %get3A_164 = arith.index_cast %scan3A_123 : i32 to index
        %get3A_165 = arith.constant 96 : index
        %get3A_166 = tpu.vector_load %arg14[%get3A_164, %get3A_165] {strides = array<i32>} : memref<128x128xf32, #tpu.memory_space<vmem>>, vector<16xf32>,
        %mul3A_167 = arith.mulf %get3A_166, %gather3A : vector<16xf32>
        %swap3A_168 = arith.index_cast %scan3A_123 : i32 to index
        %swap3A_169 = arith.constant 96 : index
        %swap3A_170 = tpu.vector_load %arg14[%swap3A_168, %swap3A_169] {strides = array<i32>} : memref<128x128xf32, #tpu.memory_space<vmem>>, vector<16xf32>,
        tpu.vector_store %arg14[%swap3A_168, %swap3A_169], %mul3A_167 {strides = array<i32>} : memref<128x128xf32, #tpu.memory_space<vmem>>, vector<16xf32>,
        %get3A_171 = arith.index_cast %scan3A_123 : i32 to index
        %get3A_172 = arith.constant 112 : index
        %get3A_173 = tpu.vector_load %arg14[%get3A_171, %get3A_172] {strides = array<i32>} : memref<128x128xf32, #tpu.memory_space<vmem>>, vector<16xf32>,
        %mul3A_174 = arith.mulf %get3A_173, %gather3A : vector<16xf32>
        %swap3A_175 = arith.index_cast %scan3A_123 : i32 to index
        %swap3A_176 = arith.constant 112 : index
        %swap3A_177 = tpu.vector_load %arg14[%swap3A_175, %swap3A_176] {strides = array<i32>} : memref<128x128xf32, #tpu.memory_space<vmem>>, vector<16xf32>,
        tpu.vector_store %arg14[%swap3A_175, %swap3A_176], %mul3A_174 {strides = array<i32>} : memref<128x128xf32, #tpu.memory_space<vmem>>, vector<16xf32>,
        %scan3A_178 = arith.constant 1 : i32
        %scan3A_179 = arith.addi %scan3A_123, %scan3A_178 : i32
        %broadcast_in_dim3A_180 = vector.broadcast %scan3A_179 : i32 to vector<16xi32>
        %gather3A_181 = tpu.vector_load_idx %arg13[%broadcast_in_dim3A_180] : memref<128xf32, #tpu.memory_space<vmem>>[vector<16xi32>], vector<16xf32>,
        %get3A_182 = arith.index_cast %scan3A_179 : i32 to index
        %get3A_183 = arith.constant 0 : index
        %get3A_184 = tpu.vector_load %arg14[%get3A_182, %get3A_183] {strides = array<i32>} : memref<128x128xf32, #tpu.memory_space<vmem>>, vector<16xf32>,
        %mul3A_185 = arith.mulf %get3A_184, %gather3A_181 : vector<16xf32>
        %swap3A_186 = arith.index_cast %scan3A_179 : i32 to index
        %swap3A_187 = arith.constant 0 : index
        %swap3A_188 = tpu.vector_load %arg14[%swap3A_186, %swap3A_187] {strides = array<i32>} : memref<128x128xf32, #tpu.memory_space<vmem>>, vector<16xf32>,
        tpu.vector_store %arg14[%swap3A_186, %swap3A_187], %mul3A_185 {strides = array<i32>} : memref<128x128xf32, #tpu.memory_space<vmem>>, vector<16xf32>,
        %get3A_189 = arith.index_cast %scan3A_179 : i32 to index
        %get3A_190 = arith.constant 16 : index
        %get3A_191 = tpu.vector_load %arg14[%get3A_189, %get3A_190] {strides = array<i32>} : memref<128x128xf32, #tpu.memory_space<vmem>>, vector<16xf32>,
        %mul3A_192 = arith.mulf %get3A_191, %gather3A_181 : vector<16xf32>
        %swap3A_193 = arith.index_cast %scan3A_179 : i32 to index
        %swap3A_194 = arith.constant 16 : index
        %swap3A_195 = tpu.vector_load %arg14[%swap3A_193, %swap3A_194] {strides = array<i32>} : memref<128x128xf32, #tpu.memory_space<vmem>>, vector<16xf32>,
        tpu.vector_store %arg14[%swap3A_193, %swap3A_194], %mul3A_192 {strides = array<i32>} : memref<128x128xf32, #tpu.memory_space<vmem>>, vector<16xf32>,
        %get3A_196 = arith.index_cast %scan3A_179 : i32 to index
        %get3A_197 = arith.constant 32 : index
        %get3A_198 = tpu.vector_load %arg14[%get3A_196, %get3A_197] {strides = array<i32>} : memref<128x128xf32, #tpu.memory_space<vmem>>, vector<16xf32>,
        %mul3A_199 = arith.mulf %get3A_198, %gather3A_181 : vector<16xf32>
        %swap3A_200 = arith.index_cast %scan3A_179 : i32 to index
        %swap3A_201 = arith.constant 32 : index
        %swap3A_202 = tpu.vector_load %arg14[%swap3A_200, %swap3A_201] {strides = array<i32>} : memref<128x128xf32, #tpu.memory_space<vmem>>, vector<16xf32>,
        tpu.vector_store %arg14[%swap3A_200, %swap3A_201], %mul3A_199 {strides = array<i32>} : memref<128x128xf32, #tpu.memory_space<vmem>>, vector<16xf32>,
        %get3A_203 = arith.index_cast %scan3A_179 : i32 to index
        %get3A_204 = arith.constant 48 : index
        %get3A_205 = tpu.vector_load %arg14[%get3A_203, %get3A_204] {strides = array<i32>} : memref<128x128xf32, #tpu.memory_space<vmem>>, vector<16xf32>,
        %mul3A_206 = arith.mulf %get3A_205, %gather3A_181 : vector<16xf32>
        %swap3A_207 = arith.index_cast %scan3A_179 : i32 to index
        %swap3A_208 = arith.constant 48 : index
        %swap3A_209 = tpu.vector_load %arg14[%swap3A_207, %swap3A_208] {strides = array<i32>} : memref<128x128xf32, #tpu.memory_space<vmem>>, vector<16xf32>,
        tpu.vector_store %arg14[%swap3A_207, %swap3A_208], %mul3A_206 {strides = array<i32>} : memref<128x128xf32, #tpu.memory_space<vmem>>, vector<16xf32>,
        %get3A_210 = arith.index_cast %scan3A_179 : i32 to index
        %get3A_211 = arith.constant 64 : index
        %get3A_212 = tpu.vector_load %arg14[%get3A_210, %get3A_211] {strides = array<i32>} : memref<128x128xf32, #tpu.memory_space<vmem>>, vector<16xf32>,
        %mul3A_213 = arith.mulf %get3A_212, %gather3A_181 : vector<16xf32>
        %swap3A_214 = arith.index_cast %scan3A_179 : i32 to index
        %swap3A_215 = arith.constant 64 : index
        %swap3A_216 = tpu.vector_load %arg14[%swap3A_214, %swap3A_215] {strides = array<i32>} : memref<128x128xf32, #tpu.memory_space<vmem>>, vector<16xf32>,
        tpu.vector_store %arg14[%swap3A_214, %swap3A_215], %mul3A_213 {strides = array<i32>} : memref<128x128xf32, #tpu.memory_space<vmem>>, vector<16xf32>,
        %get3A_217 = arith.index_cast %scan3A_179 : i32 to index
        %get3A_218 = arith.constant 80 : index
        %get3A_219 = tpu.vector_load %arg14[%get3A_217, %get3A_218] {strides = array<i32>} : memref<128x128xf32, #tpu.memory_space<vmem>>, vector<16xf32>,
        %mul3A_220 = arith.mulf %get3A_219, %gather3A_181 : vector<16xf32>
        %swap3A_221 = arith.index_cast %scan3A_179 : i32 to index
        %swap3A_222 = arith.constant 80 : index
        %swap3A_223 = tpu.vector_load %arg14[%swap3A_221, %swap3A_222] {strides = array<i32>} : memref<128x128xf32, #tpu.memory_space<vmem>>, vector<16xf32>,
        tpu.vector_store %arg14[%swap3A_221, %swap3A_222], %mul3A_220 {strides = array<i32>} : memref<128x128xf32, #tpu.memory_space<vmem>>, vector<16xf32>,
        %get3A_224 = arith.index_cast %scan3A_179 : i32 to index
        %get3A_225 = arith.constant 96 : index
        %get3A_226 = tpu.vector_load %arg14[%get3A_224, %get3A_225] {strides = array<i32>} : memref<128x128xf32, #tpu.memory_space<vmem>>, vector<16xf32>,
        %mul3A_227 = arith.mulf %get3A_226, %gather3A_181 : vector<16xf32>
        %swap3A_228 = arith.index_cast %scan3A_179 : i32 to index
        %swap3A_229 = arith.constant 96 : index
        %swap3A_230 = tpu.vector_load %arg14[%swap3A_228, %swap3A_229] {strides = array<i32>} : memref<128x128xf32, #tpu.memory_space<vmem>>, vector<16xf32>,
        tpu.vector_store %arg14[%swap3A_228, %swap3A_229], %mul3A_227 {strides = array<i32>} : memref<128x128xf32, #tpu.memory_space<vmem>>, vector<16xf32>,
        %get3A_231 = arith.index_cast %scan3A_179 : i32 to index
        %get3A_232 = arith.constant 112 : index
        %get3A_233 = tpu.vector_load %arg14[%get3A_231, %get3A_232] {strides = array<i32>} : memref<128x128xf32, #tpu.memory_space<vmem>>, vector<16xf32>,
        %mul3A_234 = arith.mulf %get3A_233, %gather3A_181 : vector<16xf32>
        %swap3A_235 = arith.index_cast %scan3A_179 : i32 to index
        %swap3A_236 = arith.constant 112 : index
        %swap3A_237 = tpu.vector_load %arg14[%swap3A_235, %swap3A_236] {strides = array<i32>} : memref<128x128xf32, #tpu.memory_space<vmem>>, vector<16xf32>,
        tpu.vector_store %arg14[%swap3A_235, %swap3A_236], %mul3A_234 {strides = array<i32>} : memref<128x128xf32, #tpu.memory_space<vmem>>, vector<16xf32>,
        %scan3A_238 = arith.constant 2 : i32
        %scan3A_239 = arith.addi %scan3A_123, %scan3A_238 : i32
        %broadcast_in_dim3A_240 = vector.broadcast %scan3A_239 : i32 to vector<16xi32>
        %gather3A_241 = tpu.vector_load_idx %arg13[%broadcast_in_dim3A_240] : memref<128xf32, #tpu.memory_space<vmem>>[vector<16xi32>], vector<16xf32>,
        %get3A_242 = arith.index_cast %scan3A_239 : i32 to index
        %get3A_243 = arith.constant 0 : index
        %get3A_244 = tpu.vector_load %arg14[%get3A_242, %get3A_243] {strides = array<i32>} : memref<128x128xf32, #tpu.memory_space<vmem>>, vector<16xf32>,
        %mul3A_245 = arith.mulf %get3A_244, %gather3A_241 : vector<16xf32>
        %swap3A_246 = arith.index_cast %scan3A_239 : i32 to index
        %swap3A_247 = arith.constant 0 : index
        %swap3A_248 = tpu.vector_load %arg14[%swap3A_246, %swap3A_247] {strides = array<i32>} : memref<128x128xf32, #tpu.memory_space<vmem>>, vector<16xf32>,
        tpu.vector_store %arg14[%swap3A_246, %swap3A_247], %mul3A_245 {strides = array<i32>} : memref<128x128xf32, #tpu.memory_space<vmem>>, vector<16xf32>,
        %get3A_249 = arith.index_cast %scan3A_239 : i32 to index
        %get3A_250 = arith.constant 16 : index
        %get3A_251 = tpu.vector_load %arg14[%get3A_249, %get3A_250] {strides = array<i32>} : memref<128x128xf32, #tpu.memory_space<vmem>>, vector<16xf32>,
        %mul3A_252 = arith.mulf %get3A_251, %gather3A_241 : vector<16xf32>
        %swap3A_253 = arith.index_cast %scan3A_239 : i32 to index
        %swap3A_254 = arith.constant 16 : index
        %swap3A_255 = tpu.vector_load %arg14[%swap3A_253, %swap3A_254] {strides = array<i32>} : memref<128x128xf32, #tpu.memory_space<vmem>>, vector<16xf32>,
        tpu.vector_store %arg14[%swap3A_253, %swap3A_254], %mul3A_252 {strides = array<i32>} : memref<128x128xf32, #tpu.memory_space<vmem>>, vector<16xf32>,
        %get3A_256 = arith.index_cast %scan3A_239 : i32 to index
        %get3A_257 = arith.constant 32 : index
        %get3A_258 = tpu.vector_load %arg14[%get3A_256, %get3A_257] {strides = array<i32>} : memref<128x128xf32, #tpu.memory_space<vmem>>, vector<16xf32>,
        %mul3A_259 = arith.mulf %get3A_258, %gather3A_241 : vector<16xf32>
        %swap3A_260 = arith.index_cast %scan3A_239 : i32 to index
        %swap3A_261 = arith.constant 32 : index
        %swap3A_262 = tpu.vector_load %arg14[%swap3A_260, %swap3A_261] {strides = array<i32>} : memref<128x128xf32, #tpu.memory_space<vmem>>, vector<16xf32>,
        tpu.vector_store %arg14[%swap3A_260, %swap3A_261], %mul3A_259 {strides = array<i32>} : memref<128x128xf32, #tpu.memory_space<vmem>>, vector<16xf32>,
        %get3A_263 = arith.index_cast %scan3A_239 : i32 to index
        %get3A_264 = arith.constant 48 : index
        %get3A_265 = tpu.vector_load %arg14[%get3A_263, %get3A_264] {strides = array<i32>} : memref<128x128xf32, #tpu.memory_space<vmem>>, vector<16xf32>,
        %mul3A_266 = arith.mulf %get3A_265, %gather3A_241 : vector<16xf32>
        %swap3A_267 = arith.index_cast %scan3A_239 : i32 to index
        %swap3A_268 = arith.constant 48 : index
        %swap3A_269 = tpu.vector_load %arg14[%swap3A_267, %swap3A_268] {strides = array<i32>} : memref<128x128xf32, #tpu.memory_space<vmem>>, vector<16xf32>,
        tpu.vector_store %arg14[%swap3A_267, %swap3A_268], %mul3A_266 {strides = array<i32>} : memref<128x128xf32, #tpu.memory_space<vmem>>, vector<16xf32>,
        %get3A_270 = arith.index_cast %scan3A_239 : i32 to index
        %get3A_271 = arith.constant 64 : index
        %get3A_272 = tpu.vector_load %arg14[%get3A_270, %get3A_271] {strides = array<i32>} : memref<128x128xf32, #tpu.memory_space<vmem>>, vector<16xf32>,
        %mul3A_273 = arith.mulf %get3A_272, %gather3A_241 : vector<16xf32>
        %swap3A_274 = arith.index_cast %scan3A_239 : i32 to index
        %swap3A_275 = arith.constant 64 : index
        %swap3A_276 = tpu.vector_load %arg14[%swap3A_274, %swap3A_275] {strides = array<i32>} : memref<128x128xf32, #tpu.memory_space<vmem>>, vector<16xf32>,
        tpu.vector_store %arg14[%swap3A_274, %swap3A_275], %mul3A_273 {strides = array<i32>} : memref<128x128xf32, #tpu.memory_space<vmem>>, vector<16xf32>,
        %get3A_277 = arith.index_cast %scan3A_239 : i32 to index
        %get3A_278 = arith.constant 80 : index
        %get3A_279 = tpu.vector_load %arg14[%get3A_277, %get3A_278] {strides = array<i32>} : memref<128x128xf32, #tpu.memory_space<vmem>>, vector<16xf32>,
        %mul3A_280 = arith.mulf %get3A_279, %gather3A_241 : vector<16xf32>
        %swap3A_281 = arith.index_cast %scan3A_239 : i32 to index
        %swap3A_282 = arith.constant 80 : index
        %swap3A_283 = tpu.vector_load %arg14[%swap3A_281, %swap3A_282] {strides = array<i32>} : memref<128x128xf32, #tpu.memory_space<vmem>>, vector<16xf32>,
        tpu.vector_store %arg14[%swap3A_281, %swap3A_282], %mul3A_280 {strides = array<i32>} : memref<128x128xf32, #tpu.memory_space<vmem>>, vector<16xf32>,
        %get3A_284 = arith.index_cast %scan3A_239 : i32 to index
        %get3A_285 = arith.constant 96 : index
        %get3A_286 = tpu.vector_load %arg14[%get3A_284, %get3A_285] {strides = array<i32>} : memref<128x128xf32, #tpu.memory_space<vmem>>, vector<16xf32>,
        %mul3A_287 = arith.mulf %get3A_286, %gather3A_241 : vector<16xf32>
        %swap3A_288 = arith.index_cast %scan3A_239 : i32 to index
        %swap3A_289 = arith.constant 96 : index
        %swap3A_290 = tpu.vector_load %arg14[%swap3A_288, %swap3A_289] {strides = array<i32>} : memref<128x128xf32, #tpu.memory_space<vmem>>, vector<16xf32>,
        tpu.vector_store %arg14[%swap3A_288, %swap3A_289], %mul3A_287 {strides = array<i32>} : memref<128x128xf32, #tpu.memory_space<vmem>>, vector<16xf32>,
        %get3A_291 = arith.index_cast %scan3A_239 : i32 to index
        %get3A_292 = arith.constant 112 : index
        %get3A_293 = tpu.vector_load %arg14[%get3A_291, %get3A_292] {strides = array<i32>} : memref<128x128xf32, #tpu.memory_space<vmem>>, vector<16xf32>,
        %mul3A_294 = arith.mulf %get3A_293, %gather3A_241 : vector<16xf32>
        %swap3A_295 = arith.index_cast %scan3A_239 : i32 to index
        %swap3A_296 = arith.constant 112 : index
        %swap3A_297 = tpu.vector_load %arg14[%swap3A_295, %swap3A_296] {strides = array<i32>} : memref<128x128xf32, #tpu.memory_space<vmem>>, vector<16xf32>,
        tpu.vector_store %arg14[%swap3A_295, %swap3A_296], %mul3A_294 {strides = array<i32>} : memref<128x128xf32, #tpu.memory_space<vmem>>, vector<16xf32>,
        %scan3A_298 = arith.constant 3 : i32
        %scan3A_299 = arith.addi %scan3A_123, %scan3A_298 : i32
        %broadcast_in_dim3A_300 = vector.broadcast %scan3A_299 : i32 to vector<16xi32>
        %gather3A_301 = tpu.vector_load_idx %arg13[%broadcast_in_dim3A_300] : memref<128xf32, #tpu.memory_space<vmem>>[vector<16xi32>], vector<16xf32>,
        %get3A_302 = arith.index_cast %scan3A_299 : i32 to index
        %get3A_303 = arith.constant 0 : index
        %get3A_304 = tpu.vector_load %arg14[%get3A_302, %get3A_303] {strides = array<i32>} : memref<128x128xf32, #tpu.memory_space<vmem>>, vector<16xf32>,
        %mul3A_305 = arith.mulf %get3A_304, %gather3A_301 : vector<16xf32>
        %swap3A_306 = arith.index_cast %scan3A_299 : i32 to index
        %swap3A_307 = arith.constant 0 : index
        %swap3A_308 = tpu.vector_load %arg14[%swap3A_306, %swap3A_307] {strides = array<i32>} : memref<128x128xf32, #tpu.memory_space<vmem>>, vector<16xf32>,
        tpu.vector_store %arg14[%swap3A_306, %swap3A_307], %mul3A_305 {strides = array<i32>} : memref<128x128xf32, #tpu.memory_space<vmem>>, vector<16xf32>,
        %get3A_309 = arith.index_cast %scan3A_299 : i32 to index
        %get3A_310 = arith.constant 16 : index
        %get3A_311 = tpu.vector_load %arg14[%get3A_309, %get3A_310] {strides = array<i32>} : memref<128x128xf32, #tpu.memory_space<vmem>>, vector<16xf32>,
        %mul3A_312 = arith.mulf %get3A_311, %gather3A_301 : vector<16xf32>
        %swap3A_313 = arith.index_cast %scan3A_299 : i32 to index
        %swap3A_314 = arith.constant 16 : index
        %swap3A_315 = tpu.vector_load %arg14[%swap3A_313, %swap3A_314] {strides = array<i32>} : memref<128x128xf32, #tpu.memory_space<vmem>>, vector<16xf32>,
        tpu.vector_store %arg14[%swap3A_313, %swap3A_314], %mul3A_312 {strides = array<i32>} : memref<128x128xf32, #tpu.memory_space<vmem>>, vector<16xf32>,
        %get3A_316 = arith.index_cast %scan3A_299 : i32 to index
        %get3A_317 = arith.constant 32 : index
        %get3A_318 = tpu.vector_load %arg14[%get3A_316, %get3A_317] {strides = array<i32>} : memref<128x128xf32, #tpu.memory_space<vmem>>, vector<16xf32>,
        %mul3A_319 = arith.mulf %get3A_318, %gather3A_301 : vector<16xf32>
        %swap3A_320 = arith.index_cast %scan3A_299 : i32 to index
        %swap3A_321 = arith.constant 32 : index
        %swap3A_322 = tpu.vector_load %arg14[%swap3A_320, %swap3A_321] {strides = array<i32>} : memref<128x128xf32, #tpu.memory_space<vmem>>, vector<16xf32>,
        tpu.vector_store %arg14[%swap3A_320, %swap3A_321], %mul3A_319 {strides = array<i32>} : memref<128x128xf32, #tpu.memory_space<vmem>>, vector<16xf32>,
        %get3A_323 = arith.index_cast %scan3A_299 : i32 to index
        %get3A_324 = arith.constant 48 : index
        %get3A_325 = tpu.vector_load %arg14[%get3A_323, %get3A_324] {strides = array<i32>} : memref<128x128xf32, #tpu.memory_space<vmem>>, vector<16xf32>,
        %mul3A_326 = arith.mulf %get3A_325, %gather3A_301 : vector<16xf32>
        %swap3A_327 = arith.index_cast %scan3A_299 : i32 to index
        %swap3A_328 = arith.constant 48 : index
        %swap3A_329 = tpu.vector_load %arg14[%swap3A_327, %swap3A_328] {strides = array<i32>} : memref<128x128xf32, #tpu.memory_space<vmem>>, vector<16xf32>,
        tpu.vector_store %arg14[%swap3A_327, %swap3A_328], %mul3A_326 {strides = array<i32>} : memref<128x128xf32, #tpu.memory_space<vmem>>, vector<16xf32>,
        %get3A_330 = arith.index_cast %scan3A_299 : i32 to index
        %get3A_331 = arith.constant 64 : index
        %get3A_332 = tpu.vector_load %arg14[%get3A_330, %get3A_331] {strides = array<i32>} : memref<128x128xf32, #tpu.memory_space<vmem>>, vector<16xf32>,
        %mul3A_333 = arith.mulf %get3A_332, %gather3A_301 : vector<16xf32>
        %swap3A_334 = arith.index_cast %scan3A_299 : i32 to index
        %swap3A_335 = arith.constant 64 : index
        %swap3A_336 = tpu.vector_load %arg14[%swap3A_334, %swap3A_335] {strides = array<i32>} : memref<128x128xf32, #tpu.memory_space<vmem>>, vector<16xf32>,
        tpu.vector_store %arg14[%swap3A_334, %swap3A_335], %mul3A_333 {strides = array<i32>} : memref<128x128xf32, #tpu.memory_space<vmem>>, vector<16xf32>,
        %get3A_337 = arith.index_cast %scan3A_299 : i32 to index
        %get3A_338 = arith.constant 80 : index
        %get3A_339 = tpu.vector_load %arg14[%get3A_337, %get3A_338] {strides = array<i32>} : memref<128x128xf32, #tpu.memory_space<vmem>>, vector<16xf32>,
        %mul3A_340 = arith.mulf %get3A_339, %gather3A_301 : vector<16xf32>
        %swap3A_341 = arith.index_cast %scan3A_299 : i32 to index
        %swap3A_342 = arith.constant 80 : index
        %swap3A_343 = tpu.vector_load %arg14[%swap3A_341, %swap3A_342] {strides = array<i32>} : memref<128x128xf32, #tpu.memory_space<vmem>>, vector<16xf32>,
        tpu.vector_store %arg14[%swap3A_341, %swap3A_342], %mul3A_340 {strides = array<i32>} : memref<128x128xf32, #tpu.memory_space<vmem>>, vector<16xf32>,
        %get3A_344 = arith.index_cast %scan3A_299 : i32 to index
        %get3A_345 = arith.constant 96 : index
        %get3A_346 = tpu.vector_load %arg14[%get3A_344, %get3A_345] {strides = array<i32>} : memref<128x128xf32, #tpu.memory_space<vmem>>, vector<16xf32>,
        %mul3A_347 = arith.mulf %get3A_346, %gather3A_301 : vector<16xf32>
        %swap3A_348 = arith.index_cast %scan3A_299 : i32 to index
        %swap3A_349 = arith.constant 96 : index
        %swap3A_350 = tpu.vector_load %arg14[%swap3A_348, %swap3A_349] {strides = array<i32>} : memref<128x128xf32, #tpu.memory_space<vmem>>, vector<16xf32>,
        tpu.vector_store %arg14[%swap3A_348, %swap3A_349], %mul3A_347 {strides = array<i32>} : memref<128x128xf32, #tpu.memory_space<vmem>>, vector<16xf32>,
        %get3A_351 = arith.index_cast %scan3A_299 : i32 to index
        %get3A_352 = arith.constant 112 : index
        %get3A_353 = tpu.vector_load %arg14[%get3A_351, %get3A_352] {strides = array<i32>} : memref<128x128xf32, #tpu.memory_space<vmem>>, vector<16xf32>,
        %mul3A_354 = arith.mulf %get3A_353, %gather3A_301 : vector<16xf32>
        %swap3A_355 = arith.index_cast %scan3A_299 : i32 to index
        %swap3A_356 = arith.constant 112 : index
        %swap3A_357 = tpu.vector_load %arg14[%swap3A_355, %swap3A_356] {strides = array<i32>} : memref<128x128xf32, #tpu.memory_space<vmem>>, vector<16xf32>,
        tpu.vector_store %arg14[%swap3A_355, %swap3A_356], %mul3A_354 {strides = array<i32>} : memref<128x128xf32, #tpu.memory_space<vmem>>, vector<16xf32>,
      }
      %scan3A_102 = arith.constant 64 : i32
      %dma_wait3A_103 = tpu.memref_slice %arg4[%add3A_44] : memref<320000xi32, #tpu.memory_space<hbm>> -> memref<64xi32, #tpu.memory_space<hbm>>
      %dma_wait3A_104 = tpu.memref_slice %arg4[%add3A_44] : memref<320000xi32, #tpu.memory_space<hbm>> -> memref<64xi32, #tpu.memory_space<hbm>>
      tpu.wait_dma2 semaphore(%arg18 : memref<!tpu.dma_semaphore, #tpu.memory_space<semaphore_mem>>) src(%dma_wait3A_104 : memref<64xi32, #tpu.memory_space<hbm>>) dst(%arg12 : memref<64xi32, #tpu.memory_space<vmem>>)
      %dma_start3A_105 = arith.constant 64 : i32
      %dma_start3A_106 = arith.constant 0 : i32
      %dma_start3A_107 = tpu.memref_slice %arg14[%dma_start3A_105, %dma_start3A_106] : memref<128x128xf32, #tpu.memory_space<vmem>> -> memref<64x128xf32, #tpu.memory_space<vmem>>
      %dma_start3A_108 = arith.constant 0 : i32
      %dma_start3A_109 = arith.constant 0 : i32
      %dma_start3A_110 = tpu.memref_slice %arg8[%dma_start3A_108, %dma_start3A_109] : memref<10000x128xf32, #tpu.memory_space<vmem_shared>> -> memref<10000x128xf32, #tpu.memory_space<vmem_shared>>
      tpu.enqueue_indirect_dma source(%dma_start3A_107 : memref<64x128xf32, #tpu.memory_space<vmem>>) target(%dma_start3A_110 : memref<10000x128xf32, #tpu.memory_space<vmem_shared>>) offsets(%arg12 : memref<64xi32, #tpu.memory_space<vmem>>) semaphore(%arg23 : memref<!tpu.dma_semaphore, #tpu.memory_space<semaphore_mem>>) {add = true}
      %dma_wait3A_111 = arith.constant 0 : i32
      %dma_wait3A_112 = arith.constant 0 : i32
      %dma_wait3A_113 = tpu.memref_slice %arg14[%dma_wait3A_111, %dma_wait3A_112] : memref<128x128xf32, #tpu.memory_space<vmem>> -> memref<64x128xf32, #tpu.memory_space<vmem>>
      %dma_wait3A_114 = arith.constant 0 : i32
      %dma_wait3A_115 = arith.constant 0 : i32
      %dma_wait3A_116 = tpu.memref_slice %arg8[%dma_wait3A_114, %dma_wait3A_115] : memref<10000x128xf32, #tpu.memory_space<vmem_shared>> -> memref<10000x128xf32, #tpu.memory_space<vmem_shared>>
      tpu.wait_indirect_dma semaphore(%arg22 : memref<!tpu.dma_semaphore, #tpu.memory_space<semaphore_mem>>) src(%dma_wait3A_113 : memref<64x128xf32, #tpu.memory_space<vmem>>) dst(%dma_wait3A_116 : memref<10000x128xf32, #tpu.memory_space<vmem_shared>>)
      %dma_wait3A_117 = arith.constant 64 : i32
      %dma_wait3A_118 = arith.constant 0 : i32
      %dma_wait3A_119 = tpu.memref_slice %arg14[%dma_wait3A_117, %dma_wait3A_118] : memref<128x128xf32, #tpu.memory_space<vmem>> -> memref<64x128xf32, #tpu.memory_space<vmem>>
      %dma_wait3A_120 = arith.constant 0 : i32
      %dma_wait3A_121 = arith.constant 0 : i32
      %dma_wait3A_122 = tpu.memref_slice %arg8[%dma_wait3A_120, %dma_wait3A_121] : memref<10000x128xf32, #tpu.memory_space<vmem_shared>> -> memref<10000x128xf32, #tpu.memory_space<vmem_shared>>
      tpu.wait_indirect_dma semaphore(%arg23 : memref<!tpu.dma_semaphore, #tpu.memory_space<semaphore_mem>>) src(%dma_wait3A_119 : memref<64x128xf32, #tpu.memory_space<vmem>>) dst(%dma_wait3A_122 : memref<10000x128xf32, #tpu.memory_space<vmem_shared>>)
    }
    %while3A_21 = arith.constant 1 : i32
    scf.for %while3A_32 = %while3A_19 to %while3A_15 step %while3A_21  : i32 {
      %add3A_33 = arith.addi %add3A_12, %while3A_32 : i32
      %mul3A_34 = arith.constant 128 : i32
      %mul3A_35 = arith.muli %add3A_33, %mul3A_34 : i32
      %dma_start3A = tpu.memref_slice %arg3[%mul3A_35] : memref<320000xi32, #tpu.memory_space<hbm>> -> memref<32xi32, #tpu.memory_space<hbm>>
      %dma_start3A_36 = tpu.memref_slice %arg3[%mul3A_35] : memref<320000xi32, #tpu.memory_space<hbm>> -> memref<32xi32, #tpu.memory_space<hbm>>
      tpu.enqueue_dma source(%dma_start3A_36 : memref<32xi32, #tpu.memory_space<hbm>>) target(%arg9 : memref<32xi32, #tpu.memory_space<vmem>>) target_semaphore(%arg15 : memref<!tpu.dma_semaphore, #tpu.memory_space<semaphore_mem>>)
      %add3A_37 = arith.constant 32 : i32
      %add3A_38 = arith.addi %mul3A_35, %add3A_37 : i32
      %dma_start3A_39 = tpu.memref_slice %arg3[%add3A_38] : memref<320000xi32, #tpu.memory_space<hbm>> -> memref<96xi32, #tpu.memory_space<hbm>>
      %dma_start3A_40 = tpu.memref_slice %arg3[%add3A_38] : memref<320000xi32, #tpu.memory_space<hbm>> -> memref<96xi32, #tpu.memory_space<hbm>>
      tpu.enqueue_dma source(%dma_start3A_40 : memref<96xi32, #tpu.memory_space<hbm>>) target(%arg10 : memref<96xi32, #tpu.memory_space<vmem>>) target_semaphore(%arg16 : memref<!tpu.dma_semaphore, #tpu.memory_space<semaphore_mem>>)
      %dma_start3A_41 = tpu.memref_slice %arg4[%mul3A_35] : memref<320000xi32, #tpu.memory_space<hbm>> -> memref<64xi32, #tpu.memory_space<hbm>>
      %dma_start3A_42 = tpu.memref_slice %arg4[%mul3A_35] : memref<320000xi32, #tpu.memory_space<hbm>> -> memref<64xi32, #tpu.memory_space<hbm>>
      tpu.enqueue_dma source(%dma_start3A_42 : memref<64xi32, #tpu.memory_space<hbm>>) target(%arg11 : memref<64xi32, #tpu.memory_space<vmem>>) target_semaphore(%arg17 : memref<!tpu.dma_semaphore, #tpu.memory_space<semaphore_mem>>)
      %add3A_43 = arith.constant 64 : i32
      %add3A_44 = arith.addi %mul3A_35, %add3A_43 : i32
      %dma_start3A_45 = tpu.memref_slice %arg4[%add3A_44] : memref<320000xi32, #tpu.memory_space<hbm>> -> memref<64xi32, #tpu.memory_space<hbm>>
      %dma_start3A_46 = tpu.memref_slice %arg4[%add3A_44] : memref<320000xi32, #tpu.memory_space<hbm>> -> memref<64xi32, #tpu.memory_space<hbm>>
      tpu.enqueue_dma source(%dma_start3A_46 : memref<64xi32, #tpu.memory_space<hbm>>) target(%arg12 : memref<64xi32, #tpu.memory_space<vmem>>) target_semaphore(%arg18 : memref<!tpu.dma_semaphore, #tpu.memory_space<semaphore_mem>>)
      %dma_start3A_47 = tpu.memref_slice %arg5[%mul3A_35] : memref<320000xf32, #tpu.memory_space<hbm>> -> memref<128xf32, #tpu.memory_space<hbm>>
      %dma_start3A_48 = tpu.memref_slice %arg5[%mul3A_35] : memref<320000xf32, #tpu.memory_space<hbm>> -> memref<128xf32, #tpu.memory_space<hbm>>
      tpu.enqueue_dma source(%dma_start3A_48 : memref<128xf32, #tpu.memory_space<hbm>>) target(%arg13 : memref<128xf32, #tpu.memory_space<vmem>>) target_semaphore(%arg19 : memref<!tpu.dma_semaphore, #tpu.memory_space<semaphore_mem>>)
      %dma_wait3A = tpu.memref_slice %arg3[%mul3A_35] : memref<320000xi32, #tpu.memory_space<hbm>> -> memref<32xi32, #tpu.memory_space<hbm>>
      %dma_wait3A_49 = tpu.memref_slice %arg3[%mul3A_35] : memref<320000xi32, #tpu.memory_space<hbm>> -> memref<32xi32, #tpu.memory_space<hbm>>
      tpu.wait_dma2 semaphore(%arg15 : memref<!tpu.dma_semaphore, #tpu.memory_space<semaphore_mem>>) src(%dma_wait3A_49 : memref<32xi32, #tpu.memory_space<hbm>>) dst(%arg9 : memref<32xi32, #tpu.memory_space<vmem>>)
      %dma_start3A_50 = arith.constant 0 : i32
      %dma_start3A_51 = arith.constant 0 : i32
      %dma_start3A_52 = tpu.memref_slice %arg14[%dma_start3A_50, %dma_start3A_51] : memref<128x128xf32, #tpu.memory_space<vmem>> -> memref<32x128xf32, #tpu.memory_space<vmem>>
      %dma_start3A_53 = arith.constant 0 : i32
      %dma_start3A_54 = arith.constant 0 : i32
      %dma_start3A_55 = tpu.memref_slice %arg2[%dma_start3A_53, %dma_start3A_54] : memref<10000x128xf32, #tpu.memory_space<hbm>> -> memref<10000x128xf32, #tpu.memory_space<hbm>>
      tpu.enqueue_indirect_dma source(%dma_start3A_55 : memref<10000x128xf32, #tpu.memory_space<hbm>>) target(%dma_start3A_52 : memref<32x128xf32, #tpu.memory_space<vmem>>) offsets(%arg9 : memref<32xi32, #tpu.memory_space<vmem>>) semaphore(%arg20 : memref<!tpu.dma_semaphore, #tpu.memory_space<semaphore_mem>>)
      %dma_wait3A_56 = tpu.memref_slice %arg3[%add3A_38] : memref<320000xi32, #tpu.memory_space<hbm>> -> memref<96xi32, #tpu.memory_space<hbm>>
      %dma_wait3A_57 = tpu.memref_slice %arg3[%add3A_38] : memref<320000xi32, #tpu.memory_space<hbm>> -> memref<96xi32, #tpu.memory_space<hbm>>
      tpu.wait_dma2 semaphore(%arg16 : memref<!tpu.dma_semaphore, #tpu.memory_space<semaphore_mem>>) src(%dma_wait3A_57 : memref<96xi32, #tpu.memory_space<hbm>>) dst(%arg10 : memref<96xi32, #tpu.memory_space<vmem>>)
      %dma_start3A_58 = arith.constant 32 : i32
      %dma_start3A_59 = arith.constant 0 : i32
      %dma_start3A_60 = tpu.memref_slice %arg14[%dma_start3A_58, %dma_start3A_59] : memref<128x128xf32, #tpu.memory_space<vmem>> -> memref<96x128xf32, #tpu.memory_space<vmem>>
      %dma_start3A_61 = arith.constant 0 : i32
      %dma_start3A_62 = arith.constant 0 : i32
      %dma_start3A_63 = tpu.memref_slice %arg2[%dma_start3A_61, %dma_start3A_62] : memref<10000x128xf32, #tpu.memory_space<hbm>> -> memref<10000x128xf32, #tpu.memory_space<hbm>>
      tpu.enqueue_indirect_dma source(%dma_start3A_63 : memref<10000x128xf32, #tpu.memory_space<hbm>>) target(%dma_start3A_60 : memref<96x128xf32, #tpu.memory_space<vmem>>) offsets(%arg10 : memref<96xi32, #tpu.memory_space<vmem>>) semaphore(%arg21 : memref<!tpu.dma_semaphore, #tpu.memory_space<semaphore_mem>>)
      %dma_wait3A_64 = tpu.memref_slice %arg5[%mul3A_35] : memref<320000xf32, #tpu.memory_space<hbm>> -> memref<128xf32, #tpu.memory_space<hbm>>
      %dma_wait3A_65 = tpu.memref_slice %arg5[%mul3A_35] : memref<320000xf32, #tpu.memory_space<hbm>> -> memref<128xf32, #tpu.memory_space<hbm>>
      tpu.wait_dma2 semaphore(%arg19 : memref<!tpu.dma_semaphore, #tpu.memory_space<semaphore_mem>>) src(%dma_wait3A_65 : memref<128xf32, #tpu.memory_space<hbm>>) dst(%arg13 : memref<128xf32, #tpu.memory_space<vmem>>)
      %dma_wait3A_66 = arith.constant 0 : i32
      %dma_wait3A_67 = arith.constant 0 : i32
      %dma_wait3A_68 = tpu.memref_slice %arg14[%dma_wait3A_66, %dma_wait3A_67] : memref<128x128xf32, #tpu.memory_space<vmem>> -> memref<32x128xf32, #tpu.memory_space<vmem>>
      %dma_wait3A_69 = arith.constant 0 : i32
      %dma_wait3A_70 = arith.constant 0 : i32
      %dma_wait3A_71 = tpu.memref_slice %arg2[%dma_wait3A_69, %dma_wait3A_70] : memref<10000x128xf32, #tpu.memory_space<hbm>> -> memref<10000x128xf32, #tpu.memory_space<hbm>>
      tpu.wait_indirect_dma semaphore(%arg20 : memref<!tpu.dma_semaphore, #tpu.memory_space<semaphore_mem>>) src(%dma_wait3A_71 : memref<10000x128xf32, #tpu.memory_space<hbm>>) dst(%dma_wait3A_68 : memref<32x128xf32, #tpu.memory_space<vmem>>)
      %scan3A = arith.constant 0 : i32
      %scan3A_72 = arith.constant 0 : i32
      %scan3A_73 = arith.constant 32 : i32
      %scan3A_74 = arith.addi %scan3A_72, %scan3A_73 : i32
      %scan3A_75 = arith.constant 4 : i32
      scf.for %scan3A_123 = %scan3A_72 to %scan3A_74 step %scan3A_75  : i32 {
        %broadcast_in_dim3A = vector.broadcast %scan3A_123 : i32 to vector<16xi32>
        %gather3A = tpu.vector_load_idx %arg13[%broadcast_in_dim3A] : memref<128xf32, #tpu.memory_space<vmem>>[vector<16xi32>], vector<16xf32>,
        %get3A = arith.index_cast %scan3A_123 : i32 to index
        %get3A_124 = arith.constant 0 : index
        %get3A_125 = tpu.vector_load %arg14[%get3A, %get3A_124] {strides = array<i32>} : memref<128x128xf32, #tpu.memory_space<vmem>>, vector<16xf32>,
        %mul3A_126 = arith.mulf %get3A_125, %gather3A : vector<16xf32>
        %swap3A = arith.index_cast %scan3A_123 : i32 to index
        %swap3A_127 = arith.constant 0 : index
        %swap3A_128 = tpu.vector_load %arg14[%swap3A, %swap3A_127] {strides = array<i32>} : memref<128x128xf32, #tpu.memory_space<vmem>>, vector<16xf32>,
        tpu.vector_store %arg14[%swap3A, %swap3A_127], %mul3A_126 {strides = array<i32>} : memref<128x128xf32, #tpu.memory_space<vmem>>, vector<16xf32>,
        %get3A_129 = arith.index_cast %scan3A_123 : i32 to index
        %get3A_130 = arith.constant 16 : index
        %get3A_131 = tpu.vector_load %arg14[%get3A_129, %get3A_130] {strides = array<i32>} : memref<128x128xf32, #tpu.memory_space<vmem>>, vector<16xf32>,
        %mul3A_132 = arith.mulf %get3A_131, %gather3A : vector<16xf32>
        %swap3A_133 = arith.index_cast %scan3A_123 : i32 to index
        %swap3A_134 = arith.constant 16 : index
        %swap3A_135 = tpu.vector_load %arg14[%swap3A_133, %swap3A_134] {strides = array<i32>} : memref<128x128xf32, #tpu.memory_space<vmem>>, vector<16xf32>,
        tpu.vector_store %arg14[%swap3A_133, %swap3A_134], %mul3A_132 {strides = array<i32>} : memref<128x128xf32, #tpu.memory_space<vmem>>, vector<16xf32>,
        %get3A_136 = arith.index_cast %scan3A_123 : i32 to index
        %get3A_137 = arith.constant 32 : index
        %get3A_138 = tpu.vector_load %arg14[%get3A_136, %get3A_137] {strides = array<i32>} : memref<128x128xf32, #tpu.memory_space<vmem>>, vector<16xf32>,
        %mul3A_139 = arith.mulf %get3A_138, %gather3A : vector<16xf32>
        %swap3A_140 = arith.index_cast %scan3A_123 : i32 to index
        %swap3A_141 = arith.constant 32 : index
        %swap3A_142 = tpu.vector_load %arg14[%swap3A_140, %swap3A_141] {strides = array<i32>} : memref<128x128xf32, #tpu.memory_space<vmem>>, vector<16xf32>,
        tpu.vector_store %arg14[%swap3A_140, %swap3A_141], %mul3A_139 {strides = array<i32>} : memref<128x128xf32, #tpu.memory_space<vmem>>, vector<16xf32>,
        %get3A_143 = arith.index_cast %scan3A_123 : i32 to index
        %get3A_144 = arith.constant 48 : index
        %get3A_145 = tpu.vector_load %arg14[%get3A_143, %get3A_144] {strides = array<i32>} : memref<128x128xf32, #tpu.memory_space<vmem>>, vector<16xf32>,
        %mul3A_146 = arith.mulf %get3A_145, %gather3A : vector<16xf32>
        %swap3A_147 = arith.index_cast %scan3A_123 : i32 to index
        %swap3A_148 = arith.constant 48 : index
        %swap3A_149 = tpu.vector_load %arg14[%swap3A_147, %swap3A_148] {strides = array<i32>} : memref<128x128xf32, #tpu.memory_space<vmem>>, vector<16xf32>,
        tpu.vector_store %arg14[%swap3A_147, %swap3A_148], %mul3A_146 {strides = array<i32>} : memref<128x128xf32, #tpu.memory_space<vmem>>, vector<16xf32>,
        %get3A_150 = arith.index_cast %scan3A_123 : i32 to index
        %get3A_151 = arith.constant 64 : index
        %get3A_152 = tpu.vector_load %arg14[%get3A_150, %get3A_151] {strides = array<i32>} : memref<128x128xf32, #tpu.memory_space<vmem>>, vector<16xf32>,
        %mul3A_153 = arith.mulf %get3A_152, %gather3A : vector<16xf32>
        %swap3A_154 = arith.index_cast %scan3A_123 : i32 to index
        %swap3A_155 = arith.constant 64 : index
        %swap3A_156 = tpu.vector_load %arg14[%swap3A_154, %swap3A_155] {strides = array<i32>} : memref<128x128xf32, #tpu.memory_space<vmem>>, vector<16xf32>,
        tpu.vector_store %arg14[%swap3A_154, %swap3A_155], %mul3A_153 {strides = array<i32>} : memref<128x128xf32, #tpu.memory_space<vmem>>, vector<16xf32>,
        %get3A_157 = arith.index_cast %scan3A_123 : i32 to index
        %get3A_158 = arith.constant 80 : index
        %get3A_159 = tpu.vector_load %arg14[%get3A_157, %get3A_158] {strides = array<i32>} : memref<128x128xf32, #tpu.memory_space<vmem>>, vector<16xf32>,
        %mul3A_160 = arith.mulf %get3A_159, %gather3A : vector<16xf32>
        %swap3A_161 = arith.index_cast %scan3A_123 : i32 to index
        %swap3A_162 = arith.constant 80 : index
        %swap3A_163 = tpu.vector_load %arg14[%swap3A_161, %swap3A_162] {strides = array<i32>} : memref<128x128xf32, #tpu.memory_space<vmem>>, vector<16xf32>,
        tpu.vector_store %arg14[%swap3A_161, %swap3A_162], %mul3A_160 {strides = array<i32>} : memref<128x128xf32, #tpu.memory_space<vmem>>, vector<16xf32>,
        %get3A_164 = arith.index_cast %scan3A_123 : i32 to index
        %get3A_165 = arith.constant 96 : index
        %get3A_166 = tpu.vector_load %arg14[%get3A_164, %get3A_165] {strides = array<i32>} : memref<128x128xf32, #tpu.memory_space<vmem>>, vector<16xf32>,
        %mul3A_167 = arith.mulf %get3A_166, %gather3A : vector<16xf32>
        %swap3A_168 = arith.index_cast %scan3A_123 : i32 to index
        %swap3A_169 = arith.constant 96 : index
        %swap3A_170 = tpu.vector_load %arg14[%swap3A_168, %swap3A_169] {strides = array<i32>} : memref<128x128xf32, #tpu.memory_space<vmem>>, vector<16xf32>,
        tpu.vector_store %arg14[%swap3A_168, %swap3A_169], %mul3A_167 {strides = array<i32>} : memref<128x128xf32, #tpu.memory_space<vmem>>, vector<16xf32>,
        %get3A_171 = arith.index_cast %scan3A_123 : i32 to index
        %get3A_172 = arith.constant 112 : index
        %get3A_173 = tpu.vector_load %arg14[%get3A_171, %get3A_172] {strides = array<i32>} : memref<128x128xf32, #tpu.memory_space<vmem>>, vector<16xf32>,
        %mul3A_174 = arith.mulf %get3A_173, %gather3A : vector<16xf32>
        %swap3A_175 = arith.index_cast %scan3A_123 : i32 to index
        %swap3A_176 = arith.constant 112 : index
        %swap3A_177 = tpu.vector_load %arg14[%swap3A_175, %swap3A_176] {strides = array<i32>} : memref<128x128xf32, #tpu.memory_space<vmem>>, vector<16xf32>,
        tpu.vector_store %arg14[%swap3A_175, %swap3A_176], %mul3A_174 {strides = array<i32>} : memref<128x128xf32, #tpu.memory_space<vmem>>, vector<16xf32>,
        %scan3A_178 = arith.constant 1 : i32
        %scan3A_179 = arith.addi %scan3A_123, %scan3A_178 : i32
        %broadcast_in_dim3A_180 = vector.broadcast %scan3A_179 : i32 to vector<16xi32>
        %gather3A_181 = tpu.vector_load_idx %arg13[%broadcast_in_dim3A_180] : memref<128xf32, #tpu.memory_space<vmem>>[vector<16xi32>], vector<16xf32>,
        %get3A_182 = arith.index_cast %scan3A_179 : i32 to index
        %get3A_183 = arith.constant 0 : index
        %get3A_184 = tpu.vector_load %arg14[%get3A_182, %get3A_183] {strides = array<i32>} : memref<128x128xf32, #tpu.memory_space<vmem>>, vector<16xf32>,
        %mul3A_185 = arith.mulf %get3A_184, %gather3A_181 : vector<16xf32>
        %swap3A_186 = arith.index_cast %scan3A_179 : i32 to index
        %swap3A_187 = arith.constant 0 : index
        %swap3A_188 = tpu.vector_load %arg14[%swap3A_186, %swap3A_187] {strides = array<i32>} : memref<128x128xf32, #tpu.memory_space<vmem>>, vector<16xf32>,
        tpu.vector_store %arg14[%swap3A_186, %swap3A_187], %mul3A_185 {strides = array<i32>} : memref<128x128xf32, #tpu.memory_space<vmem>>, vector<16xf32>,
        %get3A_189 = arith.index_cast %scan3A_179 : i32 to index
        %get3A_190 = arith.constant 16 : index
        %get3A_191 = tpu.vector_load %arg14[%get3A_189, %get3A_190] {strides = array<i32>} : memref<128x128xf32, #tpu.memory_space<vmem>>, vector<16xf32>,
        %mul3A_192 = arith.mulf %get3A_191, %gather3A_181 : vector<16xf32>
        %swap3A_193 = arith.index_cast %scan3A_179 : i32 to index
        %swap3A_194 = arith.constant 16 : index
        %swap3A_195 = tpu.vector_load %arg14[%swap3A_193, %swap3A_194] {strides = array<i32>} : memref<128x128xf32, #tpu.memory_space<vmem>>, vector<16xf32>,
        tpu.vector_store %arg14[%swap3A_193, %swap3A_194], %mul3A_192 {strides = array<i32>} : memref<128x128xf32, #tpu.memory_space<vmem>>, vector<16xf32>,
        %get3A_196 = arith.index_cast %scan3A_179 : i32 to index
        %get3A_197 = arith.constant 32 : index
        %get3A_198 = tpu.vector_load %arg14[%get3A_196, %get3A_197] {strides = array<i32>} : memref<128x128xf32, #tpu.memory_space<vmem>>, vector<16xf32>,
        %mul3A_199 = arith.mulf %get3A_198, %gather3A_181 : vector<16xf32>
        %swap3A_200 = arith.index_cast %scan3A_179 : i32 to index
        %swap3A_201 = arith.constant 32 : index
        %swap3A_202 = tpu.vector_load %arg14[%swap3A_200, %swap3A_201] {strides = array<i32>} : memref<128x128xf32, #tpu.memory_space<vmem>>, vector<16xf32>,
        tpu.vector_store %arg14[%swap3A_200, %swap3A_201], %mul3A_199 {strides = array<i32>} : memref<128x128xf32, #tpu.memory_space<vmem>>, vector<16xf32>,
        %get3A_203 = arith.index_cast %scan3A_179 : i32 to index
        %get3A_204 = arith.constant 48 : index
        %get3A_205 = tpu.vector_load %arg14[%get3A_203, %get3A_204] {strides = array<i32>} : memref<128x128xf32, #tpu.memory_space<vmem>>, vector<16xf32>,
        %mul3A_206 = arith.mulf %get3A_205, %gather3A_181 : vector<16xf32>
        %swap3A_207 = arith.index_cast %scan3A_179 : i32 to index
        %swap3A_208 = arith.constant 48 : index
        %swap3A_209 = tpu.vector_load %arg14[%swap3A_207, %swap3A_208] {strides = array<i32>} : memref<128x128xf32, #tpu.memory_space<vmem>>, vector<16xf32>,
        tpu.vector_store %arg14[%swap3A_207, %swap3A_208], %mul3A_206 {strides = array<i32>} : memref<128x128xf32, #tpu.memory_space<vmem>>, vector<16xf32>,
        %get3A_210 = arith.index_cast %scan3A_179 : i32 to index
        %get3A_211 = arith.constant 64 : index
        %get3A_212 = tpu.vector_load %arg14[%get3A_210, %get3A_211] {strides = array<i32>} : memref<128x128xf32, #tpu.memory_space<vmem>>, vector<16xf32>,
        %mul3A_213 = arith.mulf %get3A_212, %gather3A_181 : vector<16xf32>
        %swap3A_214 = arith.index_cast %scan3A_179 : i32 to index
        %swap3A_215 = arith.constant 64 : index
        %swap3A_216 = tpu.vector_load %arg14[%swap3A_214, %swap3A_215] {strides = array<i32>} : memref<128x128xf32, #tpu.memory_space<vmem>>, vector<16xf32>,
        tpu.vector_store %arg14[%swap3A_214, %swap3A_215], %mul3A_213 {strides = array<i32>} : memref<128x128xf32, #tpu.memory_space<vmem>>, vector<16xf32>,
        %get3A_217 = arith.index_cast %scan3A_179 : i32 to index
        %get3A_218 = arith.constant 80 : index
        %get3A_219 = tpu.vector_load %arg14[%get3A_217, %get3A_218] {strides = array<i32>} : memref<128x128xf32, #tpu.memory_space<vmem>>, vector<16xf32>,
        %mul3A_220 = arith.mulf %get3A_219, %gather3A_181 : vector<16xf32>
        %swap3A_221 = arith.index_cast %scan3A_179 : i32 to index
        %swap3A_222 = arith.constant 80 : index
        %swap3A_223 = tpu.vector_load %arg14[%swap3A_221, %swap3A_222] {strides = array<i32>} : memref<128x128xf32, #tpu.memory_space<vmem>>, vector<16xf32>,
        tpu.vector_store %arg14[%swap3A_221, %swap3A_222], %mul3A_220 {strides = array<i32>} : memref<128x128xf32, #tpu.memory_space<vmem>>, vector<16xf32>,
        %get3A_224 = arith.index_cast %scan3A_179 : i32 to index
        %get3A_225 = arith.constant 96 : index
        %get3A_226 = tpu.vector_load %arg14[%get3A_224, %get3A_225] {strides = array<i32>} : memref<128x128xf32, #tpu.memory_space<vmem>>, vector<16xf32>,
        %mul3A_227 = arith.mulf %get3A_226, %gather3A_181 : vector<16xf32>
        %swap3A_228 = arith.index_cast %scan3A_179 : i32 to index
        %swap3A_229 = arith.constant 96 : index
        %swap3A_230 = tpu.vector_load %arg14[%swap3A_228, %swap3A_229] {strides = array<i32>} : memref<128x128xf32, #tpu.memory_space<vmem>>, vector<16xf32>,
        tpu.vector_store %arg14[%swap3A_228, %swap3A_229], %mul3A_227 {strides = array<i32>} : memref<128x128xf32, #tpu.memory_space<vmem>>, vector<16xf32>,
        %get3A_231 = arith.index_cast %scan3A_179 : i32 to index
        %get3A_232 = arith.constant 112 : index
        %get3A_233 = tpu.vector_load %arg14[%get3A_231, %get3A_232] {strides = array<i32>} : memref<128x128xf32, #tpu.memory_space<vmem>>, vector<16xf32>,
        %mul3A_234 = arith.mulf %get3A_233, %gather3A_181 : vector<16xf32>
        %swap3A_235 = arith.index_cast %scan3A_179 : i32 to index
        %swap3A_236 = arith.constant 112 : index
        %swap3A_237 = tpu.vector_load %arg14[%swap3A_235, %swap3A_236] {strides = array<i32>} : memref<128x128xf32, #tpu.memory_space<vmem>>, vector<16xf32>,
        tpu.vector_store %arg14[%swap3A_235, %swap3A_236], %mul3A_234 {strides = array<i32>} : memref<128x128xf32, #tpu.memory_space<vmem>>, vector<16xf32>,
        %scan3A_238 = arith.constant 2 : i32
        %scan3A_239 = arith.addi %scan3A_123, %scan3A_238 : i32
        %broadcast_in_dim3A_240 = vector.broadcast %scan3A_239 : i32 to vector<16xi32>
        %gather3A_241 = tpu.vector_load_idx %arg13[%broadcast_in_dim3A_240] : memref<128xf32, #tpu.memory_space<vmem>>[vector<16xi32>], vector<16xf32>,
        %get3A_242 = arith.index_cast %scan3A_239 : i32 to index
        %get3A_243 = arith.constant 0 : index
        %get3A_244 = tpu.vector_load %arg14[%get3A_242, %get3A_243] {strides = array<i32>} : memref<128x128xf32, #tpu.memory_space<vmem>>, vector<16xf32>,
        %mul3A_245 = arith.mulf %get3A_244, %gather3A_241 : vector<16xf32>
        %swap3A_246 = arith.index_cast %scan3A_239 : i32 to index
        %swap3A_247 = arith.constant 0 : index
        %swap3A_248 = tpu.vector_load %arg14[%swap3A_246, %swap3A_247] {strides = array<i32>} : memref<128x128xf32, #tpu.memory_space<vmem>>, vector<16xf32>,
        tpu.vector_store %arg14[%swap3A_246, %swap3A_247], %mul3A_245 {strides = array<i32>} : memref<128x128xf32, #tpu.memory_space<vmem>>, vector<16xf32>,
        %get3A_249 = arith.index_cast %scan3A_239 : i32 to index
        %get3A_250 = arith.constant 16 : index
        %get3A_251 = tpu.vector_load %arg14[%get3A_249, %get3A_250] {strides = array<i32>} : memref<128x128xf32, #tpu.memory_space<vmem>>, vector<16xf32>,
        %mul3A_252 = arith.mulf %get3A_251, %gather3A_241 : vector<16xf32>
        %swap3A_253 = arith.index_cast %scan3A_239 : i32 to index
        %swap3A_254 = arith.constant 16 : index
        %swap3A_255 = tpu.vector_load %arg14[%swap3A_253, %swap3A_254] {strides = array<i32>} : memref<128x128xf32, #tpu.memory_space<vmem>>, vector<16xf32>,
        tpu.vector_store %arg14[%swap3A_253, %swap3A_254], %mul3A_252 {strides = array<i32>} : memref<128x128xf32, #tpu.memory_space<vmem>>, vector<16xf32>,
        %get3A_256 = arith.index_cast %scan3A_239 : i32 to index
        %get3A_257 = arith.constant 32 : index
        %get3A_258 = tpu.vector_load %arg14[%get3A_256, %get3A_257] {strides = array<i32>} : memref<128x128xf32, #tpu.memory_space<vmem>>, vector<16xf32>,
        %mul3A_259 = arith.mulf %get3A_258, %gather3A_241 : vector<16xf32>
        %swap3A_260 = arith.index_cast %scan3A_239 : i32 to index
        %swap3A_261 = arith.constant 32 : index
        %swap3A_262 = tpu.vector_load %arg14[%swap3A_260, %swap3A_261] {strides = array<i32>} : memref<128x128xf32, #tpu.memory_space<vmem>>, vector<16xf32>,
        tpu.vector_store %arg14[%swap3A_260, %swap3A_261], %mul3A_259 {strides = array<i32>} : memref<128x128xf32, #tpu.memory_space<vmem>>, vector<16xf32>,
        %get3A_263 = arith.index_cast %scan3A_239 : i32 to index
        %get3A_264 = arith.constant 48 : index
        %get3A_265 = tpu.vector_load %arg14[%get3A_263, %get3A_264] {strides = array<i32>} : memref<128x128xf32, #tpu.memory_space<vmem>>, vector<16xf32>,
        %mul3A_266 = arith.mulf %get3A_265, %gather3A_241 : vector<16xf32>
        %swap3A_267 = arith.index_cast %scan3A_239 : i32 to index
        %swap3A_268 = arith.constant 48 : index
        %swap3A_269 = tpu.vector_load %arg14[%swap3A_267, %swap3A_268] {strides = array<i32>} : memref<128x128xf32, #tpu.memory_space<vmem>>, vector<16xf32>,
        tpu.vector_store %arg14[%swap3A_267, %swap3A_268], %mul3A_266 {strides = array<i32>} : memref<128x128xf32, #tpu.memory_space<vmem>>, vector<16xf32>,
        %get3A_270 = arith.index_cast %scan3A_239 : i32 to index
        %get3A_271 = arith.constant 64 : index
        %get3A_272 = tpu.vector_load %arg14[%get3A_270, %get3A_271] {strides = array<i32>} : memref<128x128xf32, #tpu.memory_space<vmem>>, vector<16xf32>,
        %mul3A_273 = arith.mulf %get3A_272, %gather3A_241 : vector<16xf32>
        %swap3A_274 = arith.index_cast %scan3A_239 : i32 to index
        %swap3A_275 = arith.constant 64 : index
        %swap3A_276 = tpu.vector_load %arg14[%swap3A_274, %swap3A_275] {strides = array<i32>} : memref<128x128xf32, #tpu.memory_space<vmem>>, vector<16xf32>,
        tpu.vector_store %arg14[%swap3A_274, %swap3A_275], %mul3A_273 {strides = array<i32>} : memref<128x128xf32, #tpu.memory_space<vmem>>, vector<16xf32>,
        %get3A_277 = arith.index_cast %scan3A_239 : i32 to index
        %get3A_278 = arith.constant 80 : index
        %get3A_279 = tpu.vector_load %arg14[%get3A_277, %get3A_278] {strides = array<i32>} : memref<128x128xf32, #tpu.memory_space<vmem>>, vector<16xf32>,
        %mul3A_280 = arith.mulf %get3A_279, %gather3A_241 : vector<16xf32>
        %swap3A_281 = arith.index_cast %scan3A_239 : i32 to index
        %swap3A_282 = arith.constant 80 : index
        %swap3A_283 = tpu.vector_load %arg14[%swap3A_281, %swap3A_282] {strides = array<i32>} : memref<128x128xf32, #tpu.memory_space<vmem>>, vector<16xf32>,
        tpu.vector_store %arg14[%swap3A_281, %swap3A_282], %mul3A_280 {strides = array<i32>} : memref<128x128xf32, #tpu.memory_space<vmem>>, vector<16xf32>,
        %get3A_284 = arith.index_cast %scan3A_239 : i32 to index
        %get3A_285 = arith.constant 96 : index
        %get3A_286 = tpu.vector_load %arg14[%get3A_284, %get3A_285] {strides = array<i32>} : memref<128x128xf32, #tpu.memory_space<vmem>>, vector<16xf32>,
        %mul3A_287 = arith.mulf %get3A_286, %gather3A_241 : vector<16xf32>
        %swap3A_288 = arith.index_cast %scan3A_239 : i32 to index
        %swap3A_289 = arith.constant 96 : index
        %swap3A_290 = tpu.vector_load %arg14[%swap3A_288, %swap3A_289] {strides = array<i32>} : memref<128x128xf32, #tpu.memory_space<vmem>>, vector<16xf32>,
        tpu.vector_store %arg14[%swap3A_288, %swap3A_289], %mul3A_287 {strides = array<i32>} : memref<128x128xf32, #tpu.memory_space<vmem>>, vector<16xf32>,
        %get3A_291 = arith.index_cast %scan3A_239 : i32 to index
        %get3A_292 = arith.constant 112 : index
        %get3A_293 = tpu.vector_load %arg14[%get3A_291, %get3A_292] {strides = array<i32>} : memref<128x128xf32, #tpu.memory_space<vmem>>, vector<16xf32>,
        %mul3A_294 = arith.mulf %get3A_293, %gather3A_241 : vector<16xf32>
        %swap3A_295 = arith.index_cast %scan3A_239 : i32 to index
        %swap3A_296 = arith.constant 112 : index
        %swap3A_297 = tpu.vector_load %arg14[%swap3A_295, %swap3A_296] {strides = array<i32>} : memref<128x128xf32, #tpu.memory_space<vmem>>, vector<16xf32>,
        tpu.vector_store %arg14[%swap3A_295, %swap3A_296], %mul3A_294 {strides = array<i32>} : memref<128x128xf32, #tpu.memory_space<vmem>>, vector<16xf32>,
        %scan3A_298 = arith.constant 3 : i32
        %scan3A_299 = arith.addi %scan3A_123, %scan3A_298 : i32
        %broadcast_in_dim3A_300 = vector.broadcast %scan3A_299 : i32 to vector<16xi32>
        %gather3A_301 = tpu.vector_load_idx %arg13[%broadcast_in_dim3A_300] : memref<128xf32, #tpu.memory_space<vmem>>[vector<16xi32>], vector<16xf32>,
        %get3A_302 = arith.index_cast %scan3A_299 : i32 to index
        %get3A_303 = arith.constant 0 : index
        %get3A_304 = tpu.vector_load %arg14[%get3A_302, %get3A_303] {strides = array<i32>} : memref<128x128xf32, #tpu.memory_space<vmem>>, vector<16xf32>,
        %mul3A_305 = arith.mulf %get3A_304, %gather3A_301 : vector<16xf32>
        %swap3A_306 = arith.index_cast %scan3A_299 : i32 to index
        %swap3A_307 = arith.constant 0 : index
        %swap3A_308 = tpu.vector_load %arg14[%swap3A_306, %swap3A_307] {strides = array<i32>} : memref<128x128xf32, #tpu.memory_space<vmem>>, vector<16xf32>,
        tpu.vector_store %arg14[%swap3A_306, %swap3A_307], %mul3A_305 {strides = array<i32>} : memref<128x128xf32, #tpu.memory_space<vmem>>, vector<16xf32>,
        %get3A_309 = arith.index_cast %scan3A_299 : i32 to index
        %get3A_310 = arith.constant 16 : index
        %get3A_311 = tpu.vector_load %arg14[%get3A_309, %get3A_310] {strides = array<i32>} : memref<128x128xf32, #tpu.memory_space<vmem>>, vector<16xf32>,
        %mul3A_312 = arith.mulf %get3A_311, %gather3A_301 : vector<16xf32>
        %swap3A_313 = arith.index_cast %scan3A_299 : i32 to index
        %swap3A_314 = arith.constant 16 : index
        %swap3A_315 = tpu.vector_load %arg14[%swap3A_313, %swap3A_314] {strides = array<i32>} : memref<128x128xf32, #tpu.memory_space<vmem>>, vector<16xf32>,
        tpu.vector_store %arg14[%swap3A_313, %swap3A_314], %mul3A_312 {strides = array<i32>} : memref<128x128xf32, #tpu.memory_space<vmem>>, vector<16xf32>,
        %get3A_316 = arith.index_cast %scan3A_299 : i32 to index
        %get3A_317 = arith.constant 32 : index
        %get3A_318 = tpu.vector_load %arg14[%get3A_316, %get3A_317] {strides = array<i32>} : memref<128x128xf32, #tpu.memory_space<vmem>>, vector<16xf32>,
        %mul3A_319 = arith.mulf %get3A_318, %gather3A_301 : vector<16xf32>
        %swap3A_320 = arith.index_cast %scan3A_299 : i32 to index
        %swap3A_321 = arith.constant 32 : index
        %swap3A_322 = tpu.vector_load %arg14[%swap3A_320, %swap3A_321] {strides = array<i32>} : memref<128x128xf32, #tpu.memory_space<vmem>>, vector<16xf32>,
        tpu.vector_store %arg14[%swap3A_320, %swap3A_321], %mul3A_319 {strides = array<i32>} : memref<128x128xf32, #tpu.memory_space<vmem>>, vector<16xf32>,
        %get3A_323 = arith.index_cast %scan3A_299 : i32 to index
        %get3A_324 = arith.constant 48 : index
        %get3A_325 = tpu.vector_load %arg14[%get3A_323, %get3A_324] {strides = array<i32>} : memref<128x128xf32, #tpu.memory_space<vmem>>, vector<16xf32>,
        %mul3A_326 = arith.mulf %get3A_325, %gather3A_301 : vector<16xf32>
        %swap3A_327 = arith.index_cast %scan3A_299 : i32 to index
        %swap3A_328 = arith.constant 48 : index
        %swap3A_329 = tpu.vector_load %arg14[%swap3A_327, %swap3A_328] {strides = array<i32>} : memref<128x128xf32, #tpu.memory_space<vmem>>, vector<16xf32>,
        tpu.vector_store %arg14[%swap3A_327, %swap3A_328], %mul3A_326 {strides = array<i32>} : memref<128x128xf32, #tpu.memory_space<vmem>>, vector<16xf32>,
        %get3A_330 = arith.index_cast %scan3A_299 : i32 to index
        %get3A_331 = arith.constant 64 : index
        %get3A_332 = tpu.vector_load %arg14[%get3A_330, %get3A_331] {strides = array<i32>} : memref<128x128xf32, #tpu.memory_space<vmem>>, vector<16xf32>,
        %mul3A_333 = arith.mulf %get3A_332, %gather3A_301 : vector<16xf32>
        %swap3A_334 = arith.index_cast %scan3A_299 : i32 to index
        %swap3A_335 = arith.constant 64 : index
        %swap3A_336 = tpu.vector_load %arg14[%swap3A_334, %swap3A_335] {strides = array<i32>} : memref<128x128xf32, #tpu.memory_space<vmem>>, vector<16xf32>,
        tpu.vector_store %arg14[%swap3A_334, %swap3A_335], %mul3A_333 {strides = array<i32>} : memref<128x128xf32, #tpu.memory_space<vmem>>, vector<16xf32>,
        %get3A_337 = arith.index_cast %scan3A_299 : i32 to index
        %get3A_338 = arith.constant 80 : index
        %get3A_339 = tpu.vector_load %arg14[%get3A_337, %get3A_338] {strides = array<i32>} : memref<128x128xf32, #tpu.memory_space<vmem>>, vector<16xf32>,
        %mul3A_340 = arith.mulf %get3A_339, %gather3A_301 : vector<16xf32>
        %swap3A_341 = arith.index_cast %scan3A_299 : i32 to index
        %swap3A_342 = arith.constant 80 : index
        %swap3A_343 = tpu.vector_load %arg14[%swap3A_341, %swap3A_342] {strides = array<i32>} : memref<128x128xf32, #tpu.memory_space<vmem>>, vector<16xf32>,
        tpu.vector_store %arg14[%swap3A_341, %swap3A_342], %mul3A_340 {strides = array<i32>} : memref<128x128xf32, #tpu.memory_space<vmem>>, vector<16xf32>,
        %get3A_344 = arith.index_cast %scan3A_299 : i32 to index
        %get3A_345 = arith.constant 96 : index
        %get3A_346 = tpu.vector_load %arg14[%get3A_344, %get3A_345] {strides = array<i32>} : memref<128x128xf32, #tpu.memory_space<vmem>>, vector<16xf32>,
        %mul3A_347 = arith.mulf %get3A_346, %gather3A_301 : vector<16xf32>
        %swap3A_348 = arith.index_cast %scan3A_299 : i32 to index
        %swap3A_349 = arith.constant 96 : index
        %swap3A_350 = tpu.vector_load %arg14[%swap3A_348, %swap3A_349] {strides = array<i32>} : memref<128x128xf32, #tpu.memory_space<vmem>>, vector<16xf32>,
        tpu.vector_store %arg14[%swap3A_348, %swap3A_349], %mul3A_347 {strides = array<i32>} : memref<128x128xf32, #tpu.memory_space<vmem>>, vector<16xf32>,
        %get3A_351 = arith.index_cast %scan3A_299 : i32 to index
        %get3A_352 = arith.constant 112 : index
        %get3A_353 = tpu.vector_load %arg14[%get3A_351, %get3A_352] {strides = array<i32>} : memref<128x128xf32, #tpu.memory_space<vmem>>, vector<16xf32>,
        %mul3A_354 = arith.mulf %get3A_353, %gather3A_301 : vector<16xf32>
        %swap3A_355 = arith.index_cast %scan3A_299 : i32 to index
        %swap3A_356 = arith.constant 112 : index
        %swap3A_357 = tpu.vector_load %arg14[%swap3A_355, %swap3A_356] {strides = array<i32>} : memref<128x128xf32, #tpu.memory_space<vmem>>, vector<16xf32>,
        tpu.vector_store %arg14[%swap3A_355, %swap3A_356], %mul3A_354 {strides = array<i32>} : memref<128x128xf32, #tpu.memory_space<vmem>>, vector<16xf32>,
      }
      %scan3A_76 = arith.constant 32 : i32
      %dma_wait3A_77 = arith.constant 32 : i32
      %dma_wait3A_78 = arith.constant 0 : i32
      %dma_wait3A_79 = tpu.memref_slice %arg14[%dma_wait3A_77, %dma_wait3A_78] : memref<128x128xf32, #tpu.memory_space<vmem>> -> memref<96x128xf32, #tpu.memory_space<vmem>>
      %dma_wait3A_80 = arith.constant 0 : i32
      %dma_wait3A_81 = arith.constant 0 : i32
      %dma_wait3A_82 = tpu.memref_slice %arg2[%dma_wait3A_80, %dma_wait3A_81] : memref<10000x128xf32, #tpu.memory_space<hbm>> -> memref<10000x128xf32, #tpu.memory_space<hbm>>
      tpu.wait_indirect_dma semaphore(%arg21 : memref<!tpu.dma_semaphore, #tpu.memory_space<semaphore_mem>>) src(%dma_wait3A_82 : memref<10000x128xf32, #tpu.memory_space<hbm>>) dst(%dma_wait3A_79 : memref<96x128xf32, #tpu.memory_space<vmem>>)
      %scan3A_83 = arith.constant 0 : i32
      %scan3A_84 = arith.constant 32 : i32
      %scan3A_85 = arith.constant 32 : i32
      %scan3A_86 = arith.addi %scan3A_84, %scan3A_85 : i32
      %scan3A_87 = arith.constant 4 : i32
      scf.for %scan3A_123 = %scan3A_84 to %scan3A_86 step %scan3A_87  : i32 {
        %broadcast_in_dim3A = vector.broadcast %scan3A_123 : i32 to vector<16xi32>
        %gather3A = tpu.vector_load_idx %arg13[%broadcast_in_dim3A] : memref<128xf32, #tpu.memory_space<vmem>>[vector<16xi32>], vector<16xf32>,
        %get3A = arith.index_cast %scan3A_123 : i32 to index
        %get3A_124 = arith.constant 0 : index
        %get3A_125 = tpu.vector_load %arg14[%get3A, %get3A_124] {strides = array<i32>} : memref<128x128xf32, #tpu.memory_space<vmem>>, vector<16xf32>,
        %mul3A_126 = arith.mulf %get3A_125, %gather3A : vector<16xf32>
        %swap3A = arith.index_cast %scan3A_123 : i32 to index
        %swap3A_127 = arith.constant 0 : index
        %swap3A_128 = tpu.vector_load %arg14[%swap3A, %swap3A_127] {strides = array<i32>} : memref<128x128xf32, #tpu.memory_space<vmem>>, vector<16xf32>,
        tpu.vector_store %arg14[%swap3A, %swap3A_127], %mul3A_126 {strides = array<i32>} : memref<128x128xf32, #tpu.memory_space<vmem>>, vector<16xf32>,
        %get3A_129 = arith.index_cast %scan3A_123 : i32 to index
        %get3A_130 = arith.constant 16 : index
        %get3A_131 = tpu.vector_load %arg14[%get3A_129, %get3A_130] {strides = array<i32>} : memref<128x128xf32, #tpu.memory_space<vmem>>, vector<16xf32>,
        %mul3A_132 = arith.mulf %get3A_131, %gather3A : vector<16xf32>
        %swap3A_133 = arith.index_cast %scan3A_123 : i32 to index
        %swap3A_134 = arith.constant 16 : index
        %swap3A_135 = tpu.vector_load %arg14[%swap3A_133, %swap3A_134] {strides = array<i32>} : memref<128x128xf32, #tpu.memory_space<vmem>>, vector<16xf32>,
        tpu.vector_store %arg14[%swap3A_133, %swap3A_134], %mul3A_132 {strides = array<i32>} : memref<128x128xf32, #tpu.memory_space<vmem>>, vector<16xf32>,
        %get3A_136 = arith.index_cast %scan3A_123 : i32 to index
        %get3A_137 = arith.constant 32 : index
        %get3A_138 = tpu.vector_load %arg14[%get3A_136, %get3A_137] {strides = array<i32>} : memref<128x128xf32, #tpu.memory_space<vmem>>, vector<16xf32>,
        %mul3A_139 = arith.mulf %get3A_138, %gather3A : vector<16xf32>
        %swap3A_140 = arith.index_cast %scan3A_123 : i32 to index
        %swap3A_141 = arith.constant 32 : index
        %swap3A_142 = tpu.vector_load %arg14[%swap3A_140, %swap3A_141] {strides = array<i32>} : memref<128x128xf32, #tpu.memory_space<vmem>>, vector<16xf32>,
        tpu.vector_store %arg14[%swap3A_140, %swap3A_141], %mul3A_139 {strides = array<i32>} : memref<128x128xf32, #tpu.memory_space<vmem>>, vector<16xf32>,
        %get3A_143 = arith.index_cast %scan3A_123 : i32 to index
        %get3A_144 = arith.constant 48 : index
        %get3A_145 = tpu.vector_load %arg14[%get3A_143, %get3A_144] {strides = array<i32>} : memref<128x128xf32, #tpu.memory_space<vmem>>, vector<16xf32>,
        %mul3A_146 = arith.mulf %get3A_145, %gather3A : vector<16xf32>
        %swap3A_147 = arith.index_cast %scan3A_123 : i32 to index
        %swap3A_148 = arith.constant 48 : index
        %swap3A_149 = tpu.vector_load %arg14[%swap3A_147, %swap3A_148] {strides = array<i32>} : memref<128x128xf32, #tpu.memory_space<vmem>>, vector<16xf32>,
        tpu.vector_store %arg14[%swap3A_147, %swap3A_148], %mul3A_146 {strides = array<i32>} : memref<128x128xf32, #tpu.memory_space<vmem>>, vector<16xf32>,
        %get3A_150 = arith.index_cast %scan3A_123 : i32 to index
        %get3A_151 = arith.constant 64 : index
        %get3A_152 = tpu.vector_load %arg14[%get3A_150, %get3A_151] {strides = array<i32>} : memref<128x128xf32, #tpu.memory_space<vmem>>, vector<16xf32>,
        %mul3A_153 = arith.mulf %get3A_152, %gather3A : vector<16xf32>
        %swap3A_154 = arith.index_cast %scan3A_123 : i32 to index
        %swap3A_155 = arith.constant 64 : index
        %swap3A_156 = tpu.vector_load %arg14[%swap3A_154, %swap3A_155] {strides = array<i32>} : memref<128x128xf32, #tpu.memory_space<vmem>>, vector<16xf32>,
        tpu.vector_store %arg14[%swap3A_154, %swap3A_155], %mul3A_153 {strides = array<i32>} : memref<128x128xf32, #tpu.memory_space<vmem>>, vector<16xf32>,
        %get3A_157 = arith.index_cast %scan3A_123 : i32 to index
        %get3A_158 = arith.constant 80 : index
        %get3A_159 = tpu.vector_load %arg14[%get3A_157, %get3A_158] {strides = array<i32>} : memref<128x128xf32, #tpu.memory_space<vmem>>, vector<16xf32>,
        %mul3A_160 = arith.mulf %get3A_159, %gather3A : vector<16xf32>
        %swap3A_161 = arith.index_cast %scan3A_123 : i32 to index
        %swap3A_162 = arith.constant 80 : index
        %swap3A_163 = tpu.vector_load %arg14[%swap3A_161, %swap3A_162] {strides = array<i32>} : memref<128x128xf32, #tpu.memory_space<vmem>>, vector<16xf32>,
        tpu.vector_store %arg14[%swap3A_161, %swap3A_162], %mul3A_160 {strides = array<i32>} : memref<128x128xf32, #tpu.memory_space<vmem>>, vector<16xf32>,
        %get3A_164 = arith.index_cast %scan3A_123 : i32 to index
        %get3A_165 = arith.constant 96 : index
        %get3A_166 = tpu.vector_load %arg14[%get3A_164, %get3A_165] {strides = array<i32>} : memref<128x128xf32, #tpu.memory_space<vmem>>, vector<16xf32>,
        %mul3A_167 = arith.mulf %get3A_166, %gather3A : vector<16xf32>
        %swap3A_168 = arith.index_cast %scan3A_123 : i32 to index
        %swap3A_169 = arith.constant 96 : index
        %swap3A_170 = tpu.vector_load %arg14[%swap3A_168, %swap3A_169] {strides = array<i32>} : memref<128x128xf32, #tpu.memory_space<vmem>>, vector<16xf32>,
        tpu.vector_store %arg14[%swap3A_168, %swap3A_169], %mul3A_167 {strides = array<i32>} : memref<128x128xf32, #tpu.memory_space<vmem>>, vector<16xf32>,
        %get3A_171 = arith.index_cast %scan3A_123 : i32 to index
        %get3A_172 = arith.constant 112 : index
        %get3A_173 = tpu.vector_load %arg14[%get3A_171, %get3A_172] {strides = array<i32>} : memref<128x128xf32, #tpu.memory_space<vmem>>, vector<16xf32>,
        %mul3A_174 = arith.mulf %get3A_173, %gather3A : vector<16xf32>
        %swap3A_175 = arith.index_cast %scan3A_123 : i32 to index
        %swap3A_176 = arith.constant 112 : index
        %swap3A_177 = tpu.vector_load %arg14[%swap3A_175, %swap3A_176] {strides = array<i32>} : memref<128x128xf32, #tpu.memory_space<vmem>>, vector<16xf32>,
        tpu.vector_store %arg14[%swap3A_175, %swap3A_176], %mul3A_174 {strides = array<i32>} : memref<128x128xf32, #tpu.memory_space<vmem>>, vector<16xf32>,
        %scan3A_178 = arith.constant 1 : i32
        %scan3A_179 = arith.addi %scan3A_123, %scan3A_178 : i32
        %broadcast_in_dim3A_180 = vector.broadcast %scan3A_179 : i32 to vector<16xi32>
        %gather3A_181 = tpu.vector_load_idx %arg13[%broadcast_in_dim3A_180] : memref<128xf32, #tpu.memory_space<vmem>>[vector<16xi32>], vector<16xf32>,
        %get3A_182 = arith.index_cast %scan3A_179 : i32 to index
        %get3A_183 = arith.constant 0 : index
        %get3A_184 = tpu.vector_load %arg14[%get3A_182, %get3A_183] {strides = array<i32>} : memref<128x128xf32, #tpu.memory_space<vmem>>, vector<16xf32>,
        %mul3A_185 = arith.mulf %get3A_184, %gather3A_181 : vector<16xf32>
        %swap3A_186 = arith.index_cast %scan3A_179 : i32 to index
        %swap3A_187 = arith.constant 0 : index
        %swap3A_188 = tpu.vector_load %arg14[%swap3A_186, %swap3A_187] {strides = array<i32>} : memref<128x128xf32, #tpu.memory_space<vmem>>, vector<16xf32>,
        tpu.vector_store %arg14[%swap3A_186, %swap3A_187], %mul3A_185 {strides = array<i32>} : memref<128x128xf32, #tpu.memory_space<vmem>>, vector<16xf32>,
        %get3A_189 = arith.index_cast %scan3A_179 : i32 to index
        %get3A_190 = arith.constant 16 : index
        %get3A_191 = tpu.vector_load %arg14[%get3A_189, %get3A_190] {strides = array<i32>} : memref<128x128xf32, #tpu.memory_space<vmem>>, vector<16xf32>,
        %mul3A_192 = arith.mulf %get3A_191, %gather3A_181 : vector<16xf32>
        %swap3A_193 = arith.index_cast %scan3A_179 : i32 to index
        %swap3A_194 = arith.constant 16 : index
        %swap3A_195 = tpu.vector_load %arg14[%swap3A_193, %swap3A_194] {strides = array<i32>} : memref<128x128xf32, #tpu.memory_space<vmem>>, vector<16xf32>,
        tpu.vector_store %arg14[%swap3A_193, %swap3A_194], %mul3A_192 {strides = array<i32>} : memref<128x128xf32, #tpu.memory_space<vmem>>, vector<16xf32>,
        %get3A_196 = arith.index_cast %scan3A_179 : i32 to index
        %get3A_197 = arith.constant 32 : index
        %get3A_198 = tpu.vector_load %arg14[%get3A_196, %get3A_197] {strides = array<i32>} : memref<128x128xf32, #tpu.memory_space<vmem>>, vector<16xf32>,
        %mul3A_199 = arith.mulf %get3A_198, %gather3A_181 : vector<16xf32>
        %swap3A_200 = arith.index_cast %scan3A_179 : i32 to index
        %swap3A_201 = arith.constant 32 : index
        %swap3A_202 = tpu.vector_load %arg14[%swap3A_200, %swap3A_201] {strides = array<i32>} : memref<128x128xf32, #tpu.memory_space<vmem>>, vector<16xf32>,
        tpu.vector_store %arg14[%swap3A_200, %swap3A_201], %mul3A_199 {strides = array<i32>} : memref<128x128xf32, #tpu.memory_space<vmem>>, vector<16xf32>,
        %get3A_203 = arith.index_cast %scan3A_179 : i32 to index
        %get3A_204 = arith.constant 48 : index
        %get3A_205 = tpu.vector_load %arg14[%get3A_203, %get3A_204] {strides = array<i32>} : memref<128x128xf32, #tpu.memory_space<vmem>>, vector<16xf32>,
        %mul3A_206 = arith.mulf %get3A_205, %gather3A_181 : vector<16xf32>
        %swap3A_207 = arith.index_cast %scan3A_179 : i32 to index
        %swap3A_208 = arith.constant 48 : index
        %swap3A_209 = tpu.vector_load %arg14[%swap3A_207, %swap3A_208] {strides = array<i32>} : memref<128x128xf32, #tpu.memory_space<vmem>>, vector<16xf32>,
        tpu.vector_store %arg14[%swap3A_207, %swap3A_208], %mul3A_206 {strides = array<i32>} : memref<128x128xf32, #tpu.memory_space<vmem>>, vector<16xf32>,
        %get3A_210 = arith.index_cast %scan3A_179 : i32 to index
        %get3A_211 = arith.constant 64 : index
        %get3A_212 = tpu.vector_load %arg14[%get3A_210, %get3A_211] {strides = array<i32>} : memref<128x128xf32, #tpu.memory_space<vmem>>, vector<16xf32>,
        %mul3A_213 = arith.mulf %get3A_212, %gather3A_181 : vector<16xf32>
        %swap3A_214 = arith.index_cast %scan3A_179 : i32 to index
        %swap3A_215 = arith.constant 64 : index
        %swap3A_216 = tpu.vector_load %arg14[%swap3A_214, %swap3A_215] {strides = array<i32>} : memref<128x128xf32, #tpu.memory_space<vmem>>, vector<16xf32>,
        tpu.vector_store %arg14[%swap3A_214, %swap3A_215], %mul3A_213 {strides = array<i32>} : memref<128x128xf32, #tpu.memory_space<vmem>>, vector<16xf32>,
        %get3A_217 = arith.index_cast %scan3A_179 : i32 to index
        %get3A_218 = arith.constant 80 : index
        %get3A_219 = tpu.vector_load %arg14[%get3A_217, %get3A_218] {strides = array<i32>} : memref<128x128xf32, #tpu.memory_space<vmem>>, vector<16xf32>,
        %mul3A_220 = arith.mulf %get3A_219, %gather3A_181 : vector<16xf32>
        %swap3A_221 = arith.index_cast %scan3A_179 : i32 to index
        %swap3A_222 = arith.constant 80 : index
        %swap3A_223 = tpu.vector_load %arg14[%swap3A_221, %swap3A_222] {strides = array<i32>} : memref<128x128xf32, #tpu.memory_space<vmem>>, vector<16xf32>,
        tpu.vector_store %arg14[%swap3A_221, %swap3A_222], %mul3A_220 {strides = array<i32>} : memref<128x128xf32, #tpu.memory_space<vmem>>, vector<16xf32>,
        %get3A_224 = arith.index_cast %scan3A_179 : i32 to index
        %get3A_225 = arith.constant 96 : index
        %get3A_226 = tpu.vector_load %arg14[%get3A_224, %get3A_225] {strides = array<i32>} : memref<128x128xf32, #tpu.memory_space<vmem>>, vector<16xf32>,
        %mul3A_227 = arith.mulf %get3A_226, %gather3A_181 : vector<16xf32>
        %swap3A_228 = arith.index_cast %scan3A_179 : i32 to index
        %swap3A_229 = arith.constant 96 : index
        %swap3A_230 = tpu.vector_load %arg14[%swap3A_228, %swap3A_229] {strides = array<i32>} : memref<128x128xf32, #tpu.memory_space<vmem>>, vector<16xf32>,
        tpu.vector_store %arg14[%swap3A_228, %swap3A_229], %mul3A_227 {strides = array<i32>} : memref<128x128xf32, #tpu.memory_space<vmem>>, vector<16xf32>,
        %get3A_231 = arith.index_cast %scan3A_179 : i32 to index
        %get3A_232 = arith.constant 112 : index
        %get3A_233 = tpu.vector_load %arg14[%get3A_231, %get3A_232] {strides = array<i32>} : memref<128x128xf32, #tpu.memory_space<vmem>>, vector<16xf32>,
        %mul3A_234 = arith.mulf %get3A_233, %gather3A_181 : vector<16xf32>
        %swap3A_235 = arith.index_cast %scan3A_179 : i32 to index
        %swap3A_236 = arith.constant 112 : index
        %swap3A_237 = tpu.vector_load %arg14[%swap3A_235, %swap3A_236] {strides = array<i32>} : memref<128x128xf32, #tpu.memory_space<vmem>>, vector<16xf32>,
        tpu.vector_store %arg14[%swap3A_235, %swap3A_236], %mul3A_234 {strides = array<i32>} : memref<128x128xf32, #tpu.memory_space<vmem>>, vector<16xf32>,
        %scan3A_238 = arith.constant 2 : i32
        %scan3A_239 = arith.addi %scan3A_123, %scan3A_238 : i32
        %broadcast_in_dim3A_240 = vector.broadcast %scan3A_239 : i32 to vector<16xi32>
        %gather3A_241 = tpu.vector_load_idx %arg13[%broadcast_in_dim3A_240] : memref<128xf32, #tpu.memory_space<vmem>>[vector<16xi32>], vector<16xf32>,
        %get3A_242 = arith.index_cast %scan3A_239 : i32 to index
        %get3A_243 = arith.constant 0 : index
        %get3A_244 = tpu.vector_load %arg14[%get3A_242, %get3A_243] {strides = array<i32>} : memref<128x128xf32, #tpu.memory_space<vmem>>, vector<16xf32>,
        %mul3A_245 = arith.mulf %get3A_244, %gather3A_241 : vector<16xf32>
        %swap3A_246 = arith.index_cast %scan3A_239 : i32 to index
        %swap3A_247 = arith.constant 0 : index
        %swap3A_248 = tpu.vector_load %arg14[%swap3A_246, %swap3A_247] {strides = array<i32>} : memref<128x128xf32, #tpu.memory_space<vmem>>, vector<16xf32>,
        tpu.vector_store %arg14[%swap3A_246, %swap3A_247], %mul3A_245 {strides = array<i32>} : memref<128x128xf32, #tpu.memory_space<vmem>>, vector<16xf32>,
        %get3A_249 = arith.index_cast %scan3A_239 : i32 to index
        %get3A_250 = arith.constant 16 : index
        %get3A_251 = tpu.vector_load %arg14[%get3A_249, %get3A_250] {strides = array<i32>} : memref<128x128xf32, #tpu.memory_space<vmem>>, vector<16xf32>,
        %mul3A_252 = arith.mulf %get3A_251, %gather3A_241 : vector<16xf32>
        %swap3A_253 = arith.index_cast %scan3A_239 : i32 to index
        %swap3A_254 = arith.constant 16 : index
        %swap3A_255 = tpu.vector_load %arg14[%swap3A_253, %swap3A_254] {strides = array<i32>} : memref<128x128xf32, #tpu.memory_space<vmem>>, vector<16xf32>,
        tpu.vector_store %arg14[%swap3A_253, %swap3A_254], %mul3A_252 {strides = array<i32>} : memref<128x128xf32, #tpu.memory_space<vmem>>, vector<16xf32>,
        %get3A_256 = arith.index_cast %scan3A_239 : i32 to index
        %get3A_257 = arith.constant 32 : index
        %get3A_258 = tpu.vector_load %arg14[%get3A_256, %get3A_257] {strides = array<i32>} : memref<128x128xf32, #tpu.memory_space<vmem>>, vector<16xf32>,
        %mul3A_259 = arith.mulf %get3A_258, %gather3A_241 : vector<16xf32>
        %swap3A_260 = arith.index_cast %scan3A_239 : i32 to index
        %swap3A_261 = arith.constant 32 : index
        %swap3A_262 = tpu.vector_load %arg14[%swap3A_260, %swap3A_261] {strides = array<i32>} : memref<128x128xf32, #tpu.memory_space<vmem>>, vector<16xf32>,
        tpu.vector_store %arg14[%swap3A_260, %swap3A_261], %mul3A_259 {strides = array<i32>} : memref<128x128xf32, #tpu.memory_space<vmem>>, vector<16xf32>,
        %get3A_263 = arith.index_cast %scan3A_239 : i32 to index
        %get3A_264 = arith.constant 48 : index
        %get3A_265 = tpu.vector_load %arg14[%get3A_263, %get3A_264] {strides = array<i32>} : memref<128x128xf32, #tpu.memory_space<vmem>>, vector<16xf32>,
        %mul3A_266 = arith.mulf %get3A_265, %gather3A_241 : vector<16xf32>
        %swap3A_267 = arith.index_cast %scan3A_239 : i32 to index
        %swap3A_268 = arith.constant 48 : index
        %swap3A_269 = tpu.vector_load %arg14[%swap3A_267, %swap3A_268] {strides = array<i32>} : memref<128x128xf32, #tpu.memory_space<vmem>>, vector<16xf32>,
        tpu.vector_store %arg14[%swap3A_267, %swap3A_268], %mul3A_266 {strides = array<i32>} : memref<128x128xf32, #tpu.memory_space<vmem>>, vector<16xf32>,
        %get3A_270 = arith.index_cast %scan3A_239 : i32 to index
        %get3A_271 = arith.constant 64 : index
        %get3A_272 = tpu.vector_load %arg14[%get3A_270, %get3A_271] {strides = array<i32>} : memref<128x128xf32, #tpu.memory_space<vmem>>, vector<16xf32>,
        %mul3A_273 = arith.mulf %get3A_272, %gather3A_241 : vector<16xf32>
        %swap3A_274 = arith.index_cast %scan3A_239 : i32 to index
        %swap3A_275 = arith.constant 64 : index
        %swap3A_276 = tpu.vector_load %arg14[%swap3A_274, %swap3A_275] {strides = array<i32>} : memref<128x128xf32, #tpu.memory_space<vmem>>, vector<16xf32>,
        tpu.vector_store %arg14[%swap3A_274, %swap3A_275], %mul3A_273 {strides = array<i32>} : memref<128x128xf32, #tpu.memory_space<vmem>>, vector<16xf32>,
        %get3A_277 = arith.index_cast %scan3A_239 : i32 to index
        %get3A_278 = arith.constant 80 : index
        %get3A_279 = tpu.vector_load %arg14[%get3A_277, %get3A_278] {strides = array<i32>} : memref<128x128xf32, #tpu.memory_space<vmem>>, vector<16xf32>,
        %mul3A_280 = arith.mulf %get3A_279, %gather3A_241 : vector<16xf32>
        %swap3A_281 = arith.index_cast %scan3A_239 : i32 to index
        %swap3A_282 = arith.constant 80 : index
        %swap3A_283 = tpu.vector_load %arg14[%swap3A_281, %swap3A_282] {strides = array<i32>} : memref<128x128xf32, #tpu.memory_space<vmem>>, vector<16xf32>,
        tpu.vector_store %arg14[%swap3A_281, %swap3A_282], %mul3A_280 {strides = array<i32>} : memref<128x128xf32, #tpu.memory_space<vmem>>, vector<16xf32>,
        %get3A_284 = arith.index_cast %scan3A_239 : i32 to index
        %get3A_285 = arith.constant 96 : index
        %get3A_286 = tpu.vector_load %arg14[%get3A_284, %get3A_285] {strides = array<i32>} : memref<128x128xf32, #tpu.memory_space<vmem>>, vector<16xf32>,
        %mul3A_287 = arith.mulf %get3A_286, %gather3A_241 : vector<16xf32>
        %swap3A_288 = arith.index_cast %scan3A_239 : i32 to index
        %swap3A_289 = arith.constant 96 : index
        %swap3A_290 = tpu.vector_load %arg14[%swap3A_288, %swap3A_289] {strides = array<i32>} : memref<128x128xf32, #tpu.memory_space<vmem>>, vector<16xf32>,
        tpu.vector_store %arg14[%swap3A_288, %swap3A_289], %mul3A_287 {strides = array<i32>} : memref<128x128xf32, #tpu.memory_space<vmem>>, vector<16xf32>,
        %get3A_291 = arith.index_cast %scan3A_239 : i32 to index
        %get3A_292 = arith.constant 112 : index
        %get3A_293 = tpu.vector_load %arg14[%get3A_291, %get3A_292] {strides = array<i32>} : memref<128x128xf32, #tpu.memory_space<vmem>>, vector<16xf32>,
        %mul3A_294 = arith.mulf %get3A_293, %gather3A_241 : vector<16xf32>
        %swap3A_295 = arith.index_cast %scan3A_239 : i32 to index
        %swap3A_296 = arith.constant 112 : index
        %swap3A_297 = tpu.vector_load %arg14[%swap3A_295, %swap3A_296] {strides = array<i32>} : memref<128x128xf32, #tpu.memory_space<vmem>>, vector<16xf32>,
        tpu.vector_store %arg14[%swap3A_295, %swap3A_296], %mul3A_294 {strides = array<i32>} : memref<128x128xf32, #tpu.memory_space<vmem>>, vector<16xf32>,
        %scan3A_298 = arith.constant 3 : i32
        %scan3A_299 = arith.addi %scan3A_123, %scan3A_298 : i32
        %broadcast_in_dim3A_300 = vector.broadcast %scan3A_299 : i32 to vector<16xi32>
        %gather3A_301 = tpu.vector_load_idx %arg13[%broadcast_in_dim3A_300] : memref<128xf32, #tpu.memory_space<vmem>>[vector<16xi32>], vector<16xf32>,
        %get3A_302 = arith.index_cast %scan3A_299 : i32 to index
        %get3A_303 = arith.constant 0 : index
        %get3A_304 = tpu.vector_load %arg14[%get3A_302, %get3A_303] {strides = array<i32>} : memref<128x128xf32, #tpu.memory_space<vmem>>, vector<16xf32>,
        %mul3A_305 = arith.mulf %get3A_304, %gather3A_301 : vector<16xf32>
        %swap3A_306 = arith.index_cast %scan3A_299 : i32 to index
        %swap3A_307 = arith.constant 0 : index
        %swap3A_308 = tpu.vector_load %arg14[%swap3A_306, %swap3A_307] {strides = array<i32>} : memref<128x128xf32, #tpu.memory_space<vmem>>, vector<16xf32>,
        tpu.vector_store %arg14[%swap3A_306, %swap3A_307], %mul3A_305 {strides = array<i32>} : memref<128x128xf32, #tpu.memory_space<vmem>>, vector<16xf32>,
        %get3A_309 = arith.index_cast %scan3A_299 : i32 to index
        %get3A_310 = arith.constant 16 : index
        %get3A_311 = tpu.vector_load %arg14[%get3A_309, %get3A_310] {strides = array<i32>} : memref<128x128xf32, #tpu.memory_space<vmem>>, vector<16xf32>,
        %mul3A_312 = arith.mulf %get3A_311, %gather3A_301 : vector<16xf32>
        %swap3A_313 = arith.index_cast %scan3A_299 : i32 to index
        %swap3A_314 = arith.constant 16 : index
        %swap3A_315 = tpu.vector_load %arg14[%swap3A_313, %swap3A_314] {strides = array<i32>} : memref<128x128xf32, #tpu.memory_space<vmem>>, vector<16xf32>,
        tpu.vector_store %arg14[%swap3A_313, %swap3A_314], %mul3A_312 {strides = array<i32>} : memref<128x128xf32, #tpu.memory_space<vmem>>, vector<16xf32>,
        %get3A_316 = arith.index_cast %scan3A_299 : i32 to index
        %get3A_317 = arith.constant 32 : index
        %get3A_318 = tpu.vector_load %arg14[%get3A_316, %get3A_317] {strides = array<i32>} : memref<128x128xf32, #tpu.memory_space<vmem>>, vector<16xf32>,
        %mul3A_319 = arith.mulf %get3A_318, %gather3A_301 : vector<16xf32>
        %swap3A_320 = arith.index_cast %scan3A_299 : i32 to index
        %swap3A_321 = arith.constant 32 : index
        %swap3A_322 = tpu.vector_load %arg14[%swap3A_320, %swap3A_321] {strides = array<i32>} : memref<128x128xf32, #tpu.memory_space<vmem>>, vector<16xf32>,
        tpu.vector_store %arg14[%swap3A_320, %swap3A_321], %mul3A_319 {strides = array<i32>} : memref<128x128xf32, #tpu.memory_space<vmem>>, vector<16xf32>,
        %get3A_323 = arith.index_cast %scan3A_299 : i32 to index
        %get3A_324 = arith.constant 48 : index
        %get3A_325 = tpu.vector_load %arg14[%get3A_323, %get3A_324] {strides = array<i32>} : memref<128x128xf32, #tpu.memory_space<vmem>>, vector<16xf32>,
        %mul3A_326 = arith.mulf %get3A_325, %gather3A_301 : vector<16xf32>
        %swap3A_327 = arith.index_cast %scan3A_299 : i32 to index
        %swap3A_328 = arith.constant 48 : index
        %swap3A_329 = tpu.vector_load %arg14[%swap3A_327, %swap3A_328] {strides = array<i32>} : memref<128x128xf32, #tpu.memory_space<vmem>>, vector<16xf32>,
        tpu.vector_store %arg14[%swap3A_327, %swap3A_328], %mul3A_326 {strides = array<i32>} : memref<128x128xf32, #tpu.memory_space<vmem>>, vector<16xf32>,
        %get3A_330 = arith.index_cast %scan3A_299 : i32 to index
        %get3A_331 = arith.constant 64 : index
        %get3A_332 = tpu.vector_load %arg14[%get3A_330, %get3A_331] {strides = array<i32>} : memref<128x128xf32, #tpu.memory_space<vmem>>, vector<16xf32>,
        %mul3A_333 = arith.mulf %get3A_332, %gather3A_301 : vector<16xf32>
        %swap3A_334 = arith.index_cast %scan3A_299 : i32 to index
        %swap3A_335 = arith.constant 64 : index
        %swap3A_336 = tpu.vector_load %arg14[%swap3A_334, %swap3A_335] {strides = array<i32>} : memref<128x128xf32, #tpu.memory_space<vmem>>, vector<16xf32>,
        tpu.vector_store %arg14[%swap3A_334, %swap3A_335], %mul3A_333 {strides = array<i32>} : memref<128x128xf32, #tpu.memory_space<vmem>>, vector<16xf32>,
        %get3A_337 = arith.index_cast %scan3A_299 : i32 to index
        %get3A_338 = arith.constant 80 : index
        %get3A_339 = tpu.vector_load %arg14[%get3A_337, %get3A_338] {strides = array<i32>} : memref<128x128xf32, #tpu.memory_space<vmem>>, vector<16xf32>,
        %mul3A_340 = arith.mulf %get3A_339, %gather3A_301 : vector<16xf32>
        %swap3A_341 = arith.index_cast %scan3A_299 : i32 to index
        %swap3A_342 = arith.constant 80 : index
        %swap3A_343 = tpu.vector_load %arg14[%swap3A_341, %swap3A_342] {strides = array<i32>} : memref<128x128xf32, #tpu.memory_space<vmem>>, vector<16xf32>,
        tpu.vector_store %arg14[%swap3A_341, %swap3A_342], %mul3A_340 {strides = array<i32>} : memref<128x128xf32, #tpu.memory_space<vmem>>, vector<16xf32>,
        %get3A_344 = arith.index_cast %scan3A_299 : i32 to index
        %get3A_345 = arith.constant 96 : index
        %get3A_346 = tpu.vector_load %arg14[%get3A_344, %get3A_345] {strides = array<i32>} : memref<128x128xf32, #tpu.memory_space<vmem>>, vector<16xf32>,
        %mul3A_347 = arith.mulf %get3A_346, %gather3A_301 : vector<16xf32>
        %swap3A_348 = arith.index_cast %scan3A_299 : i32 to index
        %swap3A_349 = arith.constant 96 : index
        %swap3A_350 = tpu.vector_load %arg14[%swap3A_348, %swap3A_349] {strides = array<i32>} : memref<128x128xf32, #tpu.memory_space<vmem>>, vector<16xf32>,
        tpu.vector_store %arg14[%swap3A_348, %swap3A_349], %mul3A_347 {strides = array<i32>} : memref<128x128xf32, #tpu.memory_space<vmem>>, vector<16xf32>,
        %get3A_351 = arith.index_cast %scan3A_299 : i32 to index
        %get3A_352 = arith.constant 112 : index
        %get3A_353 = tpu.vector_load %arg14[%get3A_351, %get3A_352] {strides = array<i32>} : memref<128x128xf32, #tpu.memory_space<vmem>>, vector<16xf32>,
        %mul3A_354 = arith.mulf %get3A_353, %gather3A_301 : vector<16xf32>
        %swap3A_355 = arith.index_cast %scan3A_299 : i32 to index
        %swap3A_356 = arith.constant 112 : index
        %swap3A_357 = tpu.vector_load %arg14[%swap3A_355, %swap3A_356] {strides = array<i32>} : memref<128x128xf32, #tpu.memory_space<vmem>>, vector<16xf32>,
        tpu.vector_store %arg14[%swap3A_355, %swap3A_356], %mul3A_354 {strides = array<i32>} : memref<128x128xf32, #tpu.memory_space<vmem>>, vector<16xf32>,
      }
      %scan3A_88 = arith.constant 32 : i32
      %dma_wait3A_89 = tpu.memref_slice %arg4[%mul3A_35] : memref<320000xi32, #tpu.memory_space<hbm>> -> memref<64xi32, #tpu.memory_space<hbm>>
      %dma_wait3A_90 = tpu.memref_slice %arg4[%mul3A_35] : memref<320000xi32, #tpu.memory_space<hbm>> -> memref<64xi32, #tpu.memory_space<hbm>>
      tpu.wait_dma2 semaphore(%arg17 : memref<!tpu.dma_semaphore, #tpu.memory_space<semaphore_mem>>) src(%dma_wait3A_90 : memref<64xi32, #tpu.memory_space<hbm>>) dst(%arg11 : memref<64xi32, #tpu.memory_space<vmem>>)
      %dma_start3A_91 = arith.constant 0 : i32
      %dma_start3A_92 = arith.constant 0 : i32
      %dma_start3A_93 = tpu.memref_slice %arg14[%dma_start3A_91, %dma_start3A_92] : memref<128x128xf32, #tpu.memory_space<vmem>> -> memref<64x128xf32, #tpu.memory_space<vmem>>
      %dma_start3A_94 = arith.constant 0 : i32
      %dma_start3A_95 = arith.constant 0 : i32
      %dma_start3A_96 = tpu.memref_slice %arg8[%dma_start3A_94, %dma_start3A_95] : memref<10000x128xf32, #tpu.memory_space<vmem_shared>> -> memref<10000x128xf32, #tpu.memory_space<vmem_shared>>
      tpu.enqueue_indirect_dma source(%dma_start3A_93 : memref<64x128xf32, #tpu.memory_space<vmem>>) target(%dma_start3A_96 : memref<10000x128xf32, #tpu.memory_space<vmem_shared>>) offsets(%arg11 : memref<64xi32, #tpu.memory_space<vmem>>) semaphore(%arg22 : memref<!tpu.dma_semaphore, #tpu.memory_space<semaphore_mem>>) {add = true}
      %scan3A_97 = arith.constant 0 : i32
      %scan3A_98 = arith.constant 64 : i32
      %scan3A_99 = arith.constant 64 : i32
      %scan3A_100 = arith.addi %scan3A_98, %scan3A_99 : i32
      %scan3A_101 = arith.constant 4 : i32
      scf.for %scan3A_123 = %scan3A_98 to %scan3A_100 step %scan3A_101  : i32 {
        %broadcast_in_dim3A = vector.broadcast %scan3A_123 : i32 to vector<16xi32>
        %gather3A = tpu.vector_load_idx %arg13[%broadcast_in_dim3A] : memref<128xf32, #tpu.memory_space<vmem>>[vector<16xi32>], vector<16xf32>,
        %get3A = arith.index_cast %scan3A_123 : i32 to index
        %get3A_124 = arith.constant 0 : index
        %get3A_125 = tpu.vector_load %arg14[%get3A, %get3A_124] {strides = array<i32>} : memref<128x128xf32, #tpu.memory_space<vmem>>, vector<16xf32>,
        %mul3A_126 = arith.mulf %get3A_125, %gather3A : vector<16xf32>
        %swap3A = arith.index_cast %scan3A_123 : i32 to index
        %swap3A_127 = arith.constant 0 : index
        %swap3A_128 = tpu.vector_load %arg14[%swap3A, %swap3A_127] {strides = array<i32>} : memref<128x128xf32, #tpu.memory_space<vmem>>, vector<16xf32>,
        tpu.vector_store %arg14[%swap3A, %swap3A_127], %mul3A_126 {strides = array<i32>} : memref<128x128xf32, #tpu.memory_space<vmem>>, vector<16xf32>,
        %get3A_129 = arith.index_cast %scan3A_123 : i32 to index
        %get3A_130 = arith.constant 16 : index
        %get3A_131 = tpu.vector_load %arg14[%get3A_129, %get3A_130] {strides = array<i32>} : memref<128x128xf32, #tpu.memory_space<vmem>>, vector<16xf32>,
        %mul3A_132 = arith.mulf %get3A_131, %gather3A : vector<16xf32>
        %swap3A_133 = arith.index_cast %scan3A_123 : i32 to index
        %swap3A_134 = arith.constant 16 : index
        %swap3A_135 = tpu.vector_load %arg14[%swap3A_133, %swap3A_134] {strides = array<i32>} : memref<128x128xf32, #tpu.memory_space<vmem>>, vector<16xf32>,
        tpu.vector_store %arg14[%swap3A_133, %swap3A_134], %mul3A_132 {strides = array<i32>} : memref<128x128xf32, #tpu.memory_space<vmem>>, vector<16xf32>,
        %get3A_136 = arith.index_cast %scan3A_123 : i32 to index
        %get3A_137 = arith.constant 32 : index
        %get3A_138 = tpu.vector_load %arg14[%get3A_136, %get3A_137] {strides = array<i32>} : memref<128x128xf32, #tpu.memory_space<vmem>>, vector<16xf32>,
        %mul3A_139 = arith.mulf %get3A_138, %gather3A : vector<16xf32>
        %swap3A_140 = arith.index_cast %scan3A_123 : i32 to index
        %swap3A_141 = arith.constant 32 : index
        %swap3A_142 = tpu.vector_load %arg14[%swap3A_140, %swap3A_141] {strides = array<i32>} : memref<128x128xf32, #tpu.memory_space<vmem>>, vector<16xf32>,
        tpu.vector_store %arg14[%swap3A_140, %swap3A_141], %mul3A_139 {strides = array<i32>} : memref<128x128xf32, #tpu.memory_space<vmem>>, vector<16xf32>,
        %get3A_143 = arith.index_cast %scan3A_123 : i32 to index
        %get3A_144 = arith.constant 48 : index
        %get3A_145 = tpu.vector_load %arg14[%get3A_143, %get3A_144] {strides = array<i32>} : memref<128x128xf32, #tpu.memory_space<vmem>>, vector<16xf32>,
        %mul3A_146 = arith.mulf %get3A_145, %gather3A : vector<16xf32>
        %swap3A_147 = arith.index_cast %scan3A_123 : i32 to index
        %swap3A_148 = arith.constant 48 : index
        %swap3A_149 = tpu.vector_load %arg14[%swap3A_147, %swap3A_148] {strides = array<i32>} : memref<128x128xf32, #tpu.memory_space<vmem>>, vector<16xf32>,
        tpu.vector_store %arg14[%swap3A_147, %swap3A_148], %mul3A_146 {strides = array<i32>} : memref<128x128xf32, #tpu.memory_space<vmem>>, vector<16xf32>,
        %get3A_150 = arith.index_cast %scan3A_123 : i32 to index
        %get3A_151 = arith.constant 64 : index
        %get3A_152 = tpu.vector_load %arg14[%get3A_150, %get3A_151] {strides = array<i32>} : memref<128x128xf32, #tpu.memory_space<vmem>>, vector<16xf32>,
        %mul3A_153 = arith.mulf %get3A_152, %gather3A : vector<16xf32>
        %swap3A_154 = arith.index_cast %scan3A_123 : i32 to index
        %swap3A_155 = arith.constant 64 : index
        %swap3A_156 = tpu.vector_load %arg14[%swap3A_154, %swap3A_155] {strides = array<i32>} : memref<128x128xf32, #tpu.memory_space<vmem>>, vector<16xf32>,
        tpu.vector_store %arg14[%swap3A_154, %swap3A_155], %mul3A_153 {strides = array<i32>} : memref<128x128xf32, #tpu.memory_space<vmem>>, vector<16xf32>,
        %get3A_157 = arith.index_cast %scan3A_123 : i32 to index
        %get3A_158 = arith.constant 80 : index
        %get3A_159 = tpu.vector_load %arg14[%get3A_157, %get3A_158] {strides = array<i32>} : memref<128x128xf32, #tpu.memory_space<vmem>>, vector<16xf32>,
        %mul3A_160 = arith.mulf %get3A_159, %gather3A : vector<16xf32>
        %swap3A_161 = arith.index_cast %scan3A_123 : i32 to index
        %swap3A_162 = arith.constant 80 : index
        %swap3A_163 = tpu.vector_load %arg14[%swap3A_161, %swap3A_162] {strides = array<i32>} : memref<128x128xf32, #tpu.memory_space<vmem>>, vector<16xf32>,
        tpu.vector_store %arg14[%swap3A_161, %swap3A_162], %mul3A_160 {strides = array<i32>} : memref<128x128xf32, #tpu.memory_space<vmem>>, vector<16xf32>,
        %get3A_164 = arith.index_cast %scan3A_123 : i32 to index
        %get3A_165 = arith.constant 96 : index
        %get3A_166 = tpu.vector_load %arg14[%get3A_164, %get3A_165] {strides = array<i32>} : memref<128x128xf32, #tpu.memory_space<vmem>>, vector<16xf32>,
        %mul3A_167 = arith.mulf %get3A_166, %gather3A : vector<16xf32>
        %swap3A_168 = arith.index_cast %scan3A_123 : i32 to index
        %swap3A_169 = arith.constant 96 : index
        %swap3A_170 = tpu.vector_load %arg14[%swap3A_168, %swap3A_169] {strides = array<i32>} : memref<128x128xf32, #tpu.memory_space<vmem>>, vector<16xf32>,
        tpu.vector_store %arg14[%swap3A_168, %swap3A_169], %mul3A_167 {strides = array<i32>} : memref<128x128xf32, #tpu.memory_space<vmem>>, vector<16xf32>,
        %get3A_171 = arith.index_cast %scan3A_123 : i32 to index
        %get3A_172 = arith.constant 112 : index
        %get3A_173 = tpu.vector_load %arg14[%get3A_171, %get3A_172] {strides = array<i32>} : memref<128x128xf32, #tpu.memory_space<vmem>>, vector<16xf32>,
        %mul3A_174 = arith.mulf %get3A_173, %gather3A : vector<16xf32>
        %swap3A_175 = arith.index_cast %scan3A_123 : i32 to index
        %swap3A_176 = arith.constant 112 : index
        %swap3A_177 = tpu.vector_load %arg14[%swap3A_175, %swap3A_176] {strides = array<i32>} : memref<128x128xf32, #tpu.memory_space<vmem>>, vector<16xf32>,
        tpu.vector_store %arg14[%swap3A_175, %swap3A_176], %mul3A_174 {strides = array<i32>} : memref<128x128xf32, #tpu.memory_space<vmem>>, vector<16xf32>,
        %scan3A_178 = arith.constant 1 : i32
        %scan3A_179 = arith.addi %scan3A_123, %scan3A_178 : i32
        %broadcast_in_dim3A_180 = vector.broadcast %scan3A_179 : i32 to vector<16xi32>
        %gather3A_181 = tpu.vector_load_idx %arg13[%broadcast_in_dim3A_180] : memref<128xf32, #tpu.memory_space<vmem>>[vector<16xi32>], vector<16xf32>,
        %get3A_182 = arith.index_cast %scan3A_179 : i32 to index
        %get3A_183 = arith.constant 0 : index
        %get3A_184 = tpu.vector_load %arg14[%get3A_182, %get3A_183] {strides = array<i32>} : memref<128x128xf32, #tpu.memory_space<vmem>>, vector<16xf32>,
        %mul3A_185 = arith.mulf %get3A_184, %gather3A_181 : vector<16xf32>
        %swap3A_186 = arith.index_cast %scan3A_179 : i32 to index
        %swap3A_187 = arith.constant 0 : index
        %swap3A_188 = tpu.vector_load %arg14[%swap3A_186, %swap3A_187] {strides = array<i32>} : memref<128x128xf32, #tpu.memory_space<vmem>>, vector<16xf32>,
        tpu.vector_store %arg14[%swap3A_186, %swap3A_187], %mul3A_185 {strides = array<i32>} : memref<128x128xf32, #tpu.memory_space<vmem>>, vector<16xf32>,
        %get3A_189 = arith.index_cast %scan3A_179 : i32 to index
        %get3A_190 = arith.constant 16 : index
        %get3A_191 = tpu.vector_load %arg14[%get3A_189, %get3A_190] {strides = array<i32>} : memref<128x128xf32, #tpu.memory_space<vmem>>, vector<16xf32>,
        %mul3A_192 = arith.mulf %get3A_191, %gather3A_181 : vector<16xf32>
        %swap3A_193 = arith.index_cast %scan3A_179 : i32 to index
        %swap3A_194 = arith.constant 16 : index
        %swap3A_195 = tpu.vector_load %arg14[%swap3A_193, %swap3A_194] {strides = array<i32>} : memref<128x128xf32, #tpu.memory_space<vmem>>, vector<16xf32>,
        tpu.vector_store %arg14[%swap3A_193, %swap3A_194], %mul3A_192 {strides = array<i32>} : memref<128x128xf32, #tpu.memory_space<vmem>>, vector<16xf32>,
        %get3A_196 = arith.index_cast %scan3A_179 : i32 to index
        %get3A_197 = arith.constant 32 : index
        %get3A_198 = tpu.vector_load %arg14[%get3A_196, %get3A_197] {strides = array<i32>} : memref<128x128xf32, #tpu.memory_space<vmem>>, vector<16xf32>,
        %mul3A_199 = arith.mulf %get3A_198, %gather3A_181 : vector<16xf32>
        %swap3A_200 = arith.index_cast %scan3A_179 : i32 to index
        %swap3A_201 = arith.constant 32 : index
        %swap3A_202 = tpu.vector_load %arg14[%swap3A_200, %swap3A_201] {strides = array<i32>} : memref<128x128xf32, #tpu.memory_space<vmem>>, vector<16xf32>,
        tpu.vector_store %arg14[%swap3A_200, %swap3A_201], %mul3A_199 {strides = array<i32>} : memref<128x128xf32, #tpu.memory_space<vmem>>, vector<16xf32>,
        %get3A_203 = arith.index_cast %scan3A_179 : i32 to index
        %get3A_204 = arith.constant 48 : index
        %get3A_205 = tpu.vector_load %arg14[%get3A_203, %get3A_204] {strides = array<i32>} : memref<128x128xf32, #tpu.memory_space<vmem>>, vector<16xf32>,
        %mul3A_206 = arith.mulf %get3A_205, %gather3A_181 : vector<16xf32>
        %swap3A_207 = arith.index_cast %scan3A_179 : i32 to index
        %swap3A_208 = arith.constant 48 : index
        %swap3A_209 = tpu.vector_load %arg14[%swap3A_207, %swap3A_208] {strides = array<i32>} : memref<128x128xf32, #tpu.memory_space<vmem>>, vector<16xf32>,
        tpu.vector_store %arg14[%swap3A_207, %swap3A_208], %mul3A_206 {strides = array<i32>} : memref<128x128xf32, #tpu.memory_space<vmem>>, vector<16xf32>,
        %get3A_210 = arith.index_cast %scan3A_179 : i32 to index
        %get3A_211 = arith.constant 64 : index
        %get3A_212 = tpu.vector_load %arg14[%get3A_210, %get3A_211] {strides = array<i32>} : memref<128x128xf32, #tpu.memory_space<vmem>>, vector<16xf32>,
        %mul3A_213 = arith.mulf %get3A_212, %gather3A_181 : vector<16xf32>
        %swap3A_214 = arith.index_cast %scan3A_179 : i32 to index
        %swap3A_215 = arith.constant 64 : index
        %swap3A_216 = tpu.vector_load %arg14[%swap3A_214, %swap3A_215] {strides = array<i32>} : memref<128x128xf32, #tpu.memory_space<vmem>>, vector<16xf32>,
        tpu.vector_store %arg14[%swap3A_214, %swap3A_215], %mul3A_213 {strides = array<i32>} : memref<128x128xf32, #tpu.memory_space<vmem>>, vector<16xf32>,
        %get3A_217 = arith.index_cast %scan3A_179 : i32 to index
        %get3A_218 = arith.constant 80 : index
        %get3A_219 = tpu.vector_load %arg14[%get3A_217, %get3A_218] {strides = array<i32>} : memref<128x128xf32, #tpu.memory_space<vmem>>, vector<16xf32>,
        %mul3A_220 = arith.mulf %get3A_219, %gather3A_181 : vector<16xf32>
        %swap3A_221 = arith.index_cast %scan3A_179 : i32 to index
        %swap3A_222 = arith.constant 80 : index
        %swap3A_223 = tpu.vector_load %arg14[%swap3A_221, %swap3A_222] {strides = array<i32>} : memref<128x128xf32, #tpu.memory_space<vmem>>, vector<16xf32>,
        tpu.vector_store %arg14[%swap3A_221, %swap3A_222], %mul3A_220 {strides = array<i32>} : memref<128x128xf32, #tpu.memory_space<vmem>>, vector<16xf32>,
        %get3A_224 = arith.index_cast %scan3A_179 : i32 to index
        %get3A_225 = arith.constant 96 : index
        %get3A_226 = tpu.vector_load %arg14[%get3A_224, %get3A_225] {strides = array<i32>} : memref<128x128xf32, #tpu.memory_space<vmem>>, vector<16xf32>,
        %mul3A_227 = arith.mulf %get3A_226, %gather3A_181 : vector<16xf32>
        %swap3A_228 = arith.index_cast %scan3A_179 : i32 to index
        %swap3A_229 = arith.constant 96 : index
        %swap3A_230 = tpu.vector_load %arg14[%swap3A_228, %swap3A_229] {strides = array<i32>} : memref<128x128xf32, #tpu.memory_space<vmem>>, vector<16xf32>,
        tpu.vector_store %arg14[%swap3A_228, %swap3A_229], %mul3A_227 {strides = array<i32>} : memref<128x128xf32, #tpu.memory_space<vmem>>, vector<16xf32>,
        %get3A_231 = arith.index_cast %scan3A_179 : i32 to index
        %get3A_232 = arith.constant 112 : index
        %get3A_233 = tpu.vector_load %arg14[%get3A_231, %get3A_232] {strides = array<i32>} : memref<128x128xf32, #tpu.memory_space<vmem>>, vector<16xf32>,
        %mul3A_234 = arith.mulf %get3A_233, %gather3A_181 : vector<16xf32>
        %swap3A_235 = arith.index_cast %scan3A_179 : i32 to index
        %swap3A_236 = arith.constant 112 : index
        %swap3A_237 = tpu.vector_load %arg14[%swap3A_235, %swap3A_236] {strides = array<i32>} : memref<128x128xf32, #tpu.memory_space<vmem>>, vector<16xf32>,
        tpu.vector_store %arg14[%swap3A_235, %swap3A_236], %mul3A_234 {strides = array<i32>} : memref<128x128xf32, #tpu.memory_space<vmem>>, vector<16xf32>,
        %scan3A_238 = arith.constant 2 : i32
        %scan3A_239 = arith.addi %scan3A_123, %scan3A_238 : i32
        %broadcast_in_dim3A_240 = vector.broadcast %scan3A_239 : i32 to vector<16xi32>
        %gather3A_241 = tpu.vector_load_idx %arg13[%broadcast_in_dim3A_240] : memref<128xf32, #tpu.memory_space<vmem>>[vector<16xi32>], vector<16xf32>,
        %get3A_242 = arith.index_cast %scan3A_239 : i32 to index
        %get3A_243 = arith.constant 0 : index
        %get3A_244 = tpu.vector_load %arg14[%get3A_242, %get3A_243] {strides = array<i32>} : memref<128x128xf32, #tpu.memory_space<vmem>>, vector<16xf32>,
        %mul3A_245 = arith.mulf %get3A_244, %gather3A_241 : vector<16xf32>
        %swap3A_246 = arith.index_cast %scan3A_239 : i32 to index
        %swap3A_247 = arith.constant 0 : index
        %swap3A_248 = tpu.vector_load %arg14[%swap3A_246, %swap3A_247] {strides = array<i32>} : memref<128x128xf32, #tpu.memory_space<vmem>>, vector<16xf32>,
        tpu.vector_store %arg14[%swap3A_246, %swap3A_247], %mul3A_245 {strides = array<i32>} : memref<128x128xf32, #tpu.memory_space<vmem>>, vector<16xf32>,
        %get3A_249 = arith.index_cast %scan3A_239 : i32 to index
        %get3A_250 = arith.constant 16 : index
        %get3A_251 = tpu.vector_load %arg14[%get3A_249, %get3A_250] {strides = array<i32>} : memref<128x128xf32, #tpu.memory_space<vmem>>, vector<16xf32>,
        %mul3A_252 = arith.mulf %get3A_251, %gather3A_241 : vector<16xf32>
        %swap3A_253 = arith.index_cast %scan3A_239 : i32 to index
        %swap3A_254 = arith.constant 16 : index
        %swap3A_255 = tpu.vector_load %arg14[%swap3A_253, %swap3A_254] {strides = array<i32>} : memref<128x128xf32, #tpu.memory_space<vmem>>, vector<16xf32>,
        tpu.vector_store %arg14[%swap3A_253, %swap3A_254], %mul3A_252 {strides = array<i32>} : memref<128x128xf32, #tpu.memory_space<vmem>>, vector<16xf32>,
        %get3A_256 = arith.index_cast %scan3A_239 : i32 to index
        %get3A_257 = arith.constant 32 : index
        %get3A_258 = tpu.vector_load %arg14[%get3A_256, %get3A_257] {strides = array<i32>} : memref<128x128xf32, #tpu.memory_space<vmem>>, vector<16xf32>,
        %mul3A_259 = arith.mulf %get3A_258, %gather3A_241 : vector<16xf32>
        %swap3A_260 = arith.index_cast %scan3A_239 : i32 to index
        %swap3A_261 = arith.constant 32 : index
        %swap3A_262 = tpu.vector_load %arg14[%swap3A_260, %swap3A_261] {strides = array<i32>} : memref<128x128xf32, #tpu.memory_space<vmem>>, vector<16xf32>,
        tpu.vector_store %arg14[%swap3A_260, %swap3A_261], %mul3A_259 {strides = array<i32>} : memref<128x128xf32, #tpu.memory_space<vmem>>, vector<16xf32>,
        %get3A_263 = arith.index_cast %scan3A_239 : i32 to index
        %get3A_264 = arith.constant 48 : index
        %get3A_265 = tpu.vector_load %arg14[%get3A_263, %get3A_264] {strides = array<i32>} : memref<128x128xf32, #tpu.memory_space<vmem>>, vector<16xf32>,
        %mul3A_266 = arith.mulf %get3A_265, %gather3A_241 : vector<16xf32>
        %swap3A_267 = arith.index_cast %scan3A_239 : i32 to index
        %swap3A_268 = arith.constant 48 : index
        %swap3A_269 = tpu.vector_load %arg14[%swap3A_267, %swap3A_268] {strides = array<i32>} : memref<128x128xf32, #tpu.memory_space<vmem>>, vector<16xf32>,
        tpu.vector_store %arg14[%swap3A_267, %swap3A_268], %mul3A_266 {strides = array<i32>} : memref<128x128xf32, #tpu.memory_space<vmem>>, vector<16xf32>,
        %get3A_270 = arith.index_cast %scan3A_239 : i32 to index
        %get3A_271 = arith.constant 64 : index
        %get3A_272 = tpu.vector_load %arg14[%get3A_270, %get3A_271] {strides = array<i32>} : memref<128x128xf32, #tpu.memory_space<vmem>>, vector<16xf32>,
        %mul3A_273 = arith.mulf %get3A_272, %gather3A_241 : vector<16xf32>
        %swap3A_274 = arith.index_cast %scan3A_239 : i32 to index
        %swap3A_275 = arith.constant 64 : index
        %swap3A_276 = tpu.vector_load %arg14[%swap3A_274, %swap3A_275] {strides = array<i32>} : memref<128x128xf32, #tpu.memory_space<vmem>>, vector<16xf32>,
        tpu.vector_store %arg14[%swap3A_274, %swap3A_275], %mul3A_273 {strides = array<i32>} : memref<128x128xf32, #tpu.memory_space<vmem>>, vector<16xf32>,
        %get3A_277 = arith.index_cast %scan3A_239 : i32 to index
        %get3A_278 = arith.constant 80 : index
        %get3A_279 = tpu.vector_load %arg14[%get3A_277, %get3A_278] {strides = array<i32>} : memref<128x128xf32, #tpu.memory_space<vmem>>, vector<16xf32>,
        %mul3A_280 = arith.mulf %get3A_279, %gather3A_241 : vector<16xf32>
        %swap3A_281 = arith.index_cast %scan3A_239 : i32 to index
        %swap3A_282 = arith.constant 80 : index
        %swap3A_283 = tpu.vector_load %arg14[%swap3A_281, %swap3A_282] {strides = array<i32>} : memref<128x128xf32, #tpu.memory_space<vmem>>, vector<16xf32>,
        tpu.vector_store %arg14[%swap3A_281, %swap3A_282], %mul3A_280 {strides = array<i32>} : memref<128x128xf32, #tpu.memory_space<vmem>>, vector<16xf32>,
        %get3A_284 = arith.index_cast %scan3A_239 : i32 to index
        %get3A_285 = arith.constant 96 : index
        %get3A_286 = tpu.vector_load %arg14[%get3A_284, %get3A_285] {strides = array<i32>} : memref<128x128xf32, #tpu.memory_space<vmem>>, vector<16xf32>,
        %mul3A_287 = arith.mulf %get3A_286, %gather3A_241 : vector<16xf32>
        %swap3A_288 = arith.index_cast %scan3A_239 : i32 to index
        %swap3A_289 = arith.constant 96 : index
        %swap3A_290 = tpu.vector_load %arg14[%swap3A_288, %swap3A_289] {strides = array<i32>} : memref<128x128xf32, #tpu.memory_space<vmem>>, vector<16xf32>,
        tpu.vector_store %arg14[%swap3A_288, %swap3A_289], %mul3A_287 {strides = array<i32>} : memref<128x128xf32, #tpu.memory_space<vmem>>, vector<16xf32>,
        %get3A_291 = arith.index_cast %scan3A_239 : i32 to index
        %get3A_292 = arith.constant 112 : index
        %get3A_293 = tpu.vector_load %arg14[%get3A_291, %get3A_292] {strides = array<i32>} : memref<128x128xf32, #tpu.memory_space<vmem>>, vector<16xf32>,
        %mul3A_294 = arith.mulf %get3A_293, %gather3A_241 : vector<16xf32>
        %swap3A_295 = arith.index_cast %scan3A_239 : i32 to index
        %swap3A_296 = arith.constant 112 : index
        %swap3A_297 = tpu.vector_load %arg14[%swap3A_295, %swap3A_296] {strides = array<i32>} : memref<128x128xf32, #tpu.memory_space<vmem>>, vector<16xf32>,
        tpu.vector_store %arg14[%swap3A_295, %swap3A_296], %mul3A_294 {strides = array<i32>} : memref<128x128xf32, #tpu.memory_space<vmem>>, vector<16xf32>,
        %scan3A_298 = arith.constant 3 : i32
        %scan3A_299 = arith.addi %scan3A_123, %scan3A_298 : i32
        %broadcast_in_dim3A_300 = vector.broadcast %scan3A_299 : i32 to vector<16xi32>
        %gather3A_301 = tpu.vector_load_idx %arg13[%broadcast_in_dim3A_300] : memref<128xf32, #tpu.memory_space<vmem>>[vector<16xi32>], vector<16xf32>,
        %get3A_302 = arith.index_cast %scan3A_299 : i32 to index
        %get3A_303 = arith.constant 0 : index
        %get3A_304 = tpu.vector_load %arg14[%get3A_302, %get3A_303] {strides = array<i32>} : memref<128x128xf32, #tpu.memory_space<vmem>>, vector<16xf32>,
        %mul3A_305 = arith.mulf %get3A_304, %gather3A_301 : vector<16xf32>
        %swap3A_306 = arith.index_cast %scan3A_299 : i32 to index
        %swap3A_307 = arith.constant 0 : index
        %swap3A_308 = tpu.vector_load %arg14[%swap3A_306, %swap3A_307] {strides = array<i32>} : memref<128x128xf32, #tpu.memory_space<vmem>>, vector<16xf32>,
        tpu.vector_store %arg14[%swap3A_306, %swap3A_307], %mul3A_305 {strides = array<i32>} : memref<128x128xf32, #tpu.memory_space<vmem>>, vector<16xf32>,
        %get3A_309 = arith.index_cast %scan3A_299 : i32 to index
        %get3A_310 = arith.constant 16 : index
        %get3A_311 = tpu.vector_load %arg14[%get3A_309, %get3A_310] {strides = array<i32>} : memref<128x128xf32, #tpu.memory_space<vmem>>, vector<16xf32>,
        %mul3A_312 = arith.mulf %get3A_311, %gather3A_301 : vector<16xf32>
        %swap3A_313 = arith.index_cast %scan3A_299 : i32 to index
        %swap3A_314 = arith.constant 16 : index
        %swap3A_315 = tpu.vector_load %arg14[%swap3A_313, %swap3A_314] {strides = array<i32>} : memref<128x128xf32, #tpu.memory_space<vmem>>, vector<16xf32>,
        tpu.vector_store %arg14[%swap3A_313, %swap3A_314], %mul3A_312 {strides = array<i32>} : memref<128x128xf32, #tpu.memory_space<vmem>>, vector<16xf32>,
        %get3A_316 = arith.index_cast %scan3A_299 : i32 to index
        %get3A_317 = arith.constant 32 : index
        %get3A_318 = tpu.vector_load %arg14[%get3A_316, %get3A_317] {strides = array<i32>} : memref<128x128xf32, #tpu.memory_space<vmem>>, vector<16xf32>,
        %mul3A_319 = arith.mulf %get3A_318, %gather3A_301 : vector<16xf32>
        %swap3A_320 = arith.index_cast %scan3A_299 : i32 to index
        %swap3A_321 = arith.constant 32 : index
        %swap3A_322 = tpu.vector_load %arg14[%swap3A_320, %swap3A_321] {strides = array<i32>} : memref<128x128xf32, #tpu.memory_space<vmem>>, vector<16xf32>,
        tpu.vector_store %arg14[%swap3A_320, %swap3A_321], %mul3A_319 {strides = array<i32>} : memref<128x128xf32, #tpu.memory_space<vmem>>, vector<16xf32>,
        %get3A_323 = arith.index_cast %scan3A_299 : i32 to index
        %get3A_324 = arith.constant 48 : index
        %get3A_325 = tpu.vector_load %arg14[%get3A_323, %get3A_324] {strides = array<i32>} : memref<128x128xf32, #tpu.memory_space<vmem>>, vector<16xf32>,
        %mul3A_326 = arith.mulf %get3A_325, %gather3A_301 : vector<16xf32>
        %swap3A_327 = arith.index_cast %scan3A_299 : i32 to index
        %swap3A_328 = arith.constant 48 : index
        %swap3A_329 = tpu.vector_load %arg14[%swap3A_327, %swap3A_328] {strides = array<i32>} : memref<128x128xf32, #tpu.memory_space<vmem>>, vector<16xf32>,
        tpu.vector_store %arg14[%swap3A_327, %swap3A_328], %mul3A_326 {strides = array<i32>} : memref<128x128xf32, #tpu.memory_space<vmem>>, vector<16xf32>,
        %get3A_330 = arith.index_cast %scan3A_299 : i32 to index
        %get3A_331 = arith.constant 64 : index
        %get3A_332 = tpu.vector_load %arg14[%get3A_330, %get3A_331] {strides = array<i32>} : memref<128x128xf32, #tpu.memory_space<vmem>>, vector<16xf32>,
        %mul3A_333 = arith.mulf %get3A_332, %gather3A_301 : vector<16xf32>
        %swap3A_334 = arith.index_cast %scan3A_299 : i32 to index
        %swap3A_335 = arith.constant 64 : index
        %swap3A_336 = tpu.vector_load %arg14[%swap3A_334, %swap3A_335] {strides = array<i32>} : memref<128x128xf32, #tpu.memory_space<vmem>>, vector<16xf32>,
        tpu.vector_store %arg14[%swap3A_334, %swap3A_335], %mul3A_333 {strides = array<i32>} : memref<128x128xf32, #tpu.memory_space<vmem>>, vector<16xf32>,
        %get3A_337 = arith.index_cast %scan3A_299 : i32 to index
        %get3A_338 = arith.constant 80 : index
        %get3A_339 = tpu.vector_load %arg14[%get3A_337, %get3A_338] {strides = array<i32>} : memref<128x128xf32, #tpu.memory_space<vmem>>, vector<16xf32>,
        %mul3A_340 = arith.mulf %get3A_339, %gather3A_301 : vector<16xf32>
        %swap3A_341 = arith.index_cast %scan3A_299 : i32 to index
        %swap3A_342 = arith.constant 80 : index
        %swap3A_343 = tpu.vector_load %arg14[%swap3A_341, %swap3A_342] {strides = array<i32>} : memref<128x128xf32, #tpu.memory_space<vmem>>, vector<16xf32>,
        tpu.vector_store %arg14[%swap3A_341, %swap3A_342], %mul3A_340 {strides = array<i32>} : memref<128x128xf32, #tpu.memory_space<vmem>>, vector<16xf32>,
        %get3A_344 = arith.index_cast %scan3A_299 : i32 to index
        %get3A_345 = arith.constant 96 : index
        %get3A_346 = tpu.vector_load %arg14[%get3A_344, %get3A_345] {strides = array<i32>} : memref<128x128xf32, #tpu.memory_space<vmem>>, vector<16xf32>,
        %mul3A_347 = arith.mulf %get3A_346, %gather3A_301 : vector<16xf32>
        %swap3A_348 = arith.index_cast %scan3A_299 : i32 to index
        %swap3A_349 = arith.constant 96 : index
        %swap3A_350 = tpu.vector_load %arg14[%swap3A_348, %swap3A_349] {strides = array<i32>} : memref<128x128xf32, #tpu.memory_space<vmem>>, vector<16xf32>,
        tpu.vector_store %arg14[%swap3A_348, %swap3A_349], %mul3A_347 {strides = array<i32>} : memref<128x128xf32, #tpu.memory_space<vmem>>, vector<16xf32>,
        %get3A_351 = arith.index_cast %scan3A_299 : i32 to index
        %get3A_352 = arith.constant 112 : index
        %get3A_353 = tpu.vector_load %arg14[%get3A_351, %get3A_352] {strides = array<i32>} : memref<128x128xf32, #tpu.memory_space<vmem>>, vector<16xf32>,
        %mul3A_354 = arith.mulf %get3A_353, %gather3A_301 : vector<16xf32>
        %swap3A_355 = arith.index_cast %scan3A_299 : i32 to index
        %swap3A_356 = arith.constant 112 : index
        %swap3A_357 = tpu.vector_load %arg14[%swap3A_355, %swap3A_356] {strides = array<i32>} : memref<128x128xf32, #tpu.memory_space<vmem>>, vector<16xf32>,
        tpu.vector_store %arg14[%swap3A_355, %swap3A_356], %mul3A_354 {strides = array<i32>} : memref<128x128xf32, #tpu.memory_space<vmem>>, vector<16xf32>,
      }
      %scan3A_102 = arith.constant 64 : i32
      %dma_wait3A_103 = tpu.memref_slice %arg4[%add3A_44] : memref<320000xi32, #tpu.memory_space<hbm>> -> memref<64xi32, #tpu.memory_space<hbm>>
      %dma_wait3A_104 = tpu.memref_slice %arg4[%add3A_44] : memref<320000xi32, #tpu.memory_space<hbm>> -> memref<64xi32, #tpu.memory_space<hbm>>
      tpu.wait_dma2 semaphore(%arg18 : memref<!tpu.dma_semaphore, #tpu.memory_space<semaphore_mem>>) src(%dma_wait3A_104 : memref<64xi32, #tpu.memory_space<hbm>>) dst(%arg12 : memref<64xi32, #tpu.memory_space<vmem>>)
      %dma_start3A_105 = arith.constant 64 : i32
      %dma_start3A_106 = arith.constant 0 : i32
      %dma_start3A_107 = tpu.memref_slice %arg14[%dma_start3A_105, %dma_start3A_106] : memref<128x128xf32, #tpu.memory_space<vmem>> -> memref<64x128xf32, #tpu.memory_space<vmem>>
      %dma_start3A_108 = arith.constant 0 : i32
      %dma_start3A_109 = arith.constant 0 : i32
      %dma_start3A_110 = tpu.memref_slice %arg8[%dma_start3A_108, %dma_start3A_109] : memref<10000x128xf32, #tpu.memory_space<vmem_shared>> -> memref<10000x128xf32, #tpu.memory_space<vmem_shared>>
      tpu.enqueue_indirect_dma source(%dma_start3A_107 : memref<64x128xf32, #tpu.memory_space<vmem>>) target(%dma_start3A_110 : memref<10000x128xf32, #tpu.memory_space<vmem_shared>>) offsets(%arg12 : memref<64xi32, #tpu.memory_space<vmem>>) semaphore(%arg23 : memref<!tpu.dma_semaphore, #tpu.memory_space<semaphore_mem>>) {add = true}
      %dma_wait3A_111 = arith.constant 0 : i32
      %dma_wait3A_112 = arith.constant 0 : i32
      %dma_wait3A_113 = tpu.memref_slice %arg14[%dma_wait3A_111, %dma_wait3A_112] : memref<128x128xf32, #tpu.memory_space<vmem>> -> memref<64x128xf32, #tpu.memory_space<vmem>>
      %dma_wait3A_114 = arith.constant 0 : i32
      %dma_wait3A_115 = arith.constant 0 : i32
      %dma_wait3A_116 = tpu.memref_slice %arg8[%dma_wait3A_114, %dma_wait3A_115] : memref<10000x128xf32, #tpu.memory_space<vmem_shared>> -> memref<10000x128xf32, #tpu.memory_space<vmem_shared>>
      tpu.wait_indirect_dma semaphore(%arg22 : memref<!tpu.dma_semaphore, #tpu.memory_space<semaphore_mem>>) src(%dma_wait3A_113 : memref<64x128xf32, #tpu.memory_space<vmem>>) dst(%dma_wait3A_116 : memref<10000x128xf32, #tpu.memory_space<vmem_shared>>)
      %dma_wait3A_117 = arith.constant 64 : i32
      %dma_wait3A_118 = arith.constant 0 : i32
      %dma_wait3A_119 = tpu.memref_slice %arg14[%dma_wait3A_117, %dma_wait3A_118] : memref<128x128xf32, #tpu.memory_space<vmem>> -> memref<64x128xf32, #tpu.memory_space<vmem>>
      %dma_wait3A_120 = arith.constant 0 : i32
      %dma_wait3A_121 = arith.constant 0 : i32
      %dma_wait3A_122 = tpu.memref_slice %arg8[%dma_wait3A_120, %dma_wait3A_121] : memref<10000x128xf32, #tpu.memory_space<vmem_shared>> -> memref<10000x128xf32, #tpu.memory_space<vmem_shared>>
      tpu.wait_indirect_dma semaphore(%arg23 : memref<!tpu.dma_semaphore, #tpu.memory_space<semaphore_mem>>) src(%dma_wait3A_119 : memref<64x128xf32, #tpu.memory_space<vmem>>) dst(%dma_wait3A_122 : memref<10000x128xf32, #tpu.memory_space<vmem_shared>>)
    }
    %barrier3A_22 = arith.constant 0 : index
    tpu.barrier barrier_id(%barrier3A_22)
    %mul3A_23 = arith.constant 624 : i32
    %mul3A_24 = arith.muli %arg1, %mul3A_23 : i32
    %mul3A_25 = arith.constant 624 : i32
    %mul3A_26 = arith.muli %arg1, %mul3A_25 : i32
    "tpu.region"() ({
      %run_scoped3A = tpu.sem_alloc : memref<!tpu.dma_semaphore, #tpu.memory_space<semaphore_mem>>
      %dma_start3A = arith.constant 0 : i32
      %dma_start3A_32 = tpu.memref_slice %arg7[%arg0, %mul3A_26, %dma_start3A] : memref<2x10000x128xf32, #tpu.memory_space<hbm>> -> memref<1x624x128xf32, #tpu.memory_space<hbm>>
      %dma_start3A_33 = tpu.memref_squeeze %dma_start3A_32 : memref<1x624x128xf32, #tpu.memory_space<hbm>> -> memref<624x128xf32, #tpu.memory_space<hbm>>
      %dma_start3A_34 = arith.constant 0 : i32
      %dma_start3A_35 = tpu.memref_slice %arg8[%mul3A_24, %dma_start3A_34] : memref<10000x128xf32, #tpu.memory_space<vmem_shared>> -> memref<624x128xf32, #tpu.memory_space<vmem_shared>>
      tpu.enqueue_dma source(%dma_start3A_35 : memref<624x128xf32, #tpu.memory_space<vmem_shared>>) target(%dma_start3A_33 : memref<624x128xf32, #tpu.memory_space<hbm>>) target_semaphore(%run_scoped3A : memref<!tpu.dma_semaphore, #tpu.memory_space<semaphore_mem>>)
      %dma_wait3A = arith.constant 0 : i32
      %dma_wait3A_36 = tpu.memref_slice %arg7[%arg0, %mul3A_26, %dma_wait3A] : memref<2x10000x128xf32, #tpu.memory_space<hbm>> -> memref<1x624x128xf32, #tpu.memory_space<hbm>>
      %dma_wait3A_37 = tpu.memref_squeeze %dma_wait3A_36 : memref<1x624x128xf32, #tpu.memory_space<hbm>> -> memref<624x128xf32, #tpu.memory_space<hbm>>
      %dma_wait3A_38 = arith.constant 0 : i32
      %dma_wait3A_39 = tpu.memref_slice %arg8[%mul3A_24, %dma_wait3A_38] : memref<10000x128xf32, #tpu.memory_space<vmem_shared>> -> memref<624x128xf32, #tpu.memory_space<vmem_shared>>
      tpu.wait_dma2 semaphore(%run_scoped3A : memref<!tpu.dma_semaphore, #tpu.memory_space<semaphore_mem>>) src(%dma_wait3A_39 : memref<624x128xf32, #tpu.memory_space<vmem_shared>>) dst(%dma_wait3A_37 : memref<624x128xf32, #tpu.memory_space<hbm>>)
      tpu.yield
    }) : () -> ()
    %eq3A_27 = arith.constant 15 : i32
    %eq3A_28 = arith.cmpi eq, %arg1, %eq3A_27 : i32
    %convert_element_type3A_29 = arith.extui %eq3A_28 : i1 to i32
    %cond3A_30 = arith.constant 0 : i32
    %cond3A_31 = arith.cmpi ne, %convert_element_type3A_29, %cond3A_30 : i32
    scf.if %cond3A_31 {
      "tpu.region"() ({
        %run_scoped3A = tpu.sem_alloc : memref<!tpu.dma_semaphore, #tpu.memory_space<semaphore_mem>>
        %dma_start3A = arith.constant 9984 : i32
        %dma_start3A_32 = arith.constant 0 : i32
        %dma_start3A_33 = tpu.memref_slice %arg7[%arg0, %dma_start3A, %dma_start3A_32] : memref<2x10000x128xf32, #tpu.memory_space<hbm>> -> memref<1x16x128xf32, #tpu.memory_space<hbm>>
        %dma_start3A_34 = tpu.memref_squeeze %dma_start3A_33 : memref<1x16x128xf32, #tpu.memory_space<hbm>> -> memref<16x128xf32, #tpu.memory_space<hbm>>
        %dma_start3A_35 = arith.constant 9984 : i32
        %dma_start3A_36 = arith.constant 0 : i32
        %dma_start3A_37 = tpu.memref_slice %arg8[%dma_start3A_35, %dma_start3A_36] : memref<10000x128xf32, #tpu.memory_space<vmem_shared>> -> memref<16x128xf32, #tpu.memory_space<vmem_shared>>
        tpu.enqueue_dma source(%dma_start3A_37 : memref<16x128xf32, #tpu.memory_space<vmem_shared>>) target(%dma_start3A_34 : memref<16x128xf32, #tpu.memory_space<hbm>>) target_semaphore(%run_scoped3A : memref<!tpu.dma_semaphore, #tpu.memory_space<semaphore_mem>>)
        %dma_wait3A = arith.constant 9984 : i32
        %dma_wait3A_38 = arith.constant 0 : i32
        %dma_wait3A_39 = tpu.memref_slice %arg7[%arg0, %dma_wait3A, %dma_wait3A_38] : memref<2x10000x128xf32, #tpu.memory_space<hbm>> -> memref<1x16x128xf32, #tpu.memory_space<hbm>>
        %dma_wait3A_40 = tpu.memref_squeeze %dma_wait3A_39 : memref<1x16x128xf32, #tpu.memory_space<hbm>> -> memref<16x128xf32, #tpu.memory_space<hbm>>
        %dma_wait3A_41 = arith.constant 9984 : i32
        %dma_wait3A_42 = arith.constant 0 : i32
        %dma_wait3A_43 = tpu.memref_slice %arg8[%dma_wait3A_41, %dma_wait3A_42] : memref<10000x128xf32, #tpu.memory_space<vmem_shared>> -> memref<16x128xf32, #tpu.memory_space<vmem_shared>>
        tpu.wait_dma2 semaphore(%run_scoped3A : memref<!tpu.dma_semaphore, #tpu.memory_space<semaphore_mem>>) src(%dma_wait3A_43 : memref<16x128xf32, #tpu.memory_space<vmem_shared>>) dst(%dma_wait3A_40 : memref<16x128xf32, #tpu.memory_space<hbm>>)
        tpu.yield
      }) : () -> ()
    } else {
    }
    return
  }
}

module attributes {stable_mosaic.version = 14 : i64} {
  func.func @_tc_body(%arg0: i32, %arg1: memref<2x1000x128xf32, #tpu.memory_space<vmem>>, %arg2: memref<1000x128xf32, #tpu.memory_space<vmem>>, %arg3: memref<128x128xf32, #tpu.memory_space<vmem>>, %arg4: memref<128x128xf32, #tpu.memory_space<vmem>>, %arg5: memref<1x128xf32, #tpu.memory_space<vmem>>, %arg6: memref<1000x128xf32, #tpu.memory_space<vmem>>) attributes {dimension_semantics = [#tpu.dimension_semantics<arbitrary>], iteration_bounds = array<i64: 10>, scalar_prefetch = 0 : i64, scratch_operands = 0 : i64, tpu.core_type = #tpu.core_type<tc>, window_params = [{transform_indices = @transform_0, window_bounds = array<i64: 2, 1000, 128>}, {transform_indices = @transform_1, window_bounds = array<i64: 1000, 128>}, {pipeline_mode = #tpu.pipeline_mode<synchronous>, transform_indices = @transform_2, window_bounds = array<i64: 128, 128>}, {pipeline_mode = #tpu.pipeline_mode<synchronous>, transform_indices = @transform_3, window_bounds = array<i64: 128, 128>}, {pipeline_mode = #tpu.pipeline_mode<synchronous>, transform_indices = @transform_4, window_bounds = array<i64: 1, 128>}, {transform_indices = @transform_5, window_bounds = array<i64: 1000, 128>}]} {
    %get3A = arith.constant 0 : index
    %get3A_0 = arith.constant 0 : index
    %get3A_1 = arith.constant 0 : index
    %get3A_2 = vector.load %arg1[%get3A, %get3A_0, %get3A_1] : memref<2x1000x128xf32, #tpu.memory_space<vmem>>, vector<1x1000x128xf32>
    %get3A_3 = vector.shape_cast %get3A_2 : vector<1x1000x128xf32> to vector<1000x128xf32>
    %get3A_4 = arith.constant 1 : index
    %get3A_5 = arith.constant 0 : index
    %get3A_6 = arith.constant 0 : index
    %get3A_7 = vector.load %arg1[%get3A_4, %get3A_5, %get3A_6] : memref<2x1000x128xf32, #tpu.memory_space<vmem>>, vector<1x1000x128xf32>
    %get3A_8 = vector.shape_cast %get3A_7 : vector<1x1000x128xf32> to vector<1000x128xf32>
    %add3A = arith.addf %get3A_3, %get3A_8 : vector<1000x128xf32>
    %get3A_9 = arith.constant 0 : index
    %get3A_10 = arith.constant 0 : index
    %get3A_11 = vector.load %arg3[%get3A_9, %get3A_10] : memref<128x128xf32, #tpu.memory_space<vmem>>, vector<128x128xf32>
    %dot_general3A = arith.constant dense<0.000000e+00> : vector<1000x128xf32>
    %dot_general3A_12 = tpu.matmul %add3A, %get3A_11, %dot_general3A {dimension_numbers = #tpu.dot_dimension_numbers<[1], [0], [0], [1], [0, 0, 1, 1], [], []>, transpose_lhs_hint = false} : vector<1000x128xf32>, vector<128x128xf32>, vector<1000x128xf32> -> vector<1000x128xf32>
    %get3A_13 = arith.constant 0 : index
    %get3A_14 = arith.constant 0 : index
    %get3A_15 = vector.load %arg2[%get3A_13, %get3A_14] : memref<1000x128xf32, #tpu.memory_space<vmem>>, vector<1000x128xf32>
    %get3A_16 = arith.constant 0 : index
    %get3A_17 = arith.constant 0 : index
    %get3A_18 = vector.load %arg4[%get3A_16, %get3A_17] : memref<128x128xf32, #tpu.memory_space<vmem>>, vector<128x128xf32>
    %dot_general3A_19 = arith.constant dense<0.000000e+00> : vector<1000x128xf32>
    %dot_general3A_20 = tpu.matmul %get3A_15, %get3A_18, %dot_general3A_19 {dimension_numbers = #tpu.dot_dimension_numbers<[1], [0], [0], [1], [0, 0, 1, 1], [], []>, transpose_lhs_hint = false} : vector<1000x128xf32>, vector<128x128xf32>, vector<1000x128xf32> -> vector<1000x128xf32>
    %add3A_21 = arith.addf %dot_general3A_12, %dot_general3A_20 : vector<1000x128xf32>
    %get3A_22 = arith.constant 0 : index
    %get3A_23 = arith.constant 0 : index
    %get3A_24 = vector.load %arg5[%get3A_22, %get3A_23] : memref<1x128xf32, #tpu.memory_space<vmem>>, vector<1x128xf32>
    %add3A_25 = vector.broadcast %get3A_24 : vector<1x128xf32> to vector<1000x128xf32>
    %add3A_26 = arith.addf %add3A_21, %add3A_25 : vector<1000x128xf32>
    %swap3A = arith.constant 0 : index
    %swap3A_27 = arith.constant 0 : index
    %swap3A_28 = vector.load %arg6[%swap3A, %swap3A_27] : memref<1000x128xf32, #tpu.memory_space<vmem>>, vector<1000x128xf32>
    tpu.vector_store %arg6[%swap3A, %swap3A_27], %add3A_26 {strides = array<i32>} : memref<1000x128xf32, #tpu.memory_space<vmem>>, vector<1000x128xf32>,
    return
  }
  func.func @transform_0(%arg0: i32) -> (i32, i32, i32) {
    %c0_i32 = arith.constant 0 : i32
    %c0_i32_0 = arith.constant 0 : i32
    %c0_i32_1 = arith.constant 0 : i32
    return %c0_i32, %arg0, %c0_i32_0 : i32, i32, i32
  }
  func.func @transform_1(%arg0: i32) -> (i32, i32) {
    %c0_i32 = arith.constant 0 : i32
    %c0_i32_0 = arith.constant 0 : i32
    return %arg0, %c0_i32 : i32, i32
  }
  func.func @transform_2(%arg0: i32) -> (i32, i32) {
    %c0_i32 = arith.constant 0 : i32
    %c0_i32_0 = arith.constant 0 : i32
    %c0_i32_1 = arith.constant 0 : i32
    return %c0_i32, %c0_i32_0 : i32, i32
  }
  func.func @transform_3(%arg0: i32) -> (i32, i32) {
    %c0_i32 = arith.constant 0 : i32
    %c0_i32_0 = arith.constant 0 : i32
    %c0_i32_1 = arith.constant 0 : i32
    return %c0_i32, %c0_i32_0 : i32, i32
  }
  func.func @transform_4(%arg0: i32) -> (i32, i32) {
    %c0_i32 = arith.constant 0 : i32
    %c0_i32_0 = arith.constant 0 : i32
    %c0_i32_1 = arith.constant 0 : i32
    return %c0_i32, %c0_i32_0 : i32, i32
  }
  func.func @transform_5(%arg0: i32) -> (i32, i32) {
    %c0_i32 = arith.constant 0 : i32
    %c0_i32_0 = arith.constant 0 : i32
    return %arg0, %c0_i32 : i32, i32
  }
}

module attributes {stable_mosaic.version = 14 : i64} {
  func.func @_tc_body(%arg0: i32, %arg1: memref<2x1000x128xf32, #tpu.memory_space<vmem>>, %arg2: memref<1000x128xf32, #tpu.memory_space<vmem>>, %arg3: memref<128x128xf32, #tpu.memory_space<vmem>>, %arg4: memref<128x128xf32, #tpu.memory_space<vmem>>, %arg5: memref<1x128xf32, #tpu.memory_space<vmem>>, %arg6: memref<1000x128xf32, #tpu.memory_space<vmem>>) attributes {dimension_semantics = [#tpu.dimension_semantics<arbitrary>], iteration_bounds = array<i64: 10>, scalar_prefetch = 0 : i64, scratch_operands = 0 : i64, tpu.core_type = #tpu.core_type<tc>, window_params = [{transform_indices = @transform_0, window_bounds = array<i64: 2, 1000, 128>}, {transform_indices = @transform_1, window_bounds = array<i64: 1000, 128>}, {pipeline_mode = #tpu.pipeline_mode<synchronous>, transform_indices = @transform_2, window_bounds = array<i64: 128, 128>}, {pipeline_mode = #tpu.pipeline_mode<synchronous>, transform_indices = @transform_3, window_bounds = array<i64: 128, 128>}, {pipeline_mode = #tpu.pipeline_mode<synchronous>, transform_indices = @transform_4, window_bounds = array<i64: 1, 128>}, {transform_indices = @transform_5, window_bounds = array<i64: 1000, 128>}]} {
    %get3A = arith.constant 0 : index
    %get3A_0 = arith.constant 0 : index
    %get3A_1 = arith.constant 0 : index
    %get3A_2 = vector.load %arg1[%get3A, %get3A_0, %get3A_1] : memref<2x1000x128xf32, #tpu.memory_space<vmem>>, vector<1x1000x128xf32>
    %get3A_3 = vector.shape_cast %get3A_2 : vector<1x1000x128xf32> to vector<1000x128xf32>
    %get3A_4 = arith.constant 1 : index
    %get3A_5 = arith.constant 0 : index
    %get3A_6 = arith.constant 0 : index
    %get3A_7 = vector.load %arg1[%get3A_4, %get3A_5, %get3A_6] : memref<2x1000x128xf32, #tpu.memory_space<vmem>>, vector<1x1000x128xf32>
    %get3A_8 = vector.shape_cast %get3A_7 : vector<1x1000x128xf32> to vector<1000x128xf32>
    %add3A = arith.addf %get3A_3, %get3A_8 : vector<1000x128xf32>
    %get3A_9 = arith.constant 0 : index
    %get3A_10 = arith.constant 0 : index
    %get3A_11 = vector.load %arg3[%get3A_9, %get3A_10] : memref<128x128xf32, #tpu.memory_space<vmem>>, vector<128x128xf32>
    %dot_general3A = arith.constant dense<0.000000e+00> : vector<1000x128xf32>
    %dot_general3A_12 = tpu.matmul %add3A, %get3A_11, %dot_general3A {dimension_numbers = #tpu.dot_dimension_numbers<[1], [0], [0], [1], [0, 0, 1, 1], [], []>, transpose_lhs_hint = false} : vector<1000x128xf32>, vector<128x128xf32>, vector<1000x128xf32> -> vector<1000x128xf32>
    %get3A_13 = arith.constant 0 : index
    %get3A_14 = arith.constant 0 : index
    %get3A_15 = vector.load %arg2[%get3A_13, %get3A_14] : memref<1000x128xf32, #tpu.memory_space<vmem>>, vector<1000x128xf32>
    %get3A_16 = arith.constant 0 : index
    %get3A_17 = arith.constant 0 : index
    %get3A_18 = vector.load %arg4[%get3A_16, %get3A_17] : memref<128x128xf32, #tpu.memory_space<vmem>>, vector<128x128xf32>
    %dot_general3A_19 = arith.constant dense<0.000000e+00> : vector<1000x128xf32>
    %dot_general3A_20 = tpu.matmul %get3A_15, %get3A_18, %dot_general3A_19 {dimension_numbers = #tpu.dot_dimension_numbers<[1], [0], [0], [1], [0, 0, 1, 1], [], []>, transpose_lhs_hint = false} : vector<1000x128xf32>, vector<128x128xf32>, vector<1000x128xf32> -> vector<1000x128xf32>
    %add3A_21 = arith.addf %dot_general3A_12, %dot_general3A_20 : vector<1000x128xf32>
    %get3A_22 = arith.constant 0 : index
    %get3A_23 = arith.constant 0 : index
    %get3A_24 = vector.load %arg5[%get3A_22, %get3A_23] : memref<1x128xf32, #tpu.memory_space<vmem>>, vector<1x128xf32>
    %add3A_25 = vector.broadcast %get3A_24 : vector<1x128xf32> to vector<1000x128xf32>
    %add3A_26 = arith.addf %add3A_21, %add3A_25 : vector<1000x128xf32>
    %swap3A = arith.constant 0 : index
    %swap3A_27 = arith.constant 0 : index
    %swap3A_28 = vector.load %arg6[%swap3A, %swap3A_27] : memref<1000x128xf32, #tpu.memory_space<vmem>>, vector<1000x128xf32>
    tpu.vector_store %arg6[%swap3A, %swap3A_27], %add3A_26 {strides = array<i32>} : memref<1000x128xf32, #tpu.memory_space<vmem>>, vector<1000x128xf32>,
    return
  }
  func.func @transform_0(%arg0: i32) -> (i32, i32, i32) {
    %c0_i32 = arith.constant 0 : i32
    %c0_i32_0 = arith.constant 0 : i32
    %c0_i32_1 = arith.constant 0 : i32
    return %c0_i32, %arg0, %c0_i32_0 : i32, i32, i32
  }
  func.func @transform_1(%arg0: i32) -> (i32, i32) {
    %c0_i32 = arith.constant 0 : i32
    %c0_i32_0 = arith.constant 0 : i32
    return %arg0, %c0_i32 : i32, i32
  }
  func.func @transform_2(%arg0: i32) -> (i32, i32) {
    %c0_i32 = arith.constant 0 : i32
    %c0_i32_0 = arith.constant 0 : i32
    %c0_i32_1 = arith.constant 0 : i32
    return %c0_i32, %c0_i32_0 : i32, i32
  }
  func.func @transform_3(%arg0: i32) -> (i32, i32) {
    %c0_i32 = arith.constant 0 : i32
    %c0_i32_0 = arith.constant 0 : i32
    %c0_i32_1 = arith.constant 0 : i32
    return %c0_i32, %c0_i32_0 : i32, i32
  }
  func.func @transform_4(%arg0: i32) -> (i32, i32) {
    %c0_i32 = arith.constant 0 : i32
    %c0_i32_0 = arith.constant 0 : i32
    %c0_i32_1 = arith.constant 0 : i32
    return %c0_i32, %c0_i32_0 : i32, i32
  }
  func.func @transform_5(%arg0: i32) -> (i32, i32) {
    %c0_i32 = arith.constant 0 : i32
    %c0_i32_0 = arith.constant 0 : i32
    return %arg0, %c0_i32 : i32, i32
  }
}

</mosaic_0001>

<sc_bundles>
// kernel: kernel.6.cloned.1.call-start
scs
__scs_entry_jumppad:
0x0: {  	(pc) =	sbr.rel $0x88, $3  }
0x1: {  	(tag) =	ssettag $0x0;
	lr =	simm.s32 $0x1  }
0x2: {  	[smem:$0x3F98] =	sst lr;
	_ =	strace $0xD0000000  }
0x3: {  	_ = 	snop  }
0x4: {  	_ = 	snop  }
0x5: {  	_ = 	snop  }
0x6: {  	_ = 	snop  }
0x7: {  	_ = 	snop  }
__scs_overlays_trampoline_lowered:
0x8: {  	[smem:$0x3FA7] =	sst s0  }
0x9: {  	[smem:$0x3FA8] =	sst s1  }
0xa: {  	[smem:$0x3FA9] =	sst s2  }
0xb: {  	[smem:$0x3FAA] =	sst s3  }
0xc: {  	[smem:$0x3FAB] =	sst s4  }
0xd: {  	[smem:$0x3FAC] =	sst s5  }
0xe: {  	[smem:$0x3FAD] =	sst s6  }
0xf: {  	[smem:$0x3FAE] =	sst s7  }
0x10: {  	[smem:$0x3FAF] =	sst s8  }
0x11: {  	[smem:$0x3FB0] =	sst s9;
	s0 =	simm.s32 @!p0 $0x0  }
0x12: {  	s1 =	sld [smem:$0x3F96];
	s0 =	simm.s32 @p0 $0x1  }
0x13: {  	[smem:$0x3FB1] =	sst s0;
	s0 =	simm.s32 @!p1 $0x0  }
0x14: {  	s2 =	sld [smem:$0x3F95];
	s0 =	simm.s32 @p1 $0x1  }
0x15: {  	[smem:$0x3FB2] =	sst s0;
	s0 =	simm.s32 @!p2 $0x0  }
0x16: {  	s3 =	sld [smem:$0x3FDB];
	s0 =	simm.s32 @p2 $0x1  }
0x17: {  	s4 =	simm.s32 $0x1BF5;
	[smem:$0x3FB4] =	sst s0  }
0x18: {  	s0 =	sld [smem:$0x3F97];
	_ =	swait.ge [sflag:s4], $0x0  }
0x19: {  	s7 =	sld [smem:$0x3F98]  }
0x1a: {  	s8 =	sadd.s32 $0xFFFFE003, lr  }
0x1b: {  	s9 =	sadd.s32 $0xFFFFFEF7, lr;
	s5 =	simm.s32 $0xFFFFFFFF;
	p2 =	slt.u32 s8, $0xFFFFF086  }
0x1c: {  	p1 =	slt.u32 s9, $0xF7A;
	s5 =	simm.s32 @!p2 $0x0  }
0x1d: {  	s5 =	simm.s32 @p1 $0x1;
	p0 =	seq.s32 s7, s2  }
0x1e: {  	s7 =	smul.u32 @!p0 $0xF7A, s2;
	p2 =	seq.s32 @!p0 s5, $0x0  }
0x1f: {  	s9 =	smul.u32 $0xF7A, s1;
	s8 =	simm.s32 @!p0 $0x1BF5;
	p2 =	por !p2, p0  }
0x20: {  	[sflag:s8] =	ssyncset.s32 @!p0 $0xFFFFF086;
	s6 =	sadd.s32 @!p0 s3, s7;
	s7 =	simm.s32 @!p0 $0x108  }
0x21: {  	s3 =	sadd.s32 s3, s9;
	s6 =	sadd.s32 @!p0 $0x88, s6;
	s7 =	simm.s32 @p2 $0x1082  }
0x22: {  	[simem:s7], [sflag:s8] =	dma.local @!p0 [hbm:s6], $0xF7A  }
0x23: {  	s9 =	sor.u32 $0xD0000000, s2;
	s6 =	simm.s32 $0x108;
	_ =	swait.ge @!p0 [sflag:s8], $0x0  }
0x24: {  	s3 =	sadd.s32 $0x88, s3;
	s6 =	simm.s32 @!p1 $0x1082;
	[sflag:s4] =	ssyncset.s32 $0xFFFFF086  }
0x25: {  	[simem:s6], [sflag:s4] =	dma.local [hbm:s3], $0xF7A  }
0x26: {  	[smem:$0x3F98] =	sst s1;
	(tag) =	ssettag s2;
	_ =	strace s9  }
0x27: {  	s1 =	sld [smem:$0x3FA8]  }
0x28: {  	s2 =	sld [smem:$0x3FA9]  }
0x29: {  	s4 =	sld [smem:$0x3FAB]  }
0x2a: {  	p0 =	seq.s32 s5, $0x0;
	s5 =	sld [smem:$0x3FAC]  }
0x2b: {  	s6 =	sld [smem:$0x3FAD]  }
0x2c: {  	s7 =	sld [smem:$0x3FAE]  }
0x2d: {  	s3 =	simm.s32 $0x108;
	s8 =	sld [smem:$0x3FAF]  }
0x2e: {  	s3 =	simm.s32 @!p0 $0x1082;
	s9 =	sld [smem:$0x3FB0]  }
0x2f: {  	lr =	sadd.s32 s0, s3;
	s0 =	sld [smem:$0x3FA7]  }
0x30: {  	s3 =	sld [smem:$0x3FAA]  }
0x31: {  	[smem:$0x3FB3] =	sst s10  }
0x32: {  	s10 =	sld [smem:$0x3FB1];
	_ =	sdelay $0x3  }
0x33: {  	p0 =	seq.s32 s10, $0x1;
	s10 =	sld [smem:$0x3FB3];
	_ =	sdelay $0x3  }
0x34: {  	[smem:$0x3FB3] =	sst s10  }
0x35: {  	s10 =	sld [smem:$0x3FB2];
	_ =	sdelay $0x3  }
0x36: {  	p1 =	seq.s32 s10, $0x1;
	s10 =	sld [smem:$0x3FB3];
	_ =	sdelay $0x3  }
0x37: {  	[smem:$0x3FB3] =	sst s10  }
0x38: {  	s10 =	sld [smem:$0x3FB4]  }
0x39: {  	_ = 	snop;
	(pc) =	sbr.ind lr, $3  }
0x3a: {  	_ = 	snop  }
0x3b: {  	_ = 	snop  }
0x3c: {  	p2 =	seq.s32 s10, $0x1;
	s10 =	sld [smem:$0x3FB3]  }
0x3d: {  	_ =	shalt  }
0x3e: {  	_ =	shalt  }
0x3f: {  	_ =	shalt  }
0x40: {  	_ =	shalt  }
0x41: {  	_ =	shalt  }
0x42: {  	_ =	shalt  }
0x43: {  	_ =	shalt  }
0x44: {  	_ =	shalt  }
0x45: {  	_ =	shalt  }
0x46: {  	_ =	shalt  }
0x47: {  	_ =	shalt  }
0x48: {  	_ =	shalt  }
0x49: {  	_ =	shalt  }
0x4a: {  	_ =	shalt  }
0x4b: {  	_ =	shalt  }
0x4c: {  	_ =	shalt  }
0x4d: {  	_ =	shalt  }
0x4e: {  	_ =	shalt  }
0x4f: {  	_ =	shalt  }
0x50: {  	_ =	shalt  }
0x51: {  	_ =	shalt  }
0x52: {  	_ =	shalt  }
0x53: {  	_ =	shalt  }
0x54: {  	_ =	shalt  }
0x55: {  	_ =	shalt  }
0x56: {  	_ =	shalt  }
0x57: {  	_ =	shalt  }
0x58: {  	_ =	shalt  }
0x59: {  	_ =	shalt  }
0x5a: {  	_ =	shalt  }
0x5b: {  	_ =	shalt  }
0x5c: {  	_ =	shalt  }
0x5d: {  	_ =	shalt  }
0x5e: {  	_ =	shalt  }
0x5f: {  	_ =	shalt  }
0x60: {  	_ =	shalt  }
0x61: {  	_ =	shalt  }
0x62: {  	_ =	shalt  }
0x63: {  	_ =	shalt  }
0x64: {  	_ =	shalt  }
0x65: {  	_ =	shalt  }
0x66: {  	_ =	shalt  }
0x67: {  	_ =	shalt  }
0x68: {  	_ =	shalt  }
0x69: {  	_ =	shalt  }
0x6a: {  	_ =	shalt  }
0x6b: {  	_ =	shalt  }
0x6c: {  	_ =	shalt  }
0x6d: {  	_ =	shalt  }
0x6e: {  	_ =	shalt  }
0x6f: {  	_ =	shalt  }
0x70: {  	_ =	shalt  }
0x71: {  	_ =	shalt  }
0x72: {  	_ =	shalt  }
0x73: {  	_ =	shalt  }
0x74: {  	_ =	shalt  }
0x75: {  	_ =	shalt  }
0x76: {  	_ =	shalt  }
0x77: {  	_ =	shalt  }
0x78: {  	_ =	shalt  }
0x79: {  	_ =	shalt  }
0x7a: {  	_ =	shalt  }
0x7b: {  	_ =	shalt  }
0x7c: {  	_ =	shalt  }
0x7d: {  	_ =	shalt  }
0x7e: {  	_ =	shalt  }
0x7f: {  	_ =	shalt  }
0x80: {  	_ =	shalt  }
0x81: {  	_ =	shalt  }
0x82: {  	_ =	shalt  }
0x83: {  	_ =	shalt  }
0x84: {  	_ =	shalt  }
0x85: {  	_ =	shalt  }
0x86: {  	_ =	shalt  }
0x87: {  	_ =	shalt  }
.Lfunc_end0:
.L_simem_size_0:
called_computation_lowered:
.L_overlay_start_0:
0x88: {  	s2 =	sld [smem:$0x3FD9]  }
0x89: {  	s3 =	sld [smem:$0x3FFE];
	_ =	sdelay $0x1  }
0x8a: {  	s1 =	srdreg.scid  }
0x8b: {  	s0 =	sand.u32 $0x1, s1  }
0x8c: {  	s17 =	sshll.u32 s0, $0xA;
	s2 =	sadd.s32 s3, s2  }
0x8d: {  	s2 =	sadd.s32 s2, s17  }
0x8e: {  	[smem:$0x3FBF] =	sst s2  }
0x8f: {  	_ = 	snop  }
0x90: {  	s2 =	sld [smem:$0x3FC9]  }
0x91: {  	s18 =	sld [smem:$0x3FC7]  }
0x92: {  	s4 =	sld [smem:$0x3FD0];
	(tm) =	ssettm $0x1  }
0x93: {  	s5 =	sld [smem:$0x3FFB];
	_ =	sdelay $0x3  }
0x94: {  	_ =	strace s5  }
0x95: {  	s5 =	sld [smem:$0x3FFC];
	_ =	sdelay $0x3  }
0x96: {  	_ =	strace s5  }
0x97: {  	s5 =	sld [smem:$0x3FFD];
	_ =	sdelay $0x3  }
0x98: {  	_ =	strace s5  }
0x99: {  	_ =	strace $0x8FFFFFFF  }
0x9a: {  	s19 =	sld [smem:$0x3FDB];
	_ =	sdelay $0x1  }
0x9b: {  	s6 =	simm.s32 $_scs_section_size  }
0x9c: {  	s7 =	simm.s32 $_size__tile_overlayer_lowered;
	s8 =	simm.s32 $_tile_overlayer_lowered  }
0x9d: {  	s22 =	simm.s32 $0x1BFF;
	s21 =	sshll.u32 s8, $0x1;
	s5 =	sadd.s32 s6, s19  }
0x9e: {  	s9 =	simm.s32 $0x0;
	s20 =	sshll.u32 s7, $0x1;
	s7 =	sadd.s32 s21, s5  }
0x9f: {  	[timem:s9], [sflag:s22] =	dma.local [hbm:s7], s20  }
0xa0: {  	_ =	swait.ge [sflag:s22], s20  }
0xa1: {  	s6 =	ssub.s32 $0x0, s20;
	[sflag:s22] =	ssyncset.done $0x0  }
0xa2: {  	[sflag:s22] =	ssyncadd.s32 s6;
	_ =	sdelay $0x1  }
0xa3: {  	s23 =	simm.s32 $0x1B8B  }
0xa4: {  	_ =	swait.ge [sflag:s23], $0x1  }
0xa5: {  	[sflag:s23] =	ssyncset.done $0x0  }
0xa6: {  	s25 =	simm.s32 $0x1B8E;
	s24 =	sld [smem:$0x3FFE];
	[sflag:s23] =	ssyncadd.s32 $0xFFFFFFFF  }
0xa7: {  	s26 =	simm.s32 $execute0_lowered;
	[smem:$0x3FD2] =	sst s25  }
0xa8: {  	s7 =	sshll.u32 s26, $0x1;
	_ =	strace $0x80000046;
	[dreg:$0x1] =	wrdreg $0xFFFFFFFF  }
0xa9: {  	s28 =	simm.s32 $_size_execute0_lowered;
	s5 =	sadd.s32 s5, s7;
	[dreg:$0x0] =	wrdreg $0x0  }
0xaa: {  	s7 =	sshll.u32 s28, $0x1;
	[dreg:$0x2] =	wrdreg s5  }
0xab: {  	[dreg:$0x3] =	wrdreg s7  }
0xac: {  	[dreg:$0x4] =	wrdreg $0xC0  }
0xad: {  	_ =	task [dreg:s9], $0x5FFFF  }
0xae: {  	[dreg:$0x1] =	wrdreg $0xFFFFFFFF  }
0xaf: {  	[dreg:$0x0] =	wrdreg $0x60  }
0xb0: {  	[dreg:$0x2] =	wrdreg s2  }
0xb1: {  	[dreg:$0x3] =	wrdreg s24  }
0xb2: {  	[dreg:$0x4] =	wrdreg s18  }
0xb3: {  	[dreg:$0x5] =	wrdreg s4  }
0xb4: {  	[dreg:$0x6] =	wrdreg $0x0  }
0xb5: {  	[dreg:$0x7] =	wrdreg $0x9  }
0xb6: {  	_ =	task.clear_ibuf [dreg:s9], $0x8FFFF;
	_ =	strace $0x90000046  }
0xb7: {  	s29 =	simm.s32 $0x9;
	_ =	strace $0x80000048  }
0xb8: {  	_ =	swait.ge [sflag:s29], $0x1  }
0xb9: {  	[sflag:s29] =	ssyncadd.s32 $0xFFFFFFFF  }
0xba: {  	_ =	strace $0x90000048  }
0xbb: {  	_ =	sfence  }
0xbc: {  	s30 =	sld [smem:$0x0];
	_ =	sdelay $0x2  }
0xbd: {  	s31 =	sshll.u32 s1, $0xD;
	s1 =	sshrl.u32 s1, $0x2  }
0xbe: {  	s3 =	sand.u32 $0x4000, s31;
	s1 =	sadd.s32 s1, s30  }
0xbf: {  	s0 =	sor.u32 s3, s0;
	s1 =	sshll.u32 s1, $0x11  }
0xc0: {  	s0 =	sor.u32 s1, s0  }
0xc1: {  	s0 =	sadd.s32 $0x8F2B, s0  }
0xc2: {  	[sflag:s0] =	ssyncadd.remote.s32 $0x1  }
0xc3: {  	_ =	sfence.sel $0xFFFF  }
0xc4: {  	[dreg:$0x0] =	wrdreg $0xFFFFFFFF;
	(pc) =	sbr.abs _section_cstart, $3  }
0xc5: {  	[dreg:$0x1] =	wrdreg $0xFFFFFFFF  }
0xc6: {  	_ =	task.clear_ibuf [dreg:s9], $0x2FFFF;
	_ =	strace $0x9FFFFFFF  }
0xc7: {  	(tm) =	ssettm $0x7FFFFFFF  }
tec
execute0_lowered:
.L_overlay_start_1:
0x0: {  	(tag) =	ssettag $0x1  }
0x1: {  	s1 =	rddreg [dreg:$0x0]  }
0x2: {  	s0 =	rddreg [dreg:$0x1]  }
0x3: {  	s2 =	rddreg [dreg:$0x3]  }
0x4: {  	s3 =	rddreg [dreg:$0x4];
	s17 =	simm.s32 $0x0;
	s4 =	srdreg.scid  }
0x5: {  	s18 =	stileid.u32;
	s29 =	simm.s32 $0x13B00;
	s30 =	simm.s32 $0x2  }
0x6: {  	[smem:$0x7FF] =	sst s17;
	s6 =	sadd.s32 $0xBA00, s0;
	s4 =	sand.u32 $0x1, s4  }
0x7: {  	s7 =	sadd.s32 $0x1C00, s0;
	s8 =	smul.u32 $0x4E000, s18;
	s10 =	sshll.u32 s18, $0x1  }
0x8: {  	s11 =	smul.u32 $0x13800, s18;
	s15 =	sadd.s32 $0x15800, s0;
	s12 =	sshll.u32 s18, $0x6  }
0x9: {  	s16 =	sadd.s32 $0x138000, s3;
	p0 =	slt.u32 s18, $0x2;
	s13 =	sadd.s32 $0xBA04, s0  }
0xa: {  	s14 =	sadd.s32 $0x1C08, s0;
	_ =	strace $0x80000047;
	s5 =	ssub.s32 $0x2, s4  }
0xb: {  	s19 =	sor.u32 s4, s10;
	s28 =	sor.u32 $0x1C0A, s12;
	s4 =	smul.u32 $0x138800, s4  }
0xc: {  	s9 =	sshrl.u32 s5, $0x1;
	s8 =	sshrl.u32 s8, $0x2;
	s20 =	sshrl.u32 s11, $0x3  }
0xd: {  	s21 =	smul.u32 $0x4E, s19;
	[dreg:$0x8] =	wrdreg s28;
	s5 =	ssub.s32 s5, s9  }
0xe: {  	s8 =	sadd.s32 s8, s3;
	s10 =	sadd.s32 s2, s20;
	s9 =	smin.u32 s19, $0x4  }
0xf: {  	s2 =	sadd.s32 $0x27000, s2;
	s22 =	sadd.s32 s11, s4;
	s4 =	sshrl.u32 s4, $0x3  }
0x10: {  	s11 =	simm.s32 $0x7;
	s20 =	simm.s32 $0x8;
	[dreg:$0x7] =	wrdreg s10  }
0x11: {  	s19 =	simm.s32 $0x9;
	s10 =	simm.s32 $0x4F;
	[dreg:$0x9] =	wrdreg s2  }
0x12: {  	s12 =	sadd.s32 s9, s21;
	s23 =	sshrl.u32 s22, $0x3;
	s24 =	sadd.s32 s15, s4  }
0x13: {  	s26 =	smax.u32 s5, $0x1;
	s4 =	sshrl.u32 s8, $0x3;
	s9 =	simm.s32 $0xA  }
0x14: {  	s21 =	simm.s32 $0x13880;
	s22 =	simm.s32 $0x13900;
	s5 =	simm.s32 $0x5  }
0x15: {  	s8 =	simm.s32 $0x6;
	s10 =	simm.s32 @!p0 $0x4E;
	s0 =	sadd.s32 s15, s23  }
0x16: {  	s25 =	sadd.s32 $0x27000, s24;
	[dreg:$0xc] =	wrdreg s26;
	p0 =	sne.s32 s18, $0xF  }
0x17: {  	s23 =	simm.s32 $0x13980;
	s24 =	simm.s32 $0x13A00;
	[dreg:$0xd] =	wrdreg s4  }
0x18: {  	s26 =	simm.s32 $0x1;
	s15 =	simm.s32 $0x3;
	[dreg:$0xa] =	wrdreg s0  }
0x19: {  	s18 =	simm.s32 $0x15B00;
	[dreg:$0xb] =	wrdreg s25;
	s31 =	sshrl.u32 @!p0 s16, $0x3  }
0x1a: {  	s25 =	simm.s32 $0x13A80;
	s16 =	simm.s32 $0x4;
	[dreg:$0xe] =	wrdreg s31  }
.LBB2_1:
0x1b: {  	[dreg:$0x6] =	wrdreg s17  }
0x1c: {  	s0 =	rddreg [dreg:$0x7]  }
0x1d: {  	[spmem:s4], [sflag:s28] =	dma.local [hbm:s0], $0x2700  }
0x1e: {  	_ =	swait.ge [sflag:s9], $0x2700  }
0x1f: {  	[sflag:s9] =	ssyncset.done $0x0  }
0x20: {  	s2 =	simm.s32 @!p0 $0xA;
	s0 =	rddreg [dreg:$0x9];
	[sflag:s9] =	ssyncadd.s32 $0xFFFFD900  }
0x21: {  	[spmem:s31], [sflag:s28] =	dma.local @!p0 [hbm:s0], $0x100  }
0x22: {  	_ =	swait.ge @!p0 [sflag:s2], $0x100  }
0x23: {  	[sflag:s2] =	ssyncset.done @!p0 $0x0  }
0x24: {  	[sflag:s2] =	ssyncadd.s32 @!p0 $0xFFFFFF00  }
0x25: {  	s9 =	simm.s32 $0x0;
	[bflag:$0x0] =	sbarrier.arrive $0xFFFF  }
.LBB2_2:
0x26: {  	s2 =	sadd.s32 s9, s12  }
0x27: {  	s2 =	sshll.u32 s2, $0x4  }
0x28: {  	s4 =	sand.u32 $0x1FFFFFF0, s2  }
0x29: {  	s2 =	simm.s32 $0x0;
	s28 =	sadd.s32 s6, s4  }
0x2a: {  	[tilespmem:s21], [sflag:$0x1] =	stream.linear.gather [hbm4b:s28+s2], $0x20, $0x38;
	[tilespmem:$0x17B00] =	vst v63  }
0x2b: {  	s28 =	sadd.s32 s4, s13  }
0x2c: {  	[tilespmem:s22], [sflag:$0x2] =	stream.linear.gather [hbm4b:s28+s2], $0x60, $0x38;
	[tilespmem:$0x17B00] =	vst v63  }
0x2d: {  	s28 =	sadd.s32 s7, s4  }
0x2e: {  	[tilespmem:s23], [sflag:$0x3] =	stream.linear.gather [hbm4b:s28+s2], $0x40, $0x38;
	[tilespmem:$0x17B00] =	vst v63  }
0x2f: {  	s0 =	rddreg [dreg:$0x2];
	s28 =	sadd.s32 s4, s14  }
0x30: {  	[tilespmem:s24], [sflag:$0x4] =	stream.linear.gather [hbm4b:s28+s2], $0x40, $0x38;
	[tilespmem:$0x17B00] =	vst v63  }
0x31: {  	s4 =	sadd.s32 s0, s4  }
0x32: {  	[tilespmem:s25], [sflag:$0x5] =	stream.linear.gather [hbm4b:s4+s2], $0x80, $0x38;
	[tilespmem:$0x17B00] =	vst v63  }
0x33: {  	_ =	swait.ge [sflag:s26], $0x20  }
0x34: {  	[sflag:s26] =	ssyncset.done $0x0  }
0x35: {  	s17 =	simm.s32 $0x20;
	[sflag:s26] =	ssyncadd.s32 $0xFFFFFFE0  }
0x36: {  	[tilespmem:s29], [sflag:$0x6] =	stream.indirect.gather [hbm4b:s1+s17], $0x80, s21, s17, $0xb8;
	[tilespmem:$0x17B00] =	vst v63  }
0x37: {  	_ =	swait.ge [sflag:s30], $0x60  }
0x38: {  	[sflag:s30] =	ssyncset.done $0x0  }
0x39: {  	s4 =	simm.s32 $0x60;
	s17 =	simm.s32 $0x14B00;
	[sflag:s30] =	ssyncadd.s32 $0xFFFFFFA0  }
0x3a: {  	v0 =	vmov s2;
	[tilespmem:s17], [sflag:$0x7] =	stream.indirect.gather [hbm4b:s1+s4], $0x80, s22, s4, $0xb8;
	[tilespmem:$0x17B00] =	vst v63  }
0x3b: {  	v0 =	vand.u32 $0xFFFFFFFC, v0;
	_ =	swait.ge [sflag:s5], $0x80  }
0x3c: {  	v0 =	vbroadcast v0, $0x0;
	[sflag:s5] =	ssyncset.done $0x0  }
0x3d: {  	[sflag:s5] =	ssyncadd.s32 $0xFFFFFF80  }
0x3e: {  	_ =	swait.ge [sflag:s8], $0x1000  }
0x3f: {  	[sflag:s8] =	ssyncset.done $0x0  }
0x40: {  	s4 =	simm.s32 $0x13C00;
	[sflag:s8] =	ssyncadd.s32 $0xFFFFF000  }
0x41: {  	v1 =	vld [tilespmem:s4+$0xFFFFFF70]  }
0x42: {  	v0 =	vld.idx.msk [tilespmem:v0+s25+$0x0], $0xffff  }
0x43: {  	v2 =	vld [tilespmem:s4+$0xFFFFFF00]  }
0x44: {  	v3 =	vld [tilespmem:s4+$0xFFFFFF20]  }
0x45: {  	v4 =	vld [tilespmem:s4+$0xFFFFFF50]  }
0x46: {  	v5 =	vld [tilespmem:s4+$0xFFFFFF40]  }
0x47: {  	v6 =	vld [tilespmem:s4+$0xFFFFFF60];
	v1 =	vmul.f32 v1, v0  }
0x48: {  	s28 =	simm.s32 $0x1;
	v7 =	vld [tilespmem:s4+$0xFFFFFF30];
	v2 =	vmul.f32 v2, v0  }
0x49: {  	v8 =	vld [tilespmem:s4+$0xFFFFFF10];
	v3 =	vmul.f32 v3, v0;
	[tilespmem:s4+$0xFFFFFF70] =	vst v1;
	v1 =	vmov s28  }
0x4a: {  	v4 =	vmul.f32 v4, v0;
	[tilespmem:s4+$0xFFFFFF00] =	vst v2;
	v1 =	vand.u32 $0xFFFFFFFD, v1  }
0x4b: {  	v2 =	vmul.f32 v5, v0;
	[tilespmem:s4+$0xFFFFFF20] =	vst v3;
	v1 =	vbroadcast v1, $0x0  }
0x4c: {  	v3 =	vmul.f32 v6, v0;
	[tilespmem:s4+$0xFFFFFF50] =	vst v4  }
0x4d: {  	v4 =	vmul.f32 v7, v0;
	[tilespmem:s4+$0xFFFFFF40] =	vst v2  }
0x4e: {  	v0 =	vmul.f32 v8, v0;
	[tilespmem:s4+$0xFFFFFF60] =	vst v3  }
0x4f: {  	[tilespmem:s4+$0xFFFFFF30] =	vst v4  }
0x50: {  	[tilespmem:s4+$0xFFFFFF10] =	vst v0;
	v0 =	vld [tilespmem:s4+$0xFFFFFF90]  }
0x51: {  	v2 =	vld.idx.msk [tilespmem:v1+s25+$0x0], $0xffff  }
0x52: {  	v1 =	vld [tilespmem:s4+$0xFFFFFFA0]  }
0x53: {  	v3 =	vld [tilespmem:s4+$0xFFFFFF80]  }
0x54: {  	v4 =	vld [tilespmem:s4+$0xFFFFFFB0]  }
0x55: {  	v5 =	vld [tilespmem:s4+$0xFFFFFFC0]  }
0x56: {  	v6 =	vld [tilespmem:s4+$0xFFFFFFD0];
	v0 =	vmul.f32 v0, v2  }
0x57: {  	v7 =	vld [tilespmem:s4+$0xFFFFFFF0];
	s28 =	simm.s32 $0x2;
	v1 =	vmul.f32 v1, v2  }
0x58: {  	v8 =	vld [tilespmem:s4+$0xFFFFFFE0];
	v3 =	vmul.f32 v3, v2;
	[tilespmem:s4+$0xFFFFFF90] =	vst v0;
	v0 =	vmov s28  }
0x59: {  	v4 =	vmul.f32 v4, v2;
	[tilespmem:s4+$0xFFFFFFA0] =	vst v1;
	v0 =	vand.u32 $0xFFFFFFFE, v0  }
0x5a: {  	v1 =	vmul.f32 v5, v2;
	[tilespmem:s4+$0xFFFFFF80] =	vst v3;
	v5 =	vld [tilespmem:s4+$0x60];
	v9 =	vbroadcast v0, $0x0  }
0x5b: {  	v3 =	vmul.f32 v6, v2;
	[tilespmem:s4+$0xFFFFFFB0] =	vst v4;
	v6 =	vld [tilespmem:s4+$0x0]  }
0x5c: {  	v4 =	vmul.f32 v7, v2;
	v0 =	vld [tilespmem:s4+$0x20];
	[tilespmem:s4+$0xFFFFFFC0] =	vst v1  }
0x5d: {  	v2 =	vmul.f32 v8, v2;
	v1 =	vld [tilespmem:s4+$0x30];
	[tilespmem:s4+$0xFFFFFFD0] =	vst v3  }
0x5e: {  	[tilespmem:s4+$0xFFFFFFF0] =	vst v4;
	v3 =	vld [tilespmem:s4+$0x40]  }
0x5f: {  	[tilespmem:s4+$0xFFFFFFE0] =	vst v2;
	v4 =	vld [tilespmem:s4+$0x10]  }
0x60: {  	s31 =	simm.s32 $0x13C00;
	s28 =	simm.s32 $0x4;
	v2 =	vld.idx.msk [tilespmem:v9+s25+$0x0], $0xffff  }
.LBB2_3:
0x61: {  	p1 =	slt.u32 s28, $0x1C  }
0x62: {  	v7 =	vld [tilespmem:s4+$0x50];
	s31 =	sadd.s32 $0x200, s31;
	s0 =	smov.u32 s28;
	s28 =	sadd.s32 $0x4, s28  }
0x63: {  	v8 =	vld [tilespmem:s4+$0x70];
	_ =	sdelay $0x1  }
0x64: {  	v5 =	vmul.f32 v5, v2;
	v6 =	vmul.f32 v6, v2  }
0x65: {  	v3 =	vmul.f32 v3, v2;
	v4 =	vmul.f32 v4, v2  }
0x66: {  	v0 =	vmul.f32 v0, v2;
	v1 =	vmul.f32 v1, v2;
	[tilespmem:s4+$0x60] =	vst v5  }
0x67: {  	[tilespmem:s4+$0x40] =	vst v3;
	v3 =	vmul.f32 v7, v2;
	v2 =	vmul.f32 v8, v2  }
0x68: {  	s17 =	sadd.s32 $0x3, s2;
	s2 =	smov.u32 s0;
	[tilespmem:s4+$0x20] =	vst v0;
	v5 =	vld [tilespmem:s4+$0x80]  }
0x69: {  	v0 =	vld [tilespmem:s31+$0x20];
	[tilespmem:s4+$0x0] =	vst v6;
	v6 =	vmov s17  }
0x6a: {  	[tilespmem:s4+$0x50] =	vst v3;
	v3 =	vld [tilespmem:s4+$0xE0]  }
0x6b: {  	[tilespmem:s4+$0x30] =	vst v1;
	v7 =	vld [tilespmem:s4+$0xC0]  }
0x6c: {  	v1 =	vld [tilespmem:s31+$0x30];
	[tilespmem:s4+$0x10] =	vst v4  }
0x6d: {  	[tilespmem:s4+$0x70] =	vst v2;
	v2 =	vld [tilespmem:s4+$0xA0]  }
0x6e: {  	v4 =	vld.idx.msk [tilespmem:v6+s25+$0x0], $0xffff  }
0x6f: {  	v6 =	vld [tilespmem:s4+$0x90]  }
0x70: {  	v8 =	vld [tilespmem:s4+$0xB0]  }
0x71: {  	v9 =	vld [tilespmem:s4+$0xD0]  }
0x72: {  	v10 =	vld [tilespmem:s4+$0xF0];
	_ =	sdelay $0x1  }
0x73: {  	v5 =	vmul.f32 v5, v4;
	v6 =	vmul.f32 v6, v4  }
0x74: {  	v2 =	vmul.f32 v2, v4;
	v8 =	vmul.f32 v8, v4  }
0x75: {  	v11 =	vmov s2;
	[tilespmem:s4+$0x80] =	vst v5;
	v5 =	vmul.f32 v7, v4;
	v7 =	vmul.f32 v9, v4  }
0x76: {  	v9 =	vand.u32 $0xFFFFFFFC, v11;
	[tilespmem:s4+$0xA0] =	vst v2;
	v2 =	vmul.f32 v3, v4;
	v3 =	vmul.f32 v10, v4  }
0x77: {  	v4 =	vbroadcast v9, $0x0;
	[tilespmem:s4+$0xC0] =	vst v5  }
0x78: {  	[tilespmem:s4+$0xF0] =	vst v3  }
0x79: {  	v3 =	vld [tilespmem:s31+$0xFFFFFF40];
	[tilespmem:s4+$0xE0] =	vst v2  }
0x7a: {  	v2 =	vld [tilespmem:s31+$0xFFFFFF50];
	[tilespmem:s4+$0x90] =	vst v6  }
0x7b: {  	v5 =	vld [tilespmem:s31+$0xFFFFFF60];
	[tilespmem:s4+$0xB0] =	vst v8  }
0x7c: {  	v6 =	vld [tilespmem:s31+$0xFFFFFF70];
	[tilespmem:s4+$0xD0] =	vst v7;
	s4 =	smov.u32 s31  }
0x7d: {  	v4 =	vld.idx.msk [tilespmem:v4+s25+$0x0], $0xffff  }
0x7e: {  	v7 =	vld [tilespmem:s31+$0xFFFFFF00]  }
0x7f: {  	v8 =	vld [tilespmem:s31+$0xFFFFFF20]  }
0x80: {  	v9 =	vld [tilespmem:s31+$0xFFFFFF10]  }
0x81: {  	v10 =	vld [tilespmem:s31+$0xFFFFFF30];
	_ =	sdelay $0x1  }
0x82: {  	v6 =	vmul.f32 v6, v4;
	v7 =	vmul.f32 v7, v4  }
0x83: {  	s0 =	sadd.s32 $0x1, s2;
	v5 =	vmul.f32 v5, v4;
	v8 =	vmul.f32 v8, v4  }
0x84: {  	v2 =	vmul.f32 v2, v4;
	v9 =	vmul.f32 v9, v4;
	[tilespmem:s31+$0xFFFFFF70] =	vst v6;
	v6 =	vmov s0  }
0x85: {  	v3 =	vmul.f32 v3, v4;
	[tilespmem:s31+$0xFFFFFF00] =	vst v7;
	v7 =	vmul.f32 v10, v4;
	v4 =	vand.u32 $0xFFFFFFFD, v6  }
0x86: {  	[tilespmem:s31+$0xFFFFFF20] =	vst v8;
	v4 =	vbroadcast v4, $0x0  }
0x87: {  	[tilespmem:s31+$0xFFFFFF50] =	vst v2  }
0x88: {  	[tilespmem:s31+$0xFFFFFF40] =	vst v3;
	v2 =	vld [tilespmem:s31+$0xFFFFFFF0]  }
0x89: {  	[tilespmem:s31+$0xFFFFFF60] =	vst v5;
	v3 =	vld [tilespmem:s31+$0xFFFFFFC0]  }
0x8a: {  	[tilespmem:s31+$0xFFFFFF30] =	vst v7;
	v5 =	vld [tilespmem:s31+$0xFFFFFFD0]  }
0x8b: {  	[tilespmem:s31+$0xFFFFFF10] =	vst v9;
	v6 =	vld [tilespmem:s31+$0xFFFFFF90]  }
0x8c: {  	v4 =	vld.idx.msk [tilespmem:v4+s25+$0x0], $0xffff  }
0x8d: {  	v7 =	vld [tilespmem:s31+$0xFFFFFF80]  }
0x8e: {  	v8 =	vld [tilespmem:s31+$0xFFFFFFA0]  }
0x8f: {  	v9 =	vld [tilespmem:s31+$0xFFFFFFB0]  }
0x90: {  	v10 =	vld [tilespmem:s31+$0xFFFFFFE0];
	_ =	sdelay $0x1  }
0x91: {  	v6 =	vmul.f32 v6, v4;
	v7 =	vmul.f32 v7, v4  }
0x92: {  	s0 =	sadd.s32 $0x2, s2;
	v5 =	vmul.f32 v5, v4;
	v8 =	vmul.f32 v8, v4  }
0x93: {  	v3 =	vmul.f32 v3, v4;
	[tilespmem:s31+$0xFFFFFF90] =	vst v6;
	v6 =	vmul.f32 v9, v4;
	v9 =	vmov s0  }
0x94: {  	v2 =	vmul.f32 v2, v4;
	[tilespmem:s31+$0xFFFFFFA0] =	vst v8;
	v8 =	vmul.f32 v10, v4;
	v4 =	vand.u32 $0xFFFFFFFE, v9  }
0x95: {  	[tilespmem:s31+$0xFFFFFF80] =	vst v7;
	v4 =	vbroadcast v4, $0x0  }
0x96: {  	[tilespmem:s31+$0xFFFFFFB0] =	vst v6  }
0x97: {  	[tilespmem:s31+$0xFFFFFFC0] =	vst v3  }
0x98: {  	[tilespmem:s31+$0xFFFFFFD0] =	vst v5  }
.Ltmp0:
0x99: {  	[tilespmem:s31+$0xFFFFFFF0] =	vst v2;
	v3 =	vld [tilespmem:s31+$0x40];
	(pc) =	sbr.rel @p1 .LBB2_3-.Ltmp0, $4  }
0x9a: {  	[tilespmem:s31+$0xFFFFFFE0] =	vst v8;
	v5 =	vld [tilespmem:s31+$0x60]  }
0x9b: {  	v2 =	vld.idx.msk [tilespmem:v4+s25+$0x0], $0xffff  }
0x9c: {  	v6 =	vld [tilespmem:s31+$0x0]  }
0x9d: {  	v4 =	vld [tilespmem:s31+$0x10]  }
0x9e: {  	_ =	sdelay $0x1  }
0x9f: {  	v5 =	vmul.f32 v5, v2  }
0xa0: {  	v7 =	vld [tilespmem:s4+$0x50];
	v3 =	vmul.f32 v3, v2  }
0xa1: {  	v8 =	vld [tilespmem:s4+$0x70];
	v0 =	vmul.f32 v0, v2;
	[tilespmem:s4+$0x60] =	vst v5  }
0xa2: {  	v5 =	vmul.f32 v6, v2;
	[tilespmem:s4+$0x40] =	vst v3  }
0xa3: {  	s0 =	sadd.s32 $0x3, s2;
	[tilespmem:s4+$0x20] =	vst v0;
	v0 =	vmul.f32 v1, v2  }
0xa4: {  	v4 =	vmul.f32 v4, v2;
	[tilespmem:s4+$0x0] =	vst v5;
	v5 =	vmov s0  }
0xa5: {  	v3 =	vmul.f32 v7, v2;
	[tilespmem:s4+$0x30] =	vst v0  }
0xa6: {  	v2 =	vmul.f32 v8, v2;
	[tilespmem:s4+$0x10] =	vst v4  }
0xa7: {  	[tilespmem:s4+$0x50] =	vst v3  }
0xa8: {  	v1 =	vld [tilespmem:s4+$0x80];
	[tilespmem:s4+$0x70] =	vst v2  }
0xa9: {  	v0 =	vld.idx.msk [tilespmem:v5+s25+$0x0], $0xffff  }
0xaa: {  	v2 =	vld [tilespmem:s4+$0xA0]  }
0xab: {  	v3 =	vld [tilespmem:s4+$0xC0]  }
0xac: {  	v4 =	vld [tilespmem:s4+$0xF0]  }
0xad: {  	v5 =	vld [tilespmem:s4+$0xE0]  }
0xae: {  	v6 =	vld [tilespmem:s4+$0x90];
	v1 =	vmul.f32 v1, v0  }
0xaf: {  	v7 =	vld [tilespmem:s4+$0xB0];
	v2 =	vmul.f32 v2, v0  }
0xb0: {  	v8 =	vld [tilespmem:s4+$0xD0];
	[tilespmem:s4+$0x80] =	vst v1;
	v1 =	vmul.f32 v3, v0  }
0xb1: {  	[tilespmem:s4+$0xA0] =	vst v2;
	v2 =	vmul.f32 v4, v0  }
0xb2: {  	v3 =	vmul.f32 v5, v0;
	[tilespmem:s4+$0xC0] =	vst v1  }
0xb3: {  	s2 =	simm.s32 $0x20;
	v1 =	vmul.f32 v6, v0;
	[tilespmem:s4+$0xF0] =	vst v2  }
0xb4: {  	v2 =	vmul.f32 v7, v0;
	[tilespmem:s4+$0xE0] =	vst v3;
	v3 =	vmov s2  }
0xb5: {  	v0 =	vmul.f32 v8, v0;
	[tilespmem:s4+$0x90] =	vst v1;
	v1 =	vand.u32 $0xFFFFFFFC, v3  }
0xb6: {  	[tilespmem:s4+$0xB0] =	vst v2;
	v1 =	vbroadcast v1, $0x0  }
0xb7: {  	[tilespmem:s4+$0xD0] =	vst v0  }
0xb8: {  	_ =	swait.ge [sflag:s11], $0x3000  }
0xb9: {  	[sflag:s11] =	ssyncset.done $0x0  }
0xba: {  	s4 =	simm.s32 $0x14CF0;
	[sflag:s11] =	ssyncadd.s32 $0xFFFFD000  }
0xbb: {  	v0 =	vld [tilespmem:s4+$0xFFFFFE80]  }
0xbc: {  	v1 =	vld.idx.msk [tilespmem:v1+s25+$0x0], $0xffff  }
0xbd: {  	v2 =	vld [tilespmem:s4+$0xFFFFFE10]  }
0xbe: {  	v3 =	vld [tilespmem:s4+$0xFFFFFE30]  }
0xbf: {  	v4 =	vld [tilespmem:s4+$0xFFFFFE60]  }
0xc0: {  	v5 =	vld [tilespmem:s4+$0xFFFFFE50]  }
0xc1: {  	v6 =	vld [tilespmem:s4+$0xFFFFFE70];
	v0 =	vmul.f32 v0, v1  }
0xc2: {  	s17 =	simm.s32 $0x21;
	v7 =	vld [tilespmem:s4+$0xFFFFFE40];
	v2 =	vmul.f32 v2, v1  }
0xc3: {  	v8 =	vld [tilespmem:s4+$0xFFFFFE20];
	v3 =	vmul.f32 v3, v1;
	[tilespmem:s4+$0xFFFFFE80] =	vst v0;
	v0 =	vmov s17  }
0xc4: {  	v4 =	vmul.f32 v4, v1;
	[tilespmem:s4+$0xFFFFFE10] =	vst v2;
	v0 =	vand.u32 $0xFFFFFFFD, v0  }
0xc5: {  	v2 =	vmul.f32 v5, v1;
	[tilespmem:s4+$0xFFFFFE30] =	vst v3;
	v0 =	vbroadcast v0, $0x0  }
0xc6: {  	v3 =	vmul.f32 v6, v1;
	[tilespmem:s4+$0xFFFFFE60] =	vst v4  }
0xc7: {  	v4 =	vmul.f32 v7, v1;
	[tilespmem:s4+$0xFFFFFE50] =	vst v2  }
0xc8: {  	v1 =	vmul.f32 v8, v1;
	[tilespmem:s4+$0xFFFFFE70] =	vst v3  }
0xc9: {  	v5 =	vld [tilespmem:s4+$0xFFFFFED0];
	[tilespmem:s4+$0xFFFFFE40] =	vst v4  }
0xca: {  	[tilespmem:s4+$0xFFFFFE20] =	vst v1;
	v1 =	vld [tilespmem:s4+$0xFFFFFEA0]  }
0xcb: {  	v2 =	vld.idx.msk [tilespmem:v0+s25+$0x0], $0xffff  }
0xcc: {  	v0 =	vld [tilespmem:s4+$0xFFFFFEB0]  }
0xcd: {  	v3 =	vld [tilespmem:s4+$0xFFFFFE90]  }
0xce: {  	v4 =	vld [tilespmem:s4+$0xFFFFFEC0]  }
0xcf: {  	v6 =	vld [tilespmem:s4+$0xFFFFFEE0]  }
0xd0: {  	v7 =	vld [tilespmem:s4+$0xFFFFFF00];
	v1 =	vmul.f32 v1, v2  }
0xd1: {  	s17 =	simm.s32 $0x22;
	v0 =	vmul.f32 v0, v2  }
0xd2: {  	v8 =	vld [tilespmem:s4+$0xFFFFFEF0];
	v3 =	vmul.f32 v3, v2;
	[tilespmem:s4+$0xFFFFFEA0] =	vst v1;
	v1 =	vmov s17  }
0xd3: {  	v4 =	vmul.f32 v4, v2;
	[tilespmem:s4+$0xFFFFFEB0] =	vst v0;
	v0 =	vand.u32 $0xFFFFFFFE, v1  }
0xd4: {  	[tilespmem:s4+$0xFFFFFE90] =	vst v3;
	v3 =	vmul.f32 v6, v2;
	v6 =	vld [tilespmem:s4+$0xFFFFFF10];
	v9 =	vbroadcast v0, $0x0  }
0xd5: {  	[tilespmem:s4+$0xFFFFFEC0] =	vst v4;
	v4 =	vmul.f32 v7, v2;
	v1 =	vmul.f32 v5, v2;
	v5 =	vld [tilespmem:s4+$0xFFFFFF70]  }
0xd6: {  	v0 =	vld [tilespmem:s4+$0xFFFFFF30];
	[tilespmem:s4+$0xFFFFFEE0] =	vst v3  }
0xd7: {  	v2 =	vmul.f32 v8, v2;
	[tilespmem:s4+$0xFFFFFF00] =	vst v4;
	v3 =	vld [tilespmem:s4+$0xFFFFFF50]  }
0xd8: {  	v4 =	vld [tilespmem:s4+$0xFFFFFF20];
	[tilespmem:s4+$0xFFFFFED0] =	vst v1  }
0xd9: {  	v1 =	vld [tilespmem:s4+$0xFFFFFF40];
	[tilespmem:s4+$0xFFFFFEF0] =	vst v2  }
0xda: {  	s28 =	simm.s32 $0x24;
	s31 =	simm.s32 $0x14CF0;
	v2 =	vld.idx.msk [tilespmem:v9+s25+$0x0], $0xffff  }
.LBB2_5:
0xdb: {  	p1 =	slt.u32 s28, $0x3C  }
0xdc: {  	v7 =	vld [tilespmem:s4+$0xFFFFFF60];
	s31 =	sadd.s32 $0x200, s31;
	s0 =	smov.u32 s28;
	s28 =	sadd.s32 $0x4, s28  }
0xdd: {  	v8 =	vld [tilespmem:s4+$0xFFFFFF80];
	_ =	sdelay $0x1  }
0xde: {  	v5 =	vmul.f32 v5, v2;
	v6 =	vmul.f32 v6, v2  }
0xdf: {  	v3 =	vmul.f32 v3, v2;
	v4 =	vmul.f32 v4, v2  }
0xe0: {  	v0 =	vmul.f32 v0, v2;
	v1 =	vmul.f32 v1, v2;
	[tilespmem:s4+$0xFFFFFF70] =	vst v5  }
0xe1: {  	[tilespmem:s4+$0xFFFFFF50] =	vst v3;
	v3 =	vmul.f32 v7, v2;
	v2 =	vmul.f32 v8, v2  }
0xe2: {  	s17 =	sadd.s32 $0x3, s2;
	s2 =	smov.u32 s0;
	[tilespmem:s4+$0xFFFFFF30] =	vst v0;
	v5 =	vld [tilespmem:s4+$0xFFFFFFF0]  }
0xe3: {  	v0 =	vld [tilespmem:s31+$0xFFFFFF30];
	[tilespmem:s4+$0xFFFFFF10] =	vst v6;
	v6 =	vmov s17  }
0xe4: {  	[tilespmem:s4+$0xFFFFFF60] =	vst v3;
	v3 =	vld [tilespmem:s4+$0xFFFFFF90]  }
0xe5: {  	[tilespmem:s4+$0xFFFFFF40] =	vst v1;
	v7 =	vld [tilespmem:s4+$0xFFFFFFD0]  }
0xe6: {  	v1 =	vld [tilespmem:s31+$0xFFFFFF40];
	[tilespmem:s4+$0xFFFFFF20] =	vst v4  }
0xe7: {  	[tilespmem:s4+$0xFFFFFF80] =	vst v2;
	v2 =	vld [tilespmem:s4+$0xFFFFFFB0]  }
0xe8: {  	v4 =	vld.idx.msk [tilespmem:v6+s25+$0x0], $0xffff  }
0xe9: {  	v6 =	vld [tilespmem:s4+$0xFFFFFFA0]  }
0xea: {  	v8 =	vld [tilespmem:s4+$0xFFFFFFC0]  }
0xeb: {  	v9 =	vld [tilespmem:s4+$0xFFFFFFE0]  }
0xec: {  	v10 =	vld [tilespmem:s4+$0x0];
	_ =	sdelay $0x1  }
0xed: {  	v3 =	vmul.f32 v3, v4;
	v6 =	vmul.f32 v6, v4  }
0xee: {  	v2 =	vmul.f32 v2, v4;
	v8 =	vmul.f32 v8, v4  }
0xef: {  	v11 =	vmov s2;
	[tilespmem:s4+$0xFFFFFF90] =	vst v3;
	v3 =	vmul.f32 v7, v4;
	v7 =	vmul.f32 v9, v4  }
0xf0: {  	v9 =	vand.u32 $0xFFFFFFFC, v11;
	[tilespmem:s4+$0xFFFFFFB0] =	vst v2;
	v2 =	vmul.f32 v5, v4;
	v4 =	vmul.f32 v10, v4  }
0xf1: {  	v5 =	vbroadcast v9, $0x0;
	[tilespmem:s4+$0xFFFFFFD0] =	vst v3  }
0xf2: {  	[tilespmem:s4+$0x0] =	vst v4  }
0xf3: {  	v3 =	vld [tilespmem:s31+$0xFFFFFE50];
	[tilespmem:s4+$0xFFFFFFF0] =	vst v2  }
0xf4: {  	v2 =	vld [tilespmem:s31+$0xFFFFFE60];
	[tilespmem:s4+$0xFFFFFFA0] =	vst v6  }
0xf5: {  	v4 =	vld [tilespmem:s31+$0xFFFFFE70];
	[tilespmem:s4+$0xFFFFFFC0] =	vst v8  }
0xf6: {  	v6 =	vld [tilespmem:s31+$0xFFFFFE80];
	[tilespmem:s4+$0xFFFFFFE0] =	vst v7;
	s4 =	smov.u32 s31  }
0xf7: {  	v5 =	vld.idx.msk [tilespmem:v5+s25+$0x0], $0xffff  }
0xf8: {  	v7 =	vld [tilespmem:s31+$0xFFFFFE10]  }
0xf9: {  	v8 =	vld [tilespmem:s31+$0xFFFFFE30]  }
0xfa: {  	v9 =	vld [tilespmem:s31+$0xFFFFFE20]  }
0xfb: {  	v10 =	vld [tilespmem:s31+$0xFFFFFE40];
	_ =	sdelay $0x1  }
0xfc: {  	v6 =	vmul.f32 v6, v5;
	v7 =	vmul.f32 v7, v5  }
0xfd: {  	s0 =	sadd.s32 $0x1, s2;
	v4 =	vmul.f32 v4, v5;
	v8 =	vmul.f32 v8, v5  }
0xfe: {  	v2 =	vmul.f32 v2, v5;
	v9 =	vmul.f32 v9, v5;
	[tilespmem:s31+$0xFFFFFE80] =	vst v6;
	v6 =	vmov s0  }
0xff: {  	v3 =	vmul.f32 v3, v5;
	[tilespmem:s31+$0xFFFFFE10] =	vst v7;
	v7 =	vmul.f32 v10, v5;
	v5 =	vand.u32 $0xFFFFFFFD, v6  }
0x100: {  	[tilespmem:s31+$0xFFFFFE30] =	vst v8;
	v5 =	vbroadcast v5, $0x0  }
0x101: {  	[tilespmem:s31+$0xFFFFFE60] =	vst v2  }
0x102: {  	[tilespmem:s31+$0xFFFFFE50] =	vst v3;
	v2 =	vld [tilespmem:s31+$0xFFFFFF00]  }
0x103: {  	[tilespmem:s31+$0xFFFFFE70] =	vst v4;
	v3 =	vld [tilespmem:s31+$0xFFFFFED0]  }
0x104: {  	[tilespmem:s31+$0xFFFFFE40] =	vst v7;
	v4 =	vld [tilespmem:s31+$0xFFFFFEE0]  }
0x105: {  	[tilespmem:s31+$0xFFFFFE20] =	vst v9;
	v6 =	vld [tilespmem:s31+$0xFFFFFEA0]  }
0x106: {  	v5 =	vld.idx.msk [tilespmem:v5+s25+$0x0], $0xffff  }
0x107: {  	v7 =	vld [tilespmem:s31+$0xFFFFFE90]  }
0x108: {  	v8 =	vld [tilespmem:s31+$0xFFFFFEB0]  }
0x109: {  	v9 =	vld [tilespmem:s31+$0xFFFFFEC0]  }
0x10a: {  	v10 =	vld [tilespmem:s31+$0xFFFFFEF0];
	_ =	sdelay $0x1  }
0x10b: {  	v6 =	vmul.f32 v6, v5;
	v7 =	vmul.f32 v7, v5  }
0x10c: {  	s0 =	sadd.s32 $0x2, s2;
	v4 =	vmul.f32 v4, v5;
	v8 =	vmul.f32 v8, v5  }
0x10d: {  	v3 =	vmul.f32 v3, v5;
	[tilespmem:s31+$0xFFFFFEA0] =	vst v6;
	v6 =	vmul.f32 v9, v5;
	v9 =	vmov s0  }
0x10e: {  	v2 =	vmul.f32 v2, v5;
	[tilespmem:s31+$0xFFFFFEB0] =	vst v8;
	v8 =	vmul.f32 v10, v5;
	v5 =	vand.u32 $0xFFFFFFFE, v9  }
0x10f: {  	[tilespmem:s31+$0xFFFFFE90] =	vst v7;
	v7 =	vbroadcast v5, $0x0  }
0x110: {  	[tilespmem:s31+$0xFFFFFEC0] =	vst v6  }
0x111: {  	[tilespmem:s31+$0xFFFFFED0] =	vst v3  }
0x112: {  	[tilespmem:s31+$0xFFFFFEE0] =	vst v4  }
.Ltmp1:
0x113: {  	[tilespmem:s31+$0xFFFFFF00] =	vst v2;
	v3 =	vld [tilespmem:s31+$0xFFFFFF50];
	(pc) =	sbr.rel @p1 .LBB2_5-.Ltmp1, $4  }
0x114: {  	[tilespmem:s31+$0xFFFFFEF0] =	vst v8;
	v5 =	vld [tilespmem:s31+$0xFFFFFF70]  }
0x115: {  	v2 =	vld.idx.msk [tilespmem:v7+s25+$0x0], $0xffff  }
0x116: {  	v6 =	vld [tilespmem:s31+$0xFFFFFF10]  }
0x117: {  	v4 =	vld [tilespmem:s31+$0xFFFFFF20]  }
0x118: {  	_ =	sdelay $0x1  }
0x119: {  	v5 =	vmul.f32 v5, v2  }
0x11a: {  	v7 =	vld [tilespmem:s4+$0xFFFFFF60];
	v3 =	vmul.f32 v3, v2  }
0x11b: {  	v8 =	vld [tilespmem:s4+$0xFFFFFF80];
	v0 =	vmul.f32 v0, v2;
	[tilespmem:s4+$0xFFFFFF70] =	vst v5  }
0x11c: {  	v5 =	vmul.f32 v6, v2;
	[tilespmem:s4+$0xFFFFFF50] =	vst v3  }
0x11d: {  	s0 =	sadd.s32 $0x3, s2;
	[tilespmem:s4+$0xFFFFFF30] =	vst v0;
	v0 =	vmul.f32 v1, v2  }
0x11e: {  	v1 =	vmov s0;
	v4 =	vmul.f32 v4, v2;
	[tilespmem:s4+$0xFFFFFF10] =	vst v5  }
0x11f: {  	v3 =	vmul.f32 v7, v2;
	[tilespmem:s4+$0xFFFFFF40] =	vst v0  }
0x120: {  	v2 =	vmul.f32 v8, v2;
	[tilespmem:s4+$0xFFFFFF20] =	vst v4  }
0x121: {  	[tilespmem:s4+$0xFFFFFF60] =	vst v3  }
0x122: {  	v0 =	vld [tilespmem:s4+$0xFFFFFF90];
	[tilespmem:s4+$0xFFFFFF80] =	vst v2  }
0x123: {  	v1 =	vld.idx.msk [tilespmem:v1+s25+$0x0], $0xffff  }
0x124: {  	v2 =	vld [tilespmem:s4+$0xFFFFFFB0]  }
0x125: {  	v3 =	vld [tilespmem:s4+$0xFFFFFFD0]  }
0x126: {  	v4 =	vld [tilespmem:s4+$0x0]  }
0x127: {  	v5 =	vld [tilespmem:s4+$0xFFFFFFF0]  }
0x128: {  	v6 =	vld [tilespmem:s4+$0xFFFFFFA0];
	v0 =	vmul.f32 v0, v1  }
0x129: {  	v7 =	vld [tilespmem:s4+$0xFFFFFFC0];
	v2 =	vmul.f32 v2, v1  }
0x12a: {  	v8 =	vld [tilespmem:s4+$0xFFFFFFE0];
	[tilespmem:s4+$0xFFFFFF90] =	vst v0;
	v0 =	vmul.f32 v3, v1  }
0x12b: {  	[tilespmem:s4+$0xFFFFFFB0] =	vst v2;
	v2 =	vmul.f32 v4, v1  }
0x12c: {  	v3 =	vmul.f32 v5, v1;
	[tilespmem:s4+$0xFFFFFFD0] =	vst v0  }
0x12d: {  	v0 =	vmul.f32 v6, v1;
	[tilespmem:s4+$0x0] =	vst v2  }
0x12e: {  	s2 =	simm.s32 $0x40;
	v2 =	vmul.f32 v7, v1;
	[tilespmem:s4+$0xFFFFFFF0] =	vst v3  }
0x12f: {  	v1 =	vmul.f32 v8, v1;
	[tilespmem:s4+$0xFFFFFFA0] =	vst v0;
	v0 =	vmov s2  }
0x130: {  	[tilespmem:s4+$0xFFFFFFC0] =	vst v2;
	v0 =	vand.u32 $0xFFFFFFFC, v0  }
0x131: {  	[tilespmem:s4+$0xFFFFFFE0] =	vst v1;
	v0 =	vbroadcast v0, $0x0  }
0x132: {  	_ =	swait.ge [sflag:s15], $0x40  }
0x133: {  	[sflag:s15] =	ssyncset.done $0x0  }
0x134: {  	s4 =	simm.s32 $0x15CF0;
	[sflag:s15] =	ssyncadd.s32 $0xFFFFFFC0  }
0x135: {  	[spmem:s3] =	stream.indirect.scatter.add.f32 [tilespmem:s29], [sflag:$0x8], $0x80, s23, s2, $0xb8;
	[tilespmem:$0x17B00] =	vst v63  }
0x136: {  	v1 =	vld [tilespmem:s4+$0xFFFFFE80]  }
0x137: {  	v0 =	vld.idx.msk [tilespmem:v0+s25+$0x0], $0xffff  }
0x138: {  	v2 =	vld [tilespmem:s4+$0xFFFFFE10]  }
0x139: {  	v3 =	vld [tilespmem:s4+$0xFFFFFE30]  }
0x13a: {  	v4 =	vld [tilespmem:s4+$0xFFFFFE60]  }
0x13b: {  	v5 =	vld [tilespmem:s4+$0xFFFFFE50]  }
0x13c: {  	v6 =	vld [tilespmem:s4+$0xFFFFFE70];
	v1 =	vmul.f32 v1, v0  }
0x13d: {  	s17 =	simm.s32 $0x41;
	v7 =	vld [tilespmem:s4+$0xFFFFFE40];
	v2 =	vmul.f32 v2, v0  }
0x13e: {  	v8 =	vld [tilespmem:s4+$0xFFFFFE20];
	v3 =	vmul.f32 v3, v0;
	[tilespmem:s4+$0xFFFFFE80] =	vst v1;
	v1 =	vmov s17  }
0x13f: {  	v4 =	vmul.f32 v4, v0;
	[tilespmem:s4+$0xFFFFFE10] =	vst v2;
	v1 =	vand.u32 $0xFFFFFFFD, v1  }
0x140: {  	v2 =	vmul.f32 v5, v0;
	[tilespmem:s4+$0xFFFFFE30] =	vst v3;
	v1 =	vbroadcast v1, $0x0  }
0x141: {  	v3 =	vmul.f32 v6, v0;
	[tilespmem:s4+$0xFFFFFE60] =	vst v4  }
0x142: {  	v4 =	vmul.f32 v7, v0;
	[tilespmem:s4+$0xFFFFFE50] =	vst v2  }
0x143: {  	v0 =	vmul.f32 v8, v0;
	[tilespmem:s4+$0xFFFFFE70] =	vst v3  }
0x144: {  	[tilespmem:s4+$0xFFFFFE40] =	vst v4  }
0x145: {  	[tilespmem:s4+$0xFFFFFE20] =	vst v0;
	v0 =	vld [tilespmem:s4+$0xFFFFFEA0]  }
0x146: {  	v2 =	vld.idx.msk [tilespmem:v1+s25+$0x0], $0xffff  }
0x147: {  	v1 =	vld [tilespmem:s4+$0xFFFFFEB0]  }
0x148: {  	v3 =	vld [tilespmem:s4+$0xFFFFFE90]  }
0x149: {  	v4 =	vld [tilespmem:s4+$0xFFFFFEC0]  }
0x14a: {  	v5 =	vld [tilespmem:s4+$0xFFFFFED0]  }
0x14b: {  	v6 =	vld [tilespmem:s4+$0xFFFFFEE0];
	v0 =	vmul.f32 v0, v2  }
0x14c: {  	v7 =	vld [tilespmem:s4+$0xFFFFFF00];
	s17 =	simm.s32 $0x42;
	v1 =	vmul.f32 v1, v2  }
0x14d: {  	v8 =	vld [tilespmem:s4+$0xFFFFFEF0];
	v3 =	vmul.f32 v3, v2;
	[tilespmem:s4+$0xFFFFFEA0] =	vst v0;
	v0 =	vmov s17  }
0x14e: {  	v4 =	vmul.f32 v4, v2;
	[tilespmem:s4+$0xFFFFFEB0] =	vst v1;
	v0 =	vand.u32 $0xFFFFFFFE, v0  }
0x14f: {  	v1 =	vmul.f32 v5, v2;
	[tilespmem:s4+$0xFFFFFE90] =	vst v3;
	v5 =	vld [tilespmem:s4+$0xFFFFFF70];
	v9 =	vbroadcast v0, $0x0  }
0x150: {  	v3 =	vmul.f32 v6, v2;
	[tilespmem:s4+$0xFFFFFEC0] =	vst v4;
	v6 =	vld [tilespmem:s4+$0xFFFFFF10]  }
0x151: {  	v4 =	vmul.f32 v7, v2;
	v0 =	vld [tilespmem:s4+$0xFFFFFF30];
	[tilespmem:s4+$0xFFFFFED0] =	vst v1  }
0x152: {  	v2 =	vmul.f32 v8, v2;
	v1 =	vld [tilespmem:s4+$0xFFFFFF40];
	[tilespmem:s4+$0xFFFFFEE0] =	vst v3  }
0x153: {  	[tilespmem:s4+$0xFFFFFF00] =	vst v4;
	v3 =	vld [tilespmem:s4+$0xFFFFFF50]  }
0x154: {  	[tilespmem:s4+$0xFFFFFEF0] =	vst v2;
	v4 =	vld [tilespmem:s4+$0xFFFFFF20]  }
0x155: {  	s28 =	simm.s32 $0x44;
	s31 =	simm.s32 $0x15CF0;
	v2 =	vld.idx.msk [tilespmem:v9+s25+$0x0], $0xffff  }
.LBB2_7:
0x156: {  	p1 =	slt.u32 s28, $0x7C  }
0x157: {  	v7 =	vld [tilespmem:s4+$0xFFFFFF60];
	s31 =	sadd.s32 $0x200, s31;
	s0 =	smov.u32 s28;
	s28 =	sadd.s32 $0x4, s28  }
0x158: {  	v8 =	vld [tilespmem:s4+$0xFFFFFF80];
	_ =	sdelay $0x1  }
0x159: {  	v5 =	vmul.f32 v5, v2;
	v6 =	vmul.f32 v6, v2  }
0x15a: {  	v3 =	vmul.f32 v3, v2;
	v4 =	vmul.f32 v4, v2  }
0x15b: {  	v0 =	vmul.f32 v0, v2;
	v1 =	vmul.f32 v1, v2;
	[tilespmem:s4+$0xFFFFFF70] =	vst v5  }
0x15c: {  	[tilespmem:s4+$0xFFFFFF50] =	vst v3;
	v3 =	vmul.f32 v7, v2;
	v2 =	vmul.f32 v8, v2  }
0x15d: {  	s17 =	sadd.s32 $0x3, s2;
	s2 =	smov.u32 s0;
	[tilespmem:s4+$0xFFFFFF30] =	vst v0;
	v5 =	vld [tilespmem:s4+$0xFFFFFFF0]  }
0x15e: {  	v0 =	vld [tilespmem:s31+$0xFFFFFF30];
	[tilespmem:s4+$0xFFFFFF10] =	vst v6;
	v6 =	vmov s17  }
0x15f: {  	[tilespmem:s4+$0xFFFFFF60] =	vst v3;
	v3 =	vld [tilespmem:s4+$0xFFFFFF90]  }
0x160: {  	[tilespmem:s4+$0xFFFFFF40] =	vst v1;
	v7 =	vld [tilespmem:s4+$0xFFFFFFD0]  }
0x161: {  	v1 =	vld [tilespmem:s31+$0xFFFFFF40];
	[tilespmem:s4+$0xFFFFFF20] =	vst v4  }
0x162: {  	[tilespmem:s4+$0xFFFFFF80] =	vst v2;
	v2 =	vld [tilespmem:s4+$0xFFFFFFB0]  }
0x163: {  	v4 =	vld.idx.msk [tilespmem:v6+s25+$0x0], $0xffff  }
0x164: {  	v6 =	vld [tilespmem:s4+$0xFFFFFFA0]  }
0x165: {  	v8 =	vld [tilespmem:s4+$0xFFFFFFC0]  }
0x166: {  	v9 =	vld [tilespmem:s4+$0xFFFFFFE0]  }
0x167: {  	v10 =	vld [tilespmem:s4+$0x0];
	_ =	sdelay $0x1  }
0x168: {  	v3 =	vmul.f32 v3, v4;
	v6 =	vmul.f32 v6, v4  }
0x169: {  	v2 =	vmul.f32 v2, v4;
	v8 =	vmul.f32 v8, v4  }
0x16a: {  	v11 =	vmov s2;
	[tilespmem:s4+$0xFFFFFF90] =	vst v3;
	v3 =	vmul.f32 v7, v4;
	v7 =	vmul.f32 v9, v4  }
0x16b: {  	v9 =	vand.u32 $0xFFFFFFFC, v11;
	[tilespmem:s4+$0xFFFFFFB0] =	vst v2;
	v2 =	vmul.f32 v5, v4;
	v4 =	vmul.f32 v10, v4  }
0x16c: {  	v5 =	vbroadcast v9, $0x0;
	[tilespmem:s4+$0xFFFFFFD0] =	vst v3  }
0x16d: {  	[tilespmem:s4+$0x0] =	vst v4  }
0x16e: {  	v3 =	vld [tilespmem:s31+$0xFFFFFE50];
	[tilespmem:s4+$0xFFFFFFF0] =	vst v2  }
0x16f: {  	v2 =	vld [tilespmem:s31+$0xFFFFFE60];
	[tilespmem:s4+$0xFFFFFFA0] =	vst v6  }
0x170: {  	v4 =	vld [tilespmem:s31+$0xFFFFFE70];
	[tilespmem:s4+$0xFFFFFFC0] =	vst v8  }
0x171: {  	v6 =	vld [tilespmem:s31+$0xFFFFFE80];
	[tilespmem:s4+$0xFFFFFFE0] =	vst v7;
	s4 =	smov.u32 s31  }
0x172: {  	v5 =	vld.idx.msk [tilespmem:v5+s25+$0x0], $0xffff  }
0x173: {  	v7 =	vld [tilespmem:s31+$0xFFFFFE10]  }
0x174: {  	v8 =	vld [tilespmem:s31+$0xFFFFFE30]  }
0x175: {  	v9 =	vld [tilespmem:s31+$0xFFFFFE20]  }
0x176: {  	v10 =	vld [tilespmem:s31+$0xFFFFFE40];
	_ =	sdelay $0x1  }
0x177: {  	v6 =	vmul.f32 v6, v5;
	v7 =	vmul.f32 v7, v5  }
0x178: {  	s0 =	sadd.s32 $0x1, s2;
	v4 =	vmul.f32 v4, v5;
	v8 =	vmul.f32 v8, v5  }
0x179: {  	v2 =	vmul.f32 v2, v5;
	v9 =	vmul.f32 v9, v5;
	[tilespmem:s31+$0xFFFFFE80] =	vst v6;
	v6 =	vmov s0  }
0x17a: {  	v3 =	vmul.f32 v3, v5;
	[tilespmem:s31+$0xFFFFFE10] =	vst v7;
	v7 =	vmul.f32 v10, v5;
	v5 =	vand.u32 $0xFFFFFFFD, v6  }
0x17b: {  	[tilespmem:s31+$0xFFFFFE30] =	vst v8;
	v5 =	vbroadcast v5, $0x0  }
0x17c: {  	[tilespmem:s31+$0xFFFFFE60] =	vst v2  }
0x17d: {  	[tilespmem:s31+$0xFFFFFE50] =	vst v3;
	v2 =	vld [tilespmem:s31+$0xFFFFFF00]  }
0x17e: {  	[tilespmem:s31+$0xFFFFFE70] =	vst v4;
	v3 =	vld [tilespmem:s31+$0xFFFFFED0]  }
0x17f: {  	[tilespmem:s31+$0xFFFFFE40] =	vst v7;
	v4 =	vld [tilespmem:s31+$0xFFFFFEE0]  }
0x180: {  	[tilespmem:s31+$0xFFFFFE20] =	vst v9;
	v6 =	vld [tilespmem:s31+$0xFFFFFEA0]  }
0x181: {  	v5 =	vld.idx.msk [tilespmem:v5+s25+$0x0], $0xffff  }
0x182: {  	v7 =	vld [tilespmem:s31+$0xFFFFFE90]  }
0x183: {  	v8 =	vld [tilespmem:s31+$0xFFFFFEB0]  }
0x184: {  	v9 =	vld [tilespmem:s31+$0xFFFFFEC0]  }
0x185: {  	v10 =	vld [tilespmem:s31+$0xFFFFFEF0];
	_ =	sdelay $0x1  }
0x186: {  	v6 =	vmul.f32 v6, v5;
	v7 =	vmul.f32 v7, v5  }
0x187: {  	s0 =	sadd.s32 $0x2, s2;
	v4 =	vmul.f32 v4, v5;
	v8 =	vmul.f32 v8, v5  }
0x188: {  	v3 =	vmul.f32 v3, v5;
	[tilespmem:s31+$0xFFFFFEA0] =	vst v6;
	v6 =	vmul.f32 v9, v5;
	v9 =	vmov s0  }
0x189: {  	v2 =	vmul.f32 v2, v5;
	[tilespmem:s31+$0xFFFFFEB0] =	vst v8;
	v8 =	vmul.f32 v10, v5;
	v5 =	vand.u32 $0xFFFFFFFE, v9  }
0x18a: {  	[tilespmem:s31+$0xFFFFFE90] =	vst v7;
	v7 =	vbroadcast v5, $0x0  }
0x18b: {  	[tilespmem:s31+$0xFFFFFEC0] =	vst v6  }
0x18c: {  	[tilespmem:s31+$0xFFFFFED0] =	vst v3  }
0x18d: {  	[tilespmem:s31+$0xFFFFFEE0] =	vst v4  }
.Ltmp2:
0x18e: {  	[tilespmem:s31+$0xFFFFFF00] =	vst v2;
	v3 =	vld [tilespmem:s31+$0xFFFFFF50];
	(pc) =	sbr.rel @p1 .LBB2_7-.Ltmp2, $4  }
0x18f: {  	[tilespmem:s31+$0xFFFFFEF0] =	vst v8;
	v5 =	vld [tilespmem:s31+$0xFFFFFF70]  }
0x190: {  	v2 =	vld.idx.msk [tilespmem:v7+s25+$0x0], $0xffff  }
0x191: {  	v6 =	vld [tilespmem:s31+$0xFFFFFF10]  }
0x192: {  	v4 =	vld [tilespmem:s31+$0xFFFFFF20]  }
0x193: {  	_ =	sdelay $0x1  }
0x194: {  	v5 =	vmul.f32 v5, v2  }
0x195: {  	v7 =	vld [tilespmem:s4+$0xFFFFFF60];
	v3 =	vmul.f32 v3, v2  }
0x196: {  	v8 =	vld [tilespmem:s4+$0xFFFFFF80];
	v0 =	vmul.f32 v0, v2;
	[tilespmem:s4+$0xFFFFFF70] =	vst v5  }
0x197: {  	v48 =	vmul.f32 v1, v2;
	[tilespmem:s4+$0xFFFFFF50] =	vst v3  }
0x198: {  	s0 =	sadd.s32 $0x3, s2;
	v46 =	vmul.f32 v6, v2;
	[tilespmem:s4+$0xFFFFFF30] =	vst v0  }
0x199: {  	v49 =	vmov s0;
	v4 =	vmul.f32 v4, v2;
	[tilespmem:s4+$0xFFFFFF40] =	vst v48  }
0x19a: {  	v47 =	vmul.f32 v7, v2;
	[tilespmem:s4+$0xFFFFFF10] =	vst v46  }
0x19b: {  	v50 =	vmul.f32 v8, v2;
	[tilespmem:s4+$0xFFFFFF20] =	vst v4  }
0x19c: {  	[tilespmem:s4+$0xFFFFFF60] =	vst v47  }
0x19d: {  	v51 =	vld [tilespmem:s4+$0xFFFFFF90];
	[tilespmem:s4+$0xFFFFFF80] =	vst v50  }
0x19e: {  	v1 =	vld.idx.msk [tilespmem:v49+s25+$0x0], $0xffff  }
0x19f: {  	v52 =	vld [tilespmem:s4+$0xFFFFFFB0]  }
0x1a0: {  	v53 =	vld [tilespmem:s4+$0xFFFFFFD0]  }
0x1a1: {  	v54 =	vld [tilespmem:s4+$0x0]  }
0x1a2: {  	v55 =	vld [tilespmem:s4+$0xFFFFFFF0]  }
0x1a3: {  	v56 =	vld [tilespmem:s4+$0xFFFFFFA0];
	v0 =	vmul.f32 v51, v1  }
0x1a4: {  	v57 =	vld [tilespmem:s4+$0xFFFFFFC0];
	v2 =	vmul.f32 v52, v1  }
0x1a5: {  	v58 =	vld [tilespmem:s4+$0xFFFFFFE0];
	v59 =	vmul.f32 v53, v1;
	[tilespmem:s4+$0xFFFFFF90] =	vst v0  }
0x1a6: {  	v60 =	vmul.f32 v54, v1;
	[tilespmem:s4+$0xFFFFFFB0] =	vst v2  }
0x1a7: {  	v61 =	vmul.f32 v55, v1;
	[tilespmem:s4+$0xFFFFFFD0] =	vst v59  }
0x1a8: {  	v62 =	vmul.f32 v56, v1;
	[tilespmem:s4+$0x0] =	vst v60  }
0x1a9: {  	v63 =	vmul.f32 v57, v1;
	[tilespmem:s4+$0xFFFFFFF0] =	vst v61  }
0x1aa: {  	v1 =	vmul.f32 v58, v1;
	[tilespmem:s4+$0xFFFFFFA0] =	vst v62  }
0x1ab: {  	[tilespmem:s4+$0xFFFFFFC0] =	vst v63  }
0x1ac: {  	[tilespmem:s4+$0xFFFFFFE0] =	vst v1  }
0x1ad: {  	_ =	swait.ge [sflag:s16], $0x40  }
0x1ae: {  	[sflag:s16] =	ssyncset.done $0x0  }
0x1af: {  	s31 =	simm.s32 $0x40;
	s9 =	sadd.s32 $0x1, s9;
	[sflag:s16] =	ssyncadd.s32 $0xFFFFFFC0  }
0x1b0: {  	[spmem:s3] =	stream.indirect.scatter.add.f32 [tilespmem:s18], [sflag:$0x9], $0x80, s24, s31, $0xb8;
	[tilespmem:$0x17B00] =	vst v63  }
0x1b1: {  	p1 =	sne.s32 s9, s10;
	_ =	swait.ge [sflag:s20], $0x2000  }
.Ltmp3:
0x1b2: {  	[sflag:s20] =	ssyncset.done $0x0;
	(pc) =	sbr.rel @p1 .LBB2_2-.Ltmp3, $4  }
0x1b3: {  	[sflag:s20] =	ssyncadd.s32 $0xFFFFE000  }
0x1b4: {  	_ =	swait.ge [sflag:s19], $0x2000  }
0x1b5: {  	[sflag:s19] =	ssyncset.done $0x0  }
0x1b6: {  	[sflag:s19] =	ssyncadd.s32 $0xFFFFE000  }
0x1b7: {  	[bflag:$0x0] =	sbarrier.arrive $0xFFFF  }
0x1b8: {  	s28 =	rddreg [dreg:$0x8]  }
0x1b9: {  	s0 =	rddreg [dreg:$0xa]  }
0x1ba: {  	s9 =	simm.s32 $0xA;
	s4 =	rddreg [dreg:$0xd]  }
0x1bb: {  	[hbm:s0], [sflag:s28] =	dma.local [spmem:s4], $0x2700  }
0x1bc: {  	_ =	swait.ge [sflag:s9], $0x2700  }
0x1bd: {  	[sflag:s9] =	ssyncset.done $0x0;
	s0 =	rddreg [dreg:$0xb]  }
0x1be: {  	s31 =	rddreg [dreg:$0xe];
	[sflag:s9] =	ssyncadd.s32 $0xFFFFD900  }
0x1bf: {  	[hbm:s0], [sflag:s28] =	dma.local @!p0 [spmem:s31], $0x100  }
0x1c0: {  	s0 =	simm.s32 @!p0 $0xA  }
0x1c1: {  	_ =	swait.ge @!p0 [sflag:s0], $0x100  }
0x1c2: {  	s17 =	rddreg [dreg:$0x6]  }
0x1c3: {  	s2 =	rddreg [dreg:$0xc];
	s17 =	sadd.s32 $0x1, s17  }
0x1c4: {  	p1 =	sne.s32 s17, s2  }
.Ltmp4:
0x1c5: {  	_ = 	snop;
	(pc) =	sbr.rel @p1 .LBB2_1-.Ltmp4, $3  }
0x1c6: {  	_ =	sdelay $0x1  }
0x1c7: {  	[sflag:s0] =	ssyncset.done @!p0 $0x0  }
0x1c8: {  	[sflag:s0] =	ssyncadd.s32 @!p0 $0xFFFFFF00  }
0x1c9: {  	_ =	sfence.sel $0x180000  }
0x1ca: {  	[bflag:$0x0] =	sbarrier.arrive $0xFFFF  }
0x1cb: {  	_ =	strace $0x90000047  }
0x1cc: {  	s0 =	stileid.u32;
	[bflag:$0x2] =	sbarrier.arrive $0xFFFF  }
0x1cd: {  	p0 =	sne.s32 s0, $0x0;
	s0 =	rddreg [dreg:$0x5]  }
0x1ce: {  	s0 =	sadd.s32 @!p0 $0x100000, s0  }
0x1cf: {  	[sflag:s0] =	ssyncadd.tile.s32 @!p0 $0x1;
	_ =	shalt  }
.Lfunc_end2:
_tile_overlayer_lowered:
.L_overlay_start_2:
0x1d0: {  	(tag) =	ssettag $0x2  }
0x1d1: {  	s0 =	rddreg [dreg:$0x0];
	s2 =	stileid.u32  }
0x1d2: {  	s1 =	rddreg [dreg:$0x1];
	p0 =	sne.s32 s2, $0x0  }
0x1d3: {  	s3 =	rddreg [dreg:$0x2];
	[bflag:$0x3] =	sbarrier.arrive $0xFFFF;
	s2 =	simm.s32 @!p0 $0x1C0A  }
0x1d4: {  	[timem:s3], [sflag:s2] =	dma.local @!p0 [hbm:s0], s1  }
0x1d5: {  	s0 =	simm.s32 @!p0 $0xA  }
0x1d6: {  	_ =	swait.ge @!p0 [sflag:s0], s1  }
0x1d7: {  	s1 =	ssub.s32 @!p0 $0x0, s1;
	[sflag:s0] =	ssyncset.done @!p0 $0x0  }
0x1d8: {  	[sflag:s0] =	ssyncadd.s32 @!p0 s1  }
0x1d9: {  	[bflag:$0x3] =	sbarrier.arrive $0xFFFF  }
0x1da: {  	_ =	shalt  }

// kernel: kernel.9.cloned.1.call-start
scs
__scs_entry_jumppad:
0x0: {  	(pc) =	sbr.rel $0x88, $3  }
0x1: {  	(tag) =	ssettag $0x0;
	lr =	simm.s32 $0x1  }
0x2: {  	[smem:$0x3F98] =	sst lr;
	_ =	strace $0xD0000000  }
0x3: {  	_ = 	snop  }
0x4: {  	_ = 	snop  }
0x5: {  	_ = 	snop  }
0x6: {  	_ = 	snop  }
0x7: {  	_ = 	snop  }
__scs_overlays_trampoline_lowered:
0x8: {  	[smem:$0x3FA7] =	sst s0  }
0x9: {  	[smem:$0x3FA8] =	sst s1  }
0xa: {  	[smem:$0x3FA9] =	sst s2  }
0xb: {  	[smem:$0x3FAA] =	sst s3  }
0xc: {  	[smem:$0x3FAB] =	sst s4  }
0xd: {  	[smem:$0x3FAC] =	sst s5  }
0xe: {  	[smem:$0x3FAD] =	sst s6  }
0xf: {  	[smem:$0x3FAE] =	sst s7  }
0x10: {  	[smem:$0x3FAF] =	sst s8  }
0x11: {  	[smem:$0x3FB0] =	sst s9;
	s0 =	simm.s32 @!p0 $0x0  }
0x12: {  	s1 =	sld [smem:$0x3F96];
	s0 =	simm.s32 @p0 $0x1  }
0x13: {  	[smem:$0x3FB1] =	sst s0;
	s0 =	simm.s32 @!p1 $0x0  }
0x14: {  	s2 =	sld [smem:$0x3F95];
	s0 =	simm.s32 @p1 $0x1  }
0x15: {  	[smem:$0x3FB2] =	sst s0;
	s0 =	simm.s32 @!p2 $0x0  }
0x16: {  	s3 =	sld [smem:$0x3FDB];
	s0 =	simm.s32 @p2 $0x1  }
0x17: {  	s4 =	simm.s32 $0x1BF5;
	[smem:$0x3FB4] =	sst s0  }
0x18: {  	s0 =	sld [smem:$0x3F97];
	_ =	swait.ge [sflag:s4], $0x0  }
0x19: {  	s7 =	sld [smem:$0x3F98]  }
0x1a: {  	s8 =	sadd.s32 $0xFFFFE003, lr  }
0x1b: {  	s9 =	sadd.s32 $0xFFFFFEF7, lr;
	s5 =	simm.s32 $0xFFFFFFFF;
	p2 =	slt.u32 s8, $0xFFFFF086  }
0x1c: {  	p1 =	slt.u32 s9, $0xF7A;
	s5 =	simm.s32 @!p2 $0x0  }
0x1d: {  	s5 =	simm.s32 @p1 $0x1;
	p0 =	seq.s32 s7, s2  }
0x1e: {  	s7 =	smul.u32 @!p0 $0xF7A, s2;
	p2 =	seq.s32 @!p0 s5, $0x0  }
0x1f: {  	s9 =	smul.u32 $0xF7A, s1;
	s8 =	simm.s32 @!p0 $0x1BF5;
	p2 =	por !p2, p0  }
0x20: {  	[sflag:s8] =	ssyncset.s32 @!p0 $0xFFFFF086;
	s6 =	sadd.s32 @!p0 s3, s7;
	s7 =	simm.s32 @!p0 $0x108  }
0x21: {  	s3 =	sadd.s32 s3, s9;
	s6 =	sadd.s32 @!p0 $0x88, s6;
	s7 =	simm.s32 @p2 $0x1082  }
0x22: {  	[simem:s7], [sflag:s8] =	dma.local @!p0 [hbm:s6], $0xF7A  }
0x23: {  	s9 =	sor.u32 $0xD0000000, s2;
	s6 =	simm.s32 $0x108;
	_ =	swait.ge @!p0 [sflag:s8], $0x0  }
0x24: {  	s3 =	sadd.s32 $0x88, s3;
	s6 =	simm.s32 @!p1 $0x1082;
	[sflag:s4] =	ssyncset.s32 $0xFFFFF086  }
0x25: {  	[simem:s6], [sflag:s4] =	dma.local [hbm:s3], $0xF7A  }
0x26: {  	[smem:$0x3F98] =	sst s1;
	(tag) =	ssettag s2;
	_ =	strace s9  }
0x27: {  	s1 =	sld [smem:$0x3FA8]  }
0x28: {  	s2 =	sld [smem:$0x3FA9]  }
0x29: {  	s4 =	sld [smem:$0x3FAB]  }
0x2a: {  	p0 =	seq.s32 s5, $0x0;
	s5 =	sld [smem:$0x3FAC]  }
0x2b: {  	s6 =	sld [smem:$0x3FAD]  }
0x2c: {  	s7 =	sld [smem:$0x3FAE]  }
0x2d: {  	s3 =	simm.s32 $0x108;
	s8 =	sld [smem:$0x3FAF]  }
0x2e: {  	s3 =	simm.s32 @!p0 $0x1082;
	s9 =	sld [smem:$0x3FB0]  }
0x2f: {  	lr =	sadd.s32 s0, s3;
	s0 =	sld [smem:$0x3FA7]  }
0x30: {  	s3 =	sld [smem:$0x3FAA]  }
0x31: {  	[smem:$0x3FB3] =	sst s10  }
0x32: {  	s10 =	sld [smem:$0x3FB1];
	_ =	sdelay $0x3  }
0x33: {  	p0 =	seq.s32 s10, $0x1;
	s10 =	sld [smem:$0x3FB3];
	_ =	sdelay $0x3  }
0x34: {  	[smem:$0x3FB3] =	sst s10  }
0x35: {  	s10 =	sld [smem:$0x3FB2];
	_ =	sdelay $0x3  }
0x36: {  	p1 =	seq.s32 s10, $0x1;
	s10 =	sld [smem:$0x3FB3];
	_ =	sdelay $0x3  }
0x37: {  	[smem:$0x3FB3] =	sst s10  }
0x38: {  	s10 =	sld [smem:$0x3FB4]  }
0x39: {  	_ = 	snop;
	(pc) =	sbr.ind lr, $3  }
0x3a: {  	_ = 	snop  }
0x3b: {  	_ = 	snop  }
0x3c: {  	p2 =	seq.s32 s10, $0x1;
	s10 =	sld [smem:$0x3FB3]  }
0x3d: {  	_ =	shalt  }
0x3e: {  	_ =	shalt  }
0x3f: {  	_ =	shalt  }
0x40: {  	_ =	shalt  }
0x41: {  	_ =	shalt  }
0x42: {  	_ =	shalt  }
0x43: {  	_ =	shalt  }
0x44: {  	_ =	shalt  }
0x45: {  	_ =	shalt  }
0x46: {  	_ =	shalt  }
0x47: {  	_ =	shalt  }
0x48: {  	_ =	shalt  }
0x49: {  	_ =	shalt  }
0x4a: {  	_ =	shalt  }
0x4b: {  	_ =	shalt  }
0x4c: {  	_ =	shalt  }
0x4d: {  	_ =	shalt  }
0x4e: {  	_ =	shalt  }
0x4f: {  	_ =	shalt  }
0x50: {  	_ =	shalt  }
0x51: {  	_ =	shalt  }
0x52: {  	_ =	shalt  }
0x53: {  	_ =	shalt  }
0x54: {  	_ =	shalt  }
0x55: {  	_ =	shalt  }
0x56: {  	_ =	shalt  }
0x57: {  	_ =	shalt  }
0x58: {  	_ =	shalt  }
0x59: {  	_ =	shalt  }
0x5a: {  	_ =	shalt  }
0x5b: {  	_ =	shalt  }
0x5c: {  	_ =	shalt  }
0x5d: {  	_ =	shalt  }
0x5e: {  	_ =	shalt  }
0x5f: {  	_ =	shalt  }
0x60: {  	_ =	shalt  }
0x61: {  	_ =	shalt  }
0x62: {  	_ =	shalt  }
0x63: {  	_ =	shalt  }
0x64: {  	_ =	shalt  }
0x65: {  	_ =	shalt  }
0x66: {  	_ =	shalt  }
0x67: {  	_ =	shalt  }
0x68: {  	_ =	shalt  }
0x69: {  	_ =	shalt  }
0x6a: {  	_ =	shalt  }
0x6b: {  	_ =	shalt  }
0x6c: {  	_ =	shalt  }
0x6d: {  	_ =	shalt  }
0x6e: {  	_ =	shalt  }
0x6f: {  	_ =	shalt  }
0x70: {  	_ =	shalt  }
0x71: {  	_ =	shalt  }
0x72: {  	_ =	shalt  }
0x73: {  	_ =	shalt  }
0x74: {  	_ =	shalt  }
0x75: {  	_ =	shalt  }
0x76: {  	_ =	shalt  }
0x77: {  	_ =	shalt  }
0x78: {  	_ =	shalt  }
0x79: {  	_ =	shalt  }
0x7a: {  	_ =	shalt  }
0x7b: {  	_ =	shalt  }
0x7c: {  	_ =	shalt  }
0x7d: {  	_ =	shalt  }
0x7e: {  	_ =	shalt  }
0x7f: {  	_ =	shalt  }
0x80: {  	_ =	shalt  }
0x81: {  	_ =	shalt  }
0x82: {  	_ =	shalt  }
0x83: {  	_ =	shalt  }
0x84: {  	_ =	shalt  }
0x85: {  	_ =	shalt  }
0x86: {  	_ =	shalt  }
0x87: {  	_ =	shalt  }
.Lfunc_end0:
.L_simem_size_0:
called_computation.1_lowered:
.L_overlay_start_0:
0x88: {  	s2 =	sld [smem:$0x3FD9]  }
0x89: {  	s3 =	sld [smem:$0x3FFE];
	_ =	sdelay $0x1  }
0x8a: {  	s1 =	srdreg.scid  }
0x8b: {  	s0 =	sand.u32 $0x1, s1  }
0x8c: {  	s17 =	sshll.u32 s0, $0xA;
	s2 =	sadd.s32 s3, s2  }
0x8d: {  	s2 =	sadd.s32 s2, s17  }
0x8e: {  	[smem:$0x3FBF] =	sst s2  }
0x8f: {  	_ = 	snop  }
0x90: {  	s2 =	sld [smem:$0x3FC7]  }
0x91: {  	s18 =	sld [smem:$0x3FD0];
	(tm) =	ssettm $0x1  }
0x92: {  	s4 =	sld [smem:$0x3FFB];
	_ =	sdelay $0x3  }
0x93: {  	_ =	strace s4  }
0x94: {  	s4 =	sld [smem:$0x3FFC];
	_ =	sdelay $0x3  }
0x95: {  	_ =	strace s4  }
0x96: {  	s4 =	sld [smem:$0x3FFD];
	_ =	sdelay $0x3  }
0x97: {  	_ =	strace s4  }
0x98: {  	_ =	strace $0x8FFFFFFF  }
0x99: {  	s19 =	sld [smem:$0x3FDB];
	_ =	sdelay $0x1  }
0x9a: {  	s5 =	simm.s32 $_scs_section_size  }
0x9b: {  	s6 =	simm.s32 $_size__tile_overlayer_lowered;
	s7 =	simm.s32 $_tile_overlayer_lowered  }
0x9c: {  	s22 =	simm.s32 $0x1BFF;
	s21 =	sshll.u32 s7, $0x1;
	s4 =	sadd.s32 s5, s19  }
0x9d: {  	s8 =	simm.s32 $0x0;
	s20 =	sshll.u32 s6, $0x1;
	s6 =	sadd.s32 s21, s4  }
0x9e: {  	[timem:s8], [sflag:s22] =	dma.local [hbm:s6], s20  }
0x9f: {  	_ =	swait.ge [sflag:s22], s20  }
0xa0: {  	s5 =	ssub.s32 $0x0, s20;
	[sflag:s22] =	ssyncset.done $0x0  }
0xa1: {  	[sflag:s22] =	ssyncadd.s32 s5;
	_ =	sdelay $0x1  }
0xa2: {  	s23 =	simm.s32 $0x1B8B  }
0xa3: {  	_ =	swait.ge [sflag:s23], $0x1  }
0xa4: {  	[sflag:s23] =	ssyncset.done $0x0  }
0xa5: {  	s25 =	simm.s32 $0x1B8E;
	s24 =	sld [smem:$0x3FFE];
	[sflag:s23] =	ssyncadd.s32 $0xFFFFFFFF  }
0xa6: {  	s26 =	simm.s32 $execute0_lowered;
	[smem:$0x3FD2] =	sst s25  }
0xa7: {  	s6 =	sshll.u32 s26, $0x1;
	_ =	strace $0x80000049;
	[dreg:$0x1] =	wrdreg $0xFFFFFFFF  }
0xa8: {  	s28 =	simm.s32 $_size_execute0_lowered;
	s4 =	sadd.s32 s4, s6;
	[dreg:$0x0] =	wrdreg $0x0  }
0xa9: {  	s6 =	sshll.u32 s28, $0x1;
	[dreg:$0x2] =	wrdreg s4  }
0xaa: {  	[dreg:$0x3] =	wrdreg s6  }
0xab: {  	[dreg:$0x4] =	wrdreg $0xC0  }
0xac: {  	_ =	task [dreg:s8], $0x5FFFF  }
0xad: {  	[dreg:$0x1] =	wrdreg $0xFFFFFFFF  }
0xae: {  	[dreg:$0x0] =	wrdreg $0x60  }
0xaf: {  	[dreg:$0x2] =	wrdreg s24  }
0xb0: {  	[dreg:$0x3] =	wrdreg s2  }
0xb1: {  	[dreg:$0x4] =	wrdreg s18  }
0xb2: {  	[dreg:$0x5] =	wrdreg $0x0  }
0xb3: {  	[dreg:$0x6] =	wrdreg $0x9  }
0xb4: {  	_ =	task.clear_ibuf [dreg:s8], $0x7FFFF;
	_ =	strace $0x90000049  }
0xb5: {  	s29 =	simm.s32 $0x9;
	_ =	strace $0x8000004B  }
0xb6: {  	_ =	swait.ge [sflag:s29], $0x1  }
0xb7: {  	[sflag:s29] =	ssyncadd.s32 $0xFFFFFFFF  }
0xb8: {  	_ =	strace $0x9000004B  }
0xb9: {  	_ =	sfence  }
0xba: {  	s30 =	sld [smem:$0x0];
	_ =	sdelay $0x2  }
0xbb: {  	s31 =	sshll.u32 s1, $0xD;
	s1 =	sshrl.u32 s1, $0x2  }
0xbc: {  	s3 =	sand.u32 $0x4000, s31;
	s1 =	sadd.s32 s1, s30  }
0xbd: {  	s0 =	sor.u32 s3, s0;
	s1 =	sshll.u32 s1, $0x11  }
0xbe: {  	s0 =	sor.u32 s1, s0  }
0xbf: {  	s0 =	sadd.s32 $0x8F2B, s0  }
0xc0: {  	[sflag:s0] =	ssyncadd.remote.s32 $0x1  }
0xc1: {  	_ =	sfence.sel $0xFFFF  }
0xc2: {  	[dreg:$0x0] =	wrdreg $0xFFFFFFFF;
	(pc) =	sbr.abs _section_cstart, $3  }
0xc3: {  	[dreg:$0x1] =	wrdreg $0xFFFFFFFF  }
0xc4: {  	_ =	task.clear_ibuf [dreg:s8], $0x2FFFF;
	_ =	strace $0x9FFFFFFF  }
0xc5: {  	(tm) =	ssettm $0x7FFFFFFF  }
tec
execute0_lowered:
.L_overlay_start_1:
0x0: {  	(tag) =	ssettag $0x1  }
0x1: {  	s0 =	rddreg [dreg:$0x0]  }
0x2: {  	s1 =	rddreg [dreg:$0x2]  }
0x3: {  	s2 =	rddreg [dreg:$0x3]  }
0x4: {  	s17 =	simm.s32 $0x0;
	s3 =	srdreg.scid;
	s18 =	stileid.u32  }
0x5: {  	s29 =	simm.s32 $0x13B00;
	s30 =	simm.s32 $0x2;
	[smem:$0x7FF] =	sst s17  }
0x6: {  	s5 =	sadd.s32 $0x15800, s0;
	s6 =	sadd.s32 $0xBA00, s0;
	s3 =	sand.u32 $0x1, s3  }
0x7: {  	s7 =	sadd.s32 $0x1C00, s0;
	s8 =	smul.u32 $0x4E000, s18;
	s10 =	sshll.u32 s18, $0x1  }
0x8: {  	s11 =	smul.u32 $0x13800, s18;
	s15 =	sadd.s32 $0x3CA00, s0;
	s12 =	sshll.u32 s18, $0x6  }
0x9: {  	s16 =	sadd.s32 $0x138000, s2;
	p0 =	slt.u32 s18, $0x2;
	s13 =	sadd.s32 $0xBA04, s0  }
0xa: {  	s14 =	sadd.s32 $0x1C08, s0;
	_ =	strace $0x8000004A;
	s4 =	ssub.s32 $0x2, s3  }
0xb: {  	s19 =	sor.u32 s3, s10;
	s28 =	sor.u32 $0x1C0A, s12;
	s3 =	smul.u32 $0x138800, s3  }
0xc: {  	s9 =	sshrl.u32 s4, $0x1;
	s8 =	sshrl.u32 s8, $0x2;
	s20 =	sshrl.u32 s11, $0x3  }
0xd: {  	s21 =	smul.u32 $0x4E, s19;
	[dreg:$0x7] =	wrdreg s28;
	s4 =	ssub.s32 s4, s9  }
0xe: {  	s8 =	sadd.s32 s8, s2;
	s10 =	sadd.s32 s1, s20;
	s9 =	smin.u32 s19, $0x4  }
0xf: {  	s1 =	sadd.s32 $0x27000, s1;
	s22 =	sadd.s32 s11, s3;
	s3 =	sshrl.u32 s3, $0x3  }
0x10: {  	s11 =	simm.s32 $0x7;
	s20 =	simm.s32 $0x8;
	[dreg:$0x6] =	wrdreg s10  }
0x11: {  	s19 =	simm.s32 $0x9;
	s10 =	simm.s32 $0x4F;
	[dreg:$0x8] =	wrdreg s1  }
0x12: {  	s12 =	sadd.s32 s9, s21;
	s23 =	sshrl.u32 s22, $0x3;
	s24 =	sadd.s32 s15, s3  }
0x13: {  	s26 =	smax.u32 s4, $0x1;
	s3 =	sshrl.u32 s8, $0x3;
	s9 =	simm.s32 $0xA  }
0x14: {  	s21 =	simm.s32 $0x13880;
	s22 =	simm.s32 $0x13900;
	s4 =	simm.s32 $0x5  }
0x15: {  	s8 =	simm.s32 $0x6;
	s10 =	simm.s32 @!p0 $0x4E;
	s0 =	sadd.s32 s15, s23  }
0x16: {  	s25 =	sadd.s32 $0x27000, s24;
	[dreg:$0xb] =	wrdreg s26;
	p0 =	sne.s32 s18, $0xF  }
0x17: {  	s23 =	simm.s32 $0x13980;
	s24 =	simm.s32 $0x13A00;
	[dreg:$0xc] =	wrdreg s3  }
0x18: {  	s26 =	simm.s32 $0x1;
	s15 =	simm.s32 $0x3;
	[dreg:$0x9] =	wrdreg s0  }
0x19: {  	s18 =	simm.s32 $0x15B00;
	[dreg:$0xa] =	wrdreg s25;
	s31 =	sshrl.u32 @!p0 s16, $0x3  }
0x1a: {  	s25 =	simm.s32 $0x13A80;
	s16 =	simm.s32 $0x4;
	[dreg:$0xd] =	wrdreg s31  }
.LBB2_1:
0x1b: {  	[dreg:$0x5] =	wrdreg s17  }
0x1c: {  	s0 =	rddreg [dreg:$0x6]  }
0x1d: {  	[spmem:s3], [sflag:s28] =	dma.local [hbm:s0], $0x2700  }
0x1e: {  	_ =	swait.ge [sflag:s9], $0x2700  }
0x1f: {  	[sflag:s9] =	ssyncset.done $0x0  }
0x20: {  	s1 =	simm.s32 @!p0 $0xA;
	s0 =	rddreg [dreg:$0x8];
	[sflag:s9] =	ssyncadd.s32 $0xFFFFD900  }
0x21: {  	[spmem:s31], [sflag:s28] =	dma.local @!p0 [hbm:s0], $0x100  }
0x22: {  	_ =	swait.ge @!p0 [sflag:s1], $0x100  }
0x23: {  	[sflag:s1] =	ssyncset.done @!p0 $0x0  }
0x24: {  	[sflag:s1] =	ssyncadd.s32 @!p0 $0xFFFFFF00  }
0x25: {  	s9 =	simm.s32 $0x0;
	[bflag:$0x0] =	sbarrier.arrive $0xFFFF  }
.LBB2_2:
0x26: {  	s1 =	sadd.s32 s9, s12  }
0x27: {  	s1 =	sshll.u32 s1, $0x4  }
0x28: {  	s3 =	sand.u32 $0x1FFFFFF0, s1  }
0x29: {  	s1 =	simm.s32 $0x0;
	s28 =	sadd.s32 s6, s3  }
0x2a: {  	[tilespmem:s21], [sflag:$0x1] =	stream.linear.gather [hbm4b:s28+s1], $0x20, $0x38;
	[tilespmem:$0x17B00] =	vst v63  }
0x2b: {  	s28 =	sadd.s32 s3, s13  }
0x2c: {  	[tilespmem:s22], [sflag:$0x2] =	stream.linear.gather [hbm4b:s28+s1], $0x60, $0x38;
	[tilespmem:$0x17B00] =	vst v63  }
0x2d: {  	s28 =	sadd.s32 s7, s3  }
0x2e: {  	[tilespmem:s23], [sflag:$0x3] =	stream.linear.gather [hbm4b:s28+s1], $0x40, $0x38;
	[tilespmem:$0x17B00] =	vst v63  }
0x2f: {  	s0 =	rddreg [dreg:$0x1];
	s28 =	sadd.s32 s3, s14  }
0x30: {  	[tilespmem:s24], [sflag:$0x4] =	stream.linear.gather [hbm4b:s28+s1], $0x40, $0x38;
	[tilespmem:$0x17B00] =	vst v63  }
0x31: {  	s3 =	sadd.s32 s0, s3  }
0x32: {  	[tilespmem:s25], [sflag:$0x5] =	stream.linear.gather [hbm4b:s3+s1], $0x80, $0x38;
	[tilespmem:$0x17B00] =	vst v63  }
0x33: {  	_ =	swait.ge [sflag:s26], $0x20  }
0x34: {  	[sflag:s26] =	ssyncset.done $0x0  }
0x35: {  	s17 =	simm.s32 $0x20;
	[sflag:s26] =	ssyncadd.s32 $0xFFFFFFE0  }
0x36: {  	[tilespmem:s29], [sflag:$0x6] =	stream.indirect.gather [hbm4b:s5+s17], $0x80, s21, s17, $0xb8;
	[tilespmem:$0x17B00] =	vst v63  }
0x37: {  	_ =	swait.ge [sflag:s30], $0x60  }
0x38: {  	[sflag:s30] =	ssyncset.done $0x0  }
0x39: {  	s3 =	simm.s32 $0x60;
	s17 =	simm.s32 $0x14B00;
	[sflag:s30] =	ssyncadd.s32 $0xFFFFFFA0  }
0x3a: {  	v0 =	vmov s1;
	[tilespmem:s17], [sflag:$0x7] =	stream.indirect.gather [hbm4b:s5+s3], $0x80, s22, s3, $0xb8;
	[tilespmem:$0x17B00] =	vst v63  }
0x3b: {  	v0 =	vand.u32 $0xFFFFFFFC, v0;
	_ =	swait.ge [sflag:s4], $0x80  }
0x3c: {  	v0 =	vbroadcast v0, $0x0;
	[sflag:s4] =	ssyncset.done $0x0  }
0x3d: {  	[sflag:s4] =	ssyncadd.s32 $0xFFFFFF80  }
0x3e: {  	_ =	swait.ge [sflag:s8], $0x1000  }
0x3f: {  	[sflag:s8] =	ssyncset.done $0x0  }
0x40: {  	s3 =	simm.s32 $0x13C00;
	[sflag:s8] =	ssyncadd.s32 $0xFFFFF000  }
0x41: {  	v1 =	vld [tilespmem:s3+$0xFFFFFF70]  }
0x42: {  	v0 =	vld.idx.msk [tilespmem:v0+s25+$0x0], $0xffff  }
0x43: {  	v2 =	vld [tilespmem:s3+$0xFFFFFF00]  }
0x44: {  	v3 =	vld [tilespmem:s3+$0xFFFFFF20]  }
0x45: {  	v4 =	vld [tilespmem:s3+$0xFFFFFF50]  }
0x46: {  	v5 =	vld [tilespmem:s3+$0xFFFFFF40]  }
0x47: {  	v6 =	vld [tilespmem:s3+$0xFFFFFF60];
	v1 =	vmul.f32 v1, v0  }
0x48: {  	s28 =	simm.s32 $0x1;
	v7 =	vld [tilespmem:s3+$0xFFFFFF30];
	v2 =	vmul.f32 v2, v0  }
0x49: {  	v8 =	vld [tilespmem:s3+$0xFFFFFF10];
	v3 =	vmul.f32 v3, v0;
	[tilespmem:s3+$0xFFFFFF70] =	vst v1;
	v1 =	vmov s28  }
0x4a: {  	v4 =	vmul.f32 v4, v0;
	[tilespmem:s3+$0xFFFFFF00] =	vst v2;
	v1 =	vand.u32 $0xFFFFFFFD, v1  }
0x4b: {  	v2 =	vmul.f32 v5, v0;
	[tilespmem:s3+$0xFFFFFF20] =	vst v3;
	v1 =	vbroadcast v1, $0x0  }
0x4c: {  	v3 =	vmul.f32 v6, v0;
	[tilespmem:s3+$0xFFFFFF50] =	vst v4  }
0x4d: {  	v4 =	vmul.f32 v7, v0;
	[tilespmem:s3+$0xFFFFFF40] =	vst v2  }
0x4e: {  	v0 =	vmul.f32 v8, v0;
	[tilespmem:s3+$0xFFFFFF60] =	vst v3  }
0x4f: {  	[tilespmem:s3+$0xFFFFFF30] =	vst v4  }
0x50: {  	[tilespmem:s3+$0xFFFFFF10] =	vst v0;
	v0 =	vld [tilespmem:s3+$0xFFFFFF90]  }
0x51: {  	v2 =	vld.idx.msk [tilespmem:v1+s25+$0x0], $0xffff  }
0x52: {  	v1 =	vld [tilespmem:s3+$0xFFFFFFA0]  }
0x53: {  	v3 =	vld [tilespmem:s3+$0xFFFFFF80]  }
0x54: {  	v4 =	vld [tilespmem:s3+$0xFFFFFFB0]  }
0x55: {  	v5 =	vld [tilespmem:s3+$0xFFFFFFC0]  }
0x56: {  	v6 =	vld [tilespmem:s3+$0xFFFFFFD0];
	v0 =	vmul.f32 v0, v2  }
0x57: {  	v7 =	vld [tilespmem:s3+$0xFFFFFFF0];
	s28 =	simm.s32 $0x2;
	v1 =	vmul.f32 v1, v2  }
0x58: {  	v8 =	vld [tilespmem:s3+$0xFFFFFFE0];
	v3 =	vmul.f32 v3, v2;
	[tilespmem:s3+$0xFFFFFF90] =	vst v0;
	v0 =	vmov s28  }
0x59: {  	v4 =	vmul.f32 v4, v2;
	[tilespmem:s3+$0xFFFFFFA0] =	vst v1;
	v0 =	vand.u32 $0xFFFFFFFE, v0  }
0x5a: {  	v1 =	vmul.f32 v5, v2;
	[tilespmem:s3+$0xFFFFFF80] =	vst v3;
	v5 =	vld [tilespmem:s3+$0x60];
	v9 =	vbroadcast v0, $0x0  }
0x5b: {  	v3 =	vmul.f32 v6, v2;
	[tilespmem:s3+$0xFFFFFFB0] =	vst v4;
	v6 =	vld [tilespmem:s3+$0x0]  }
0x5c: {  	v4 =	vmul.f32 v7, v2;
	v0 =	vld [tilespmem:s3+$0x20];
	[tilespmem:s3+$0xFFFFFFC0] =	vst v1  }
0x5d: {  	v2 =	vmul.f32 v8, v2;
	v1 =	vld [tilespmem:s3+$0x30];
	[tilespmem:s3+$0xFFFFFFD0] =	vst v3  }
0x5e: {  	[tilespmem:s3+$0xFFFFFFF0] =	vst v4;
	v3 =	vld [tilespmem:s3+$0x40]  }
0x5f: {  	[tilespmem:s3+$0xFFFFFFE0] =	vst v2;
	v4 =	vld [tilespmem:s3+$0x10]  }
0x60: {  	s31 =	simm.s32 $0x13C00;
	s28 =	simm.s32 $0x4;
	v2 =	vld.idx.msk [tilespmem:v9+s25+$0x0], $0xffff  }
.LBB2_3:
0x61: {  	p1 =	slt.u32 s28, $0x1C  }
0x62: {  	v7 =	vld [tilespmem:s3+$0x50];
	s31 =	sadd.s32 $0x200, s31;
	s0 =	smov.u32 s28;
	s28 =	sadd.s32 $0x4, s28  }
0x63: {  	v8 =	vld [tilespmem:s3+$0x70];
	_ =	sdelay $0x1  }
0x64: {  	v5 =	vmul.f32 v5, v2;
	v6 =	vmul.f32 v6, v2  }
0x65: {  	v3 =	vmul.f32 v3, v2;
	v4 =	vmul.f32 v4, v2  }
0x66: {  	v0 =	vmul.f32 v0, v2;
	v1 =	vmul.f32 v1, v2;
	[tilespmem:s3+$0x60] =	vst v5  }
0x67: {  	[tilespmem:s3+$0x40] =	vst v3;
	v3 =	vmul.f32 v7, v2;
	v2 =	vmul.f32 v8, v2  }
0x68: {  	s17 =	sadd.s32 $0x3, s1;
	s1 =	smov.u32 s0;
	[tilespmem:s3+$0x20] =	vst v0;
	v5 =	vld [tilespmem:s3+$0x80]  }
0x69: {  	v0 =	vld [tilespmem:s31+$0x20];
	[tilespmem:s3+$0x0] =	vst v6;
	v6 =	vmov s17  }
0x6a: {  	[tilespmem:s3+$0x50] =	vst v3;
	v3 =	vld [tilespmem:s3+$0xE0]  }
0x6b: {  	[tilespmem:s3+$0x30] =	vst v1;
	v7 =	vld [tilespmem:s3+$0xC0]  }
0x6c: {  	v1 =	vld [tilespmem:s31+$0x30];
	[tilespmem:s3+$0x10] =	vst v4  }
0x6d: {  	[tilespmem:s3+$0x70] =	vst v2;
	v2 =	vld [tilespmem:s3+$0xA0]  }
0x6e: {  	v4 =	vld.idx.msk [tilespmem:v6+s25+$0x0], $0xffff  }
0x6f: {  	v6 =	vld [tilespmem:s3+$0x90]  }
0x70: {  	v8 =	vld [tilespmem:s3+$0xB0]  }
0x71: {  	v9 =	vld [tilespmem:s3+$0xD0]  }
0x72: {  	v10 =	vld [tilespmem:s3+$0xF0];
	_ =	sdelay $0x1  }
0x73: {  	v5 =	vmul.f32 v5, v4;
	v6 =	vmul.f32 v6, v4  }
0x74: {  	v2 =	vmul.f32 v2, v4;
	v8 =	vmul.f32 v8, v4  }
0x75: {  	v11 =	vmov s1;
	[tilespmem:s3+$0x80] =	vst v5;
	v5 =	vmul.f32 v7, v4;
	v7 =	vmul.f32 v9, v4  }
0x76: {  	v9 =	vand.u32 $0xFFFFFFFC, v11;
	[tilespmem:s3+$0xA0] =	vst v2;
	v2 =	vmul.f32 v3, v4;
	v3 =	vmul.f32 v10, v4  }
0x77: {  	v4 =	vbroadcast v9, $0x0;
	[tilespmem:s3+$0xC0] =	vst v5  }
0x78: {  	[tilespmem:s3+$0xF0] =	vst v3  }
0x79: {  	v3 =	vld [tilespmem:s31+$0xFFFFFF40];
	[tilespmem:s3+$0xE0] =	vst v2  }
0x7a: {  	v2 =	vld [tilespmem:s31+$0xFFFFFF50];
	[tilespmem:s3+$0x90] =	vst v6  }
0x7b: {  	v5 =	vld [tilespmem:s31+$0xFFFFFF60];
	[tilespmem:s3+$0xB0] =	vst v8  }
0x7c: {  	v6 =	vld [tilespmem:s31+$0xFFFFFF70];
	[tilespmem:s3+$0xD0] =	vst v7;
	s3 =	smov.u32 s31  }
0x7d: {  	v4 =	vld.idx.msk [tilespmem:v4+s25+$0x0], $0xffff  }
0x7e: {  	v7 =	vld [tilespmem:s31+$0xFFFFFF00]  }
0x7f: {  	v8 =	vld [tilespmem:s31+$0xFFFFFF20]  }
0x80: {  	v9 =	vld [tilespmem:s31+$0xFFFFFF10]  }
0x81: {  	v10 =	vld [tilespmem:s31+$0xFFFFFF30];
	_ =	sdelay $0x1  }
0x82: {  	v6 =	vmul.f32 v6, v4;
	v7 =	vmul.f32 v7, v4  }
0x83: {  	s0 =	sadd.s32 $0x1, s1;
	v5 =	vmul.f32 v5, v4;
	v8 =	vmul.f32 v8, v4  }
0x84: {  	v2 =	vmul.f32 v2, v4;
	v9 =	vmul.f32 v9, v4;
	[tilespmem:s31+$0xFFFFFF70] =	vst v6;
	v6 =	vmov s0  }
0x85: {  	v3 =	vmul.f32 v3, v4;
	[tilespmem:s31+$0xFFFFFF00] =	vst v7;
	v7 =	vmul.f32 v10, v4;
	v4 =	vand.u32 $0xFFFFFFFD, v6  }
0x86: {  	[tilespmem:s31+$0xFFFFFF20] =	vst v8;
	v4 =	vbroadcast v4, $0x0  }
0x87: {  	[tilespmem:s31+$0xFFFFFF50] =	vst v2  }
0x88: {  	[tilespmem:s31+$0xFFFFFF40] =	vst v3;
	v2 =	vld [tilespmem:s31+$0xFFFFFFF0]  }
0x89: {  	[tilespmem:s31+$0xFFFFFF60] =	vst v5;
	v3 =	vld [tilespmem:s31+$0xFFFFFFC0]  }
0x8a: {  	[tilespmem:s31+$0xFFFFFF30] =	vst v7;
	v5 =	vld [tilespmem:s31+$0xFFFFFFD0]  }
0x8b: {  	[tilespmem:s31+$0xFFFFFF10] =	vst v9;
	v6 =	vld [tilespmem:s31+$0xFFFFFF90]  }
0x8c: {  	v4 =	vld.idx.msk [tilespmem:v4+s25+$0x0], $0xffff  }
0x8d: {  	v7 =	vld [tilespmem:s31+$0xFFFFFF80]  }
0x8e: {  	v8 =	vld [tilespmem:s31+$0xFFFFFFA0]  }
0x8f: {  	v9 =	vld [tilespmem:s31+$0xFFFFFFB0]  }
0x90: {  	v10 =	vld [tilespmem:s31+$0xFFFFFFE0];
	_ =	sdelay $0x1  }
0x91: {  	v6 =	vmul.f32 v6, v4;
	v7 =	vmul.f32 v7, v4  }
0x92: {  	s0 =	sadd.s32 $0x2, s1;
	v5 =	vmul.f32 v5, v4;
	v8 =	vmul.f32 v8, v4  }
0x93: {  	v3 =	vmul.f32 v3, v4;
	[tilespmem:s31+$0xFFFFFF90] =	vst v6;
	v6 =	vmul.f32 v9, v4;
	v9 =	vmov s0  }
0x94: {  	v2 =	vmul.f32 v2, v4;
	[tilespmem:s31+$0xFFFFFFA0] =	vst v8;
	v8 =	vmul.f32 v10, v4;
	v4 =	vand.u32 $0xFFFFFFFE, v9  }
0x95: {  	[tilespmem:s31+$0xFFFFFF80] =	vst v7;
	v4 =	vbroadcast v4, $0x0  }
0x96: {  	[tilespmem:s31+$0xFFFFFFB0] =	vst v6  }
0x97: {  	[tilespmem:s31+$0xFFFFFFC0] =	vst v3  }
0x98: {  	[tilespmem:s31+$0xFFFFFFD0] =	vst v5  }
.Ltmp0:
0x99: {  	[tilespmem:s31+$0xFFFFFFF0] =	vst v2;
	v3 =	vld [tilespmem:s31+$0x40];
	(pc) =	sbr.rel @p1 .LBB2_3-.Ltmp0, $4  }
0x9a: {  	[tilespmem:s31+$0xFFFFFFE0] =	vst v8;
	v5 =	vld [tilespmem:s31+$0x60]  }
0x9b: {  	v2 =	vld.idx.msk [tilespmem:v4+s25+$0x0], $0xffff  }
0x9c: {  	v6 =	vld [tilespmem:s31+$0x0]  }
0x9d: {  	v4 =	vld [tilespmem:s31+$0x10]  }
0x9e: {  	_ =	sdelay $0x1  }
0x9f: {  	v5 =	vmul.f32 v5, v2  }
0xa0: {  	v7 =	vld [tilespmem:s3+$0x50];
	v3 =	vmul.f32 v3, v2  }
0xa1: {  	v8 =	vld [tilespmem:s3+$0x70];
	v0 =	vmul.f32 v0, v2;
	[tilespmem:s3+$0x60] =	vst v5  }
0xa2: {  	v5 =	vmul.f32 v6, v2;
	[tilespmem:s3+$0x40] =	vst v3  }
0xa3: {  	s0 =	sadd.s32 $0x3, s1;
	[tilespmem:s3+$0x20] =	vst v0;
	v0 =	vmul.f32 v1, v2  }
0xa4: {  	v4 =	vmul.f32 v4, v2;
	[tilespmem:s3+$0x0] =	vst v5;
	v5 =	vmov s0  }
0xa5: {  	v3 =	vmul.f32 v7, v2;
	[tilespmem:s3+$0x30] =	vst v0  }
0xa6: {  	v2 =	vmul.f32 v8, v2;
	[tilespmem:s3+$0x10] =	vst v4  }
0xa7: {  	[tilespmem:s3+$0x50] =	vst v3  }
0xa8: {  	v1 =	vld [tilespmem:s3+$0x80];
	[tilespmem:s3+$0x70] =	vst v2  }
0xa9: {  	v0 =	vld.idx.msk [tilespmem:v5+s25+$0x0], $0xffff  }
0xaa: {  	v2 =	vld [tilespmem:s3+$0xA0]  }
0xab: {  	v3 =	vld [tilespmem:s3+$0xC0]  }
0xac: {  	v4 =	vld [tilespmem:s3+$0xF0]  }
0xad: {  	v5 =	vld [tilespmem:s3+$0xE0]  }
0xae: {  	v6 =	vld [tilespmem:s3+$0x90];
	v1 =	vmul.f32 v1, v0  }
0xaf: {  	v7 =	vld [tilespmem:s3+$0xB0];
	v2 =	vmul.f32 v2, v0  }
0xb0: {  	v8 =	vld [tilespmem:s3+$0xD0];
	[tilespmem:s3+$0x80] =	vst v1;
	v1 =	vmul.f32 v3, v0  }
0xb1: {  	[tilespmem:s3+$0xA0] =	vst v2;
	v2 =	vmul.f32 v4, v0  }
0xb2: {  	v3 =	vmul.f32 v5, v0;
	[tilespmem:s3+$0xC0] =	vst v1  }
0xb3: {  	s1 =	simm.s32 $0x20;
	v1 =	vmul.f32 v6, v0;
	[tilespmem:s3+$0xF0] =	vst v2  }
0xb4: {  	v2 =	vmul.f32 v7, v0;
	[tilespmem:s3+$0xE0] =	vst v3;
	v3 =	vmov s1  }
0xb5: {  	v0 =	vmul.f32 v8, v0;
	[tilespmem:s3+$0x90] =	vst v1;
	v1 =	vand.u32 $0xFFFFFFFC, v3  }
0xb6: {  	[tilespmem:s3+$0xB0] =	vst v2;
	v1 =	vbroadcast v1, $0x0  }
0xb7: {  	[tilespmem:s3+$0xD0] =	vst v0  }
0xb8: {  	_ =	swait.ge [sflag:s11], $0x3000  }
0xb9: {  	[sflag:s11] =	ssyncset.done $0x0  }
0xba: {  	s3 =	simm.s32 $0x14CF0;
	[sflag:s11] =	ssyncadd.s32 $0xFFFFD000  }
0xbb: {  	v0 =	vld [tilespmem:s3+$0xFFFFFE80]  }
0xbc: {  	v1 =	vld.idx.msk [tilespmem:v1+s25+$0x0], $0xffff  }
0xbd: {  	v2 =	vld [tilespmem:s3+$0xFFFFFE10]  }
0xbe: {  	v3 =	vld [tilespmem:s3+$0xFFFFFE30]  }
0xbf: {  	v4 =	vld [tilespmem:s3+$0xFFFFFE60]  }
0xc0: {  	v5 =	vld [tilespmem:s3+$0xFFFFFE50]  }
0xc1: {  	v6 =	vld [tilespmem:s3+$0xFFFFFE70];
	v0 =	vmul.f32 v0, v1  }
0xc2: {  	s17 =	simm.s32 $0x21;
	v7 =	vld [tilespmem:s3+$0xFFFFFE40];
	v2 =	vmul.f32 v2, v1  }
0xc3: {  	v8 =	vld [tilespmem:s3+$0xFFFFFE20];
	v3 =	vmul.f32 v3, v1;
	[tilespmem:s3+$0xFFFFFE80] =	vst v0;
	v0 =	vmov s17  }
0xc4: {  	v4 =	vmul.f32 v4, v1;
	[tilespmem:s3+$0xFFFFFE10] =	vst v2;
	v0 =	vand.u32 $0xFFFFFFFD, v0  }
0xc5: {  	v2 =	vmul.f32 v5, v1;
	[tilespmem:s3+$0xFFFFFE30] =	vst v3;
	v0 =	vbroadcast v0, $0x0  }
0xc6: {  	v3 =	vmul.f32 v6, v1;
	[tilespmem:s3+$0xFFFFFE60] =	vst v4  }
0xc7: {  	v4 =	vmul.f32 v7, v1;
	[tilespmem:s3+$0xFFFFFE50] =	vst v2  }
0xc8: {  	v1 =	vmul.f32 v8, v1;
	[tilespmem:s3+$0xFFFFFE70] =	vst v3  }
0xc9: {  	v5 =	vld [tilespmem:s3+$0xFFFFFED0];
	[tilespmem:s3+$0xFFFFFE40] =	vst v4  }
0xca: {  	[tilespmem:s3+$0xFFFFFE20] =	vst v1;
	v1 =	vld [tilespmem:s3+$0xFFFFFEA0]  }
0xcb: {  	v2 =	vld.idx.msk [tilespmem:v0+s25+$0x0], $0xffff  }
0xcc: {  	v0 =	vld [tilespmem:s3+$0xFFFFFEB0]  }
0xcd: {  	v3 =	vld [tilespmem:s3+$0xFFFFFE90]  }
0xce: {  	v4 =	vld [tilespmem:s3+$0xFFFFFEC0]  }
0xcf: {  	v6 =	vld [tilespmem:s3+$0xFFFFFEE0]  }
0xd0: {  	v7 =	vld [tilespmem:s3+$0xFFFFFF00];
	v1 =	vmul.f32 v1, v2  }
0xd1: {  	s17 =	simm.s32 $0x22;
	v0 =	vmul.f32 v0, v2  }
0xd2: {  	v8 =	vld [tilespmem:s3+$0xFFFFFEF0];
	v3 =	vmul.f32 v3, v2;
	[tilespmem:s3+$0xFFFFFEA0] =	vst v1;
	v1 =	vmov s17  }
0xd3: {  	v4 =	vmul.f32 v4, v2;
	[tilespmem:s3+$0xFFFFFEB0] =	vst v0;
	v0 =	vand.u32 $0xFFFFFFFE, v1  }
0xd4: {  	[tilespmem:s3+$0xFFFFFE90] =	vst v3;
	v3 =	vmul.f32 v6, v2;
	v6 =	vld [tilespmem:s3+$0xFFFFFF10];
	v9 =	vbroadcast v0, $0x0  }
0xd5: {  	[tilespmem:s3+$0xFFFFFEC0] =	vst v4;
	v4 =	vmul.f32 v7, v2;
	v1 =	vmul.f32 v5, v2;
	v5 =	vld [tilespmem:s3+$0xFFFFFF70]  }
0xd6: {  	v0 =	vld [tilespmem:s3+$0xFFFFFF30];
	[tilespmem:s3+$0xFFFFFEE0] =	vst v3  }
0xd7: {  	v2 =	vmul.f32 v8, v2;
	[tilespmem:s3+$0xFFFFFF00] =	vst v4;
	v3 =	vld [tilespmem:s3+$0xFFFFFF50]  }
0xd8: {  	v4 =	vld [tilespmem:s3+$0xFFFFFF20];
	[tilespmem:s3+$0xFFFFFED0] =	vst v1  }
0xd9: {  	v1 =	vld [tilespmem:s3+$0xFFFFFF40];
	[tilespmem:s3+$0xFFFFFEF0] =	vst v2  }
0xda: {  	s28 =	simm.s32 $0x24;
	s31 =	simm.s32 $0x14CF0;
	v2 =	vld.idx.msk [tilespmem:v9+s25+$0x0], $0xffff  }
.LBB2_5:
0xdb: {  	p1 =	slt.u32 s28, $0x3C  }
0xdc: {  	v7 =	vld [tilespmem:s3+$0xFFFFFF60];
	s31 =	sadd.s32 $0x200, s31;
	s0 =	smov.u32 s28;
	s28 =	sadd.s32 $0x4, s28  }
0xdd: {  	v8 =	vld [tilespmem:s3+$0xFFFFFF80];
	_ =	sdelay $0x1  }
0xde: {  	v5 =	vmul.f32 v5, v2;
	v6 =	vmul.f32 v6, v2  }
0xdf: {  	v3 =	vmul.f32 v3, v2;
	v4 =	vmul.f32 v4, v2  }
0xe0: {  	v0 =	vmul.f32 v0, v2;
	v1 =	vmul.f32 v1, v2;
	[tilespmem:s3+$0xFFFFFF70] =	vst v5  }
0xe1: {  	[tilespmem:s3+$0xFFFFFF50] =	vst v3;
	v3 =	vmul.f32 v7, v2;
	v2 =	vmul.f32 v8, v2  }
0xe2: {  	s17 =	sadd.s32 $0x3, s1;
	s1 =	smov.u32 s0;
	[tilespmem:s3+$0xFFFFFF30] =	vst v0;
	v5 =	vld [tilespmem:s3+$0xFFFFFFF0]  }
0xe3: {  	v0 =	vld [tilespmem:s31+$0xFFFFFF30];
	[tilespmem:s3+$0xFFFFFF10] =	vst v6;
	v6 =	vmov s17  }
0xe4: {  	[tilespmem:s3+$0xFFFFFF60] =	vst v3;
	v3 =	vld [tilespmem:s3+$0xFFFFFF90]  }
0xe5: {  	[tilespmem:s3+$0xFFFFFF40] =	vst v1;
	v7 =	vld [tilespmem:s3+$0xFFFFFFD0]  }
0xe6: {  	v1 =	vld [tilespmem:s31+$0xFFFFFF40];
	[tilespmem:s3+$0xFFFFFF20] =	vst v4  }
0xe7: {  	[tilespmem:s3+$0xFFFFFF80] =	vst v2;
	v2 =	vld [tilespmem:s3+$0xFFFFFFB0]  }
0xe8: {  	v4 =	vld.idx.msk [tilespmem:v6+s25+$0x0], $0xffff  }
0xe9: {  	v6 =	vld [tilespmem:s3+$0xFFFFFFA0]  }
0xea: {  	v8 =	vld [tilespmem:s3+$0xFFFFFFC0]  }
0xeb: {  	v9 =	vld [tilespmem:s3+$0xFFFFFFE0]  }
0xec: {  	v10 =	vld [tilespmem:s3+$0x0];
	_ =	sdelay $0x1  }
0xed: {  	v3 =	vmul.f32 v3, v4;
	v6 =	vmul.f32 v6, v4  }
0xee: {  	v2 =	vmul.f32 v2, v4;
	v8 =	vmul.f32 v8, v4  }
0xef: {  	v11 =	vmov s1;
	[tilespmem:s3+$0xFFFFFF90] =	vst v3;
	v3 =	vmul.f32 v7, v4;
	v7 =	vmul.f32 v9, v4  }
0xf0: {  	v9 =	vand.u32 $0xFFFFFFFC, v11;
	[tilespmem:s3+$0xFFFFFFB0] =	vst v2;
	v2 =	vmul.f32 v5, v4;
	v4 =	vmul.f32 v10, v4  }
0xf1: {  	v5 =	vbroadcast v9, $0x0;
	[tilespmem:s3+$0xFFFFFFD0] =	vst v3  }
0xf2: {  	[tilespmem:s3+$0x0] =	vst v4  }
0xf3: {  	v3 =	vld [tilespmem:s31+$0xFFFFFE50];
	[tilespmem:s3+$0xFFFFFFF0] =	vst v2  }
0xf4: {  	v2 =	vld [tilespmem:s31+$0xFFFFFE60];
	[tilespmem:s3+$0xFFFFFFA0] =	vst v6  }
0xf5: {  	v4 =	vld [tilespmem:s31+$0xFFFFFE70];
	[tilespmem:s3+$0xFFFFFFC0] =	vst v8  }
0xf6: {  	v6 =	vld [tilespmem:s31+$0xFFFFFE80];
	[tilespmem:s3+$0xFFFFFFE0] =	vst v7;
	s3 =	smov.u32 s31  }
0xf7: {  	v5 =	vld.idx.msk [tilespmem:v5+s25+$0x0], $0xffff  }
0xf8: {  	v7 =	vld [tilespmem:s31+$0xFFFFFE10]  }
0xf9: {  	v8 =	vld [tilespmem:s31+$0xFFFFFE30]  }
0xfa: {  	v9 =	vld [tilespmem:s31+$0xFFFFFE20]  }
0xfb: {  	v10 =	vld [tilespmem:s31+$0xFFFFFE40];
	_ =	sdelay $0x1  }
0xfc: {  	v6 =	vmul.f32 v6, v5;
	v7 =	vmul.f32 v7, v5  }
0xfd: {  	s0 =	sadd.s32 $0x1, s1;
	v4 =	vmul.f32 v4, v5;
	v8 =	vmul.f32 v8, v5  }
0xfe: {  	v2 =	vmul.f32 v2, v5;
	v9 =	vmul.f32 v9, v5;
	[tilespmem:s31+$0xFFFFFE80] =	vst v6;
	v6 =	vmov s0  }
0xff: {  	v3 =	vmul.f32 v3, v5;
	[tilespmem:s31+$0xFFFFFE10] =	vst v7;
	v7 =	vmul.f32 v10, v5;
	v5 =	vand.u32 $0xFFFFFFFD, v6  }
0x100: {  	[tilespmem:s31+$0xFFFFFE30] =	vst v8;
	v5 =	vbroadcast v5, $0x0  }
0x101: {  	[tilespmem:s31+$0xFFFFFE60] =	vst v2  }
0x102: {  	[tilespmem:s31+$0xFFFFFE50] =	vst v3;
	v2 =	vld [tilespmem:s31+$0xFFFFFF00]  }
0x103: {  	[tilespmem:s31+$0xFFFFFE70] =	vst v4;
	v3 =	vld [tilespmem:s31+$0xFFFFFED0]  }
0x104: {  	[tilespmem:s31+$0xFFFFFE40] =	vst v7;
	v4 =	vld [tilespmem:s31+$0xFFFFFEE0]  }
0x105: {  	[tilespmem:s31+$0xFFFFFE20] =	vst v9;
	v6 =	vld [tilespmem:s31+$0xFFFFFEA0]  }
0x106: {  	v5 =	vld.idx.msk [tilespmem:v5+s25+$0x0], $0xffff  }
0x107: {  	v7 =	vld [tilespmem:s31+$0xFFFFFE90]  }
0x108: {  	v8 =	vld [tilespmem:s31+$0xFFFFFEB0]  }
0x109: {  	v9 =	vld [tilespmem:s31+$0xFFFFFEC0]  }
0x10a: {  	v10 =	vld [tilespmem:s31+$0xFFFFFEF0];
	_ =	sdelay $0x1  }
0x10b: {  	v6 =	vmul.f32 v6, v5;
	v7 =	vmul.f32 v7, v5  }
0x10c: {  	s0 =	sadd.s32 $0x2, s1;
	v4 =	vmul.f32 v4, v5;
	v8 =	vmul.f32 v8, v5  }
0x10d: {  	v3 =	vmul.f32 v3, v5;
	[tilespmem:s31+$0xFFFFFEA0] =	vst v6;
	v6 =	vmul.f32 v9, v5;
	v9 =	vmov s0  }
0x10e: {  	v2 =	vmul.f32 v2, v5;
	[tilespmem:s31+$0xFFFFFEB0] =	vst v8;
	v8 =	vmul.f32 v10, v5;
	v5 =	vand.u32 $0xFFFFFFFE, v9  }
0x10f: {  	[tilespmem:s31+$0xFFFFFE90] =	vst v7;
	v7 =	vbroadcast v5, $0x0  }
0x110: {  	[tilespmem:s31+$0xFFFFFEC0] =	vst v6  }
0x111: {  	[tilespmem:s31+$0xFFFFFED0] =	vst v3  }
0x112: {  	[tilespmem:s31+$0xFFFFFEE0] =	vst v4  }
.Ltmp1:
0x113: {  	[tilespmem:s31+$0xFFFFFF00] =	vst v2;
	v3 =	vld [tilespmem:s31+$0xFFFFFF50];
	(pc) =	sbr.rel @p1 .LBB2_5-.Ltmp1, $4  }
0x114: {  	[tilespmem:s31+$0xFFFFFEF0] =	vst v8;
	v5 =	vld [tilespmem:s31+$0xFFFFFF70]  }
0x115: {  	v2 =	vld.idx.msk [tilespmem:v7+s25+$0x0], $0xffff  }
0x116: {  	v6 =	vld [tilespmem:s31+$0xFFFFFF10]  }
0x117: {  	v4 =	vld [tilespmem:s31+$0xFFFFFF20]  }
0x118: {  	_ =	sdelay $0x1  }
0x119: {  	v5 =	vmul.f32 v5, v2  }
0x11a: {  	v7 =	vld [tilespmem:s3+$0xFFFFFF60];
	v3 =	vmul.f32 v3, v2  }
0x11b: {  	v8 =	vld [tilespmem:s3+$0xFFFFFF80];
	v0 =	vmul.f32 v0, v2;
	[tilespmem:s3+$0xFFFFFF70] =	vst v5  }
0x11c: {  	v5 =	vmul.f32 v6, v2;
	[tilespmem:s3+$0xFFFFFF50] =	vst v3  }
0x11d: {  	s0 =	sadd.s32 $0x3, s1;
	[tilespmem:s3+$0xFFFFFF30] =	vst v0;
	v0 =	vmul.f32 v1, v2  }
0x11e: {  	v1 =	vmov s0;
	v4 =	vmul.f32 v4, v2;
	[tilespmem:s3+$0xFFFFFF10] =	vst v5  }
0x11f: {  	v3 =	vmul.f32 v7, v2;
	[tilespmem:s3+$0xFFFFFF40] =	vst v0  }
0x120: {  	v2 =	vmul.f32 v8, v2;
	[tilespmem:s3+$0xFFFFFF20] =	vst v4  }
0x121: {  	[tilespmem:s3+$0xFFFFFF60] =	vst v3  }
0x122: {  	v0 =	vld [tilespmem:s3+$0xFFFFFF90];
	[tilespmem:s3+$0xFFFFFF80] =	vst v2  }
0x123: {  	v1 =	vld.idx.msk [tilespmem:v1+s25+$0x0], $0xffff  }
0x124: {  	v2 =	vld [tilespmem:s3+$0xFFFFFFB0]  }
0x125: {  	v3 =	vld [tilespmem:s3+$0xFFFFFFD0]  }
0x126: {  	v4 =	vld [tilespmem:s3+$0x0]  }
0x127: {  	v5 =	vld [tilespmem:s3+$0xFFFFFFF0]  }
0x128: {  	v6 =	vld [tilespmem:s3+$0xFFFFFFA0];
	v0 =	vmul.f32 v0, v1  }
0x129: {  	v7 =	vld [tilespmem:s3+$0xFFFFFFC0];
	v2 =	vmul.f32 v2, v1  }
0x12a: {  	v8 =	vld [tilespmem:s3+$0xFFFFFFE0];
	[tilespmem:s3+$0xFFFFFF90] =	vst v0;
	v0 =	vmul.f32 v3, v1  }
0x12b: {  	[tilespmem:s3+$0xFFFFFFB0] =	vst v2;
	v2 =	vmul.f32 v4, v1  }
0x12c: {  	v3 =	vmul.f32 v5, v1;
	[tilespmem:s3+$0xFFFFFFD0] =	vst v0  }
0x12d: {  	v0 =	vmul.f32 v6, v1;
	[tilespmem:s3+$0x0] =	vst v2  }
0x12e: {  	s1 =	simm.s32 $0x40;
	v2 =	vmul.f32 v7, v1;
	[tilespmem:s3+$0xFFFFFFF0] =	vst v3  }
0x12f: {  	v1 =	vmul.f32 v8, v1;
	[tilespmem:s3+$0xFFFFFFA0] =	vst v0;
	v0 =	vmov s1  }
0x130: {  	[tilespmem:s3+$0xFFFFFFC0] =	vst v2;
	v0 =	vand.u32 $0xFFFFFFFC, v0  }
0x131: {  	[tilespmem:s3+$0xFFFFFFE0] =	vst v1;
	v0 =	vbroadcast v0, $0x0  }
0x132: {  	_ =	swait.ge [sflag:s15], $0x40  }
0x133: {  	[sflag:s15] =	ssyncset.done $0x0  }
0x134: {  	s3 =	simm.s32 $0x15CF0;
	[sflag:s15] =	ssyncadd.s32 $0xFFFFFFC0  }
0x135: {  	[spmem:s2] =	stream.indirect.scatter.add.f32 [tilespmem:s29], [sflag:$0x8], $0x80, s23, s1, $0xb8;
	[tilespmem:$0x17B00] =	vst v63  }
0x136: {  	v1 =	vld [tilespmem:s3+$0xFFFFFE80]  }
0x137: {  	v0 =	vld.idx.msk [tilespmem:v0+s25+$0x0], $0xffff  }
0x138: {  	v2 =	vld [tilespmem:s3+$0xFFFFFE10]  }
0x139: {  	v3 =	vld [tilespmem:s3+$0xFFFFFE30]  }
0x13a: {  	v4 =	vld [tilespmem:s3+$0xFFFFFE60]  }
0x13b: {  	v5 =	vld [tilespmem:s3+$0xFFFFFE50]  }
0x13c: {  	v6 =	vld [tilespmem:s3+$0xFFFFFE70];
	v1 =	vmul.f32 v1, v0  }
0x13d: {  	s17 =	simm.s32 $0x41;
	v7 =	vld [tilespmem:s3+$0xFFFFFE40];
	v2 =	vmul.f32 v2, v0  }
0x13e: {  	v8 =	vld [tilespmem:s3+$0xFFFFFE20];
	v3 =	vmul.f32 v3, v0;
	[tilespmem:s3+$0xFFFFFE80] =	vst v1;
	v1 =	vmov s17  }
0x13f: {  	v4 =	vmul.f32 v4, v0;
	[tilespmem:s3+$0xFFFFFE10] =	vst v2;
	v1 =	vand.u32 $0xFFFFFFFD, v1  }
0x140: {  	v2 =	vmul.f32 v5, v0;
	[tilespmem:s3+$0xFFFFFE30] =	vst v3;
	v1 =	vbroadcast v1, $0x0  }
0x141: {  	v3 =	vmul.f32 v6, v0;
	[tilespmem:s3+$0xFFFFFE60] =	vst v4  }
0x142: {  	v4 =	vmul.f32 v7, v0;
	[tilespmem:s3+$0xFFFFFE50] =	vst v2  }
0x143: {  	v0 =	vmul.f32 v8, v0;
	[tilespmem:s3+$0xFFFFFE70] =	vst v3  }
0x144: {  	[tilespmem:s3+$0xFFFFFE40] =	vst v4  }
0x145: {  	[tilespmem:s3+$0xFFFFFE20] =	vst v0;
	v0 =	vld [tilespmem:s3+$0xFFFFFEA0]  }
0x146: {  	v2 =	vld.idx.msk [tilespmem:v1+s25+$0x0], $0xffff  }
0x147: {  	v1 =	vld [tilespmem:s3+$0xFFFFFEB0]  }
0x148: {  	v3 =	vld [tilespmem:s3+$0xFFFFFE90]  }
0x149: {  	v4 =	vld [tilespmem:s3+$0xFFFFFEC0]  }
0x14a: {  	v5 =	vld [tilespmem:s3+$0xFFFFFED0]  }
0x14b: {  	v6 =	vld [tilespmem:s3+$0xFFFFFEE0];
	v0 =	vmul.f32 v0, v2  }
0x14c: {  	v7 =	vld [tilespmem:s3+$0xFFFFFF00];
	s17 =	simm.s32 $0x42;
	v1 =	vmul.f32 v1, v2  }
0x14d: {  	v8 =	vld [tilespmem:s3+$0xFFFFFEF0];
	v3 =	vmul.f32 v3, v2;
	[tilespmem:s3+$0xFFFFFEA0] =	vst v0;
	v0 =	vmov s17  }
0x14e: {  	v4 =	vmul.f32 v4, v2;
	[tilespmem:s3+$0xFFFFFEB0] =	vst v1;
	v0 =	vand.u32 $0xFFFFFFFE, v0  }
0x14f: {  	v1 =	vmul.f32 v5, v2;
	[tilespmem:s3+$0xFFFFFE90] =	vst v3;
	v5 =	vld [tilespmem:s3+$0xFFFFFF70];
	v9 =	vbroadcast v0, $0x0  }
0x150: {  	v3 =	vmul.f32 v6, v2;
	[tilespmem:s3+$0xFFFFFEC0] =	vst v4;
	v6 =	vld [tilespmem:s3+$0xFFFFFF10]  }
0x151: {  	v4 =	vmul.f32 v7, v2;
	v0 =	vld [tilespmem:s3+$0xFFFFFF30];
	[tilespmem:s3+$0xFFFFFED0] =	vst v1  }
0x152: {  	v2 =	vmul.f32 v8, v2;
	v1 =	vld [tilespmem:s3+$0xFFFFFF40];
	[tilespmem:s3+$0xFFFFFEE0] =	vst v3  }
0x153: {  	[tilespmem:s3+$0xFFFFFF00] =	vst v4;
	v3 =	vld [tilespmem:s3+$0xFFFFFF50]  }
0x154: {  	[tilespmem:s3+$0xFFFFFEF0] =	vst v2;
	v4 =	vld [tilespmem:s3+$0xFFFFFF20]  }
0x155: {  	s28 =	simm.s32 $0x44;
	s31 =	simm.s32 $0x15CF0;
	v2 =	vld.idx.msk [tilespmem:v9+s25+$0x0], $0xffff  }
.LBB2_7:
0x156: {  	p1 =	slt.u32 s28, $0x7C  }
0x157: {  	v7 =	vld [tilespmem:s3+$0xFFFFFF60];
	s31 =	sadd.s32 $0x200, s31;
	s0 =	smov.u32 s28;
	s28 =	sadd.s32 $0x4, s28  }
0x158: {  	v8 =	vld [tilespmem:s3+$0xFFFFFF80];
	_ =	sdelay $0x1  }
0x159: {  	v5 =	vmul.f32 v5, v2;
	v6 =	vmul.f32 v6, v2  }
0x15a: {  	v3 =	vmul.f32 v3, v2;
	v4 =	vmul.f32 v4, v2  }
0x15b: {  	v0 =	vmul.f32 v0, v2;
	v1 =	vmul.f32 v1, v2;
	[tilespmem:s3+$0xFFFFFF70] =	vst v5  }
0x15c: {  	[tilespmem:s3+$0xFFFFFF50] =	vst v3;
	v3 =	vmul.f32 v7, v2;
	v2 =	vmul.f32 v8, v2  }
0x15d: {  	s17 =	sadd.s32 $0x3, s1;
	s1 =	smov.u32 s0;
	[tilespmem:s3+$0xFFFFFF30] =	vst v0;
	v5 =	vld [tilespmem:s3+$0xFFFFFFF0]  }
0x15e: {  	v0 =	vld [tilespmem:s31+$0xFFFFFF30];
	[tilespmem:s3+$0xFFFFFF10] =	vst v6;
	v6 =	vmov s17  }
0x15f: {  	[tilespmem:s3+$0xFFFFFF60] =	vst v3;
	v3 =	vld [tilespmem:s3+$0xFFFFFF90]  }
0x160: {  	[tilespmem:s3+$0xFFFFFF40] =	vst v1;
	v7 =	vld [tilespmem:s3+$0xFFFFFFD0]  }
0x161: {  	v1 =	vld [tilespmem:s31+$0xFFFFFF40];
	[tilespmem:s3+$0xFFFFFF20] =	vst v4  }
0x162: {  	[tilespmem:s3+$0xFFFFFF80] =	vst v2;
	v2 =	vld [tilespmem:s3+$0xFFFFFFB0]  }
0x163: {  	v4 =	vld.idx.msk [tilespmem:v6+s25+$0x0], $0xffff  }
0x164: {  	v6 =	vld [tilespmem:s3+$0xFFFFFFA0]  }
0x165: {  	v8 =	vld [tilespmem:s3+$0xFFFFFFC0]  }
0x166: {  	v9 =	vld [tilespmem:s3+$0xFFFFFFE0]  }
0x167: {  	v10 =	vld [tilespmem:s3+$0x0];
	_ =	sdelay $0x1  }
0x168: {  	v3 =	vmul.f32 v3, v4;
	v6 =	vmul.f32 v6, v4  }
0x169: {  	v2 =	vmul.f32 v2, v4;
	v8 =	vmul.f32 v8, v4  }
0x16a: {  	v11 =	vmov s1;
	[tilespmem:s3+$0xFFFFFF90] =	vst v3;
	v3 =	vmul.f32 v7, v4;
	v7 =	vmul.f32 v9, v4  }
0x16b: {  	v9 =	vand.u32 $0xFFFFFFFC, v11;
	[tilespmem:s3+$0xFFFFFFB0] =	vst v2;
	v2 =	vmul.f32 v5, v4;
	v4 =	vmul.f32 v10, v4  }
0x16c: {  	v5 =	vbroadcast v9, $0x0;
	[tilespmem:s3+$0xFFFFFFD0] =	vst v3  }
0x16d: {  	[tilespmem:s3+$0x0] =	vst v4  }
0x16e: {  	v3 =	vld [tilespmem:s31+$0xFFFFFE50];
	[tilespmem:s3+$0xFFFFFFF0] =	vst v2  }
0x16f: {  	v2 =	vld [tilespmem:s31+$0xFFFFFE60];
	[tilespmem:s3+$0xFFFFFFA0] =	vst v6  }
0x170: {  	v4 =	vld [tilespmem:s31+$0xFFFFFE70];
	[tilespmem:s3+$0xFFFFFFC0] =	vst v8  }
0x171: {  	v6 =	vld [tilespmem:s31+$0xFFFFFE80];
	[tilespmem:s3+$0xFFFFFFE0] =	vst v7;
	s3 =	smov.u32 s31  }
0x172: {  	v5 =	vld.idx.msk [tilespmem:v5+s25+$0x0], $0xffff  }
0x173: {  	v7 =	vld [tilespmem:s31+$0xFFFFFE10]  }
0x174: {  	v8 =	vld [tilespmem:s31+$0xFFFFFE30]  }
0x175: {  	v9 =	vld [tilespmem:s31+$0xFFFFFE20]  }
0x176: {  	v10 =	vld [tilespmem:s31+$0xFFFFFE40];
	_ =	sdelay $0x1  }
0x177: {  	v6 =	vmul.f32 v6, v5;
	v7 =	vmul.f32 v7, v5  }
0x178: {  	s0 =	sadd.s32 $0x1, s1;
	v4 =	vmul.f32 v4, v5;
	v8 =	vmul.f32 v8, v5  }
0x179: {  	v2 =	vmul.f32 v2, v5;
	v9 =	vmul.f32 v9, v5;
	[tilespmem:s31+$0xFFFFFE80] =	vst v6;
	v6 =	vmov s0  }
0x17a: {  	v3 =	vmul.f32 v3, v5;
	[tilespmem:s31+$0xFFFFFE10] =	vst v7;
	v7 =	vmul.f32 v10, v5;
	v5 =	vand.u32 $0xFFFFFFFD, v6  }
0x17b: {  	[tilespmem:s31+$0xFFFFFE30] =	vst v8;
	v5 =	vbroadcast v5, $0x0  }
0x17c: {  	[tilespmem:s31+$0xFFFFFE60] =	vst v2  }
0x17d: {  	[tilespmem:s31+$0xFFFFFE50] =	vst v3;
	v2 =	vld [tilespmem:s31+$0xFFFFFF00]  }
0x17e: {  	[tilespmem:s31+$0xFFFFFE70] =	vst v4;
	v3 =	vld [tilespmem:s31+$0xFFFFFED0]  }
0x17f: {  	[tilespmem:s31+$0xFFFFFE40] =	vst v7;
	v4 =	vld [tilespmem:s31+$0xFFFFFEE0]  }
0x180: {  	[tilespmem:s31+$0xFFFFFE20] =	vst v9;
	v6 =	vld [tilespmem:s31+$0xFFFFFEA0]  }
0x181: {  	v5 =	vld.idx.msk [tilespmem:v5+s25+$0x0], $0xffff  }
0x182: {  	v7 =	vld [tilespmem:s31+$0xFFFFFE90]  }
0x183: {  	v8 =	vld [tilespmem:s31+$0xFFFFFEB0]  }
0x184: {  	v9 =	vld [tilespmem:s31+$0xFFFFFEC0]  }
0x185: {  	v10 =	vld [tilespmem:s31+$0xFFFFFEF0];
	_ =	sdelay $0x1  }
0x186: {  	v6 =	vmul.f32 v6, v5;
	v7 =	vmul.f32 v7, v5  }
0x187: {  	s0 =	sadd.s32 $0x2, s1;
	v4 =	vmul.f32 v4, v5;
	v8 =	vmul.f32 v8, v5  }
0x188: {  	v3 =	vmul.f32 v3, v5;
	[tilespmem:s31+$0xFFFFFEA0] =	vst v6;
	v6 =	vmul.f32 v9, v5;
	v9 =	vmov s0  }
0x189: {  	v2 =	vmul.f32 v2, v5;
	[tilespmem:s31+$0xFFFFFEB0] =	vst v8;
	v8 =	vmul.f32 v10, v5;
	v5 =	vand.u32 $0xFFFFFFFE, v9  }
0x18a: {  	[tilespmem:s31+$0xFFFFFE90] =	vst v7;
	v7 =	vbroadcast v5, $0x0  }
0x18b: {  	[tilespmem:s31+$0xFFFFFEC0] =	vst v6  }
0x18c: {  	[tilespmem:s31+$0xFFFFFED0] =	vst v3  }
0x18d: {  	[tilespmem:s31+$0xFFFFFEE0] =	vst v4  }
.Ltmp2:
0x18e: {  	[tilespmem:s31+$0xFFFFFF00] =	vst v2;
	v3 =	vld [tilespmem:s31+$0xFFFFFF50];
	(pc) =	sbr.rel @p1 .LBB2_7-.Ltmp2, $4  }
0x18f: {  	[tilespmem:s31+$0xFFFFFEF0] =	vst v8;
	v5 =	vld [tilespmem:s31+$0xFFFFFF70]  }
0x190: {  	v2 =	vld.idx.msk [tilespmem:v7+s25+$0x0], $0xffff  }
0x191: {  	v6 =	vld [tilespmem:s31+$0xFFFFFF10]  }
0x192: {  	v4 =	vld [tilespmem:s31+$0xFFFFFF20]  }
0x193: {  	_ =	sdelay $0x1  }
0x194: {  	v5 =	vmul.f32 v5, v2  }
0x195: {  	v7 =	vld [tilespmem:s3+$0xFFFFFF60];
	v3 =	vmul.f32 v3, v2  }
0x196: {  	v8 =	vld [tilespmem:s3+$0xFFFFFF80];
	v0 =	vmul.f32 v0, v2;
	[tilespmem:s3+$0xFFFFFF70] =	vst v5  }
0x197: {  	v48 =	vmul.f32 v1, v2;
	[tilespmem:s3+$0xFFFFFF50] =	vst v3  }
0x198: {  	s0 =	sadd.s32 $0x3, s1;
	v46 =	vmul.f32 v6, v2;
	[tilespmem:s3+$0xFFFFFF30] =	vst v0  }
0x199: {  	v49 =	vmov s0;
	v4 =	vmul.f32 v4, v2;
	[tilespmem:s3+$0xFFFFFF40] =	vst v48  }
0x19a: {  	v47 =	vmul.f32 v7, v2;
	[tilespmem:s3+$0xFFFFFF10] =	vst v46  }
0x19b: {  	v50 =	vmul.f32 v8, v2;
	[tilespmem:s3+$0xFFFFFF20] =	vst v4  }
0x19c: {  	[tilespmem:s3+$0xFFFFFF60] =	vst v47  }
0x19d: {  	v51 =	vld [tilespmem:s3+$0xFFFFFF90];
	[tilespmem:s3+$0xFFFFFF80] =	vst v50  }
0x19e: {  	v1 =	vld.idx.msk [tilespmem:v49+s25+$0x0], $0xffff  }
0x19f: {  	v52 =	vld [tilespmem:s3+$0xFFFFFFB0]  }
0x1a0: {  	v53 =	vld [tilespmem:s3+$0xFFFFFFD0]  }
0x1a1: {  	v54 =	vld [tilespmem:s3+$0x0]  }
0x1a2: {  	v55 =	vld [tilespmem:s3+$0xFFFFFFF0]  }
0x1a3: {  	v56 =	vld [tilespmem:s3+$0xFFFFFFA0];
	v0 =	vmul.f32 v51, v1  }
0x1a4: {  	v57 =	vld [tilespmem:s3+$0xFFFFFFC0];
	v2 =	vmul.f32 v52, v1  }
0x1a5: {  	v58 =	vld [tilespmem:s3+$0xFFFFFFE0];
	v59 =	vmul.f32 v53, v1;
	[tilespmem:s3+$0xFFFFFF90] =	vst v0  }
0x1a6: {  	v60 =	vmul.f32 v54, v1;
	[tilespmem:s3+$0xFFFFFFB0] =	vst v2  }
0x1a7: {  	v61 =	vmul.f32 v55, v1;
	[tilespmem:s3+$0xFFFFFFD0] =	vst v59  }
0x1a8: {  	v62 =	vmul.f32 v56, v1;
	[tilespmem:s3+$0x0] =	vst v60  }
0x1a9: {  	v63 =	vmul.f32 v57, v1;
	[tilespmem:s3+$0xFFFFFFF0] =	vst v61  }
0x1aa: {  	v1 =	vmul.f32 v58, v1;
	[tilespmem:s3+$0xFFFFFFA0] =	vst v62  }
0x1ab: {  	[tilespmem:s3+$0xFFFFFFC0] =	vst v63  }
0x1ac: {  	[tilespmem:s3+$0xFFFFFFE0] =	vst v1  }
0x1ad: {  	_ =	swait.ge [sflag:s16], $0x40  }
0x1ae: {  	[sflag:s16] =	ssyncset.done $0x0  }
0x1af: {  	s31 =	simm.s32 $0x40;
	s9 =	sadd.s32 $0x1, s9;
	[sflag:s16] =	ssyncadd.s32 $0xFFFFFFC0  }
0x1b0: {  	[spmem:s2] =	stream.indirect.scatter.add.f32 [tilespmem:s18], [sflag:$0x9], $0x80, s24, s31, $0xb8;
	[tilespmem:$0x17B00] =	vst v63  }
0x1b1: {  	p1 =	sne.s32 s9, s10;
	_ =	swait.ge [sflag:s20], $0x2000  }
.Ltmp3:
0x1b2: {  	[sflag:s20] =	ssyncset.done $0x0;
	(pc) =	sbr.rel @p1 .LBB2_2-.Ltmp3, $4  }
0x1b3: {  	[sflag:s20] =	ssyncadd.s32 $0xFFFFE000  }
0x1b4: {  	_ =	swait.ge [sflag:s19], $0x2000  }
0x1b5: {  	[sflag:s19] =	ssyncset.done $0x0  }
0x1b6: {  	[sflag:s19] =	ssyncadd.s32 $0xFFFFE000  }
0x1b7: {  	[bflag:$0x0] =	sbarrier.arrive $0xFFFF  }
0x1b8: {  	s28 =	rddreg [dreg:$0x7]  }
0x1b9: {  	s0 =	rddreg [dreg:$0x9]  }
0x1ba: {  	s9 =	simm.s32 $0xA;
	s3 =	rddreg [dreg:$0xc]  }
0x1bb: {  	[hbm:s0], [sflag:s28] =	dma.local [spmem:s3], $0x2700  }
0x1bc: {  	_ =	swait.ge [sflag:s9], $0x2700  }
0x1bd: {  	[sflag:s9] =	ssyncset.done $0x0;
	s0 =	rddreg [dreg:$0xa]  }
0x1be: {  	s31 =	rddreg [dreg:$0xd];
	[sflag:s9] =	ssyncadd.s32 $0xFFFFD900  }
0x1bf: {  	[hbm:s0], [sflag:s28] =	dma.local @!p0 [spmem:s31], $0x100  }
0x1c0: {  	s0 =	simm.s32 @!p0 $0xA  }
0x1c1: {  	_ =	swait.ge @!p0 [sflag:s0], $0x100  }
0x1c2: {  	s17 =	rddreg [dreg:$0x5]  }
0x1c3: {  	s1 =	rddreg [dreg:$0xb];
	s17 =	sadd.s32 $0x1, s17  }
0x1c4: {  	p1 =	sne.s32 s17, s1  }
.Ltmp4:
0x1c5: {  	_ = 	snop;
	(pc) =	sbr.rel @p1 .LBB2_1-.Ltmp4, $3  }
0x1c6: {  	_ =	sdelay $0x1  }
0x1c7: {  	[sflag:s0] =	ssyncset.done @!p0 $0x0  }
0x1c8: {  	[sflag:s0] =	ssyncadd.s32 @!p0 $0xFFFFFF00  }
0x1c9: {  	_ =	sfence.sel $0x180000  }
0x1ca: {  	[bflag:$0x0] =	sbarrier.arrive $0xFFFF  }
0x1cb: {  	_ =	strace $0x9000004A  }
0x1cc: {  	s0 =	stileid.u32;
	[bflag:$0x2] =	sbarrier.arrive $0xFFFF  }
0x1cd: {  	p0 =	sne.s32 s0, $0x0;
	s0 =	rddreg [dreg:$0x4]  }
0x1ce: {  	s0 =	sadd.s32 @!p0 $0x100000, s0  }
0x1cf: {  	[sflag:s0] =	ssyncadd.tile.s32 @!p0 $0x1;
	_ =	shalt  }
.Lfunc_end2:
_tile_overlayer_lowered:
.L_overlay_start_2:
0x1d0: {  	(tag) =	ssettag $0x2  }
0x1d1: {  	s0 =	rddreg [dreg:$0x0];
	s2 =	stileid.u32  }
0x1d2: {  	s1 =	rddreg [dreg:$0x1];
	p0 =	sne.s32 s2, $0x0  }
0x1d3: {  	s3 =	rddreg [dreg:$0x2];
	[bflag:$0x3] =	sbarrier.arrive $0xFFFF;
	s2 =	simm.s32 @!p0 $0x1C0A  }
0x1d4: {  	[timem:s3], [sflag:s2] =	dma.local @!p0 [hbm:s0], s1  }
0x1d5: {  	s0 =	simm.s32 @!p0 $0xA  }
0x1d6: {  	_ =	swait.ge @!p0 [sflag:s0], s1  }
0x1d7: {  	s1 =	ssub.s32 @!p0 $0x0, s1;
	[sflag:s0] =	ssyncset.done @!p0 $0x0  }
0x1d8: {  	[sflag:s0] =	ssyncadd.s32 @!p0 s1  }
0x1d9: {  	[bflag:$0x3] =	sbarrier.arrive $0xFFFF  }
0x1da: {  	_ =	shalt  }

</sc_bundles>
